<compile_context>
chip_gen: v7x
topology: tpu7x:2x2x1
jax: 0.10.2.dev20260603
libtpu: 0.0.44.dev20260713+nightly
codegen_flags: <defaults>
</compile_context>

<pallas_src>
import functools

import jax
import jax.numpy as jnp
from jax import lax
from jax.experimental import pallas as pl
from jax.experimental.pallas import tpu as pltpu
from jax.experimental.pallas import tpu_sc as plsc

N_SC = 2
N_SUB = 16
NW = N_SC * N_SUB
CHUNK = 2000


def _mesh():
    return plsc.VectorSubcoreMesh(core_axis_name="c", subcore_axis_name="s")


_SC_PARAMS = pltpu.CompilerParams(use_tc_tiling_on_sc=False)
_SC_PARAMS_NOLAYOUT = pltpu.CompilerParams(use_tc_tiling_on_sc=False,
                                           needs_layout_passes=False)



def _sc_degree_body(n_pad, epw, ei_hbm, ones_hbm, zeros_hbm, deg_out,
                    dst_v, ones_v, deg_sh, sem):
    c = lax.axis_index("c")
    s = lax.axis_index("s")
    wid = s * N_SC + c
    npc = n_pad // N_SUB
    d1 = pltpu.async_copy(zeros_hbm.at[pl.ds(s * npc, npc)],
                          deg_sh.at[pl.ds(s * npc, npc)], sem)
    d2 = pltpu.async_copy(ones_hbm, ones_v, sem)
    d3 = pltpu.async_copy(ei_hbm.at[1, pl.ds(wid * epw, epw)], dst_v, sem)
    d1.wait()
    d2.wait()
    d3.wait()
    plsc.subcore_barrier()
    pltpu.sync_copy(ones_v, deg_sh.at[dst_v], add=True)
    plsc.subcore_barrier()
    pltpu.sync_copy(deg_sh.at[pl.ds(s * npc, npc)],
                    deg_out.at[c, pl.ds(s * npc, npc)])


def _sc_degree(ei, n_pad):
    e = ei.shape[1]
    epw = e // NW
    ones = jnp.ones((epw,), jnp.float32)
    zeros = jnp.zeros((n_pad,), jnp.float32)
    return pl.kernel(
        functools.partial(_sc_degree_body, n_pad, epw),
        mesh=_mesh(),
        compiler_params=_SC_PARAMS,
        out_type=jax.ShapeDtypeStruct((N_SC, n_pad), jnp.float32),
        scratch_types=[
            pltpu.VMEM((epw,), jnp.int32),
            pltpu.VMEM((epw,), jnp.float32),
            pltpu.VMEM_SHARED((n_pad,), jnp.float32),
            pltpu.SemaphoreType.DMA,
        ],
    )(ei, ones, zeros)



def _tc_mm_body(x_ref, w1_ref, ht_ref):
    ht_ref[...] = lax.dot_general(
        w1_ref[...], x_ref[...], (((0,), (1,)), ((), ())),
        preferred_element_type=jnp.float32)


def _tc_mm(x, w1):
    n = x.shape[0]
    dh = w1.shape[1]
    return pl.pallas_call(
        _tc_mm_body,
        out_shape=jax.ShapeDtypeStruct((dh, n), jnp.float32),
    )(x, w1)


def _newton_rsqrt(x):
    i = plsc.bitcast(x, jnp.int32)
    y = plsc.bitcast(jnp.int32(0x5F3759DF) - (i >> 1), jnp.float32)
    for _ in range(3):
        y = y * (1.5 - 0.5 * x * y * y)
    return y



def _sc_rows_body(n_pad, n, epw, d, ei_hbm, h_hbm, degp_hbm, zeros_hbm,
                  acc_out, h1p_out, dinv_out, src_v, dst_v2, rows0_v,
                  rows1_v, nrow_v, ht_v, d0_v, d1_v, dinv_v, acc_sh, h1p_sh,
                  sem, sg0, sg1):
    c = lax.axis_index("c")
    s = lax.axis_index("s")
    wid = s * N_SC + c
    npc = n_pad // N_SUB
    nbase = s * npc
    nchunks = epw // CHUNK
    tail = n - (N_SUB - 1) * npc
    pre = [pltpu.async_copy(zeros_hbm.at[pl.ds(nbase, npc)],
                            acc_sh.at[pl.ds(nbase, npc)], sem),
           pltpu.async_copy(ei_hbm.at[0, pl.ds(wid * epw, epw)], src_v, sem)]
    for k in range(nchunks):
        pre.append(pltpu.async_copy(
            ei_hbm.at[1, pl.ds(wid * epw + k * CHUNK, CHUNK)],
            dst_v2.at[k], sem))
    pltpu.sync_copy(degp_hbm.at[0, pl.ds(nbase, npc)], d0_v)
    pltpu.sync_copy(degp_hbm.at[1, pl.ds(nbase, npc)], d1_v)

    def scale_rows(nvalid):
        pltpu.sync_copy(h_hbm.at[:, pl.ds(nbase, nvalid)],
                        ht_v.at[:, pl.ds(0, nvalid)])

        @plsc.parallel_loop(0, nvalid // 16, unroll=2)
        def _(g):
            rows = lax.iota(jnp.int32, 16) + g * 16
            deg = d0_v[pl.ds(g * 16, 16)] + d1_v[pl.ds(g * 16, 16)] + 1.0
            dvec = _newton_rsqrt(deg)
            dinv_v[pl.ds(g * 16, 16)] = dvec
            for j in range(d):
                cj = jnp.full((16,), j, jnp.int32)
                v = ht_v[j, pl.ds(g * 16, 16)] * dvec
                plsc.store_scatter(nrow_v, [rows, cj], v)
        pltpu.sync_copy(nrow_v.at[pl.ds(0, nvalid)],
                        h1p_sh.at[pl.ds(nbase, nvalid)])

        @pl.when(c == 0)
        def _():
            pltpu.sync_copy(nrow_v.at[pl.ds(0, nvalid)],
                            h1p_out.at[pl.ds(nbase, nvalid)])
            pltpu.sync_copy(dinv_v, dinv_out.at[0, pl.ds(nbase, npc)])

    @pl.when(s == N_SUB - 1)
    def _():
        scale_rows(tail)

    @pl.when(s < N_SUB - 1)
    def _():
        scale_rows(npc)

    for p in pre:
        p.wait()
    plsc.subcore_barrier()
    rows = [rows0_v, rows1_v]
    sg = [sg0, sg1]

    def start_gather(k):
        return pltpu.async_copy(
            h1p_sh.at[src_v.at[pl.ds(k * CHUNK, CHUNK)]],
            rows[k % 2], sg[k % 2])

    g = start_gather(0)
    for k in range(nchunks):
        g.wait()
        if k + 1 < nchunks:
            g = start_gather(k + 1)
        pltpu.sync_copy(rows[k % 2], acc_sh.at[dst_v2.at[k]], add=True)
    plsc.subcore_barrier()
    pltpu.sync_copy(acc_sh.at[pl.ds(nbase, npc)],
                    acc_out.at[c, pl.ds(nbase, npc)])


def _sc_rows(ei, h, degp, n_pad):
    e = ei.shape[1]
    epw = e // NW
    d, n = h.shape
    zeros = jnp.zeros((n_pad, d), jnp.float32)
    return pl.kernel(
        functools.partial(_sc_rows_body, n_pad, n, epw, d),
        mesh=_mesh(),
        compiler_params=_SC_PARAMS_NOLAYOUT,
        out_type=[
            jax.ShapeDtypeStruct((N_SC, n_pad, d), jnp.float32),
            jax.ShapeDtypeStruct((n_pad, d), jnp.float32),
            jax.ShapeDtypeStruct((1, n_pad), jnp.float32),
        ],
        scratch_types=[
            pltpu.VMEM((epw,), jnp.int32),
            pltpu.VMEM((epw // CHUNK, CHUNK), jnp.int32),
            pltpu.VMEM((CHUNK, d), jnp.float32),
            pltpu.VMEM((CHUNK, d), jnp.float32),
            pltpu.VMEM((n_pad // N_SUB, d), jnp.float32),
            pltpu.VMEM((d, n_pad // N_SUB), jnp.float32),
            pltpu.VMEM((n_pad // N_SUB,), jnp.float32),
            pltpu.VMEM((n_pad // N_SUB,), jnp.float32),
            pltpu.VMEM((n_pad // N_SUB,), jnp.float32),
            pltpu.VMEM_SHARED((n_pad, d), jnp.float32),
            pltpu.VMEM_SHARED((n_pad, d), jnp.float32),
            pltpu.SemaphoreType.DMA,
            pltpu.SemaphoreType.DMA,
            pltpu.SemaphoreType.DMA,
        ],
    )(ei, h, degp, zeros)



def _sc_scalar_body(n_pad, epw, d, ei_hbm, accp_hbm, h1p_hbm, dinv_hbm,
                    b1_hbm, w2_hbm, zeros_hbm, acc_out, gp_out, src_v,
                    dst_v2, vals0_v, vals1_v, gp_all_v, a0_v, a1_v, h1_v,
                    dinv_v, b1_v, w2_v, gps_v, acc_sh, gp_sh, sem, ss0, ss1):
    c = lax.axis_index("c")
    s = lax.axis_index("s")
    wid = s * N_SC + c
    npc = n_pad // N_SUB
    nbase = s * npc
    nchunks = epw // CHUNK
    pre = [pltpu.async_copy(zeros_hbm.at[pl.ds(nbase, npc)],
                           acc_sh.at[pl.ds(nbase, npc)], sem),
           pltpu.async_copy(ei_hbm.at[0, pl.ds(wid * epw, epw)], src_v, sem)]
    for k in range(nchunks):
        pre.append(pltpu.async_copy(
            ei_hbm.at[1, pl.ds(wid * epw + k * CHUNK, CHUNK)],
            dst_v2.at[k], sem))
    pltpu.sync_copy(accp_hbm.at[0, pl.ds(nbase, npc)], a0_v)
    pltpu.sync_copy(accp_hbm.at[1, pl.ds(nbase, npc)], a1_v)
    pltpu.sync_copy(h1p_hbm.at[pl.ds(nbase, npc)], h1_v)
    pltpu.sync_copy(dinv_hbm.at[0, pl.ds(nbase, npc)], dinv_v)
    pltpu.sync_copy(b1_hbm, b1_v)
    pltpu.sync_copy(w2_hbm, w2_v)

    b1 = b1_v[...]
    w2 = w2_v[...]

    @plsc.parallel_loop(0, npc // 16, unroll=2)
    def _(g):
        rows = lax.iota(jnp.int32, 16) + g * 16
        dvec = dinv_v[pl.ds(g * 16, 16)]
        acc = jnp.zeros((16,), jnp.float32)
        for j in range(d):
            cj = jnp.full((16,), j, jnp.int32)
            v = (plsc.load_gather(a0_v, [rows, cj])
                 + plsc.load_gather(a1_v, [rows, cj])
                 + plsc.load_gather(h1_v, [rows, cj]))
            out1 = v * dvec + b1[j]
            acc = acc + jnp.maximum(out1, 0.0) * w2[j]
        gps_v[pl.ds(g * 16, 16)] = dvec * acc
    pltpu.sync_copy(gps_v, gp_sh.at[pl.ds(nbase, npc)])

    @pl.when(c == 0)
    def _():
        pltpu.sync_copy(gps_v, gp_out.at[0, pl.ds(nbase, npc)])

    for p in pre:
        p.wait()
    plsc.subcore_barrier()
    pltpu.sync_copy(gp_sh, gp_all_v)
    vals = [vals0_v, vals1_v]
    ss = [ss0, ss1]
    sd = [None] * nchunks
    for k in range(nchunks):
        if k >= 2:
            sd[k - 2].wait()
        vk = vals[k % 2]

        @plsc.parallel_loop(0, CHUNK // 16, unroll=4)
        def _(j):
            idx = src_v[pl.ds(k * CHUNK + j * 16, 16)]
            vk[pl.ds(j * 16, 16)] = plsc.load_gather(gp_all_v, [idx])
        sd[k] = pltpu.async_copy(vk, acc_sh.at[dst_v2.at[k]], ss[k % 2],
                                 add=True)
    sd[nchunks - 2].wait()
    sd[nchunks - 1].wait()
    plsc.subcore_barrier()
    pltpu.sync_copy(acc_sh.at[pl.ds(nbase, npc)],
                    acc_out.at[c, pl.ds(nbase, npc)])


def _sc_scalar(ei, accp, h1p, dinv_row, b1, w2, n_pad):
    e = ei.shape[1]
    epw = e // NW
    d = h1p.shape[1]
    zeros = jnp.zeros((n_pad,), jnp.float32)
    npc = n_pad // N_SUB
    return pl.kernel(
        functools.partial(_sc_scalar_body, n_pad, epw, d),
        mesh=_mesh(),
        compiler_params=_SC_PARAMS_NOLAYOUT,
        out_type=[
            jax.ShapeDtypeStruct((N_SC, n_pad), jnp.float32),
            jax.ShapeDtypeStruct((1, n_pad), jnp.float32),
        ],
        scratch_types=[
            pltpu.VMEM((epw,), jnp.int32),
            pltpu.VMEM((epw // CHUNK, CHUNK), jnp.int32),
            pltpu.VMEM((CHUNK,), jnp.float32),
            pltpu.VMEM((CHUNK,), jnp.float32),
            pltpu.VMEM((n_pad,), jnp.float32),
            pltpu.VMEM((npc, d), jnp.float32),
            pltpu.VMEM((npc, d), jnp.float32),
            pltpu.VMEM((npc, d), jnp.float32),
            pltpu.VMEM((npc,), jnp.float32),
            pltpu.VMEM((d,), jnp.float32),
            pltpu.VMEM((d,), jnp.float32),
            pltpu.VMEM((npc,), jnp.float32),
            pltpu.VMEM_SHARED((n_pad,), jnp.float32),
            pltpu.VMEM_SHARED((n_pad,), jnp.float32),
            pltpu.SemaphoreType.DMA,
            pltpu.SemaphoreType.DMA,
            pltpu.SemaphoreType.DMA,
        ],
    )(ei, accp, h1p, dinv_row, b1, w2, zeros)



def _tc_final_body(accp_ref, gp_ref, dinv_ref, b2_ref, out_ref):
    s2 = accp_ref[0:1, :] + accp_ref[1:2, :] + gp_ref[...]
    out_ref[...] = dinv_ref[...] * s2 + b2_ref[...]


def _tc_final(accp, gp_row, dinv_row, b2):
    n_pad = gp_row.shape[1]
    return pl.pallas_call(
        _tc_final_body,
        out_shape=jax.ShapeDtypeStruct((1, n_pad), jnp.float32),
    )(accp, gp_row, dinv_row, b2)



def kernel(x, edge_index, W1, b1, W2, b2):
    n = x.shape[0]
    n_pad = ((n + NW * 8 - 1) // (NW * 8)) * (NW * 8)
    ei = edge_index.astype(jnp.int32)

    degp = _sc_degree(ei, n_pad)

    h = _tc_mm(x, W1)

    acc1, h1p, dinv_row = _sc_rows(ei, h, degp, n_pad)

    acc2, gp = _sc_scalar(ei, acc1, h1p, dinv_row, b1, W2.reshape(-1), n_pad)

    out_row = _tc_final(acc2, gp, dinv_row, b2.reshape(1, 1))
    return out_row[0, :n].reshape(n, 1)

# --- scband reference (transcript-rebuilt; emitter-appended) ---
"""Pipeline reference for scband-gcn-11046655885836 (READ-ONLY COPY).

The authoritative reference and input builder live on the scoring server;
editing this copy changes nothing except your own understanding.
"""

import jax, jax.numpy as jnp
import numpy as np

N_NODES = 10000
N_EDGES = 320000
D_IN = 128
D_HID = 16
D_OUT = 1


def gcn_conv(x, edge_index, W, b):
    n = x.shape[0]
    src = edge_index[0]
    dst = edge_index[1]
    # add self loops (PyG GCNConv default add_self_loops=True)
    loop = jnp.arange(n, dtype=edge_index.dtype)
    src = jnp.concatenate([src, loop])
    dst = jnp.concatenate([dst, loop])
    # symmetric normalization: D^{-1/2} (A+I) D^{-1/2}
    deg = jnp.zeros((n,), dtype=x.dtype).at[dst].add(1.0)
    deg_inv_sqrt = jnp.where(deg > 0, jax.lax.rsqrt(deg), 0.0)
    norm = deg_inv_sqrt[src] * deg_inv_sqrt[dst]
    h = x @ W
    msg = h[src] * norm[:, None]
    out = jnp.zeros((n, W.shape[1]), dtype=x.dtype).at[dst].add(msg)
    return out + b


def setup_inputs(seed: int = 0) -> dict:
    key = jax.random.key(seed)
    k_x, k_e, k_w1, k_w2 = jax.random.split(key, 4)
    x = jax.random.normal(k_x, (N_NODES, D_IN), dtype=jnp.float32)
    edge_index = jax.random.randint(k_e, (2, N_EDGES), 0, N_NODES, dtype=jnp.int64)
    # glorot-style init for GCN weights
    W1 = jax.random.normal(k_w1, (D_IN, D_HID), dtype=jnp.float32) * (1.0 / np.sqrt(D_IN))
    b1 = jnp.zeros((D_HID,), dtype=jnp.float32)
    W2 = jax.random.normal(k_w2, (D_HID, D_OUT), dtype=jnp.float32) * (1.0 / np.sqrt(D_HID))
    b2 = jnp.zeros((D_OUT,), dtype=jnp.float32)
    return {"x": x, "edge_index": edge_index, "W1": W1, "b1": b1, "W2": W2, "b2": b2}


def reference(x, edge_index, W1, b1, W2, b2):
    h = gcn_conv(x, edge_index, W1, b1)
    h = jax.nn.relu(h)
    out = gcn_conv(h, edge_index, W2, b2)
    return out

if __name__ == "__main__":
    import jax
    _d = setup_inputs()
    print(jax.jit(kernel)(*tuple(_d.values())))

</pallas_src>

<mosaic_0001>
#map = affine_map<(d0, d1) -> (0, 0)>
#map1 = affine_map<(d0, d1) -> (0)>
module attributes {stable_mosaic.version = 14 : i64} {
  func.func @_sc_degree_body(%arg0: i32, %arg1: i32, %arg2: memref<2x320000xi32, #tpu.memory_space<hbm>>, %arg3: memref<10000xf32, #tpu.memory_space<hbm>>, %arg4: memref<10240xf32, #tpu.memory_space<hbm>>, %arg5: memref<2x10240xf32, #tpu.memory_space<hbm>>, %arg6: memref<10000xi32, #tpu.memory_space<vmem>>, %arg7: memref<10000xf32, #tpu.memory_space<vmem>>, %arg8: memref<10240xf32, #tpu.memory_space<vmem_shared>>, %arg9: memref<!tpu.dma_semaphore, #tpu.memory_space<semaphore_mem>>) attributes {dimension_semantics = [#tpu.dimension_semantics<core_parallel>, #tpu.dimension_semantics<subcore_parallel>], iteration_bounds = array<i64: 2, 16>, scalar_prefetch = 0 : i64, scratch_operands = 4 : i64, tpu.core_type = #tpu.core_type<sc_vector_subcore>, window_params = [{transform_indices = #map}, {transform_indices = #map1}, {transform_indices = #map1}, {transform_indices = #map}]} {
    %mul3A = arith.constant 2 : i32
    %mul3A_0 = arith.muli %arg1, %mul3A : i32
    %add3A = arith.addi %mul3A_0, %arg0 : i32
    %mul3A_1 = arith.constant 640 : i32
    %mul3A_2 = arith.muli %arg1, %mul3A_1 : i32
    %mul3A_3 = arith.constant 640 : i32
    %mul3A_4 = arith.muli %arg1, %mul3A_3 : i32
    %dma_start3A = tpu.memref_slice %arg8[%mul3A_4] : memref<10240xf32, #tpu.memory_space<vmem_shared>> -> memref<640xf32, #tpu.memory_space<vmem_shared>>
    %dma_start3A_5 = tpu.memref_slice %arg4[%mul3A_2] : memref<10240xf32, #tpu.memory_space<hbm>> -> memref<640xf32, #tpu.memory_space<hbm>>
    tpu.enqueue_dma source(%dma_start3A_5 : memref<640xf32, #tpu.memory_space<hbm>>) target(%dma_start3A : memref<640xf32, #tpu.memory_space<vmem_shared>>) target_semaphore(%arg9 : memref<!tpu.dma_semaphore, #tpu.memory_space<semaphore_mem>>)
    tpu.enqueue_dma source(%arg3 : memref<10000xf32, #tpu.memory_space<hbm>>) target(%arg7 : memref<10000xf32, #tpu.memory_space<vmem>>) target_semaphore(%arg9 : memref<!tpu.dma_semaphore, #tpu.memory_space<semaphore_mem>>)
    %mul3A_6 = arith.constant 10000 : i32
    %mul3A_7 = arith.muli %add3A, %mul3A_6 : i32
    %dma_start3A_8 = arith.constant 1 : i32
    %dma_start3A_9 = tpu.memref_slice %arg2[%dma_start3A_8, %mul3A_7] : memref<2x320000xi32, #tpu.memory_space<hbm>> -> memref<1x10000xi32, #tpu.memory_space<hbm>>
    %dma_start3A_10 = tpu.memref_squeeze %dma_start3A_9 : memref<1x10000xi32, #tpu.memory_space<hbm>> -> memref<10000xi32, #tpu.memory_space<hbm>>
    %dma_start3A_11 = tpu.memref_slice %arg2[%dma_start3A_8, %mul3A_7] : memref<2x320000xi32, #tpu.memory_space<hbm>> -> memref<1x10000xi32, #tpu.memory_space<hbm>>
    %dma_start3A_12 = tpu.memref_squeeze %dma_start3A_11 : memref<1x10000xi32, #tpu.memory_space<hbm>> -> memref<10000xi32, #tpu.memory_space<hbm>>
    tpu.enqueue_dma source(%dma_start3A_12 : memref<10000xi32, #tpu.memory_space<hbm>>) target(%arg6 : memref<10000xi32, #tpu.memory_space<vmem>>) target_semaphore(%arg9 : memref<!tpu.dma_semaphore, #tpu.memory_space<semaphore_mem>>)
    %dma_wait3A = tpu.memref_slice %arg8[%mul3A_4] : memref<10240xf32, #tpu.memory_space<vmem_shared>> -> memref<640xf32, #tpu.memory_space<vmem_shared>>
    %dma_wait3A_13 = tpu.memref_slice %arg4[%mul3A_2] : memref<10240xf32, #tpu.memory_space<hbm>> -> memref<640xf32, #tpu.memory_space<hbm>>
    tpu.wait_dma2 semaphore(%arg9 : memref<!tpu.dma_semaphore, #tpu.memory_space<semaphore_mem>>) src(%dma_wait3A_13 : memref<640xf32, #tpu.memory_space<hbm>>) dst(%dma_wait3A : memref<640xf32, #tpu.memory_space<vmem_shared>>)
    tpu.wait_dma2 semaphore(%arg9 : memref<!tpu.dma_semaphore, #tpu.memory_space<semaphore_mem>>) src(%arg3 : memref<10000xf32, #tpu.memory_space<hbm>>) dst(%arg7 : memref<10000xf32, #tpu.memory_space<vmem>>)
    %dma_wait3A_14 = arith.constant 1 : i32
    %dma_wait3A_15 = tpu.memref_slice %arg2[%dma_wait3A_14, %mul3A_7] : memref<2x320000xi32, #tpu.memory_space<hbm>> -> memref<1x10000xi32, #tpu.memory_space<hbm>>
    %dma_wait3A_16 = tpu.memref_squeeze %dma_wait3A_15 : memref<1x10000xi32, #tpu.memory_space<hbm>> -> memref<10000xi32, #tpu.memory_space<hbm>>
    %dma_wait3A_17 = tpu.memref_slice %arg2[%dma_wait3A_14, %mul3A_7] : memref<2x320000xi32, #tpu.memory_space<hbm>> -> memref<1x10000xi32, #tpu.memory_space<hbm>>
    %dma_wait3A_18 = tpu.memref_squeeze %dma_wait3A_17 : memref<1x10000xi32, #tpu.memory_space<hbm>> -> memref<10000xi32, #tpu.memory_space<hbm>>
    tpu.wait_dma2 semaphore(%arg9 : memref<!tpu.dma_semaphore, #tpu.memory_space<semaphore_mem>>) src(%dma_wait3A_18 : memref<10000xi32, #tpu.memory_space<hbm>>) dst(%arg6 : memref<10000xi32, #tpu.memory_space<vmem>>)
    %barrier3A = arith.constant 0 : index
    tpu.barrier barrier_id(%barrier3A)
    "tpu.region"() ({
      %run_scoped3A = tpu.sem_alloc : memref<!tpu.dma_semaphore, #tpu.memory_space<semaphore_mem>>
      %dma_start3A_24 = arith.constant 0 : i32
      %dma_start3A_25 = tpu.memref_slice %arg8[%dma_start3A_24] : memref<10240xf32, #tpu.memory_space<vmem_shared>> -> memref<10240xf32, #tpu.memory_space<vmem_shared>>
      tpu.enqueue_indirect_dma source(%arg7 : memref<10000xf32, #tpu.memory_space<vmem>>) target(%dma_start3A_25 : memref<10240xf32, #tpu.memory_space<vmem_shared>>) offsets(%arg6 : memref<10000xi32, #tpu.memory_space<vmem>>) semaphore(%run_scoped3A : memref<!tpu.dma_semaphore, #tpu.memory_space<semaphore_mem>>) {add = true}
      %dma_wait3A_26 = arith.constant 0 : i32
      %dma_wait3A_27 = tpu.memref_slice %arg8[%dma_wait3A_26] : memref<10240xf32, #tpu.memory_space<vmem_shared>> -> memref<10240xf32, #tpu.memory_space<vmem_shared>>
      tpu.wait_indirect_dma semaphore(%run_scoped3A : memref<!tpu.dma_semaphore, #tpu.memory_space<semaphore_mem>>) src(%arg7 : memref<10000xf32, #tpu.memory_space<vmem>>) dst(%dma_wait3A_27 : memref<10240xf32, #tpu.memory_space<vmem_shared>>)
      tpu.yield
    }) : () -> ()
    %barrier3A_19 = arith.constant 0 : index
    tpu.barrier barrier_id(%barrier3A_19)
    %mul3A_20 = arith.constant 640 : i32
    %mul3A_21 = arith.muli %arg1, %mul3A_20 : i32
    %mul3A_22 = arith.constant 640 : i32
    %mul3A_23 = arith.muli %arg1, %mul3A_22 : i32
    "tpu.region"() ({
      %run_scoped3A = tpu.sem_alloc : memref<!tpu.dma_semaphore, #tpu.memory_space<semaphore_mem>>
      %dma_start3A_24 = tpu.memref_slice %arg5[%arg0, %mul3A_23] : memref<2x10240xf32, #tpu.memory_space<hbm>> -> memref<1x640xf32, #tpu.memory_space<hbm>>
      %dma_start3A_25 = tpu.memref_squeeze %dma_start3A_24 : memref<1x640xf32, #tpu.memory_space<hbm>> -> memref<640xf32, #tpu.memory_space<hbm>>
      %dma_start3A_26 = tpu.memref_slice %arg8[%mul3A_21] : memref<10240xf32, #tpu.memory_space<vmem_shared>> -> memref<640xf32, #tpu.memory_space<vmem_shared>>
      tpu.enqueue_dma source(%dma_start3A_26 : memref<640xf32, #tpu.memory_space<vmem_shared>>) target(%dma_start3A_25 : memref<640xf32, #tpu.memory_space<hbm>>) target_semaphore(%run_scoped3A : memref<!tpu.dma_semaphore, #tpu.memory_space<semaphore_mem>>)
      %dma_wait3A_27 = tpu.memref_slice %arg5[%arg0, %mul3A_23] : memref<2x10240xf32, #tpu.memory_space<hbm>> -> memref<1x640xf32, #tpu.memory_space<hbm>>
      %dma_wait3A_28 = tpu.memref_squeeze %dma_wait3A_27 : memref<1x640xf32, #tpu.memory_space<hbm>> -> memref<640xf32, #tpu.memory_space<hbm>>
      %dma_wait3A_29 = tpu.memref_slice %arg8[%mul3A_21] : memref<10240xf32, #tpu.memory_space<vmem_shared>> -> memref<640xf32, #tpu.memory_space<vmem_shared>>
      tpu.wait_dma2 semaphore(%run_scoped3A : memref<!tpu.dma_semaphore, #tpu.memory_space<semaphore_mem>>) src(%dma_wait3A_29 : memref<640xf32, #tpu.memory_space<vmem_shared>>) dst(%dma_wait3A_28 : memref<640xf32, #tpu.memory_space<hbm>>)
      tpu.yield
    }) : () -> ()
    return
  }
}

#map = affine_map<(d0, d1) -> (0, 0)>
#map1 = affine_map<(d0, d1) -> (0, 0, 0)>
module attributes {stable_mosaic.version = 14 : i64} {
  func.func @_sc_rows_body(%arg0: i32, %arg1: i32, %arg2: memref<2x320000xi32, #tpu.memory_space<hbm>>, %arg3: memref<16x10000xf32, #tpu.memory_space<hbm>>, %arg4: memref<2x10240xf32, #tpu.memory_space<hbm>>, %arg5: memref<10240x16xf32, #tpu.memory_space<hbm>>, %arg6: memref<2x10240x16xf32, #tpu.memory_space<hbm>>, %arg7: memref<10240x16xf32, #tpu.memory_space<hbm>>, %arg8: memref<1x10240xf32, #tpu.memory_space<hbm>>, %arg9: memref<10000xi32, #tpu.memory_space<vmem>>, %arg10: memref<5x2000xi32, #tpu.memory_space<vmem>>, %arg11: memref<2000x16xf32, #tpu.memory_space<vmem>>, %arg12: memref<2000x16xf32, #tpu.memory_space<vmem>>, %arg13: memref<640x16xf32, #tpu.memory_space<vmem>>, %arg14: memref<16x640xf32, #tpu.memory_space<vmem>>, %arg15: memref<640xf32, #tpu.memory_space<vmem>>, %arg16: memref<640xf32, #tpu.memory_space<vmem>>, %arg17: memref<640xf32, #tpu.memory_space<vmem>>, %arg18: memref<10240x16xf32, #tpu.memory_space<vmem_shared>>, %arg19: memref<10240x16xf32, #tpu.memory_space<vmem_shared>>, %arg20: memref<!tpu.dma_semaphore, #tpu.memory_space<semaphore_mem>>, %arg21: memref<!tpu.dma_semaphore, #tpu.memory_space<semaphore_mem>>, %arg22: memref<!tpu.dma_semaphore, #tpu.memory_space<semaphore_mem>>) attributes {dimension_semantics = [#tpu.dimension_semantics<core_parallel>, #tpu.dimension_semantics<subcore_parallel>], iteration_bounds = array<i64: 2, 16>, scalar_prefetch = 0 : i64, scratch_operands = 14 : i64, tpu.core_type = #tpu.core_type<sc_vector_subcore>, window_params = [{transform_indices = #map}, {transform_indices = #map}, {transform_indices = #map}, {transform_indices = #map}, {transform_indices = #map1}, {transform_indices = #map}, {transform_indices = #map}]} {
    %mul3A = arith.constant 2 : i32
    %mul3A_0 = arith.muli %arg1, %mul3A : i32
    %add3A = arith.addi %mul3A_0, %arg0 : i32
    %mul3A_1 = arith.constant 640 : i32
    %mul3A_2 = arith.muli %arg1, %mul3A_1 : i32
    %dma_start3A = arith.constant 0 : i32
    %dma_start3A_3 = tpu.memref_slice %arg18[%mul3A_2, %dma_start3A] : memref<10240x16xf32, #tpu.memory_space<vmem_shared>> -> memref<640x16xf32, #tpu.memory_space<vmem_shared>>
    %dma_start3A_4 = arith.constant 0 : i32
    %dma_start3A_5 = tpu.memref_slice %arg5[%mul3A_2, %dma_start3A_4] : memref<10240x16xf32, #tpu.memory_space<hbm>> -> memref<640x16xf32, #tpu.memory_space<hbm>>
    tpu.enqueue_dma source(%dma_start3A_5 : memref<640x16xf32, #tpu.memory_space<hbm>>) target(%dma_start3A_3 : memref<640x16xf32, #tpu.memory_space<vmem_shared>>) target_semaphore(%arg20 : memref<!tpu.dma_semaphore, #tpu.memory_space<semaphore_mem>>)
    %mul3A_6 = arith.constant 10000 : i32
    %mul3A_7 = arith.muli %add3A, %mul3A_6 : i32
    %dma_start3A_8 = arith.constant 0 : i32
    %dma_start3A_9 = tpu.memref_slice %arg2[%dma_start3A_8, %mul3A_7] : memref<2x320000xi32, #tpu.memory_space<hbm>> -> memref<1x10000xi32, #tpu.memory_space<hbm>>
    %dma_start3A_10 = tpu.memref_squeeze %dma_start3A_9 : memref<1x10000xi32, #tpu.memory_space<hbm>> -> memref<10000xi32, #tpu.memory_space<hbm>>
    %dma_start3A_11 = tpu.memref_slice %arg2[%dma_start3A_8, %mul3A_7] : memref<2x320000xi32, #tpu.memory_space<hbm>> -> memref<1x10000xi32, #tpu.memory_space<hbm>>
    %dma_start3A_12 = tpu.memref_squeeze %dma_start3A_11 : memref<1x10000xi32, #tpu.memory_space<hbm>> -> memref<10000xi32, #tpu.memory_space<hbm>>
    tpu.enqueue_dma source(%dma_start3A_12 : memref<10000xi32, #tpu.memory_space<hbm>>) target(%arg9 : memref<10000xi32, #tpu.memory_space<vmem>>) target_semaphore(%arg20 : memref<!tpu.dma_semaphore, #tpu.memory_space<semaphore_mem>>)
    %mul3A_13 = arith.constant 10000 : i32
    %mul3A_14 = arith.muli %add3A, %mul3A_13 : i32
    %add3A_15 = arith.constant 0 : i32
    %add3A_16 = arith.addi %mul3A_14, %add3A_15 : i32
    %dma_start3A_17 = arith.constant 1 : i32
    %dma_start3A_18 = arith.constant 0 : i32
    %dma_start3A_19 = arith.constant 0 : i32
    %dma_start3A_20 = tpu.memref_slice %arg10[%dma_start3A_18, %dma_start3A_19] : memref<5x2000xi32, #tpu.memory_space<vmem>> -> memref<1x2000xi32, #tpu.memory_space<vmem>>
    %dma_start3A_21 = tpu.memref_squeeze %dma_start3A_20 : memref<1x2000xi32, #tpu.memory_space<vmem>> -> memref<2000xi32, #tpu.memory_space<vmem>>
    %dma_start3A_22 = tpu.memref_slice %arg2[%dma_start3A_17, %add3A_16] : memref<2x320000xi32, #tpu.memory_space<hbm>> -> memref<1x2000xi32, #tpu.memory_space<hbm>>
    %dma_start3A_23 = tpu.memref_squeeze %dma_start3A_22 : memref<1x2000xi32, #tpu.memory_space<hbm>> -> memref<2000xi32, #tpu.memory_space<hbm>>
    %dma_start3A_24 = arith.constant 0 : i32
    %dma_start3A_25 = tpu.memref_slice %arg10[%dma_start3A_18, %dma_start3A_24] : memref<5x2000xi32, #tpu.memory_space<vmem>> -> memref<1x2000xi32, #tpu.memory_space<vmem>>
    %dma_start3A_26 = tpu.memref_squeeze %dma_start3A_25 : memref<1x2000xi32, #tpu.memory_space<vmem>> -> memref<2000xi32, #tpu.memory_space<vmem>>
    %dma_start3A_27 = tpu.memref_slice %arg2[%dma_start3A_17, %add3A_16] : memref<2x320000xi32, #tpu.memory_space<hbm>> -> memref<1x2000xi32, #tpu.memory_space<hbm>>
    %dma_start3A_28 = tpu.memref_squeeze %dma_start3A_27 : memref<1x2000xi32, #tpu.memory_space<hbm>> -> memref<2000xi32, #tpu.memory_space<hbm>>
    tpu.enqueue_dma source(%dma_start3A_28 : memref<2000xi32, #tpu.memory_space<hbm>>) target(%dma_start3A_26 : memref<2000xi32, #tpu.memory_space<vmem>>) target_semaphore(%arg20 : memref<!tpu.dma_semaphore, #tpu.memory_space<semaphore_mem>>)
    %mul3A_29 = arith.constant 10000 : i32
    %mul3A_30 = arith.muli %add3A, %mul3A_29 : i32
    %add3A_31 = arith.constant 2000 : i32
    %add3A_32 = arith.addi %mul3A_30, %add3A_31 : i32
    %dma_start3A_33 = arith.constant 1 : i32
    %dma_start3A_34 = arith.constant 1 : i32
    %dma_start3A_35 = arith.constant 0 : i32
    %dma_start3A_36 = tpu.memref_slice %arg10[%dma_start3A_34, %dma_start3A_35] : memref<5x2000xi32, #tpu.memory_space<vmem>> -> memref<1x2000xi32, #tpu.memory_space<vmem>>
    %dma_start3A_37 = tpu.memref_squeeze %dma_start3A_36 : memref<1x2000xi32, #tpu.memory_space<vmem>> -> memref<2000xi32, #tpu.memory_space<vmem>>
    %dma_start3A_38 = tpu.memref_slice %arg2[%dma_start3A_33, %add3A_32] : memref<2x320000xi32, #tpu.memory_space<hbm>> -> memref<1x2000xi32, #tpu.memory_space<hbm>>
    %dma_start3A_39 = tpu.memref_squeeze %dma_start3A_38 : memref<1x2000xi32, #tpu.memory_space<hbm>> -> memref<2000xi32, #tpu.memory_space<hbm>>
    %dma_start3A_40 = arith.constant 0 : i32
    %dma_start3A_41 = tpu.memref_slice %arg10[%dma_start3A_34, %dma_start3A_40] : memref<5x2000xi32, #tpu.memory_space<vmem>> -> memref<1x2000xi32, #tpu.memory_space<vmem>>
    %dma_start3A_42 = tpu.memref_squeeze %dma_start3A_41 : memref<1x2000xi32, #tpu.memory_space<vmem>> -> memref<2000xi32, #tpu.memory_space<vmem>>
    %dma_start3A_43 = tpu.memref_slice %arg2[%dma_start3A_33, %add3A_32] : memref<2x320000xi32, #tpu.memory_space<hbm>> -> memref<1x2000xi32, #tpu.memory_space<hbm>>
    %dma_start3A_44 = tpu.memref_squeeze %dma_start3A_43 : memref<1x2000xi32, #tpu.memory_space<hbm>> -> memref<2000xi32, #tpu.memory_space<hbm>>
    tpu.enqueue_dma source(%dma_start3A_44 : memref<2000xi32, #tpu.memory_space<hbm>>) target(%dma_start3A_42 : memref<2000xi32, #tpu.memory_space<vmem>>) target_semaphore(%arg20 : memref<!tpu.dma_semaphore, #tpu.memory_space<semaphore_mem>>)
    %mul3A_45 = arith.constant 10000 : i32
    %mul3A_46 = arith.muli %add3A, %mul3A_45 : i32
    %add3A_47 = arith.constant 4000 : i32
    %add3A_48 = arith.addi %mul3A_46, %add3A_47 : i32
    %dma_start3A_49 = arith.constant 1 : i32
    %dma_start3A_50 = arith.constant 2 : i32
    %dma_start3A_51 = arith.constant 0 : i32
    %dma_start3A_52 = tpu.memref_slice %arg10[%dma_start3A_50, %dma_start3A_51] : memref<5x2000xi32, #tpu.memory_space<vmem>> -> memref<1x2000xi32, #tpu.memory_space<vmem>>
    %dma_start3A_53 = tpu.memref_squeeze %dma_start3A_52 : memref<1x2000xi32, #tpu.memory_space<vmem>> -> memref<2000xi32, #tpu.memory_space<vmem>>
    %dma_start3A_54 = tpu.memref_slice %arg2[%dma_start3A_49, %add3A_48] : memref<2x320000xi32, #tpu.memory_space<hbm>> -> memref<1x2000xi32, #tpu.memory_space<hbm>>
    %dma_start3A_55 = tpu.memref_squeeze %dma_start3A_54 : memref<1x2000xi32, #tpu.memory_space<hbm>> -> memref<2000xi32, #tpu.memory_space<hbm>>
    %dma_start3A_56 = arith.constant 0 : i32
    %dma_start3A_57 = tpu.memref_slice %arg10[%dma_start3A_50, %dma_start3A_56] : memref<5x2000xi32, #tpu.memory_space<vmem>> -> memref<1x2000xi32, #tpu.memory_space<vmem>>
    %dma_start3A_58 = tpu.memref_squeeze %dma_start3A_57 : memref<1x2000xi32, #tpu.memory_space<vmem>> -> memref<2000xi32, #tpu.memory_space<vmem>>
    %dma_start3A_59 = tpu.memref_slice %arg2[%dma_start3A_49, %add3A_48] : memref<2x320000xi32, #tpu.memory_space<hbm>> -> memref<1x2000xi32, #tpu.memory_space<hbm>>
    %dma_start3A_60 = tpu.memref_squeeze %dma_start3A_59 : memref<1x2000xi32, #tpu.memory_space<hbm>> -> memref<2000xi32, #tpu.memory_space<hbm>>
    tpu.enqueue_dma source(%dma_start3A_60 : memref<2000xi32, #tpu.memory_space<hbm>>) target(%dma_start3A_58 : memref<2000xi32, #tpu.memory_space<vmem>>) target_semaphore(%arg20 : memref<!tpu.dma_semaphore, #tpu.memory_space<semaphore_mem>>)
    %mul3A_61 = arith.constant 10000 : i32
    %mul3A_62 = arith.muli %add3A, %mul3A_61 : i32
    %add3A_63 = arith.constant 6000 : i32
    %add3A_64 = arith.addi %mul3A_62, %add3A_63 : i32
    %dma_start3A_65 = arith.constant 1 : i32
    %dma_start3A_66 = arith.constant 3 : i32
    %dma_start3A_67 = arith.constant 0 : i32
    %dma_start3A_68 = tpu.memref_slice %arg10[%dma_start3A_66, %dma_start3A_67] : memref<5x2000xi32, #tpu.memory_space<vmem>> -> memref<1x2000xi32, #tpu.memory_space<vmem>>
    %dma_start3A_69 = tpu.memref_squeeze %dma_start3A_68 : memref<1x2000xi32, #tpu.memory_space<vmem>> -> memref<2000xi32, #tpu.memory_space<vmem>>
    %dma_start3A_70 = tpu.memref_slice %arg2[%dma_start3A_65, %add3A_64] : memref<2x320000xi32, #tpu.memory_space<hbm>> -> memref<1x2000xi32, #tpu.memory_space<hbm>>
    %dma_start3A_71 = tpu.memref_squeeze %dma_start3A_70 : memref<1x2000xi32, #tpu.memory_space<hbm>> -> memref<2000xi32, #tpu.memory_space<hbm>>
    %dma_start3A_72 = arith.constant 0 : i32
    %dma_start3A_73 = tpu.memref_slice %arg10[%dma_start3A_66, %dma_start3A_72] : memref<5x2000xi32, #tpu.memory_space<vmem>> -> memref<1x2000xi32, #tpu.memory_space<vmem>>
    %dma_start3A_74 = tpu.memref_squeeze %dma_start3A_73 : memref<1x2000xi32, #tpu.memory_space<vmem>> -> memref<2000xi32, #tpu.memory_space<vmem>>
    %dma_start3A_75 = tpu.memref_slice %arg2[%dma_start3A_65, %add3A_64] : memref<2x320000xi32, #tpu.memory_space<hbm>> -> memref<1x2000xi32, #tpu.memory_space<hbm>>
    %dma_start3A_76 = tpu.memref_squeeze %dma_start3A_75 : memref<1x2000xi32, #tpu.memory_space<hbm>> -> memref<2000xi32, #tpu.memory_space<hbm>>
    tpu.enqueue_dma source(%dma_start3A_76 : memref<2000xi32, #tpu.memory_space<hbm>>) target(%dma_start3A_74 : memref<2000xi32, #tpu.memory_space<vmem>>) target_semaphore(%arg20 : memref<!tpu.dma_semaphore, #tpu.memory_space<semaphore_mem>>)
    %mul3A_77 = arith.constant 10000 : i32
    %mul3A_78 = arith.muli %add3A, %mul3A_77 : i32
    %add3A_79 = arith.constant 8000 : i32
    %add3A_80 = arith.addi %mul3A_78, %add3A_79 : i32
    %dma_start3A_81 = arith.constant 1 : i32
    %dma_start3A_82 = arith.constant 4 : i32
    %dma_start3A_83 = arith.constant 0 : i32
    %dma_start3A_84 = tpu.memref_slice %arg10[%dma_start3A_82, %dma_start3A_83] : memref<5x2000xi32, #tpu.memory_space<vmem>> -> memref<1x2000xi32, #tpu.memory_space<vmem>>
    %dma_start3A_85 = tpu.memref_squeeze %dma_start3A_84 : memref<1x2000xi32, #tpu.memory_space<vmem>> -> memref<2000xi32, #tpu.memory_space<vmem>>
    %dma_start3A_86 = tpu.memref_slice %arg2[%dma_start3A_81, %add3A_80] : memref<2x320000xi32, #tpu.memory_space<hbm>> -> memref<1x2000xi32, #tpu.memory_space<hbm>>
    %dma_start3A_87 = tpu.memref_squeeze %dma_start3A_86 : memref<1x2000xi32, #tpu.memory_space<hbm>> -> memref<2000xi32, #tpu.memory_space<hbm>>
    %dma_start3A_88 = arith.constant 0 : i32
    %dma_start3A_89 = tpu.memref_slice %arg10[%dma_start3A_82, %dma_start3A_88] : memref<5x2000xi32, #tpu.memory_space<vmem>> -> memref<1x2000xi32, #tpu.memory_space<vmem>>
    %dma_start3A_90 = tpu.memref_squeeze %dma_start3A_89 : memref<1x2000xi32, #tpu.memory_space<vmem>> -> memref<2000xi32, #tpu.memory_space<vmem>>
    %dma_start3A_91 = tpu.memref_slice %arg2[%dma_start3A_81, %add3A_80] : memref<2x320000xi32, #tpu.memory_space<hbm>> -> memref<1x2000xi32, #tpu.memory_space<hbm>>
    %dma_start3A_92 = tpu.memref_squeeze %dma_start3A_91 : memref<1x2000xi32, #tpu.memory_space<hbm>> -> memref<2000xi32, #tpu.memory_space<hbm>>
    tpu.enqueue_dma source(%dma_start3A_92 : memref<2000xi32, #tpu.memory_space<hbm>>) target(%dma_start3A_90 : memref<2000xi32, #tpu.memory_space<vmem>>) target_semaphore(%arg20 : memref<!tpu.dma_semaphore, #tpu.memory_space<semaphore_mem>>)
    %run_scoped3A = arith.constant 0 : i32
    "tpu.region"() ({
      %run_scoped3A_224 = tpu.sem_alloc : memref<!tpu.dma_semaphore, #tpu.memory_space<semaphore_mem>>
      %dma_start3A_225 = tpu.memref_slice %arg4[%run_scoped3A, %mul3A_2] : memref<2x10240xf32, #tpu.memory_space<hbm>> -> memref<1x640xf32, #tpu.memory_space<hbm>>
      %dma_start3A_226 = tpu.memref_squeeze %dma_start3A_225 : memref<1x640xf32, #tpu.memory_space<hbm>> -> memref<640xf32, #tpu.memory_space<hbm>>
      %dma_start3A_227 = tpu.memref_slice %arg4[%run_scoped3A, %mul3A_2] : memref<2x10240xf32, #tpu.memory_space<hbm>> -> memref<1x640xf32, #tpu.memory_space<hbm>>
      %dma_start3A_228 = tpu.memref_squeeze %dma_start3A_227 : memref<1x640xf32, #tpu.memory_space<hbm>> -> memref<640xf32, #tpu.memory_space<hbm>>
      tpu.enqueue_dma source(%dma_start3A_228 : memref<640xf32, #tpu.memory_space<hbm>>) target(%arg15 : memref<640xf32, #tpu.memory_space<vmem>>) target_semaphore(%run_scoped3A_224 : memref<!tpu.dma_semaphore, #tpu.memory_space<semaphore_mem>>)
      %dma_wait3A_229 = tpu.memref_slice %arg4[%run_scoped3A, %mul3A_2] : memref<2x10240xf32, #tpu.memory_space<hbm>> -> memref<1x640xf32, #tpu.memory_space<hbm>>
      %dma_wait3A_230 = tpu.memref_squeeze %dma_wait3A_229 : memref<1x640xf32, #tpu.memory_space<hbm>> -> memref<640xf32, #tpu.memory_space<hbm>>
      %dma_wait3A_231 = tpu.memref_slice %arg4[%run_scoped3A, %mul3A_2] : memref<2x10240xf32, #tpu.memory_space<hbm>> -> memref<1x640xf32, #tpu.memory_space<hbm>>
      %dma_wait3A_232 = tpu.memref_squeeze %dma_wait3A_231 : memref<1x640xf32, #tpu.memory_space<hbm>> -> memref<640xf32, #tpu.memory_space<hbm>>
      tpu.wait_dma2 semaphore(%run_scoped3A_224 : memref<!tpu.dma_semaphore, #tpu.memory_space<semaphore_mem>>) src(%dma_wait3A_232 : memref<640xf32, #tpu.memory_space<hbm>>) dst(%arg15 : memref<640xf32, #tpu.memory_space<vmem>>)
      tpu.yield
    }) : () -> ()
    %run_scoped3A_93 = arith.constant 1 : i32
    "tpu.region"() ({
      %run_scoped3A_224 = tpu.sem_alloc : memref<!tpu.dma_semaphore, #tpu.memory_space<semaphore_mem>>
      %dma_start3A_225 = tpu.memref_slice %arg4[%run_scoped3A_93, %mul3A_2] : memref<2x10240xf32, #tpu.memory_space<hbm>> -> memref<1x640xf32, #tpu.memory_space<hbm>>
      %dma_start3A_226 = tpu.memref_squeeze %dma_start3A_225 : memref<1x640xf32, #tpu.memory_space<hbm>> -> memref<640xf32, #tpu.memory_space<hbm>>
      %dma_start3A_227 = tpu.memref_slice %arg4[%run_scoped3A_93, %mul3A_2] : memref<2x10240xf32, #tpu.memory_space<hbm>> -> memref<1x640xf32, #tpu.memory_space<hbm>>
      %dma_start3A_228 = tpu.memref_squeeze %dma_start3A_227 : memref<1x640xf32, #tpu.memory_space<hbm>> -> memref<640xf32, #tpu.memory_space<hbm>>
      tpu.enqueue_dma source(%dma_start3A_228 : memref<640xf32, #tpu.memory_space<hbm>>) target(%arg16 : memref<640xf32, #tpu.memory_space<vmem>>) target_semaphore(%run_scoped3A_224 : memref<!tpu.dma_semaphore, #tpu.memory_space<semaphore_mem>>)
      %dma_wait3A_229 = tpu.memref_slice %arg4[%run_scoped3A_93, %mul3A_2] : memref<2x10240xf32, #tpu.memory_space<hbm>> -> memref<1x640xf32, #tpu.memory_space<hbm>>
      %dma_wait3A_230 = tpu.memref_squeeze %dma_wait3A_229 : memref<1x640xf32, #tpu.memory_space<hbm>> -> memref<640xf32, #tpu.memory_space<hbm>>
      %dma_wait3A_231 = tpu.memref_slice %arg4[%run_scoped3A_93, %mul3A_2] : memref<2x10240xf32, #tpu.memory_space<hbm>> -> memref<1x640xf32, #tpu.memory_space<hbm>>
      %dma_wait3A_232 = tpu.memref_squeeze %dma_wait3A_231 : memref<1x640xf32, #tpu.memory_space<hbm>> -> memref<640xf32, #tpu.memory_space<hbm>>
      tpu.wait_dma2 semaphore(%run_scoped3A_224 : memref<!tpu.dma_semaphore, #tpu.memory_space<semaphore_mem>>) src(%dma_wait3A_232 : memref<640xf32, #tpu.memory_space<hbm>>) dst(%arg16 : memref<640xf32, #tpu.memory_space<vmem>>)
      tpu.yield
    }) : () -> ()
    %eq3A = arith.constant 15 : i32
    %eq3A_94 = arith.cmpi eq, %arg1, %eq3A : i32
    %convert_element_type3A = arith.extui %eq3A_94 : i1 to i32
    %cond3A = arith.constant 0 : i32
    %cond3A_95 = arith.cmpi ne, %convert_element_type3A, %cond3A : i32
    scf.if %cond3A_95 {
      "tpu.region"() ({
        %run_scoped3A_231 = tpu.sem_alloc : memref<!tpu.dma_semaphore, #tpu.memory_space<semaphore_mem>>
        %dma_start3A_232 = arith.constant 0 : i32
        %dma_start3A_233 = arith.constant 0 : i32
        %dma_start3A_234 = tpu.memref_slice %arg14[%dma_start3A_232, %dma_start3A_233] : memref<16x640xf32, #tpu.memory_space<vmem>> -> memref<16x400xf32, #tpu.memory_space<vmem>>
        %dma_start3A_235 = arith.constant 0 : i32
        %dma_start3A_236 = tpu.memref_slice %arg3[%dma_start3A_235, %mul3A_2] : memref<16x10000xf32, #tpu.memory_space<hbm>> -> memref<16x400xf32, #tpu.memory_space<hbm>>
        %dma_start3A_237 = arith.constant 0 : i32
        %dma_start3A_238 = arith.constant 0 : i32
        %dma_start3A_239 = tpu.memref_slice %arg14[%dma_start3A_237, %dma_start3A_238] : memref<16x640xf32, #tpu.memory_space<vmem>> -> memref<16x400xf32, #tpu.memory_space<vmem>>
        %dma_start3A_240 = arith.constant 0 : i32
        %dma_start3A_241 = tpu.memref_slice %arg3[%dma_start3A_240, %mul3A_2] : memref<16x10000xf32, #tpu.memory_space<hbm>> -> memref<16x400xf32, #tpu.memory_space<hbm>>
        tpu.enqueue_dma source(%dma_start3A_241 : memref<16x400xf32, #tpu.memory_space<hbm>>) target(%dma_start3A_239 : memref<16x400xf32, #tpu.memory_space<vmem>>) target_semaphore(%run_scoped3A_231 : memref<!tpu.dma_semaphore, #tpu.memory_space<semaphore_mem>>)
        %dma_wait3A_242 = arith.constant 0 : i32
        %dma_wait3A_243 = arith.constant 0 : i32
        %dma_wait3A_244 = tpu.memref_slice %arg14[%dma_wait3A_242, %dma_wait3A_243] : memref<16x640xf32, #tpu.memory_space<vmem>> -> memref<16x400xf32, #tpu.memory_space<vmem>>
        %dma_wait3A_245 = arith.constant 0 : i32
        %dma_wait3A_246 = tpu.memref_slice %arg3[%dma_wait3A_245, %mul3A_2] : memref<16x10000xf32, #tpu.memory_space<hbm>> -> memref<16x400xf32, #tpu.memory_space<hbm>>
        %dma_wait3A_247 = arith.constant 0 : i32
        %dma_wait3A_248 = arith.constant 0 : i32
        %dma_wait3A_249 = tpu.memref_slice %arg14[%dma_wait3A_247, %dma_wait3A_248] : memref<16x640xf32, #tpu.memory_space<vmem>> -> memref<16x400xf32, #tpu.memory_space<vmem>>
        %dma_wait3A_250 = arith.constant 0 : i32
        %dma_wait3A_251 = tpu.memref_slice %arg3[%dma_wait3A_250, %mul3A_2] : memref<16x10000xf32, #tpu.memory_space<hbm>> -> memref<16x400xf32, #tpu.memory_space<hbm>>
        tpu.wait_dma2 semaphore(%run_scoped3A_231 : memref<!tpu.dma_semaphore, #tpu.memory_space<semaphore_mem>>) src(%dma_wait3A_251 : memref<16x400xf32, #tpu.memory_space<hbm>>) dst(%dma_wait3A_249 : memref<16x400xf32, #tpu.memory_space<vmem>>)
        tpu.yield
      }) : () -> ()
      %parallel_loop3A = arith.constant 0 : i32
      %parallel_loop3A_224 = arith.constant 25 : i32
      %parallel_loop3A_225 = arith.constant 1 : i32
      scf.for %parallel_loop3A_231 = %parallel_loop3A to %parallel_loop3A_224 step %parallel_loop3A_225  : i32 {
        %parallel_loop3A_232 = tpu.iota {dimensions = array<i32: 0>} : vector<16xi32>
        %parallel_loop3A_233 = arith.constant 16 : i32
        %parallel_loop3A_234 = arith.muli %parallel_loop3A_231, %parallel_loop3A_233 : i32
        %parallel_loop3A_235 = vector.broadcast %parallel_loop3A_234 : i32 to vector<16xi32>
        %parallel_loop3A_236 = arith.addi %parallel_loop3A_232, %parallel_loop3A_235 : vector<16xi32>
        %parallel_loop3A_237 = arith.constant 16 : i32
        %parallel_loop3A_238 = arith.muli %parallel_loop3A_231, %parallel_loop3A_237 : i32
        %parallel_loop3A_239 = arith.index_cast %parallel_loop3A_238 : i32 to index
        %parallel_loop3A_240 = tpu.vector_load %arg15[%parallel_loop3A_239] {strides = array<i32>} : memref<640xf32, #tpu.memory_space<vmem>>, vector<16xf32>,
        %parallel_loop3A_241 = arith.constant 16 : i32
        %parallel_loop3A_242 = arith.muli %parallel_loop3A_231, %parallel_loop3A_241 : i32
        %parallel_loop3A_243 = arith.index_cast %parallel_loop3A_242 : i32 to index
        %parallel_loop3A_244 = tpu.vector_load %arg16[%parallel_loop3A_243] {strides = array<i32>} : memref<640xf32, #tpu.memory_space<vmem>>, vector<16xf32>,
        %parallel_loop3A_245 = arith.addf %parallel_loop3A_240, %parallel_loop3A_244 : vector<16xf32>
        %parallel_loop3A_246 = arith.constant 1.000000e+00 : f32
        %parallel_loop3A_247 = vector.broadcast %parallel_loop3A_246 : f32 to vector<16xf32>
        %parallel_loop3A_248 = arith.addf %parallel_loop3A_245, %parallel_loop3A_247 : vector<16xf32>
        %parallel_loop3A_249 = vector.bitcast %parallel_loop3A_248 : vector<16xf32> to vector<16xi32>
        %parallel_loop3A_250 = arith.constant 1 : i32
        %parallel_loop3A_251 = vector.broadcast %parallel_loop3A_250 : i32 to vector<16xi32>
        %parallel_loop3A_252 = arith.shrsi %parallel_loop3A_249, %parallel_loop3A_251 : vector<16xi32>
        %parallel_loop3A_253 = arith.constant 1597463007 : i32
        %parallel_loop3A_254 = vector.broadcast %parallel_loop3A_253 : i32 to vector<16xi32>
        %parallel_loop3A_255 = arith.subi %parallel_loop3A_254, %parallel_loop3A_252 : vector<16xi32>
        %parallel_loop3A_256 = vector.bitcast %parallel_loop3A_255 : vector<16xi32> to vector<16xf32>
        %parallel_loop3A_257 = arith.constant 5.000000e-01 : f32
        %parallel_loop3A_258 = vector.broadcast %parallel_loop3A_257 : f32 to vector<16xf32>
        %parallel_loop3A_259 = arith.mulf %parallel_loop3A_258, %parallel_loop3A_248 : vector<16xf32>
        %parallel_loop3A_260 = arith.mulf %parallel_loop3A_259, %parallel_loop3A_256 : vector<16xf32>
        %parallel_loop3A_261 = arith.mulf %parallel_loop3A_260, %parallel_loop3A_256 : vector<16xf32>
        %parallel_loop3A_262 = arith.constant 1.500000e+00 : f32
        %parallel_loop3A_263 = vector.broadcast %parallel_loop3A_262 : f32 to vector<16xf32>
        %parallel_loop3A_264 = arith.subf %parallel_loop3A_263, %parallel_loop3A_261 : vector<16xf32>
        %parallel_loop3A_265 = arith.mulf %parallel_loop3A_256, %parallel_loop3A_264 : vector<16xf32>
        %parallel_loop3A_266 = arith.constant 5.000000e-01 : f32
        %parallel_loop3A_267 = vector.broadcast %parallel_loop3A_266 : f32 to vector<16xf32>
        %parallel_loop3A_268 = arith.mulf %parallel_loop3A_267, %parallel_loop3A_248 : vector<16xf32>
        %parallel_loop3A_269 = arith.mulf %parallel_loop3A_268, %parallel_loop3A_265 : vector<16xf32>
        %parallel_loop3A_270 = arith.mulf %parallel_loop3A_269, %parallel_loop3A_265 : vector<16xf32>
        %parallel_loop3A_271 = arith.constant 1.500000e+00 : f32
        %parallel_loop3A_272 = vector.broadcast %parallel_loop3A_271 : f32 to vector<16xf32>
        %parallel_loop3A_273 = arith.subf %parallel_loop3A_272, %parallel_loop3A_270 : vector<16xf32>
        %parallel_loop3A_274 = arith.mulf %parallel_loop3A_265, %parallel_loop3A_273 : vector<16xf32>
        %parallel_loop3A_275 = arith.constant 5.000000e-01 : f32
        %parallel_loop3A_276 = vector.broadcast %parallel_loop3A_275 : f32 to vector<16xf32>
        %parallel_loop3A_277 = arith.mulf %parallel_loop3A_276, %parallel_loop3A_248 : vector<16xf32>
        %parallel_loop3A_278 = arith.mulf %parallel_loop3A_277, %parallel_loop3A_274 : vector<16xf32>
        %parallel_loop3A_279 = arith.mulf %parallel_loop3A_278, %parallel_loop3A_274 : vector<16xf32>
        %parallel_loop3A_280 = arith.constant 1.500000e+00 : f32
        %parallel_loop3A_281 = vector.broadcast %parallel_loop3A_280 : f32 to vector<16xf32>
        %parallel_loop3A_282 = arith.subf %parallel_loop3A_281, %parallel_loop3A_279 : vector<16xf32>
        %parallel_loop3A_283 = arith.mulf %parallel_loop3A_274, %parallel_loop3A_282 : vector<16xf32>
        %parallel_loop3A_284 = arith.constant 16 : i32
        %parallel_loop3A_285 = arith.muli %parallel_loop3A_231, %parallel_loop3A_284 : i32
        %parallel_loop3A_286 = arith.index_cast %parallel_loop3A_285 : i32 to index
        %parallel_loop3A_287 = tpu.vector_load %arg17[%parallel_loop3A_286] {strides = array<i32>} : memref<640xf32, #tpu.memory_space<vmem>>, vector<16xf32>,
        tpu.vector_store %arg17[%parallel_loop3A_286], %parallel_loop3A_283 {strides = array<i32>} : memref<640xf32, #tpu.memory_space<vmem>>, vector<16xf32>,
        %parallel_loop3A_288 = arith.constant 0 : i32
        %parallel_loop3A_289 = vector.broadcast %parallel_loop3A_288 : i32 to vector<16xi32>
        %parallel_loop3A_290 = arith.constant 16 : i32
        %parallel_loop3A_291 = arith.muli %parallel_loop3A_231, %parallel_loop3A_290 : i32
        %parallel_loop3A_292 = arith.constant 0 : i32
        %parallel_loop3A_293 = arith.index_cast %parallel_loop3A_292 : i32 to index
        %parallel_loop3A_294 = arith.index_cast %parallel_loop3A_291 : i32 to index
        %parallel_loop3A_295 = tpu.vector_load %arg14[%parallel_loop3A_293, %parallel_loop3A_294] {strides = array<i32>} : memref<16x640xf32, #tpu.memory_space<vmem>>, vector<16xf32>,
        %parallel_loop3A_296 = arith.mulf %parallel_loop3A_295, %parallel_loop3A_283 : vector<16xf32>
        tpu.vector_store_idx %arg13[%parallel_loop3A_236, %parallel_loop3A_289], %parallel_loop3A_296 : memref<640x16xf32, #tpu.memory_space<vmem>>[vector<16xi32>, vector<16xi32>], vector<16xf32>,
        %parallel_loop3A_297 = arith.constant 1 : i32
        %parallel_loop3A_298 = vector.broadcast %parallel_loop3A_297 : i32 to vector<16xi32>
        %parallel_loop3A_299 = arith.constant 16 : i32
        %parallel_loop3A_300 = arith.muli %parallel_loop3A_231, %parallel_loop3A_299 : i32
        %parallel_loop3A_301 = arith.constant 1 : i32
        %parallel_loop3A_302 = arith.index_cast %parallel_loop3A_301 : i32 to index
        %parallel_loop3A_303 = arith.index_cast %parallel_loop3A_300 : i32 to index
        %parallel_loop3A_304 = tpu.vector_load %arg14[%parallel_loop3A_302, %parallel_loop3A_303] {strides = array<i32>} : memref<16x640xf32, #tpu.memory_space<vmem>>, vector<16xf32>,
        %parallel_loop3A_305 = arith.mulf %parallel_loop3A_304, %parallel_loop3A_283 : vector<16xf32>
        tpu.vector_store_idx %arg13[%parallel_loop3A_236, %parallel_loop3A_298], %parallel_loop3A_305 : memref<640x16xf32, #tpu.memory_space<vmem>>[vector<16xi32>, vector<16xi32>], vector<16xf32>,
        %parallel_loop3A_306 = arith.constant 2 : i32
        %parallel_loop3A_307 = vector.broadcast %parallel_loop3A_306 : i32 to vector<16xi32>
        %parallel_loop3A_308 = arith.constant 16 : i32
        %parallel_loop3A_309 = arith.muli %parallel_loop3A_231, %parallel_loop3A_308 : i32
        %parallel_loop3A_310 = arith.constant 2 : i32
        %parallel_loop3A_311 = arith.index_cast %parallel_loop3A_310 : i32 to index
        %parallel_loop3A_312 = arith.index_cast %parallel_loop3A_309 : i32 to index
        %parallel_loop3A_313 = tpu.vector_load %arg14[%parallel_loop3A_311, %parallel_loop3A_312] {strides = array<i32>} : memref<16x640xf32, #tpu.memory_space<vmem>>, vector<16xf32>,
        %parallel_loop3A_314 = arith.mulf %parallel_loop3A_313, %parallel_loop3A_283 : vector<16xf32>
        tpu.vector_store_idx %arg13[%parallel_loop3A_236, %parallel_loop3A_307], %parallel_loop3A_314 : memref<640x16xf32, #tpu.memory_space<vmem>>[vector<16xi32>, vector<16xi32>], vector<16xf32>,
        %parallel_loop3A_315 = arith.constant 3 : i32
        %parallel_loop3A_316 = vector.broadcast %parallel_loop3A_315 : i32 to vector<16xi32>
        %parallel_loop3A_317 = arith.constant 16 : i32
        %parallel_loop3A_318 = arith.muli %parallel_loop3A_231, %parallel_loop3A_317 : i32
        %parallel_loop3A_319 = arith.constant 3 : i32
        %parallel_loop3A_320 = arith.index_cast %parallel_loop3A_319 : i32 to index
        %parallel_loop3A_321 = arith.index_cast %parallel_loop3A_318 : i32 to index
        %parallel_loop3A_322 = tpu.vector_load %arg14[%parallel_loop3A_320, %parallel_loop3A_321] {strides = array<i32>} : memref<16x640xf32, #tpu.memory_space<vmem>>, vector<16xf32>,
        %parallel_loop3A_323 = arith.mulf %parallel_loop3A_322, %parallel_loop3A_283 : vector<16xf32>
        tpu.vector_store_idx %arg13[%parallel_loop3A_236, %parallel_loop3A_316], %parallel_loop3A_323 : memref<640x16xf32, #tpu.memory_space<vmem>>[vector<16xi32>, vector<16xi32>], vector<16xf32>,
        %parallel_loop3A_324 = arith.constant 4 : i32
        %parallel_loop3A_325 = vector.broadcast %parallel_loop3A_324 : i32 to vector<16xi32>
        %parallel_loop3A_326 = arith.constant 16 : i32
        %parallel_loop3A_327 = arith.muli %parallel_loop3A_231, %parallel_loop3A_326 : i32
        %parallel_loop3A_328 = arith.constant 4 : i32
        %parallel_loop3A_329 = arith.index_cast %parallel_loop3A_328 : i32 to index
        %parallel_loop3A_330 = arith.index_cast %parallel_loop3A_327 : i32 to index
        %parallel_loop3A_331 = tpu.vector_load %arg14[%parallel_loop3A_329, %parallel_loop3A_330] {strides = array<i32>} : memref<16x640xf32, #tpu.memory_space<vmem>>, vector<16xf32>,
        %parallel_loop3A_332 = arith.mulf %parallel_loop3A_331, %parallel_loop3A_283 : vector<16xf32>
        tpu.vector_store_idx %arg13[%parallel_loop3A_236, %parallel_loop3A_325], %parallel_loop3A_332 : memref<640x16xf32, #tpu.memory_space<vmem>>[vector<16xi32>, vector<16xi32>], vector<16xf32>,
        %parallel_loop3A_333 = arith.constant 5 : i32
        %parallel_loop3A_334 = vector.broadcast %parallel_loop3A_333 : i32 to vector<16xi32>
        %parallel_loop3A_335 = arith.constant 16 : i32
        %parallel_loop3A_336 = arith.muli %parallel_loop3A_231, %parallel_loop3A_335 : i32
        %parallel_loop3A_337 = arith.constant 5 : i32
        %parallel_loop3A_338 = arith.index_cast %parallel_loop3A_337 : i32 to index
        %parallel_loop3A_339 = arith.index_cast %parallel_loop3A_336 : i32 to index
        %parallel_loop3A_340 = tpu.vector_load %arg14[%parallel_loop3A_338, %parallel_loop3A_339] {strides = array<i32>} : memref<16x640xf32, #tpu.memory_space<vmem>>, vector<16xf32>,
        %parallel_loop3A_341 = arith.mulf %parallel_loop3A_340, %parallel_loop3A_283 : vector<16xf32>
        tpu.vector_store_idx %arg13[%parallel_loop3A_236, %parallel_loop3A_334], %parallel_loop3A_341 : memref<640x16xf32, #tpu.memory_space<vmem>>[vector<16xi32>, vector<16xi32>], vector<16xf32>,
        %parallel_loop3A_342 = arith.constant 6 : i32
        %parallel_loop3A_343 = vector.broadcast %parallel_loop3A_342 : i32 to vector<16xi32>
        %parallel_loop3A_344 = arith.constant 16 : i32
        %parallel_loop3A_345 = arith.muli %parallel_loop3A_231, %parallel_loop3A_344 : i32
        %parallel_loop3A_346 = arith.constant 6 : i32
        %parallel_loop3A_347 = arith.index_cast %parallel_loop3A_346 : i32 to index
        %parallel_loop3A_348 = arith.index_cast %parallel_loop3A_345 : i32 to index
        %parallel_loop3A_349 = tpu.vector_load %arg14[%parallel_loop3A_347, %parallel_loop3A_348] {strides = array<i32>} : memref<16x640xf32, #tpu.memory_space<vmem>>, vector<16xf32>,
        %parallel_loop3A_350 = arith.mulf %parallel_loop3A_349, %parallel_loop3A_283 : vector<16xf32>
        tpu.vector_store_idx %arg13[%parallel_loop3A_236, %parallel_loop3A_343], %parallel_loop3A_350 : memref<640x16xf32, #tpu.memory_space<vmem>>[vector<16xi32>, vector<16xi32>], vector<16xf32>,
        %parallel_loop3A_351 = arith.constant 7 : i32
        %parallel_loop3A_352 = vector.broadcast %parallel_loop3A_351 : i32 to vector<16xi32>
        %parallel_loop3A_353 = arith.constant 16 : i32
        %parallel_loop3A_354 = arith.muli %parallel_loop3A_231, %parallel_loop3A_353 : i32
        %parallel_loop3A_355 = arith.constant 7 : i32
        %parallel_loop3A_356 = arith.index_cast %parallel_loop3A_355 : i32 to index
        %parallel_loop3A_357 = arith.index_cast %parallel_loop3A_354 : i32 to index
        %parallel_loop3A_358 = tpu.vector_load %arg14[%parallel_loop3A_356, %parallel_loop3A_357] {strides = array<i32>} : memref<16x640xf32, #tpu.memory_space<vmem>>, vector<16xf32>,
        %parallel_loop3A_359 = arith.mulf %parallel_loop3A_358, %parallel_loop3A_283 : vector<16xf32>
        tpu.vector_store_idx %arg13[%parallel_loop3A_236, %parallel_loop3A_352], %parallel_loop3A_359 : memref<640x16xf32, #tpu.memory_space<vmem>>[vector<16xi32>, vector<16xi32>], vector<16xf32>,
        %parallel_loop3A_360 = arith.constant 8 : i32
        %parallel_loop3A_361 = vector.broadcast %parallel_loop3A_360 : i32 to vector<16xi32>
        %parallel_loop3A_362 = arith.constant 16 : i32
        %parallel_loop3A_363 = arith.muli %parallel_loop3A_231, %parallel_loop3A_362 : i32
        %parallel_loop3A_364 = arith.constant 8 : i32
        %parallel_loop3A_365 = arith.index_cast %parallel_loop3A_364 : i32 to index
        %parallel_loop3A_366 = arith.index_cast %parallel_loop3A_363 : i32 to index
        %parallel_loop3A_367 = tpu.vector_load %arg14[%parallel_loop3A_365, %parallel_loop3A_366] {strides = array<i32>} : memref<16x640xf32, #tpu.memory_space<vmem>>, vector<16xf32>,
        %parallel_loop3A_368 = arith.mulf %parallel_loop3A_367, %parallel_loop3A_283 : vector<16xf32>
        tpu.vector_store_idx %arg13[%parallel_loop3A_236, %parallel_loop3A_361], %parallel_loop3A_368 : memref<640x16xf32, #tpu.memory_space<vmem>>[vector<16xi32>, vector<16xi32>], vector<16xf32>,
        %parallel_loop3A_369 = arith.constant 9 : i32
        %parallel_loop3A_370 = vector.broadcast %parallel_loop3A_369 : i32 to vector<16xi32>
        %parallel_loop3A_371 = arith.constant 16 : i32
        %parallel_loop3A_372 = arith.muli %parallel_loop3A_231, %parallel_loop3A_371 : i32
        %parallel_loop3A_373 = arith.constant 9 : i32
        %parallel_loop3A_374 = arith.index_cast %parallel_loop3A_373 : i32 to index
        %parallel_loop3A_375 = arith.index_cast %parallel_loop3A_372 : i32 to index
        %parallel_loop3A_376 = tpu.vector_load %arg14[%parallel_loop3A_374, %parallel_loop3A_375] {strides = array<i32>} : memref<16x640xf32, #tpu.memory_space<vmem>>, vector<16xf32>,
        %parallel_loop3A_377 = arith.mulf %parallel_loop3A_376, %parallel_loop3A_283 : vector<16xf32>
        tpu.vector_store_idx %arg13[%parallel_loop3A_236, %parallel_loop3A_370], %parallel_loop3A_377 : memref<640x16xf32, #tpu.memory_space<vmem>>[vector<16xi32>, vector<16xi32>], vector<16xf32>,
        %parallel_loop3A_378 = arith.constant 10 : i32
        %parallel_loop3A_379 = vector.broadcast %parallel_loop3A_378 : i32 to vector<16xi32>
        %parallel_loop3A_380 = arith.constant 16 : i32
        %parallel_loop3A_381 = arith.muli %parallel_loop3A_231, %parallel_loop3A_380 : i32
        %parallel_loop3A_382 = arith.constant 10 : i32
        %parallel_loop3A_383 = arith.index_cast %parallel_loop3A_382 : i32 to index
        %parallel_loop3A_384 = arith.index_cast %parallel_loop3A_381 : i32 to index
        %parallel_loop3A_385 = tpu.vector_load %arg14[%parallel_loop3A_383, %parallel_loop3A_384] {strides = array<i32>} : memref<16x640xf32, #tpu.memory_space<vmem>>, vector<16xf32>,
        %parallel_loop3A_386 = arith.mulf %parallel_loop3A_385, %parallel_loop3A_283 : vector<16xf32>
        tpu.vector_store_idx %arg13[%parallel_loop3A_236, %parallel_loop3A_379], %parallel_loop3A_386 : memref<640x16xf32, #tpu.memory_space<vmem>>[vector<16xi32>, vector<16xi32>], vector<16xf32>,
        %parallel_loop3A_387 = arith.constant 11 : i32
        %parallel_loop3A_388 = vector.broadcast %parallel_loop3A_387 : i32 to vector<16xi32>
        %parallel_loop3A_389 = arith.constant 16 : i32
        %parallel_loop3A_390 = arith.muli %parallel_loop3A_231, %parallel_loop3A_389 : i32
        %parallel_loop3A_391 = arith.constant 11 : i32
        %parallel_loop3A_392 = arith.index_cast %parallel_loop3A_391 : i32 to index
        %parallel_loop3A_393 = arith.index_cast %parallel_loop3A_390 : i32 to index
        %parallel_loop3A_394 = tpu.vector_load %arg14[%parallel_loop3A_392, %parallel_loop3A_393] {strides = array<i32>} : memref<16x640xf32, #tpu.memory_space<vmem>>, vector<16xf32>,
        %parallel_loop3A_395 = arith.mulf %parallel_loop3A_394, %parallel_loop3A_283 : vector<16xf32>
        tpu.vector_store_idx %arg13[%parallel_loop3A_236, %parallel_loop3A_388], %parallel_loop3A_395 : memref<640x16xf32, #tpu.memory_space<vmem>>[vector<16xi32>, vector<16xi32>], vector<16xf32>,
        %parallel_loop3A_396 = arith.constant 12 : i32
        %parallel_loop3A_397 = vector.broadcast %parallel_loop3A_396 : i32 to vector<16xi32>
        %parallel_loop3A_398 = arith.constant 16 : i32
        %parallel_loop3A_399 = arith.muli %parallel_loop3A_231, %parallel_loop3A_398 : i32
        %parallel_loop3A_400 = arith.constant 12 : i32
        %parallel_loop3A_401 = arith.index_cast %parallel_loop3A_400 : i32 to index
        %parallel_loop3A_402 = arith.index_cast %parallel_loop3A_399 : i32 to index
        %parallel_loop3A_403 = tpu.vector_load %arg14[%parallel_loop3A_401, %parallel_loop3A_402] {strides = array<i32>} : memref<16x640xf32, #tpu.memory_space<vmem>>, vector<16xf32>,
        %parallel_loop3A_404 = arith.mulf %parallel_loop3A_403, %parallel_loop3A_283 : vector<16xf32>
        tpu.vector_store_idx %arg13[%parallel_loop3A_236, %parallel_loop3A_397], %parallel_loop3A_404 : memref<640x16xf32, #tpu.memory_space<vmem>>[vector<16xi32>, vector<16xi32>], vector<16xf32>,
        %parallel_loop3A_405 = arith.constant 13 : i32
        %parallel_loop3A_406 = vector.broadcast %parallel_loop3A_405 : i32 to vector<16xi32>
        %parallel_loop3A_407 = arith.constant 16 : i32
        %parallel_loop3A_408 = arith.muli %parallel_loop3A_231, %parallel_loop3A_407 : i32
        %parallel_loop3A_409 = arith.constant 13 : i32
        %parallel_loop3A_410 = arith.index_cast %parallel_loop3A_409 : i32 to index
        %parallel_loop3A_411 = arith.index_cast %parallel_loop3A_408 : i32 to index
        %parallel_loop3A_412 = tpu.vector_load %arg14[%parallel_loop3A_410, %parallel_loop3A_411] {strides = array<i32>} : memref<16x640xf32, #tpu.memory_space<vmem>>, vector<16xf32>,
        %parallel_loop3A_413 = arith.mulf %parallel_loop3A_412, %parallel_loop3A_283 : vector<16xf32>
        tpu.vector_store_idx %arg13[%parallel_loop3A_236, %parallel_loop3A_406], %parallel_loop3A_413 : memref<640x16xf32, #tpu.memory_space<vmem>>[vector<16xi32>, vector<16xi32>], vector<16xf32>,
        %parallel_loop3A_414 = arith.constant 14 : i32
        %parallel_loop3A_415 = vector.broadcast %parallel_loop3A_414 : i32 to vector<16xi32>
        %parallel_loop3A_416 = arith.constant 16 : i32
        %parallel_loop3A_417 = arith.muli %parallel_loop3A_231, %parallel_loop3A_416 : i32
        %parallel_loop3A_418 = arith.constant 14 : i32
        %parallel_loop3A_419 = arith.index_cast %parallel_loop3A_418 : i32 to index
        %parallel_loop3A_420 = arith.index_cast %parallel_loop3A_417 : i32 to index
        %parallel_loop3A_421 = tpu.vector_load %arg14[%parallel_loop3A_419, %parallel_loop3A_420] {strides = array<i32>} : memref<16x640xf32, #tpu.memory_space<vmem>>, vector<16xf32>,
        %parallel_loop3A_422 = arith.mulf %parallel_loop3A_421, %parallel_loop3A_283 : vector<16xf32>
        tpu.vector_store_idx %arg13[%parallel_loop3A_236, %parallel_loop3A_415], %parallel_loop3A_422 : memref<640x16xf32, #tpu.memory_space<vmem>>[vector<16xi32>, vector<16xi32>], vector<16xf32>,
        %parallel_loop3A_423 = arith.constant 15 : i32
        %parallel_loop3A_424 = vector.broadcast %parallel_loop3A_423 : i32 to vector<16xi32>
        %parallel_loop3A_425 = arith.constant 16 : i32
        %parallel_loop3A_426 = arith.muli %parallel_loop3A_231, %parallel_loop3A_425 : i32
        %parallel_loop3A_427 = arith.constant 15 : i32
        %parallel_loop3A_428 = arith.index_cast %parallel_loop3A_427 : i32 to index
        %parallel_loop3A_429 = arith.index_cast %parallel_loop3A_426 : i32 to index
        %parallel_loop3A_430 = tpu.vector_load %arg14[%parallel_loop3A_428, %parallel_loop3A_429] {strides = array<i32>} : memref<16x640xf32, #tpu.memory_space<vmem>>, vector<16xf32>,
        %parallel_loop3A_431 = arith.mulf %parallel_loop3A_430, %parallel_loop3A_283 : vector<16xf32>
        tpu.vector_store_idx %arg13[%parallel_loop3A_236, %parallel_loop3A_424], %parallel_loop3A_431 : memref<640x16xf32, #tpu.memory_space<vmem>>[vector<16xi32>, vector<16xi32>], vector<16xf32>,
      } {sc.loop_unroll_factor = 2 : i64, sc.parallel_access}
      "tpu.region"() ({
        %run_scoped3A_231 = tpu.sem_alloc : memref<!tpu.dma_semaphore, #tpu.memory_space<semaphore_mem>>
        %dma_start3A_232 = arith.constant 0 : i32
        %dma_start3A_233 = arith.constant 0 : i32
        %dma_start3A_234 = tpu.memref_slice %arg13[%dma_start3A_232, %dma_start3A_233] : memref<640x16xf32, #tpu.memory_space<vmem>> -> memref<400x16xf32, #tpu.memory_space<vmem>>
        %dma_start3A_235 = arith.constant 0 : i32
        %dma_start3A_236 = tpu.memref_slice %arg19[%mul3A_2, %dma_start3A_235] : memref<10240x16xf32, #tpu.memory_space<vmem_shared>> -> memref<400x16xf32, #tpu.memory_space<vmem_shared>>
        %dma_start3A_237 = arith.constant 0 : i32
        %dma_start3A_238 = tpu.memref_slice %arg19[%mul3A_2, %dma_start3A_237] : memref<10240x16xf32, #tpu.memory_space<vmem_shared>> -> memref<400x16xf32, #tpu.memory_space<vmem_shared>>
        %dma_start3A_239 = arith.constant 0 : i32
        %dma_start3A_240 = arith.constant 0 : i32
        %dma_start3A_241 = tpu.memref_slice %arg13[%dma_start3A_239, %dma_start3A_240] : memref<640x16xf32, #tpu.memory_space<vmem>> -> memref<400x16xf32, #tpu.memory_space<vmem>>
        tpu.enqueue_dma source(%dma_start3A_241 : memref<400x16xf32, #tpu.memory_space<vmem>>) target(%dma_start3A_238 : memref<400x16xf32, #tpu.memory_space<vmem_shared>>) target_semaphore(%run_scoped3A_231 : memref<!tpu.dma_semaphore, #tpu.memory_space<semaphore_mem>>)
        %dma_wait3A_242 = arith.constant 0 : i32
        %dma_wait3A_243 = arith.constant 0 : i32
        %dma_wait3A_244 = tpu.memref_slice %arg13[%dma_wait3A_242, %dma_wait3A_243] : memref<640x16xf32, #tpu.memory_space<vmem>> -> memref<400x16xf32, #tpu.memory_space<vmem>>
        %dma_wait3A_245 = arith.constant 0 : i32
        %dma_wait3A_246 = tpu.memref_slice %arg19[%mul3A_2, %dma_wait3A_245] : memref<10240x16xf32, #tpu.memory_space<vmem_shared>> -> memref<400x16xf32, #tpu.memory_space<vmem_shared>>
        %dma_wait3A_247 = arith.constant 0 : i32
        %dma_wait3A_248 = tpu.memref_slice %arg19[%mul3A_2, %dma_wait3A_247] : memref<10240x16xf32, #tpu.memory_space<vmem_shared>> -> memref<400x16xf32, #tpu.memory_space<vmem_shared>>
        %dma_wait3A_249 = arith.constant 0 : i32
        %dma_wait3A_250 = arith.constant 0 : i32
        %dma_wait3A_251 = tpu.memref_slice %arg13[%dma_wait3A_249, %dma_wait3A_250] : memref<640x16xf32, #tpu.memory_space<vmem>> -> memref<400x16xf32, #tpu.memory_space<vmem>>
        tpu.wait_dma2 semaphore(%run_scoped3A_231 : memref<!tpu.dma_semaphore, #tpu.memory_space<semaphore_mem>>) src(%dma_wait3A_251 : memref<400x16xf32, #tpu.memory_space<vmem>>) dst(%dma_wait3A_248 : memref<400x16xf32, #tpu.memory_space<vmem_shared>>)
        tpu.yield
      }) : () -> ()
      %eq3A_226 = arith.constant 0 : i32
      %eq3A_227 = arith.cmpi eq, %arg0, %eq3A_226 : i32
      %convert_element_type3A_228 = arith.extui %eq3A_227 : i1 to i32
      %cond3A_229 = arith.constant 0 : i32
      %cond3A_230 = arith.cmpi ne, %convert_element_type3A_228, %cond3A_229 : i32
      scf.if %cond3A_230 {
        "tpu.region"() ({
          %run_scoped3A_232 = tpu.sem_alloc : memref<!tpu.dma_semaphore, #tpu.memory_space<semaphore_mem>>
          %dma_start3A_233 = arith.constant 0 : i32
          %dma_start3A_234 = arith.constant 0 : i32
          %dma_start3A_235 = tpu.memref_slice %arg13[%dma_start3A_233, %dma_start3A_234] : memref<640x16xf32, #tpu.memory_space<vmem>> -> memref<400x16xf32, #tpu.memory_space<vmem>>
          %dma_start3A_236 = arith.constant 0 : i32
          %dma_start3A_237 = tpu.memref_slice %arg7[%mul3A_2, %dma_start3A_236] : memref<10240x16xf32, #tpu.memory_space<hbm>> -> memref<400x16xf32, #tpu.memory_space<hbm>>
          %dma_start3A_238 = arith.constant 0 : i32
          %dma_start3A_239 = tpu.memref_slice %arg7[%mul3A_2, %dma_start3A_238] : memref<10240x16xf32, #tpu.memory_space<hbm>> -> memref<400x16xf32, #tpu.memory_space<hbm>>
          %dma_start3A_240 = arith.constant 0 : i32
          %dma_start3A_241 = arith.constant 0 : i32
          %dma_start3A_242 = tpu.memref_slice %arg13[%dma_start3A_240, %dma_start3A_241] : memref<640x16xf32, #tpu.memory_space<vmem>> -> memref<400x16xf32, #tpu.memory_space<vmem>>
          tpu.enqueue_dma source(%dma_start3A_242 : memref<400x16xf32, #tpu.memory_space<vmem>>) target(%dma_start3A_239 : memref<400x16xf32, #tpu.memory_space<hbm>>) target_semaphore(%run_scoped3A_232 : memref<!tpu.dma_semaphore, #tpu.memory_space<semaphore_mem>>)
          %dma_wait3A_243 = arith.constant 0 : i32
          %dma_wait3A_244 = arith.constant 0 : i32
          %dma_wait3A_245 = tpu.memref_slice %arg13[%dma_wait3A_243, %dma_wait3A_244] : memref<640x16xf32, #tpu.memory_space<vmem>> -> memref<400x16xf32, #tpu.memory_space<vmem>>
          %dma_wait3A_246 = arith.constant 0 : i32
          %dma_wait3A_247 = tpu.memref_slice %arg7[%mul3A_2, %dma_wait3A_246] : memref<10240x16xf32, #tpu.memory_space<hbm>> -> memref<400x16xf32, #tpu.memory_space<hbm>>
          %dma_wait3A_248 = arith.constant 0 : i32
          %dma_wait3A_249 = tpu.memref_slice %arg7[%mul3A_2, %dma_wait3A_248] : memref<10240x16xf32, #tpu.memory_space<hbm>> -> memref<400x16xf32, #tpu.memory_space<hbm>>
          %dma_wait3A_250 = arith.constant 0 : i32
          %dma_wait3A_251 = arith.constant 0 : i32
          %dma_wait3A_252 = tpu.memref_slice %arg13[%dma_wait3A_250, %dma_wait3A_251] : memref<640x16xf32, #tpu.memory_space<vmem>> -> memref<400x16xf32, #tpu.memory_space<vmem>>
          tpu.wait_dma2 semaphore(%run_scoped3A_232 : memref<!tpu.dma_semaphore, #tpu.memory_space<semaphore_mem>>) src(%dma_wait3A_252 : memref<400x16xf32, #tpu.memory_space<vmem>>) dst(%dma_wait3A_249 : memref<400x16xf32, #tpu.memory_space<hbm>>)
          tpu.yield
        }) : () -> ()
        %run_scoped3A_231 = arith.constant 0 : i32
        "tpu.region"() ({
          %run_scoped3A_232 = tpu.sem_alloc : memref<!tpu.dma_semaphore, #tpu.memory_space<semaphore_mem>>
          %dma_start3A_233 = tpu.memref_slice %arg8[%run_scoped3A_231, %mul3A_2] : memref<1x10240xf32, #tpu.memory_space<hbm>> -> memref<1x640xf32, #tpu.memory_space<hbm>>
          %dma_start3A_234 = tpu.memref_squeeze %dma_start3A_233 : memref<1x640xf32, #tpu.memory_space<hbm>> -> memref<640xf32, #tpu.memory_space<hbm>>
          %dma_start3A_235 = tpu.memref_slice %arg8[%run_scoped3A_231, %mul3A_2] : memref<1x10240xf32, #tpu.memory_space<hbm>> -> memref<1x640xf32, #tpu.memory_space<hbm>>
          %dma_start3A_236 = tpu.memref_squeeze %dma_start3A_235 : memref<1x640xf32, #tpu.memory_space<hbm>> -> memref<640xf32, #tpu.memory_space<hbm>>
          tpu.enqueue_dma source(%arg17 : memref<640xf32, #tpu.memory_space<vmem>>) target(%dma_start3A_236 : memref<640xf32, #tpu.memory_space<hbm>>) target_semaphore(%run_scoped3A_232 : memref<!tpu.dma_semaphore, #tpu.memory_space<semaphore_mem>>)
          %dma_wait3A_237 = tpu.memref_slice %arg8[%run_scoped3A_231, %mul3A_2] : memref<1x10240xf32, #tpu.memory_space<hbm>> -> memref<1x640xf32, #tpu.memory_space<hbm>>
          %dma_wait3A_238 = tpu.memref_squeeze %dma_wait3A_237 : memref<1x640xf32, #tpu.memory_space<hbm>> -> memref<640xf32, #tpu.memory_space<hbm>>
          %dma_wait3A_239 = tpu.memref_slice %arg8[%run_scoped3A_231, %mul3A_2] : memref<1x10240xf32, #tpu.memory_space<hbm>> -> memref<1x640xf32, #tpu.memory_space<hbm>>
          %dma_wait3A_240 = tpu.memref_squeeze %dma_wait3A_239 : memref<1x640xf32, #tpu.memory_space<hbm>> -> memref<640xf32, #tpu.memory_space<hbm>>
          tpu.wait_dma2 semaphore(%run_scoped3A_232 : memref<!tpu.dma_semaphore, #tpu.memory_space<semaphore_mem>>) src(%arg17 : memref<640xf32, #tpu.memory_space<vmem>>) dst(%dma_wait3A_240 : memref<640xf32, #tpu.memory_space<hbm>>)
          tpu.yield
        }) : () -> ()
      } else {
      }
    } else {
    }
    %lt3A = arith.constant 15 : i32
    %lt3A_96 = arith.cmpi slt, %arg1, %lt3A : i32
    %convert_element_type3A_97 = arith.extui %lt3A_96 : i1 to i32
    %cond3A_98 = arith.constant 0 : i32
    %cond3A_99 = arith.cmpi ne, %convert_element_type3A_97, %cond3A_98 : i32
    scf.if %cond3A_99 {
      "tpu.region"() ({
        %run_scoped3A_231 = tpu.sem_alloc : memref<!tpu.dma_semaphore, #tpu.memory_space<semaphore_mem>>
        %dma_start3A_232 = arith.constant 0 : i32
        %dma_start3A_233 = arith.constant 0 : i32
        %dma_start3A_234 = tpu.memref_slice %arg14[%dma_start3A_232, %dma_start3A_233] : memref<16x640xf32, #tpu.memory_space<vmem>> -> memref<16x640xf32, #tpu.memory_space<vmem>>
        %dma_start3A_235 = arith.constant 0 : i32
        %dma_start3A_236 = tpu.memref_slice %arg3[%dma_start3A_235, %mul3A_2] : memref<16x10000xf32, #tpu.memory_space<hbm>> -> memref<16x640xf32, #tpu.memory_space<hbm>>
        %dma_start3A_237 = arith.constant 0 : i32
        %dma_start3A_238 = arith.constant 0 : i32
        %dma_start3A_239 = tpu.memref_slice %arg14[%dma_start3A_237, %dma_start3A_238] : memref<16x640xf32, #tpu.memory_space<vmem>> -> memref<16x640xf32, #tpu.memory_space<vmem>>
        %dma_start3A_240 = arith.constant 0 : i32
        %dma_start3A_241 = tpu.memref_slice %arg3[%dma_start3A_240, %mul3A_2] : memref<16x10000xf32, #tpu.memory_space<hbm>> -> memref<16x640xf32, #tpu.memory_space<hbm>>
        tpu.enqueue_dma source(%dma_start3A_241 : memref<16x640xf32, #tpu.memory_space<hbm>>) target(%dma_start3A_239 : memref<16x640xf32, #tpu.memory_space<vmem>>) target_semaphore(%run_scoped3A_231 : memref<!tpu.dma_semaphore, #tpu.memory_space<semaphore_mem>>)
        %dma_wait3A_242 = arith.constant 0 : i32
        %dma_wait3A_243 = arith.constant 0 : i32
        %dma_wait3A_244 = tpu.memref_slice %arg14[%dma_wait3A_242, %dma_wait3A_243] : memref<16x640xf32, #tpu.memory_space<vmem>> -> memref<16x640xf32, #tpu.memory_space<vmem>>
        %dma_wait3A_245 = arith.constant 0 : i32
        %dma_wait3A_246 = tpu.memref_slice %arg3[%dma_wait3A_245, %mul3A_2] : memref<16x10000xf32, #tpu.memory_space<hbm>> -> memref<16x640xf32, #tpu.memory_space<hbm>>
        %dma_wait3A_247 = arith.constant 0 : i32
        %dma_wait3A_248 = arith.constant 0 : i32
        %dma_wait3A_249 = tpu.memref_slice %arg14[%dma_wait3A_247, %dma_wait3A_248] : memref<16x640xf32, #tpu.memory_space<vmem>> -> memref<16x640xf32, #tpu.memory_space<vmem>>
        %dma_wait3A_250 = arith.constant 0 : i32
        %dma_wait3A_251 = tpu.memref_slice %arg3[%dma_wait3A_250, %mul3A_2] : memref<16x10000xf32, #tpu.memory_space<hbm>> -> memref<16x640xf32, #tpu.memory_space<hbm>>
        tpu.wait_dma2 semaphore(%run_scoped3A_231 : memref<!tpu.dma_semaphore, #tpu.memory_space<semaphore_mem>>) src(%dma_wait3A_251 : memref<16x640xf32, #tpu.memory_space<hbm>>) dst(%dma_wait3A_249 : memref<16x640xf32, #tpu.memory_space<vmem>>)
        tpu.yield
      }) : () -> ()
      %parallel_loop3A = arith.constant 0 : i32
      %parallel_loop3A_224 = arith.constant 40 : i32
      %parallel_loop3A_225 = arith.constant 1 : i32
      scf.for %parallel_loop3A_231 = %parallel_loop3A to %parallel_loop3A_224 step %parallel_loop3A_225  : i32 {
        %parallel_loop3A_232 = tpu.iota {dimensions = array<i32: 0>} : vector<16xi32>
        %parallel_loop3A_233 = arith.constant 16 : i32
        %parallel_loop3A_234 = arith.muli %parallel_loop3A_231, %parallel_loop3A_233 : i32
        %parallel_loop3A_235 = vector.broadcast %parallel_loop3A_234 : i32 to vector<16xi32>
        %parallel_loop3A_236 = arith.addi %parallel_loop3A_232, %parallel_loop3A_235 : vector<16xi32>
        %parallel_loop3A_237 = arith.constant 16 : i32
        %parallel_loop3A_238 = arith.muli %parallel_loop3A_231, %parallel_loop3A_237 : i32
        %parallel_loop3A_239 = arith.index_cast %parallel_loop3A_238 : i32 to index
        %parallel_loop3A_240 = tpu.vector_load %arg15[%parallel_loop3A_239] {strides = array<i32>} : memref<640xf32, #tpu.memory_space<vmem>>, vector<16xf32>,
        %parallel_loop3A_241 = arith.constant 16 : i32
        %parallel_loop3A_242 = arith.muli %parallel_loop3A_231, %parallel_loop3A_241 : i32
        %parallel_loop3A_243 = arith.index_cast %parallel_loop3A_242 : i32 to index
        %parallel_loop3A_244 = tpu.vector_load %arg16[%parallel_loop3A_243] {strides = array<i32>} : memref<640xf32, #tpu.memory_space<vmem>>, vector<16xf32>,
        %parallel_loop3A_245 = arith.addf %parallel_loop3A_240, %parallel_loop3A_244 : vector<16xf32>
        %parallel_loop3A_246 = arith.constant 1.000000e+00 : f32
        %parallel_loop3A_247 = vector.broadcast %parallel_loop3A_246 : f32 to vector<16xf32>
        %parallel_loop3A_248 = arith.addf %parallel_loop3A_245, %parallel_loop3A_247 : vector<16xf32>
        %parallel_loop3A_249 = vector.bitcast %parallel_loop3A_248 : vector<16xf32> to vector<16xi32>
        %parallel_loop3A_250 = arith.constant 1 : i32
        %parallel_loop3A_251 = vector.broadcast %parallel_loop3A_250 : i32 to vector<16xi32>
        %parallel_loop3A_252 = arith.shrsi %parallel_loop3A_249, %parallel_loop3A_251 : vector<16xi32>
        %parallel_loop3A_253 = arith.constant 1597463007 : i32
        %parallel_loop3A_254 = vector.broadcast %parallel_loop3A_253 : i32 to vector<16xi32>
        %parallel_loop3A_255 = arith.subi %parallel_loop3A_254, %parallel_loop3A_252 : vector<16xi32>
        %parallel_loop3A_256 = vector.bitcast %parallel_loop3A_255 : vector<16xi32> to vector<16xf32>
        %parallel_loop3A_257 = arith.constant 5.000000e-01 : f32
        %parallel_loop3A_258 = vector.broadcast %parallel_loop3A_257 : f32 to vector<16xf32>
        %parallel_loop3A_259 = arith.mulf %parallel_loop3A_258, %parallel_loop3A_248 : vector<16xf32>
        %parallel_loop3A_260 = arith.mulf %parallel_loop3A_259, %parallel_loop3A_256 : vector<16xf32>
        %parallel_loop3A_261 = arith.mulf %parallel_loop3A_260, %parallel_loop3A_256 : vector<16xf32>
        %parallel_loop3A_262 = arith.constant 1.500000e+00 : f32
        %parallel_loop3A_263 = vector.broadcast %parallel_loop3A_262 : f32 to vector<16xf32>
        %parallel_loop3A_264 = arith.subf %parallel_loop3A_263, %parallel_loop3A_261 : vector<16xf32>
        %parallel_loop3A_265 = arith.mulf %parallel_loop3A_256, %parallel_loop3A_264 : vector<16xf32>
        %parallel_loop3A_266 = arith.constant 5.000000e-01 : f32
        %parallel_loop3A_267 = vector.broadcast %parallel_loop3A_266 : f32 to vector<16xf32>
        %parallel_loop3A_268 = arith.mulf %parallel_loop3A_267, %parallel_loop3A_248 : vector<16xf32>
        %parallel_loop3A_269 = arith.mulf %parallel_loop3A_268, %parallel_loop3A_265 : vector<16xf32>
        %parallel_loop3A_270 = arith.mulf %parallel_loop3A_269, %parallel_loop3A_265 : vector<16xf32>
        %parallel_loop3A_271 = arith.constant 1.500000e+00 : f32
        %parallel_loop3A_272 = vector.broadcast %parallel_loop3A_271 : f32 to vector<16xf32>
        %parallel_loop3A_273 = arith.subf %parallel_loop3A_272, %parallel_loop3A_270 : vector<16xf32>
        %parallel_loop3A_274 = arith.mulf %parallel_loop3A_265, %parallel_loop3A_273 : vector<16xf32>
        %parallel_loop3A_275 = arith.constant 5.000000e-01 : f32
        %parallel_loop3A_276 = vector.broadcast %parallel_loop3A_275 : f32 to vector<16xf32>
        %parallel_loop3A_277 = arith.mulf %parallel_loop3A_276, %parallel_loop3A_248 : vector<16xf32>
        %parallel_loop3A_278 = arith.mulf %parallel_loop3A_277, %parallel_loop3A_274 : vector<16xf32>
        %parallel_loop3A_279 = arith.mulf %parallel_loop3A_278, %parallel_loop3A_274 : vector<16xf32>
        %parallel_loop3A_280 = arith.constant 1.500000e+00 : f32
        %parallel_loop3A_281 = vector.broadcast %parallel_loop3A_280 : f32 to vector<16xf32>
        %parallel_loop3A_282 = arith.subf %parallel_loop3A_281, %parallel_loop3A_279 : vector<16xf32>
        %parallel_loop3A_283 = arith.mulf %parallel_loop3A_274, %parallel_loop3A_282 : vector<16xf32>
        %parallel_loop3A_284 = arith.constant 16 : i32
        %parallel_loop3A_285 = arith.muli %parallel_loop3A_231, %parallel_loop3A_284 : i32
        %parallel_loop3A_286 = arith.index_cast %parallel_loop3A_285 : i32 to index
        %parallel_loop3A_287 = tpu.vector_load %arg17[%parallel_loop3A_286] {strides = array<i32>} : memref<640xf32, #tpu.memory_space<vmem>>, vector<16xf32>,
        tpu.vector_store %arg17[%parallel_loop3A_286], %parallel_loop3A_283 {strides = array<i32>} : memref<640xf32, #tpu.memory_space<vmem>>, vector<16xf32>,
        %parallel_loop3A_288 = arith.constant 0 : i32
        %parallel_loop3A_289 = vector.broadcast %parallel_loop3A_288 : i32 to vector<16xi32>
        %parallel_loop3A_290 = arith.constant 16 : i32
        %parallel_loop3A_291 = arith.muli %parallel_loop3A_231, %parallel_loop3A_290 : i32
        %parallel_loop3A_292 = arith.constant 0 : i32
        %parallel_loop3A_293 = arith.index_cast %parallel_loop3A_292 : i32 to index
        %parallel_loop3A_294 = arith.index_cast %parallel_loop3A_291 : i32 to index
        %parallel_loop3A_295 = tpu.vector_load %arg14[%parallel_loop3A_293, %parallel_loop3A_294] {strides = array<i32>} : memref<16x640xf32, #tpu.memory_space<vmem>>, vector<16xf32>,
        %parallel_loop3A_296 = arith.mulf %parallel_loop3A_295, %parallel_loop3A_283 : vector<16xf32>
        tpu.vector_store_idx %arg13[%parallel_loop3A_236, %parallel_loop3A_289], %parallel_loop3A_296 : memref<640x16xf32, #tpu.memory_space<vmem>>[vector<16xi32>, vector<16xi32>], vector<16xf32>,
        %parallel_loop3A_297 = arith.constant 1 : i32
        %parallel_loop3A_298 = vector.broadcast %parallel_loop3A_297 : i32 to vector<16xi32>
        %parallel_loop3A_299 = arith.constant 16 : i32
        %parallel_loop3A_300 = arith.muli %parallel_loop3A_231, %parallel_loop3A_299 : i32
        %parallel_loop3A_301 = arith.constant 1 : i32
        %parallel_loop3A_302 = arith.index_cast %parallel_loop3A_301 : i32 to index
        %parallel_loop3A_303 = arith.index_cast %parallel_loop3A_300 : i32 to index
        %parallel_loop3A_304 = tpu.vector_load %arg14[%parallel_loop3A_302, %parallel_loop3A_303] {strides = array<i32>} : memref<16x640xf32, #tpu.memory_space<vmem>>, vector<16xf32>,
        %parallel_loop3A_305 = arith.mulf %parallel_loop3A_304, %parallel_loop3A_283 : vector<16xf32>
        tpu.vector_store_idx %arg13[%parallel_loop3A_236, %parallel_loop3A_298], %parallel_loop3A_305 : memref<640x16xf32, #tpu.memory_space<vmem>>[vector<16xi32>, vector<16xi32>], vector<16xf32>,
        %parallel_loop3A_306 = arith.constant 2 : i32
        %parallel_loop3A_307 = vector.broadcast %parallel_loop3A_306 : i32 to vector<16xi32>
        %parallel_loop3A_308 = arith.constant 16 : i32
        %parallel_loop3A_309 = arith.muli %parallel_loop3A_231, %parallel_loop3A_308 : i32
        %parallel_loop3A_310 = arith.constant 2 : i32
        %parallel_loop3A_311 = arith.index_cast %parallel_loop3A_310 : i32 to index
        %parallel_loop3A_312 = arith.index_cast %parallel_loop3A_309 : i32 to index
        %parallel_loop3A_313 = tpu.vector_load %arg14[%parallel_loop3A_311, %parallel_loop3A_312] {strides = array<i32>} : memref<16x640xf32, #tpu.memory_space<vmem>>, vector<16xf32>,
        %parallel_loop3A_314 = arith.mulf %parallel_loop3A_313, %parallel_loop3A_283 : vector<16xf32>
        tpu.vector_store_idx %arg13[%parallel_loop3A_236, %parallel_loop3A_307], %parallel_loop3A_314 : memref<640x16xf32, #tpu.memory_space<vmem>>[vector<16xi32>, vector<16xi32>], vector<16xf32>,
        %parallel_loop3A_315 = arith.constant 3 : i32
        %parallel_loop3A_316 = vector.broadcast %parallel_loop3A_315 : i32 to vector<16xi32>
        %parallel_loop3A_317 = arith.constant 16 : i32
        %parallel_loop3A_318 = arith.muli %parallel_loop3A_231, %parallel_loop3A_317 : i32
        %parallel_loop3A_319 = arith.constant 3 : i32
        %parallel_loop3A_320 = arith.index_cast %parallel_loop3A_319 : i32 to index
        %parallel_loop3A_321 = arith.index_cast %parallel_loop3A_318 : i32 to index
        %parallel_loop3A_322 = tpu.vector_load %arg14[%parallel_loop3A_320, %parallel_loop3A_321] {strides = array<i32>} : memref<16x640xf32, #tpu.memory_space<vmem>>, vector<16xf32>,
        %parallel_loop3A_323 = arith.mulf %parallel_loop3A_322, %parallel_loop3A_283 : vector<16xf32>
        tpu.vector_store_idx %arg13[%parallel_loop3A_236, %parallel_loop3A_316], %parallel_loop3A_323 : memref<640x16xf32, #tpu.memory_space<vmem>>[vector<16xi32>, vector<16xi32>], vector<16xf32>,
        %parallel_loop3A_324 = arith.constant 4 : i32
        %parallel_loop3A_325 = vector.broadcast %parallel_loop3A_324 : i32 to vector<16xi32>
        %parallel_loop3A_326 = arith.constant 16 : i32
        %parallel_loop3A_327 = arith.muli %parallel_loop3A_231, %parallel_loop3A_326 : i32
        %parallel_loop3A_328 = arith.constant 4 : i32
        %parallel_loop3A_329 = arith.index_cast %parallel_loop3A_328 : i32 to index
        %parallel_loop3A_330 = arith.index_cast %parallel_loop3A_327 : i32 to index
        %parallel_loop3A_331 = tpu.vector_load %arg14[%parallel_loop3A_329, %parallel_loop3A_330] {strides = array<i32>} : memref<16x640xf32, #tpu.memory_space<vmem>>, vector<16xf32>,
        %parallel_loop3A_332 = arith.mulf %parallel_loop3A_331, %parallel_loop3A_283 : vector<16xf32>
        tpu.vector_store_idx %arg13[%parallel_loop3A_236, %parallel_loop3A_325], %parallel_loop3A_332 : memref<640x16xf32, #tpu.memory_space<vmem>>[vector<16xi32>, vector<16xi32>], vector<16xf32>,
        %parallel_loop3A_333 = arith.constant 5 : i32
        %parallel_loop3A_334 = vector.broadcast %parallel_loop3A_333 : i32 to vector<16xi32>
        %parallel_loop3A_335 = arith.constant 16 : i32
        %parallel_loop3A_336 = arith.muli %parallel_loop3A_231, %parallel_loop3A_335 : i32
        %parallel_loop3A_337 = arith.constant 5 : i32
        %parallel_loop3A_338 = arith.index_cast %parallel_loop3A_337 : i32 to index
        %parallel_loop3A_339 = arith.index_cast %parallel_loop3A_336 : i32 to index
        %parallel_loop3A_340 = tpu.vector_load %arg14[%parallel_loop3A_338, %parallel_loop3A_339] {strides = array<i32>} : memref<16x640xf32, #tpu.memory_space<vmem>>, vector<16xf32>,
        %parallel_loop3A_341 = arith.mulf %parallel_loop3A_340, %parallel_loop3A_283 : vector<16xf32>
        tpu.vector_store_idx %arg13[%parallel_loop3A_236, %parallel_loop3A_334], %parallel_loop3A_341 : memref<640x16xf32, #tpu.memory_space<vmem>>[vector<16xi32>, vector<16xi32>], vector<16xf32>,
        %parallel_loop3A_342 = arith.constant 6 : i32
        %parallel_loop3A_343 = vector.broadcast %parallel_loop3A_342 : i32 to vector<16xi32>
        %parallel_loop3A_344 = arith.constant 16 : i32
        %parallel_loop3A_345 = arith.muli %parallel_loop3A_231, %parallel_loop3A_344 : i32
        %parallel_loop3A_346 = arith.constant 6 : i32
        %parallel_loop3A_347 = arith.index_cast %parallel_loop3A_346 : i32 to index
        %parallel_loop3A_348 = arith.index_cast %parallel_loop3A_345 : i32 to index
        %parallel_loop3A_349 = tpu.vector_load %arg14[%parallel_loop3A_347, %parallel_loop3A_348] {strides = array<i32>} : memref<16x640xf32, #tpu.memory_space<vmem>>, vector<16xf32>,
        %parallel_loop3A_350 = arith.mulf %parallel_loop3A_349, %parallel_loop3A_283 : vector<16xf32>
        tpu.vector_store_idx %arg13[%parallel_loop3A_236, %parallel_loop3A_343], %parallel_loop3A_350 : memref<640x16xf32, #tpu.memory_space<vmem>>[vector<16xi32>, vector<16xi32>], vector<16xf32>,
        %parallel_loop3A_351 = arith.constant 7 : i32
        %parallel_loop3A_352 = vector.broadcast %parallel_loop3A_351 : i32 to vector<16xi32>
        %parallel_loop3A_353 = arith.constant 16 : i32
        %parallel_loop3A_354 = arith.muli %parallel_loop3A_231, %parallel_loop3A_353 : i32
        %parallel_loop3A_355 = arith.constant 7 : i32
        %parallel_loop3A_356 = arith.index_cast %parallel_loop3A_355 : i32 to index
        %parallel_loop3A_357 = arith.index_cast %parallel_loop3A_354 : i32 to index
        %parallel_loop3A_358 = tpu.vector_load %arg14[%parallel_loop3A_356, %parallel_loop3A_357] {strides = array<i32>} : memref<16x640xf32, #tpu.memory_space<vmem>>, vector<16xf32>,
        %parallel_loop3A_359 = arith.mulf %parallel_loop3A_358, %parallel_loop3A_283 : vector<16xf32>
        tpu.vector_store_idx %arg13[%parallel_loop3A_236, %parallel_loop3A_352], %parallel_loop3A_359 : memref<640x16xf32, #tpu.memory_space<vmem>>[vector<16xi32>, vector<16xi32>], vector<16xf32>,
        %parallel_loop3A_360 = arith.constant 8 : i32
        %parallel_loop3A_361 = vector.broadcast %parallel_loop3A_360 : i32 to vector<16xi32>
        %parallel_loop3A_362 = arith.constant 16 : i32
        %parallel_loop3A_363 = arith.muli %parallel_loop3A_231, %parallel_loop3A_362 : i32
        %parallel_loop3A_364 = arith.constant 8 : i32
        %parallel_loop3A_365 = arith.index_cast %parallel_loop3A_364 : i32 to index
        %parallel_loop3A_366 = arith.index_cast %parallel_loop3A_363 : i32 to index
        %parallel_loop3A_367 = tpu.vector_load %arg14[%parallel_loop3A_365, %parallel_loop3A_366] {strides = array<i32>} : memref<16x640xf32, #tpu.memory_space<vmem>>, vector<16xf32>,
        %parallel_loop3A_368 = arith.mulf %parallel_loop3A_367, %parallel_loop3A_283 : vector<16xf32>
        tpu.vector_store_idx %arg13[%parallel_loop3A_236, %parallel_loop3A_361], %parallel_loop3A_368 : memref<640x16xf32, #tpu.memory_space<vmem>>[vector<16xi32>, vector<16xi32>], vector<16xf32>,
        %parallel_loop3A_369 = arith.constant 9 : i32
        %parallel_loop3A_370 = vector.broadcast %parallel_loop3A_369 : i32 to vector<16xi32>
        %parallel_loop3A_371 = arith.constant 16 : i32
        %parallel_loop3A_372 = arith.muli %parallel_loop3A_231, %parallel_loop3A_371 : i32
        %parallel_loop3A_373 = arith.constant 9 : i32
        %parallel_loop3A_374 = arith.index_cast %parallel_loop3A_373 : i32 to index
        %parallel_loop3A_375 = arith.index_cast %parallel_loop3A_372 : i32 to index
        %parallel_loop3A_376 = tpu.vector_load %arg14[%parallel_loop3A_374, %parallel_loop3A_375] {strides = array<i32>} : memref<16x640xf32, #tpu.memory_space<vmem>>, vector<16xf32>,
        %parallel_loop3A_377 = arith.mulf %parallel_loop3A_376, %parallel_loop3A_283 : vector<16xf32>
        tpu.vector_store_idx %arg13[%parallel_loop3A_236, %parallel_loop3A_370], %parallel_loop3A_377 : memref<640x16xf32, #tpu.memory_space<vmem>>[vector<16xi32>, vector<16xi32>], vector<16xf32>,
        %parallel_loop3A_378 = arith.constant 10 : i32
        %parallel_loop3A_379 = vector.broadcast %parallel_loop3A_378 : i32 to vector<16xi32>
        %parallel_loop3A_380 = arith.constant 16 : i32
        %parallel_loop3A_381 = arith.muli %parallel_loop3A_231, %parallel_loop3A_380 : i32
        %parallel_loop3A_382 = arith.constant 10 : i32
        %parallel_loop3A_383 = arith.index_cast %parallel_loop3A_382 : i32 to index
        %parallel_loop3A_384 = arith.index_cast %parallel_loop3A_381 : i32 to index
        %parallel_loop3A_385 = tpu.vector_load %arg14[%parallel_loop3A_383, %parallel_loop3A_384] {strides = array<i32>} : memref<16x640xf32, #tpu.memory_space<vmem>>, vector<16xf32>,
        %parallel_loop3A_386 = arith.mulf %parallel_loop3A_385, %parallel_loop3A_283 : vector<16xf32>
        tpu.vector_store_idx %arg13[%parallel_loop3A_236, %parallel_loop3A_379], %parallel_loop3A_386 : memref<640x16xf32, #tpu.memory_space<vmem>>[vector<16xi32>, vector<16xi32>], vector<16xf32>,
        %parallel_loop3A_387 = arith.constant 11 : i32
        %parallel_loop3A_388 = vector.broadcast %parallel_loop3A_387 : i32 to vector<16xi32>
        %parallel_loop3A_389 = arith.constant 16 : i32
        %parallel_loop3A_390 = arith.muli %parallel_loop3A_231, %parallel_loop3A_389 : i32
        %parallel_loop3A_391 = arith.constant 11 : i32
        %parallel_loop3A_392 = arith.index_cast %parallel_loop3A_391 : i32 to index
        %parallel_loop3A_393 = arith.index_cast %parallel_loop3A_390 : i32 to index
        %parallel_loop3A_394 = tpu.vector_load %arg14[%parallel_loop3A_392, %parallel_loop3A_393] {strides = array<i32>} : memref<16x640xf32, #tpu.memory_space<vmem>>, vector<16xf32>,
        %parallel_loop3A_395 = arith.mulf %parallel_loop3A_394, %parallel_loop3A_283 : vector<16xf32>
        tpu.vector_store_idx %arg13[%parallel_loop3A_236, %parallel_loop3A_388], %parallel_loop3A_395 : memref<640x16xf32, #tpu.memory_space<vmem>>[vector<16xi32>, vector<16xi32>], vector<16xf32>,
        %parallel_loop3A_396 = arith.constant 12 : i32
        %parallel_loop3A_397 = vector.broadcast %parallel_loop3A_396 : i32 to vector<16xi32>
        %parallel_loop3A_398 = arith.constant 16 : i32
        %parallel_loop3A_399 = arith.muli %parallel_loop3A_231, %parallel_loop3A_398 : i32
        %parallel_loop3A_400 = arith.constant 12 : i32
        %parallel_loop3A_401 = arith.index_cast %parallel_loop3A_400 : i32 to index
        %parallel_loop3A_402 = arith.index_cast %parallel_loop3A_399 : i32 to index
        %parallel_loop3A_403 = tpu.vector_load %arg14[%parallel_loop3A_401, %parallel_loop3A_402] {strides = array<i32>} : memref<16x640xf32, #tpu.memory_space<vmem>>, vector<16xf32>,
        %parallel_loop3A_404 = arith.mulf %parallel_loop3A_403, %parallel_loop3A_283 : vector<16xf32>
        tpu.vector_store_idx %arg13[%parallel_loop3A_236, %parallel_loop3A_397], %parallel_loop3A_404 : memref<640x16xf32, #tpu.memory_space<vmem>>[vector<16xi32>, vector<16xi32>], vector<16xf32>,
        %parallel_loop3A_405 = arith.constant 13 : i32
        %parallel_loop3A_406 = vector.broadcast %parallel_loop3A_405 : i32 to vector<16xi32>
        %parallel_loop3A_407 = arith.constant 16 : i32
        %parallel_loop3A_408 = arith.muli %parallel_loop3A_231, %parallel_loop3A_407 : i32
        %parallel_loop3A_409 = arith.constant 13 : i32
        %parallel_loop3A_410 = arith.index_cast %parallel_loop3A_409 : i32 to index
        %parallel_loop3A_411 = arith.index_cast %parallel_loop3A_408 : i32 to index
        %parallel_loop3A_412 = tpu.vector_load %arg14[%parallel_loop3A_410, %parallel_loop3A_411] {strides = array<i32>} : memref<16x640xf32, #tpu.memory_space<vmem>>, vector<16xf32>,
        %parallel_loop3A_413 = arith.mulf %parallel_loop3A_412, %parallel_loop3A_283 : vector<16xf32>
        tpu.vector_store_idx %arg13[%parallel_loop3A_236, %parallel_loop3A_406], %parallel_loop3A_413 : memref<640x16xf32, #tpu.memory_space<vmem>>[vector<16xi32>, vector<16xi32>], vector<16xf32>,
        %parallel_loop3A_414 = arith.constant 14 : i32
        %parallel_loop3A_415 = vector.broadcast %parallel_loop3A_414 : i32 to vector<16xi32>
        %parallel_loop3A_416 = arith.constant 16 : i32
        %parallel_loop3A_417 = arith.muli %parallel_loop3A_231, %parallel_loop3A_416 : i32
        %parallel_loop3A_418 = arith.constant 14 : i32
        %parallel_loop3A_419 = arith.index_cast %parallel_loop3A_418 : i32 to index
        %parallel_loop3A_420 = arith.index_cast %parallel_loop3A_417 : i32 to index
        %parallel_loop3A_421 = tpu.vector_load %arg14[%parallel_loop3A_419, %parallel_loop3A_420] {strides = array<i32>} : memref<16x640xf32, #tpu.memory_space<vmem>>, vector<16xf32>,
        %parallel_loop3A_422 = arith.mulf %parallel_loop3A_421, %parallel_loop3A_283 : vector<16xf32>
        tpu.vector_store_idx %arg13[%parallel_loop3A_236, %parallel_loop3A_415], %parallel_loop3A_422 : memref<640x16xf32, #tpu.memory_space<vmem>>[vector<16xi32>, vector<16xi32>], vector<16xf32>,
        %parallel_loop3A_423 = arith.constant 15 : i32
        %parallel_loop3A_424 = vector.broadcast %parallel_loop3A_423 : i32 to vector<16xi32>
        %parallel_loop3A_425 = arith.constant 16 : i32
        %parallel_loop3A_426 = arith.muli %parallel_loop3A_231, %parallel_loop3A_425 : i32
        %parallel_loop3A_427 = arith.constant 15 : i32
        %parallel_loop3A_428 = arith.index_cast %parallel_loop3A_427 : i32 to index
        %parallel_loop3A_429 = arith.index_cast %parallel_loop3A_426 : i32 to index
        %parallel_loop3A_430 = tpu.vector_load %arg14[%parallel_loop3A_428, %parallel_loop3A_429] {strides = array<i32>} : memref<16x640xf32, #tpu.memory_space<vmem>>, vector<16xf32>,
        %parallel_loop3A_431 = arith.mulf %parallel_loop3A_430, %parallel_loop3A_283 : vector<16xf32>
        tpu.vector_store_idx %arg13[%parallel_loop3A_236, %parallel_loop3A_424], %parallel_loop3A_431 : memref<640x16xf32, #tpu.memory_space<vmem>>[vector<16xi32>, vector<16xi32>], vector<16xf32>,
      } {sc.loop_unroll_factor = 2 : i64, sc.parallel_access}
      "tpu.region"() ({
        %run_scoped3A_231 = tpu.sem_alloc : memref<!tpu.dma_semaphore, #tpu.memory_space<semaphore_mem>>
        %dma_start3A_232 = arith.constant 0 : i32
        %dma_start3A_233 = arith.constant 0 : i32
        %dma_start3A_234 = tpu.memref_slice %arg13[%dma_start3A_232, %dma_start3A_233] : memref<640x16xf32, #tpu.memory_space<vmem>> -> memref<640x16xf32, #tpu.memory_space<vmem>>
        %dma_start3A_235 = arith.constant 0 : i32
        %dma_start3A_236 = tpu.memref_slice %arg19[%mul3A_2, %dma_start3A_235] : memref<10240x16xf32, #tpu.memory_space<vmem_shared>> -> memref<640x16xf32, #tpu.memory_space<vmem_shared>>
        %dma_start3A_237 = arith.constant 0 : i32
        %dma_start3A_238 = tpu.memref_slice %arg19[%mul3A_2, %dma_start3A_237] : memref<10240x16xf32, #tpu.memory_space<vmem_shared>> -> memref<640x16xf32, #tpu.memory_space<vmem_shared>>
        %dma_start3A_239 = arith.constant 0 : i32
        %dma_start3A_240 = arith.constant 0 : i32
        %dma_start3A_241 = tpu.memref_slice %arg13[%dma_start3A_239, %dma_start3A_240] : memref<640x16xf32, #tpu.memory_space<vmem>> -> memref<640x16xf32, #tpu.memory_space<vmem>>
        tpu.enqueue_dma source(%dma_start3A_241 : memref<640x16xf32, #tpu.memory_space<vmem>>) target(%dma_start3A_238 : memref<640x16xf32, #tpu.memory_space<vmem_shared>>) target_semaphore(%run_scoped3A_231 : memref<!tpu.dma_semaphore, #tpu.memory_space<semaphore_mem>>)
        %dma_wait3A_242 = arith.constant 0 : i32
        %dma_wait3A_243 = arith.constant 0 : i32
        %dma_wait3A_244 = tpu.memref_slice %arg13[%dma_wait3A_242, %dma_wait3A_243] : memref<640x16xf32, #tpu.memory_space<vmem>> -> memref<640x16xf32, #tpu.memory_space<vmem>>
        %dma_wait3A_245 = arith.constant 0 : i32
        %dma_wait3A_246 = tpu.memref_slice %arg19[%mul3A_2, %dma_wait3A_245] : memref<10240x16xf32, #tpu.memory_space<vmem_shared>> -> memref<640x16xf32, #tpu.memory_space<vmem_shared>>
        %dma_wait3A_247 = arith.constant 0 : i32
        %dma_wait3A_248 = tpu.memref_slice %arg19[%mul3A_2, %dma_wait3A_247] : memref<10240x16xf32, #tpu.memory_space<vmem_shared>> -> memref<640x16xf32, #tpu.memory_space<vmem_shared>>
        %dma_wait3A_249 = arith.constant 0 : i32
        %dma_wait3A_250 = arith.constant 0 : i32
        %dma_wait3A_251 = tpu.memref_slice %arg13[%dma_wait3A_249, %dma_wait3A_250] : memref<640x16xf32, #tpu.memory_space<vmem>> -> memref<640x16xf32, #tpu.memory_space<vmem>>
        tpu.wait_dma2 semaphore(%run_scoped3A_231 : memref<!tpu.dma_semaphore, #tpu.memory_space<semaphore_mem>>) src(%dma_wait3A_251 : memref<640x16xf32, #tpu.memory_space<vmem>>) dst(%dma_wait3A_248 : memref<640x16xf32, #tpu.memory_space<vmem_shared>>)
        tpu.yield
      }) : () -> ()
      %eq3A_226 = arith.constant 0 : i32
      %eq3A_227 = arith.cmpi eq, %arg0, %eq3A_226 : i32
      %convert_element_type3A_228 = arith.extui %eq3A_227 : i1 to i32
      %cond3A_229 = arith.constant 0 : i32
      %cond3A_230 = arith.cmpi ne, %convert_element_type3A_228, %cond3A_229 : i32
      scf.if %cond3A_230 {
        "tpu.region"() ({
          %run_scoped3A_232 = tpu.sem_alloc : memref<!tpu.dma_semaphore, #tpu.memory_space<semaphore_mem>>
          %dma_start3A_233 = arith.constant 0 : i32
          %dma_start3A_234 = arith.constant 0 : i32
          %dma_start3A_235 = tpu.memref_slice %arg13[%dma_start3A_233, %dma_start3A_234] : memref<640x16xf32, #tpu.memory_space<vmem>> -> memref<640x16xf32, #tpu.memory_space<vmem>>
          %dma_start3A_236 = arith.constant 0 : i32
          %dma_start3A_237 = tpu.memref_slice %arg7[%mul3A_2, %dma_start3A_236] : memref<10240x16xf32, #tpu.memory_space<hbm>> -> memref<640x16xf32, #tpu.memory_space<hbm>>
          %dma_start3A_238 = arith.constant 0 : i32
          %dma_start3A_239 = tpu.memref_slice %arg7[%mul3A_2, %dma_start3A_238] : memref<10240x16xf32, #tpu.memory_space<hbm>> -> memref<640x16xf32, #tpu.memory_space<hbm>>
          %dma_start3A_240 = arith.constant 0 : i32
          %dma_start3A_241 = arith.constant 0 : i32
          %dma_start3A_242 = tpu.memref_slice %arg13[%dma_start3A_240, %dma_start3A_241] : memref<640x16xf32, #tpu.memory_space<vmem>> -> memref<640x16xf32, #tpu.memory_space<vmem>>
          tpu.enqueue_dma source(%dma_start3A_242 : memref<640x16xf32, #tpu.memory_space<vmem>>) target(%dma_start3A_239 : memref<640x16xf32, #tpu.memory_space<hbm>>) target_semaphore(%run_scoped3A_232 : memref<!tpu.dma_semaphore, #tpu.memory_space<semaphore_mem>>)
          %dma_wait3A_243 = arith.constant 0 : i32
          %dma_wait3A_244 = arith.constant 0 : i32
          %dma_wait3A_245 = tpu.memref_slice %arg13[%dma_wait3A_243, %dma_wait3A_244] : memref<640x16xf32, #tpu.memory_space<vmem>> -> memref<640x16xf32, #tpu.memory_space<vmem>>
          %dma_wait3A_246 = arith.constant 0 : i32
          %dma_wait3A_247 = tpu.memref_slice %arg7[%mul3A_2, %dma_wait3A_246] : memref<10240x16xf32, #tpu.memory_space<hbm>> -> memref<640x16xf32, #tpu.memory_space<hbm>>
          %dma_wait3A_248 = arith.constant 0 : i32
          %dma_wait3A_249 = tpu.memref_slice %arg7[%mul3A_2, %dma_wait3A_248] : memref<10240x16xf32, #tpu.memory_space<hbm>> -> memref<640x16xf32, #tpu.memory_space<hbm>>
          %dma_wait3A_250 = arith.constant 0 : i32
          %dma_wait3A_251 = arith.constant 0 : i32
          %dma_wait3A_252 = tpu.memref_slice %arg13[%dma_wait3A_250, %dma_wait3A_251] : memref<640x16xf32, #tpu.memory_space<vmem>> -> memref<640x16xf32, #tpu.memory_space<vmem>>
          tpu.wait_dma2 semaphore(%run_scoped3A_232 : memref<!tpu.dma_semaphore, #tpu.memory_space<semaphore_mem>>) src(%dma_wait3A_252 : memref<640x16xf32, #tpu.memory_space<vmem>>) dst(%dma_wait3A_249 : memref<640x16xf32, #tpu.memory_space<hbm>>)
          tpu.yield
        }) : () -> ()
        %run_scoped3A_231 = arith.constant 0 : i32
        "tpu.region"() ({
          %run_scoped3A_232 = tpu.sem_alloc : memref<!tpu.dma_semaphore, #tpu.memory_space<semaphore_mem>>
          %dma_start3A_233 = tpu.memref_slice %arg8[%run_scoped3A_231, %mul3A_2] : memref<1x10240xf32, #tpu.memory_space<hbm>> -> memref<1x640xf32, #tpu.memory_space<hbm>>
          %dma_start3A_234 = tpu.memref_squeeze %dma_start3A_233 : memref<1x640xf32, #tpu.memory_space<hbm>> -> memref<640xf32, #tpu.memory_space<hbm>>
          %dma_start3A_235 = tpu.memref_slice %arg8[%run_scoped3A_231, %mul3A_2] : memref<1x10240xf32, #tpu.memory_space<hbm>> -> memref<1x640xf32, #tpu.memory_space<hbm>>
          %dma_start3A_236 = tpu.memref_squeeze %dma_start3A_235 : memref<1x640xf32, #tpu.memory_space<hbm>> -> memref<640xf32, #tpu.memory_space<hbm>>
          tpu.enqueue_dma source(%arg17 : memref<640xf32, #tpu.memory_space<vmem>>) target(%dma_start3A_236 : memref<640xf32, #tpu.memory_space<hbm>>) target_semaphore(%run_scoped3A_232 : memref<!tpu.dma_semaphore, #tpu.memory_space<semaphore_mem>>)
          %dma_wait3A_237 = tpu.memref_slice %arg8[%run_scoped3A_231, %mul3A_2] : memref<1x10240xf32, #tpu.memory_space<hbm>> -> memref<1x640xf32, #tpu.memory_space<hbm>>
          %dma_wait3A_238 = tpu.memref_squeeze %dma_wait3A_237 : memref<1x640xf32, #tpu.memory_space<hbm>> -> memref<640xf32, #tpu.memory_space<hbm>>
          %dma_wait3A_239 = tpu.memref_slice %arg8[%run_scoped3A_231, %mul3A_2] : memref<1x10240xf32, #tpu.memory_space<hbm>> -> memref<1x640xf32, #tpu.memory_space<hbm>>
          %dma_wait3A_240 = tpu.memref_squeeze %dma_wait3A_239 : memref<1x640xf32, #tpu.memory_space<hbm>> -> memref<640xf32, #tpu.memory_space<hbm>>
          tpu.wait_dma2 semaphore(%run_scoped3A_232 : memref<!tpu.dma_semaphore, #tpu.memory_space<semaphore_mem>>) src(%arg17 : memref<640xf32, #tpu.memory_space<vmem>>) dst(%dma_wait3A_240 : memref<640xf32, #tpu.memory_space<hbm>>)
          tpu.yield
        }) : () -> ()
      } else {
      }
    } else {
    }
    %dma_wait3A = arith.constant 0 : i32
    %dma_wait3A_100 = tpu.memref_slice %arg18[%mul3A_2, %dma_wait3A] : memref<10240x16xf32, #tpu.memory_space<vmem_shared>> -> memref<640x16xf32, #tpu.memory_space<vmem_shared>>
    %dma_wait3A_101 = arith.constant 0 : i32
    %dma_wait3A_102 = tpu.memref_slice %arg5[%mul3A_2, %dma_wait3A_101] : memref<10240x16xf32, #tpu.memory_space<hbm>> -> memref<640x16xf32, #tpu.memory_space<hbm>>
    tpu.wait_dma2 semaphore(%arg20 : memref<!tpu.dma_semaphore, #tpu.memory_space<semaphore_mem>>) src(%dma_wait3A_102 : memref<640x16xf32, #tpu.memory_space<hbm>>) dst(%dma_wait3A_100 : memref<640x16xf32, #tpu.memory_space<vmem_shared>>)
    %dma_wait3A_103 = arith.constant 0 : i32
    %dma_wait3A_104 = tpu.memref_slice %arg2[%dma_wait3A_103, %mul3A_7] : memref<2x320000xi32, #tpu.memory_space<hbm>> -> memref<1x10000xi32, #tpu.memory_space<hbm>>
    %dma_wait3A_105 = tpu.memref_squeeze %dma_wait3A_104 : memref<1x10000xi32, #tpu.memory_space<hbm>> -> memref<10000xi32, #tpu.memory_space<hbm>>
    %dma_wait3A_106 = tpu.memref_slice %arg2[%dma_wait3A_103, %mul3A_7] : memref<2x320000xi32, #tpu.memory_space<hbm>> -> memref<1x10000xi32, #tpu.memory_space<hbm>>
    %dma_wait3A_107 = tpu.memref_squeeze %dma_wait3A_106 : memref<1x10000xi32, #tpu.memory_space<hbm>> -> memref<10000xi32, #tpu.memory_space<hbm>>
    tpu.wait_dma2 semaphore(%arg20 : memref<!tpu.dma_semaphore, #tpu.memory_space<semaphore_mem>>) src(%dma_wait3A_107 : memref<10000xi32, #tpu.memory_space<hbm>>) dst(%arg9 : memref<10000xi32, #tpu.memory_space<vmem>>)
    %dma_wait3A_108 = arith.constant 1 : i32
    %dma_wait3A_109 = arith.constant 0 : i32
    %dma_wait3A_110 = arith.constant 0 : i32
    %dma_wait3A_111 = tpu.memref_slice %arg10[%dma_wait3A_109, %dma_wait3A_110] : memref<5x2000xi32, #tpu.memory_space<vmem>> -> memref<1x2000xi32, #tpu.memory_space<vmem>>
    %dma_wait3A_112 = tpu.memref_squeeze %dma_wait3A_111 : memref<1x2000xi32, #tpu.memory_space<vmem>> -> memref<2000xi32, #tpu.memory_space<vmem>>
    %dma_wait3A_113 = tpu.memref_slice %arg2[%dma_wait3A_108, %add3A_16] : memref<2x320000xi32, #tpu.memory_space<hbm>> -> memref<1x2000xi32, #tpu.memory_space<hbm>>
    %dma_wait3A_114 = tpu.memref_squeeze %dma_wait3A_113 : memref<1x2000xi32, #tpu.memory_space<hbm>> -> memref<2000xi32, #tpu.memory_space<hbm>>
    %dma_wait3A_115 = arith.constant 0 : i32
    %dma_wait3A_116 = tpu.memref_slice %arg10[%dma_wait3A_109, %dma_wait3A_115] : memref<5x2000xi32, #tpu.memory_space<vmem>> -> memref<1x2000xi32, #tpu.memory_space<vmem>>
    %dma_wait3A_117 = tpu.memref_squeeze %dma_wait3A_116 : memref<1x2000xi32, #tpu.memory_space<vmem>> -> memref<2000xi32, #tpu.memory_space<vmem>>
    %dma_wait3A_118 = tpu.memref_slice %arg2[%dma_wait3A_108, %add3A_16] : memref<2x320000xi32, #tpu.memory_space<hbm>> -> memref<1x2000xi32, #tpu.memory_space<hbm>>
    %dma_wait3A_119 = tpu.memref_squeeze %dma_wait3A_118 : memref<1x2000xi32, #tpu.memory_space<hbm>> -> memref<2000xi32, #tpu.memory_space<hbm>>
    tpu.wait_dma2 semaphore(%arg20 : memref<!tpu.dma_semaphore, #tpu.memory_space<semaphore_mem>>) src(%dma_wait3A_119 : memref<2000xi32, #tpu.memory_space<hbm>>) dst(%dma_wait3A_117 : memref<2000xi32, #tpu.memory_space<vmem>>)
    %dma_wait3A_120 = arith.constant 1 : i32
    %dma_wait3A_121 = arith.constant 1 : i32
    %dma_wait3A_122 = arith.constant 0 : i32
    %dma_wait3A_123 = tpu.memref_slice %arg10[%dma_wait3A_121, %dma_wait3A_122] : memref<5x2000xi32, #tpu.memory_space<vmem>> -> memref<1x2000xi32, #tpu.memory_space<vmem>>
    %dma_wait3A_124 = tpu.memref_squeeze %dma_wait3A_123 : memref<1x2000xi32, #tpu.memory_space<vmem>> -> memref<2000xi32, #tpu.memory_space<vmem>>
    %dma_wait3A_125 = tpu.memref_slice %arg2[%dma_wait3A_120, %add3A_32] : memref<2x320000xi32, #tpu.memory_space<hbm>> -> memref<1x2000xi32, #tpu.memory_space<hbm>>
    %dma_wait3A_126 = tpu.memref_squeeze %dma_wait3A_125 : memref<1x2000xi32, #tpu.memory_space<hbm>> -> memref<2000xi32, #tpu.memory_space<hbm>>
    %dma_wait3A_127 = arith.constant 0 : i32
    %dma_wait3A_128 = tpu.memref_slice %arg10[%dma_wait3A_121, %dma_wait3A_127] : memref<5x2000xi32, #tpu.memory_space<vmem>> -> memref<1x2000xi32, #tpu.memory_space<vmem>>
    %dma_wait3A_129 = tpu.memref_squeeze %dma_wait3A_128 : memref<1x2000xi32, #tpu.memory_space<vmem>> -> memref<2000xi32, #tpu.memory_space<vmem>>
    %dma_wait3A_130 = tpu.memref_slice %arg2[%dma_wait3A_120, %add3A_32] : memref<2x320000xi32, #tpu.memory_space<hbm>> -> memref<1x2000xi32, #tpu.memory_space<hbm>>
    %dma_wait3A_131 = tpu.memref_squeeze %dma_wait3A_130 : memref<1x2000xi32, #tpu.memory_space<hbm>> -> memref<2000xi32, #tpu.memory_space<hbm>>
    tpu.wait_dma2 semaphore(%arg20 : memref<!tpu.dma_semaphore, #tpu.memory_space<semaphore_mem>>) src(%dma_wait3A_131 : memref<2000xi32, #tpu.memory_space<hbm>>) dst(%dma_wait3A_129 : memref<2000xi32, #tpu.memory_space<vmem>>)
    %dma_wait3A_132 = arith.constant 1 : i32
    %dma_wait3A_133 = arith.constant 2 : i32
    %dma_wait3A_134 = arith.constant 0 : i32
    %dma_wait3A_135 = tpu.memref_slice %arg10[%dma_wait3A_133, %dma_wait3A_134] : memref<5x2000xi32, #tpu.memory_space<vmem>> -> memref<1x2000xi32, #tpu.memory_space<vmem>>
    %dma_wait3A_136 = tpu.memref_squeeze %dma_wait3A_135 : memref<1x2000xi32, #tpu.memory_space<vmem>> -> memref<2000xi32, #tpu.memory_space<vmem>>
    %dma_wait3A_137 = tpu.memref_slice %arg2[%dma_wait3A_132, %add3A_48] : memref<2x320000xi32, #tpu.memory_space<hbm>> -> memref<1x2000xi32, #tpu.memory_space<hbm>>
    %dma_wait3A_138 = tpu.memref_squeeze %dma_wait3A_137 : memref<1x2000xi32, #tpu.memory_space<hbm>> -> memref<2000xi32, #tpu.memory_space<hbm>>
    %dma_wait3A_139 = arith.constant 0 : i32
    %dma_wait3A_140 = tpu.memref_slice %arg10[%dma_wait3A_133, %dma_wait3A_139] : memref<5x2000xi32, #tpu.memory_space<vmem>> -> memref<1x2000xi32, #tpu.memory_space<vmem>>
    %dma_wait3A_141 = tpu.memref_squeeze %dma_wait3A_140 : memref<1x2000xi32, #tpu.memory_space<vmem>> -> memref<2000xi32, #tpu.memory_space<vmem>>
    %dma_wait3A_142 = tpu.memref_slice %arg2[%dma_wait3A_132, %add3A_48] : memref<2x320000xi32, #tpu.memory_space<hbm>> -> memref<1x2000xi32, #tpu.memory_space<hbm>>
    %dma_wait3A_143 = tpu.memref_squeeze %dma_wait3A_142 : memref<1x2000xi32, #tpu.memory_space<hbm>> -> memref<2000xi32, #tpu.memory_space<hbm>>
    tpu.wait_dma2 semaphore(%arg20 : memref<!tpu.dma_semaphore, #tpu.memory_space<semaphore_mem>>) src(%dma_wait3A_143 : memref<2000xi32, #tpu.memory_space<hbm>>) dst(%dma_wait3A_141 : memref<2000xi32, #tpu.memory_space<vmem>>)
    %dma_wait3A_144 = arith.constant 1 : i32
    %dma_wait3A_145 = arith.constant 3 : i32
    %dma_wait3A_146 = arith.constant 0 : i32
    %dma_wait3A_147 = tpu.memref_slice %arg10[%dma_wait3A_145, %dma_wait3A_146] : memref<5x2000xi32, #tpu.memory_space<vmem>> -> memref<1x2000xi32, #tpu.memory_space<vmem>>
    %dma_wait3A_148 = tpu.memref_squeeze %dma_wait3A_147 : memref<1x2000xi32, #tpu.memory_space<vmem>> -> memref<2000xi32, #tpu.memory_space<vmem>>
    %dma_wait3A_149 = tpu.memref_slice %arg2[%dma_wait3A_144, %add3A_64] : memref<2x320000xi32, #tpu.memory_space<hbm>> -> memref<1x2000xi32, #tpu.memory_space<hbm>>
    %dma_wait3A_150 = tpu.memref_squeeze %dma_wait3A_149 : memref<1x2000xi32, #tpu.memory_space<hbm>> -> memref<2000xi32, #tpu.memory_space<hbm>>
    %dma_wait3A_151 = arith.constant 0 : i32
    %dma_wait3A_152 = tpu.memref_slice %arg10[%dma_wait3A_145, %dma_wait3A_151] : memref<5x2000xi32, #tpu.memory_space<vmem>> -> memref<1x2000xi32, #tpu.memory_space<vmem>>
    %dma_wait3A_153 = tpu.memref_squeeze %dma_wait3A_152 : memref<1x2000xi32, #tpu.memory_space<vmem>> -> memref<2000xi32, #tpu.memory_space<vmem>>
    %dma_wait3A_154 = tpu.memref_slice %arg2[%dma_wait3A_144, %add3A_64] : memref<2x320000xi32, #tpu.memory_space<hbm>> -> memref<1x2000xi32, #tpu.memory_space<hbm>>
    %dma_wait3A_155 = tpu.memref_squeeze %dma_wait3A_154 : memref<1x2000xi32, #tpu.memory_space<hbm>> -> memref<2000xi32, #tpu.memory_space<hbm>>
    tpu.wait_dma2 semaphore(%arg20 : memref<!tpu.dma_semaphore, #tpu.memory_space<semaphore_mem>>) src(%dma_wait3A_155 : memref<2000xi32, #tpu.memory_space<hbm>>) dst(%dma_wait3A_153 : memref<2000xi32, #tpu.memory_space<vmem>>)
    %dma_wait3A_156 = arith.constant 1 : i32
    %dma_wait3A_157 = arith.constant 4 : i32
    %dma_wait3A_158 = arith.constant 0 : i32
    %dma_wait3A_159 = tpu.memref_slice %arg10[%dma_wait3A_157, %dma_wait3A_158] : memref<5x2000xi32, #tpu.memory_space<vmem>> -> memref<1x2000xi32, #tpu.memory_space<vmem>>
    %dma_wait3A_160 = tpu.memref_squeeze %dma_wait3A_159 : memref<1x2000xi32, #tpu.memory_space<vmem>> -> memref<2000xi32, #tpu.memory_space<vmem>>
    %dma_wait3A_161 = tpu.memref_slice %arg2[%dma_wait3A_156, %add3A_80] : memref<2x320000xi32, #tpu.memory_space<hbm>> -> memref<1x2000xi32, #tpu.memory_space<hbm>>
    %dma_wait3A_162 = tpu.memref_squeeze %dma_wait3A_161 : memref<1x2000xi32, #tpu.memory_space<hbm>> -> memref<2000xi32, #tpu.memory_space<hbm>>
    %dma_wait3A_163 = arith.constant 0 : i32
    %dma_wait3A_164 = tpu.memref_slice %arg10[%dma_wait3A_157, %dma_wait3A_163] : memref<5x2000xi32, #tpu.memory_space<vmem>> -> memref<1x2000xi32, #tpu.memory_space<vmem>>
    %dma_wait3A_165 = tpu.memref_squeeze %dma_wait3A_164 : memref<1x2000xi32, #tpu.memory_space<vmem>> -> memref<2000xi32, #tpu.memory_space<vmem>>
    %dma_wait3A_166 = tpu.memref_slice %arg2[%dma_wait3A_156, %add3A_80] : memref<2x320000xi32, #tpu.memory_space<hbm>> -> memref<1x2000xi32, #tpu.memory_space<hbm>>
    %dma_wait3A_167 = tpu.memref_squeeze %dma_wait3A_166 : memref<1x2000xi32, #tpu.memory_space<hbm>> -> memref<2000xi32, #tpu.memory_space<hbm>>
    tpu.wait_dma2 semaphore(%arg20 : memref<!tpu.dma_semaphore, #tpu.memory_space<semaphore_mem>>) src(%dma_wait3A_167 : memref<2000xi32, #tpu.memory_space<hbm>>) dst(%dma_wait3A_165 : memref<2000xi32, #tpu.memory_space<vmem>>)
    %barrier3A = arith.constant 0 : index
    tpu.barrier barrier_id(%barrier3A)
    %dma_start3A_168 = arith.constant 0 : i32
    %dma_start3A_169 = tpu.memref_slice %arg9[%dma_start3A_168] : memref<10000xi32, #tpu.memory_space<vmem>> -> memref<2000xi32, #tpu.memory_space<vmem>>
    %dma_start3A_170 = arith.constant 0 : i32
    %dma_start3A_171 = arith.constant 0 : i32
    %dma_start3A_172 = tpu.memref_slice %arg19[%dma_start3A_170, %dma_start3A_171] : memref<10240x16xf32, #tpu.memory_space<vmem_shared>> -> memref<10240x16xf32, #tpu.memory_space<vmem_shared>>
    tpu.enqueue_indirect_dma source(%dma_start3A_172 : memref<10240x16xf32, #tpu.memory_space<vmem_shared>>) target(%arg11 : memref<2000x16xf32, #tpu.memory_space<vmem>>) offsets(%dma_start3A_169 : memref<2000xi32, #tpu.memory_space<vmem>>) semaphore(%arg21 : memref<!tpu.dma_semaphore, #tpu.memory_space<semaphore_mem>>)
    %dma_wait3A_173 = arith.constant 0 : i32
    %dma_wait3A_174 = tpu.memref_slice %arg9[%dma_wait3A_173] : memref<10000xi32, #tpu.memory_space<vmem>> -> memref<2000xi32, #tpu.memory_space<vmem>>
    %dma_wait3A_175 = arith.constant 0 : i32
    %dma_wait3A_176 = arith.constant 0 : i32
    %dma_wait3A_177 = tpu.memref_slice %arg19[%dma_wait3A_175, %dma_wait3A_176] : memref<10240x16xf32, #tpu.memory_space<vmem_shared>> -> memref<10240x16xf32, #tpu.memory_space<vmem_shared>>
    tpu.wait_indirect_dma semaphore(%arg21 : memref<!tpu.dma_semaphore, #tpu.memory_space<semaphore_mem>>) src(%dma_wait3A_177 : memref<10240x16xf32, #tpu.memory_space<vmem_shared>>) dst(%arg11 : memref<2000x16xf32, #tpu.memory_space<vmem>>)
    %dma_start3A_178 = arith.constant 2000 : i32
    %dma_start3A_179 = tpu.memref_slice %arg9[%dma_start3A_178] : memref<10000xi32, #tpu.memory_space<vmem>> -> memref<2000xi32, #tpu.memory_space<vmem>>
    %dma_start3A_180 = arith.constant 0 : i32
    %dma_start3A_181 = arith.constant 0 : i32
    %dma_start3A_182 = tpu.memref_slice %arg19[%dma_start3A_180, %dma_start3A_181] : memref<10240x16xf32, #tpu.memory_space<vmem_shared>> -> memref<10240x16xf32, #tpu.memory_space<vmem_shared>>
    tpu.enqueue_indirect_dma source(%dma_start3A_182 : memref<10240x16xf32, #tpu.memory_space<vmem_shared>>) target(%arg12 : memref<2000x16xf32, #tpu.memory_space<vmem>>) offsets(%dma_start3A_179 : memref<2000xi32, #tpu.memory_space<vmem>>) semaphore(%arg22 : memref<!tpu.dma_semaphore, #tpu.memory_space<semaphore_mem>>)
    %run_scoped3A_183 = arith.constant 0 : i32
    "tpu.region"() ({
      %run_scoped3A_224 = tpu.sem_alloc : memref<!tpu.dma_semaphore, #tpu.memory_space<semaphore_mem>>
      %dma_start3A_225 = arith.constant 0 : i32
      %dma_start3A_226 = tpu.memref_slice %arg10[%run_scoped3A_183, %dma_start3A_225] : memref<5x2000xi32, #tpu.memory_space<vmem>> -> memref<1x2000xi32, #tpu.memory_space<vmem>>
      %dma_start3A_227 = tpu.memref_squeeze %dma_start3A_226 : memref<1x2000xi32, #tpu.memory_space<vmem>> -> memref<2000xi32, #tpu.memory_space<vmem>>
      %dma_start3A_228 = arith.constant 0 : i32
      %dma_start3A_229 = arith.constant 0 : i32
      %dma_start3A_230 = tpu.memref_slice %arg18[%dma_start3A_228, %dma_start3A_229] : memref<10240x16xf32, #tpu.memory_space<vmem_shared>> -> memref<10240x16xf32, #tpu.memory_space<vmem_shared>>
      tpu.enqueue_indirect_dma source(%arg11 : memref<2000x16xf32, #tpu.memory_space<vmem>>) target(%dma_start3A_230 : memref<10240x16xf32, #tpu.memory_space<vmem_shared>>) offsets(%dma_start3A_227 : memref<2000xi32, #tpu.memory_space<vmem>>) semaphore(%run_scoped3A_224 : memref<!tpu.dma_semaphore, #tpu.memory_space<semaphore_mem>>) {add = true}
      %dma_wait3A_231 = arith.constant 0 : i32
      %dma_wait3A_232 = tpu.memref_slice %arg10[%run_scoped3A_183, %dma_wait3A_231] : memref<5x2000xi32, #tpu.memory_space<vmem>> -> memref<1x2000xi32, #tpu.memory_space<vmem>>
      %dma_wait3A_233 = tpu.memref_squeeze %dma_wait3A_232 : memref<1x2000xi32, #tpu.memory_space<vmem>> -> memref<2000xi32, #tpu.memory_space<vmem>>
      %dma_wait3A_234 = arith.constant 0 : i32
      %dma_wait3A_235 = arith.constant 0 : i32
      %dma_wait3A_236 = tpu.memref_slice %arg18[%dma_wait3A_234, %dma_wait3A_235] : memref<10240x16xf32, #tpu.memory_space<vmem_shared>> -> memref<10240x16xf32, #tpu.memory_space<vmem_shared>>
      tpu.wait_indirect_dma semaphore(%run_scoped3A_224 : memref<!tpu.dma_semaphore, #tpu.memory_space<semaphore_mem>>) src(%arg11 : memref<2000x16xf32, #tpu.memory_space<vmem>>) dst(%dma_wait3A_236 : memref<10240x16xf32, #tpu.memory_space<vmem_shared>>)
      tpu.yield
    }) : () -> ()
    %dma_wait3A_184 = arith.constant 2000 : i32
    %dma_wait3A_185 = tpu.memref_slice %arg9[%dma_wait3A_184] : memref<10000xi32, #tpu.memory_space<vmem>> -> memref<2000xi32, #tpu.memory_space<vmem>>
    %dma_wait3A_186 = arith.constant 0 : i32
    %dma_wait3A_187 = arith.constant 0 : i32
    %dma_wait3A_188 = tpu.memref_slice %arg19[%dma_wait3A_186, %dma_wait3A_187] : memref<10240x16xf32, #tpu.memory_space<vmem_shared>> -> memref<10240x16xf32, #tpu.memory_space<vmem_shared>>
    tpu.wait_indirect_dma semaphore(%arg22 : memref<!tpu.dma_semaphore, #tpu.memory_space<semaphore_mem>>) src(%dma_wait3A_188 : memref<10240x16xf32, #tpu.memory_space<vmem_shared>>) dst(%arg12 : memref<2000x16xf32, #tpu.memory_space<vmem>>)
    %dma_start3A_189 = arith.constant 4000 : i32
    %dma_start3A_190 = tpu.memref_slice %arg9[%dma_start3A_189] : memref<10000xi32, #tpu.memory_space<vmem>> -> memref<2000xi32, #tpu.memory_space<vmem>>
    %dma_start3A_191 = arith.constant 0 : i32
    %dma_start3A_192 = arith.constant 0 : i32
    %dma_start3A_193 = tpu.memref_slice %arg19[%dma_start3A_191, %dma_start3A_192] : memref<10240x16xf32, #tpu.memory_space<vmem_shared>> -> memref<10240x16xf32, #tpu.memory_space<vmem_shared>>
    tpu.enqueue_indirect_dma source(%dma_start3A_193 : memref<10240x16xf32, #tpu.memory_space<vmem_shared>>) target(%arg11 : memref<2000x16xf32, #tpu.memory_space<vmem>>) offsets(%dma_start3A_190 : memref<2000xi32, #tpu.memory_space<vmem>>) semaphore(%arg21 : memref<!tpu.dma_semaphore, #tpu.memory_space<semaphore_mem>>)
    %run_scoped3A_194 = arith.constant 1 : i32
    "tpu.region"() ({
      %run_scoped3A_224 = tpu.sem_alloc : memref<!tpu.dma_semaphore, #tpu.memory_space<semaphore_mem>>
      %dma_start3A_225 = arith.constant 0 : i32
      %dma_start3A_226 = tpu.memref_slice %arg10[%run_scoped3A_194, %dma_start3A_225] : memref<5x2000xi32, #tpu.memory_space<vmem>> -> memref<1x2000xi32, #tpu.memory_space<vmem>>
      %dma_start3A_227 = tpu.memref_squeeze %dma_start3A_226 : memref<1x2000xi32, #tpu.memory_space<vmem>> -> memref<2000xi32, #tpu.memory_space<vmem>>
      %dma_start3A_228 = arith.constant 0 : i32
      %dma_start3A_229 = arith.constant 0 : i32
      %dma_start3A_230 = tpu.memref_slice %arg18[%dma_start3A_228, %dma_start3A_229] : memref<10240x16xf32, #tpu.memory_space<vmem_shared>> -> memref<10240x16xf32, #tpu.memory_space<vmem_shared>>
      tpu.enqueue_indirect_dma source(%arg12 : memref<2000x16xf32, #tpu.memory_space<vmem>>) target(%dma_start3A_230 : memref<10240x16xf32, #tpu.memory_space<vmem_shared>>) offsets(%dma_start3A_227 : memref<2000xi32, #tpu.memory_space<vmem>>) semaphore(%run_scoped3A_224 : memref<!tpu.dma_semaphore, #tpu.memory_space<semaphore_mem>>) {add = true}
      %dma_wait3A_231 = arith.constant 0 : i32
      %dma_wait3A_232 = tpu.memref_slice %arg10[%run_scoped3A_194, %dma_wait3A_231] : memref<5x2000xi32, #tpu.memory_space<vmem>> -> memref<1x2000xi32, #tpu.memory_space<vmem>>
      %dma_wait3A_233 = tpu.memref_squeeze %dma_wait3A_232 : memref<1x2000xi32, #tpu.memory_space<vmem>> -> memref<2000xi32, #tpu.memory_space<vmem>>
      %dma_wait3A_234 = arith.constant 0 : i32
      %dma_wait3A_235 = arith.constant 0 : i32
      %dma_wait3A_236 = tpu.memref_slice %arg18[%dma_wait3A_234, %dma_wait3A_235] : memref<10240x16xf32, #tpu.memory_space<vmem_shared>> -> memref<10240x16xf32, #tpu.memory_space<vmem_shared>>
      tpu.wait_indirect_dma semaphore(%run_scoped3A_224 : memref<!tpu.dma_semaphore, #tpu.memory_space<semaphore_mem>>) src(%arg12 : memref<2000x16xf32, #tpu.memory_space<vmem>>) dst(%dma_wait3A_236 : memref<10240x16xf32, #tpu.memory_space<vmem_shared>>)
      tpu.yield
    }) : () -> ()
    %dma_wait3A_195 = arith.constant 4000 : i32
    %dma_wait3A_196 = tpu.memref_slice %arg9[%dma_wait3A_195] : memref<10000xi32, #tpu.memory_space<vmem>> -> memref<2000xi32, #tpu.memory_space<vmem>>
    %dma_wait3A_197 = arith.constant 0 : i32
    %dma_wait3A_198 = arith.constant 0 : i32
    %dma_wait3A_199 = tpu.memref_slice %arg19[%dma_wait3A_197, %dma_wait3A_198] : memref<10240x16xf32, #tpu.memory_space<vmem_shared>> -> memref<10240x16xf32, #tpu.memory_space<vmem_shared>>
    tpu.wait_indirect_dma semaphore(%arg21 : memref<!tpu.dma_semaphore, #tpu.memory_space<semaphore_mem>>) src(%dma_wait3A_199 : memref<10240x16xf32, #tpu.memory_space<vmem_shared>>) dst(%arg11 : memref<2000x16xf32, #tpu.memory_space<vmem>>)
    %dma_start3A_200 = arith.constant 6000 : i32
    %dma_start3A_201 = tpu.memref_slice %arg9[%dma_start3A_200] : memref<10000xi32, #tpu.memory_space<vmem>> -> memref<2000xi32, #tpu.memory_space<vmem>>
    %dma_start3A_202 = arith.constant 0 : i32
    %dma_start3A_203 = arith.constant 0 : i32
    %dma_start3A_204 = tpu.memref_slice %arg19[%dma_start3A_202, %dma_start3A_203] : memref<10240x16xf32, #tpu.memory_space<vmem_shared>> -> memref<10240x16xf32, #tpu.memory_space<vmem_shared>>
    tpu.enqueue_indirect_dma source(%dma_start3A_204 : memref<10240x16xf32, #tpu.memory_space<vmem_shared>>) target(%arg12 : memref<2000x16xf32, #tpu.memory_space<vmem>>) offsets(%dma_start3A_201 : memref<2000xi32, #tpu.memory_space<vmem>>) semaphore(%arg22 : memref<!tpu.dma_semaphore, #tpu.memory_space<semaphore_mem>>)
    %run_scoped3A_205 = arith.constant 2 : i32
    "tpu.region"() ({
      %run_scoped3A_224 = tpu.sem_alloc : memref<!tpu.dma_semaphore, #tpu.memory_space<semaphore_mem>>
      %dma_start3A_225 = arith.constant 0 : i32
      %dma_start3A_226 = tpu.memref_slice %arg10[%run_scoped3A_205, %dma_start3A_225] : memref<5x2000xi32, #tpu.memory_space<vmem>> -> memref<1x2000xi32, #tpu.memory_space<vmem>>
      %dma_start3A_227 = tpu.memref_squeeze %dma_start3A_226 : memref<1x2000xi32, #tpu.memory_space<vmem>> -> memref<2000xi32, #tpu.memory_space<vmem>>
      %dma_start3A_228 = arith.constant 0 : i32
      %dma_start3A_229 = arith.constant 0 : i32
      %dma_start3A_230 = tpu.memref_slice %arg18[%dma_start3A_228, %dma_start3A_229] : memref<10240x16xf32, #tpu.memory_space<vmem_shared>> -> memref<10240x16xf32, #tpu.memory_space<vmem_shared>>
      tpu.enqueue_indirect_dma source(%arg11 : memref<2000x16xf32, #tpu.memory_space<vmem>>) target(%dma_start3A_230 : memref<10240x16xf32, #tpu.memory_space<vmem_shared>>) offsets(%dma_start3A_227 : memref<2000xi32, #tpu.memory_space<vmem>>) semaphore(%run_scoped3A_224 : memref<!tpu.dma_semaphore, #tpu.memory_space<semaphore_mem>>) {add = true}
      %dma_wait3A_231 = arith.constant 0 : i32
      %dma_wait3A_232 = tpu.memref_slice %arg10[%run_scoped3A_205, %dma_wait3A_231] : memref<5x2000xi32, #tpu.memory_space<vmem>> -> memref<1x2000xi32, #tpu.memory_space<vmem>>
      %dma_wait3A_233 = tpu.memref_squeeze %dma_wait3A_232 : memref<1x2000xi32, #tpu.memory_space<vmem>> -> memref<2000xi32, #tpu.memory_space<vmem>>
      %dma_wait3A_234 = arith.constant 0 : i32
      %dma_wait3A_235 = arith.constant 0 : i32
      %dma_wait3A_236 = tpu.memref_slice %arg18[%dma_wait3A_234, %dma_wait3A_235] : memref<10240x16xf32, #tpu.memory_space<vmem_shared>> -> memref<10240x16xf32, #tpu.memory_space<vmem_shared>>
      tpu.wait_indirect_dma semaphore(%run_scoped3A_224 : memref<!tpu.dma_semaphore, #tpu.memory_space<semaphore_mem>>) src(%arg11 : memref<2000x16xf32, #tpu.memory_space<vmem>>) dst(%dma_wait3A_236 : memref<10240x16xf32, #tpu.memory_space<vmem_shared>>)
      tpu.yield
    }) : () -> ()
    %dma_wait3A_206 = arith.constant 6000 : i32
    %dma_wait3A_207 = tpu.memref_slice %arg9[%dma_wait3A_206] : memref<10000xi32, #tpu.memory_space<vmem>> -> memref<2000xi32, #tpu.memory_space<vmem>>
    %dma_wait3A_208 = arith.constant 0 : i32
    %dma_wait3A_209 = arith.constant 0 : i32
    %dma_wait3A_210 = tpu.memref_slice %arg19[%dma_wait3A_208, %dma_wait3A_209] : memref<10240x16xf32, #tpu.memory_space<vmem_shared>> -> memref<10240x16xf32, #tpu.memory_space<vmem_shared>>
    tpu.wait_indirect_dma semaphore(%arg22 : memref<!tpu.dma_semaphore, #tpu.memory_space<semaphore_mem>>) src(%dma_wait3A_210 : memref<10240x16xf32, #tpu.memory_space<vmem_shared>>) dst(%arg12 : memref<2000x16xf32, #tpu.memory_space<vmem>>)
    %dma_start3A_211 = arith.constant 8000 : i32
    %dma_start3A_212 = tpu.memref_slice %arg9[%dma_start3A_211] : memref<10000xi32, #tpu.memory_space<vmem>> -> memref<2000xi32, #tpu.memory_space<vmem>>
    %dma_start3A_213 = arith.constant 0 : i32
    %dma_start3A_214 = arith.constant 0 : i32
    %dma_start3A_215 = tpu.memref_slice %arg19[%dma_start3A_213, %dma_start3A_214] : memref<10240x16xf32, #tpu.memory_space<vmem_shared>> -> memref<10240x16xf32, #tpu.memory_space<vmem_shared>>
    tpu.enqueue_indirect_dma source(%dma_start3A_215 : memref<10240x16xf32, #tpu.memory_space<vmem_shared>>) target(%arg11 : memref<2000x16xf32, #tpu.memory_space<vmem>>) offsets(%dma_start3A_212 : memref<2000xi32, #tpu.memory_space<vmem>>) semaphore(%arg21 : memref<!tpu.dma_semaphore, #tpu.memory_space<semaphore_mem>>)
    %run_scoped3A_216 = arith.constant 3 : i32
    "tpu.region"() ({
      %run_scoped3A_224 = tpu.sem_alloc : memref<!tpu.dma_semaphore, #tpu.memory_space<semaphore_mem>>
      %dma_start3A_225 = arith.constant 0 : i32
      %dma_start3A_226 = tpu.memref_slice %arg10[%run_scoped3A_216, %dma_start3A_225] : memref<5x2000xi32, #tpu.memory_space<vmem>> -> memref<1x2000xi32, #tpu.memory_space<vmem>>
      %dma_start3A_227 = tpu.memref_squeeze %dma_start3A_226 : memref<1x2000xi32, #tpu.memory_space<vmem>> -> memref<2000xi32, #tpu.memory_space<vmem>>
      %dma_start3A_228 = arith.constant 0 : i32
      %dma_start3A_229 = arith.constant 0 : i32
      %dma_start3A_230 = tpu.memref_slice %arg18[%dma_start3A_228, %dma_start3A_229] : memref<10240x16xf32, #tpu.memory_space<vmem_shared>> -> memref<10240x16xf32, #tpu.memory_space<vmem_shared>>
      tpu.enqueue_indirect_dma source(%arg12 : memref<2000x16xf32, #tpu.memory_space<vmem>>) target(%dma_start3A_230 : memref<10240x16xf32, #tpu.memory_space<vmem_shared>>) offsets(%dma_start3A_227 : memref<2000xi32, #tpu.memory_space<vmem>>) semaphore(%run_scoped3A_224 : memref<!tpu.dma_semaphore, #tpu.memory_space<semaphore_mem>>) {add = true}
      %dma_wait3A_231 = arith.constant 0 : i32
      %dma_wait3A_232 = tpu.memref_slice %arg10[%run_scoped3A_216, %dma_wait3A_231] : memref<5x2000xi32, #tpu.memory_space<vmem>> -> memref<1x2000xi32, #tpu.memory_space<vmem>>
      %dma_wait3A_233 = tpu.memref_squeeze %dma_wait3A_232 : memref<1x2000xi32, #tpu.memory_space<vmem>> -> memref<2000xi32, #tpu.memory_space<vmem>>
      %dma_wait3A_234 = arith.constant 0 : i32
      %dma_wait3A_235 = arith.constant 0 : i32
      %dma_wait3A_236 = tpu.memref_slice %arg18[%dma_wait3A_234, %dma_wait3A_235] : memref<10240x16xf32, #tpu.memory_space<vmem_shared>> -> memref<10240x16xf32, #tpu.memory_space<vmem_shared>>
      tpu.wait_indirect_dma semaphore(%run_scoped3A_224 : memref<!tpu.dma_semaphore, #tpu.memory_space<semaphore_mem>>) src(%arg12 : memref<2000x16xf32, #tpu.memory_space<vmem>>) dst(%dma_wait3A_236 : memref<10240x16xf32, #tpu.memory_space<vmem_shared>>)
      tpu.yield
    }) : () -> ()
    %dma_wait3A_217 = arith.constant 8000 : i32
    %dma_wait3A_218 = tpu.memref_slice %arg9[%dma_wait3A_217] : memref<10000xi32, #tpu.memory_space<vmem>> -> memref<2000xi32, #tpu.memory_space<vmem>>
    %dma_wait3A_219 = arith.constant 0 : i32
    %dma_wait3A_220 = arith.constant 0 : i32
    %dma_wait3A_221 = tpu.memref_slice %arg19[%dma_wait3A_219, %dma_wait3A_220] : memref<10240x16xf32, #tpu.memory_space<vmem_shared>> -> memref<10240x16xf32, #tpu.memory_space<vmem_shared>>
    tpu.wait_indirect_dma semaphore(%arg21 : memref<!tpu.dma_semaphore, #tpu.memory_space<semaphore_mem>>) src(%dma_wait3A_221 : memref<10240x16xf32, #tpu.memory_space<vmem_shared>>) dst(%arg11 : memref<2000x16xf32, #tpu.memory_space<vmem>>)
    %run_scoped3A_222 = arith.constant 4 : i32
    "tpu.region"() ({
      %run_scoped3A_224 = tpu.sem_alloc : memref<!tpu.dma_semaphore, #tpu.memory_space<semaphore_mem>>
      %dma_start3A_225 = arith.constant 0 : i32
      %dma_start3A_226 = tpu.memref_slice %arg10[%run_scoped3A_222, %dma_start3A_225] : memref<5x2000xi32, #tpu.memory_space<vmem>> -> memref<1x2000xi32, #tpu.memory_space<vmem>>
      %dma_start3A_227 = tpu.memref_squeeze %dma_start3A_226 : memref<1x2000xi32, #tpu.memory_space<vmem>> -> memref<2000xi32, #tpu.memory_space<vmem>>
      %dma_start3A_228 = arith.constant 0 : i32
      %dma_start3A_229 = arith.constant 0 : i32
      %dma_start3A_230 = tpu.memref_slice %arg18[%dma_start3A_228, %dma_start3A_229] : memref<10240x16xf32, #tpu.memory_space<vmem_shared>> -> memref<10240x16xf32, #tpu.memory_space<vmem_shared>>
      tpu.enqueue_indirect_dma source(%arg11 : memref<2000x16xf32, #tpu.memory_space<vmem>>) target(%dma_start3A_230 : memref<10240x16xf32, #tpu.memory_space<vmem_shared>>) offsets(%dma_start3A_227 : memref<2000xi32, #tpu.memory_space<vmem>>) semaphore(%run_scoped3A_224 : memref<!tpu.dma_semaphore, #tpu.memory_space<semaphore_mem>>) {add = true}
      %dma_wait3A_231 = arith.constant 0 : i32
      %dma_wait3A_232 = tpu.memref_slice %arg10[%run_scoped3A_222, %dma_wait3A_231] : memref<5x2000xi32, #tpu.memory_space<vmem>> -> memref<1x2000xi32, #tpu.memory_space<vmem>>
      %dma_wait3A_233 = tpu.memref_squeeze %dma_wait3A_232 : memref<1x2000xi32, #tpu.memory_space<vmem>> -> memref<2000xi32, #tpu.memory_space<vmem>>
      %dma_wait3A_234 = arith.constant 0 : i32
      %dma_wait3A_235 = arith.constant 0 : i32
      %dma_wait3A_236 = tpu.memref_slice %arg18[%dma_wait3A_234, %dma_wait3A_235] : memref<10240x16xf32, #tpu.memory_space<vmem_shared>> -> memref<10240x16xf32, #tpu.memory_space<vmem_shared>>
      tpu.wait_indirect_dma semaphore(%run_scoped3A_224 : memref<!tpu.dma_semaphore, #tpu.memory_space<semaphore_mem>>) src(%arg11 : memref<2000x16xf32, #tpu.memory_space<vmem>>) dst(%dma_wait3A_236 : memref<10240x16xf32, #tpu.memory_space<vmem_shared>>)
      tpu.yield
    }) : () -> ()
    %barrier3A_223 = arith.constant 0 : index
    tpu.barrier barrier_id(%barrier3A_223)
    "tpu.region"() ({
      %run_scoped3A_224 = tpu.sem_alloc : memref<!tpu.dma_semaphore, #tpu.memory_space<semaphore_mem>>
      %dma_start3A_225 = arith.constant 0 : i32
      %dma_start3A_226 = tpu.memref_slice %arg6[%arg0, %mul3A_2, %dma_start3A_225] : memref<2x10240x16xf32, #tpu.memory_space<hbm>> -> memref<1x640x16xf32, #tpu.memory_space<hbm>>
      %dma_start3A_227 = tpu.memref_squeeze %dma_start3A_226 : memref<1x640x16xf32, #tpu.memory_space<hbm>> -> memref<640x16xf32, #tpu.memory_space<hbm>>
      %dma_start3A_228 = arith.constant 0 : i32
      %dma_start3A_229 = tpu.memref_slice %arg18[%mul3A_2, %dma_start3A_228] : memref<10240x16xf32, #tpu.memory_space<vmem_shared>> -> memref<640x16xf32, #tpu.memory_space<vmem_shared>>
      tpu.enqueue_dma source(%dma_start3A_229 : memref<640x16xf32, #tpu.memory_space<vmem_shared>>) target(%dma_start3A_227 : memref<640x16xf32, #tpu.memory_space<hbm>>) target_semaphore(%run_scoped3A_224 : memref<!tpu.dma_semaphore, #tpu.memory_space<semaphore_mem>>)
      %dma_wait3A_230 = arith.constant 0 : i32
      %dma_wait3A_231 = tpu.memref_slice %arg6[%arg0, %mul3A_2, %dma_wait3A_230] : memref<2x10240x16xf32, #tpu.memory_space<hbm>> -> memref<1x640x16xf32, #tpu.memory_space<hbm>>
      %dma_wait3A_232 = tpu.memref_squeeze %dma_wait3A_231 : memref<1x640x16xf32, #tpu.memory_space<hbm>> -> memref<640x16xf32, #tpu.memory_space<hbm>>
      %dma_wait3A_233 = arith.constant 0 : i32
      %dma_wait3A_234 = tpu.memref_slice %arg18[%mul3A_2, %dma_wait3A_233] : memref<10240x16xf32, #tpu.memory_space<vmem_shared>> -> memref<640x16xf32, #tpu.memory_space<vmem_shared>>
      tpu.wait_dma2 semaphore(%run_scoped3A_224 : memref<!tpu.dma_semaphore, #tpu.memory_space<semaphore_mem>>) src(%dma_wait3A_234 : memref<640x16xf32, #tpu.memory_space<vmem_shared>>) dst(%dma_wait3A_232 : memref<640x16xf32, #tpu.memory_space<hbm>>)
      tpu.yield
    }) : () -> ()
    return
  }
}

#map = affine_map<(d0, d1) -> (0, 0)>
#map1 = affine_map<(d0, d1) -> (0, 0, 0)>
#map2 = affine_map<(d0, d1) -> (0)>
module attributes {stable_mosaic.version = 14 : i64} {
  func.func @_sc_scalar_body(%arg0: i32, %arg1: i32, %arg2: memref<2x320000xi32, #tpu.memory_space<hbm>>, %arg3: memref<2x10240x16xf32, #tpu.memory_space<hbm>>, %arg4: memref<10240x16xf32, #tpu.memory_space<hbm>>, %arg5: memref<1x10240xf32, #tpu.memory_space<hbm>>, %arg6: memref<16xf32, #tpu.memory_space<hbm>>, %arg7: memref<16xf32, #tpu.memory_space<hbm>>, %arg8: memref<10240xf32, #tpu.memory_space<hbm>>, %arg9: memref<2x10240xf32, #tpu.memory_space<hbm>>, %arg10: memref<1x10240xf32, #tpu.memory_space<hbm>>, %arg11: memref<10000xi32, #tpu.memory_space<vmem>>, %arg12: memref<5x2000xi32, #tpu.memory_space<vmem>>, %arg13: memref<2000xf32, #tpu.memory_space<vmem>>, %arg14: memref<2000xf32, #tpu.memory_space<vmem>>, %arg15: memref<10240xf32, #tpu.memory_space<vmem>>, %arg16: memref<640x16xf32, #tpu.memory_space<vmem>>, %arg17: memref<640x16xf32, #tpu.memory_space<vmem>>, %arg18: memref<640x16xf32, #tpu.memory_space<vmem>>, %arg19: memref<640xf32, #tpu.memory_space<vmem>>, %arg20: memref<16xf32, #tpu.memory_space<vmem>>, %arg21: memref<16xf32, #tpu.memory_space<vmem>>, %arg22: memref<640xf32, #tpu.memory_space<vmem>>, %arg23: memref<10240xf32, #tpu.memory_space<vmem_shared>>, %arg24: memref<10240xf32, #tpu.memory_space<vmem_shared>>, %arg25: memref<!tpu.dma_semaphore, #tpu.memory_space<semaphore_mem>>, %arg26: memref<!tpu.dma_semaphore, #tpu.memory_space<semaphore_mem>>, %arg27: memref<!tpu.dma_semaphore, #tpu.memory_space<semaphore_mem>>) attributes {dimension_semantics = [#tpu.dimension_semantics<core_parallel>, #tpu.dimension_semantics<subcore_parallel>], iteration_bounds = array<i64: 2, 16>, scalar_prefetch = 0 : i64, scratch_operands = 17 : i64, tpu.core_type = #tpu.core_type<sc_vector_subcore>, window_params = [{transform_indices = #map}, {transform_indices = #map1}, {transform_indices = #map}, {transform_indices = #map}, {transform_indices = #map2}, {transform_indices = #map2}, {transform_indices = #map2}, {transform_indices = #map}, {transform_indices = #map}]} {
    %mul3A = arith.constant 2 : i32
    %mul3A_0 = arith.muli %arg1, %mul3A : i32
    %add3A = arith.addi %mul3A_0, %arg0 : i32
    %mul3A_1 = arith.constant 640 : i32
    %mul3A_2 = arith.muli %arg1, %mul3A_1 : i32
    %dma_start3A = tpu.memref_slice %arg23[%mul3A_2] : memref<10240xf32, #tpu.memory_space<vmem_shared>> -> memref<640xf32, #tpu.memory_space<vmem_shared>>
    %dma_start3A_3 = tpu.memref_slice %arg8[%mul3A_2] : memref<10240xf32, #tpu.memory_space<hbm>> -> memref<640xf32, #tpu.memory_space<hbm>>
    tpu.enqueue_dma source(%dma_start3A_3 : memref<640xf32, #tpu.memory_space<hbm>>) target(%dma_start3A : memref<640xf32, #tpu.memory_space<vmem_shared>>) target_semaphore(%arg25 : memref<!tpu.dma_semaphore, #tpu.memory_space<semaphore_mem>>)
    %mul3A_4 = arith.constant 10000 : i32
    %mul3A_5 = arith.muli %add3A, %mul3A_4 : i32
    %dma_start3A_6 = arith.constant 0 : i32
    %dma_start3A_7 = tpu.memref_slice %arg2[%dma_start3A_6, %mul3A_5] : memref<2x320000xi32, #tpu.memory_space<hbm>> -> memref<1x10000xi32, #tpu.memory_space<hbm>>
    %dma_start3A_8 = tpu.memref_squeeze %dma_start3A_7 : memref<1x10000xi32, #tpu.memory_space<hbm>> -> memref<10000xi32, #tpu.memory_space<hbm>>
    %dma_start3A_9 = tpu.memref_slice %arg2[%dma_start3A_6, %mul3A_5] : memref<2x320000xi32, #tpu.memory_space<hbm>> -> memref<1x10000xi32, #tpu.memory_space<hbm>>
    %dma_start3A_10 = tpu.memref_squeeze %dma_start3A_9 : memref<1x10000xi32, #tpu.memory_space<hbm>> -> memref<10000xi32, #tpu.memory_space<hbm>>
    tpu.enqueue_dma source(%dma_start3A_10 : memref<10000xi32, #tpu.memory_space<hbm>>) target(%arg11 : memref<10000xi32, #tpu.memory_space<vmem>>) target_semaphore(%arg25 : memref<!tpu.dma_semaphore, #tpu.memory_space<semaphore_mem>>)
    %mul3A_11 = arith.constant 10000 : i32
    %mul3A_12 = arith.muli %add3A, %mul3A_11 : i32
    %add3A_13 = arith.constant 0 : i32
    %add3A_14 = arith.addi %mul3A_12, %add3A_13 : i32
    %dma_start3A_15 = arith.constant 1 : i32
    %dma_start3A_16 = arith.constant 0 : i32
    %dma_start3A_17 = arith.constant 0 : i32
    %dma_start3A_18 = tpu.memref_slice %arg12[%dma_start3A_16, %dma_start3A_17] : memref<5x2000xi32, #tpu.memory_space<vmem>> -> memref<1x2000xi32, #tpu.memory_space<vmem>>
    %dma_start3A_19 = tpu.memref_squeeze %dma_start3A_18 : memref<1x2000xi32, #tpu.memory_space<vmem>> -> memref<2000xi32, #tpu.memory_space<vmem>>
    %dma_start3A_20 = tpu.memref_slice %arg2[%dma_start3A_15, %add3A_14] : memref<2x320000xi32, #tpu.memory_space<hbm>> -> memref<1x2000xi32, #tpu.memory_space<hbm>>
    %dma_start3A_21 = tpu.memref_squeeze %dma_start3A_20 : memref<1x2000xi32, #tpu.memory_space<hbm>> -> memref<2000xi32, #tpu.memory_space<hbm>>
    %dma_start3A_22 = arith.constant 0 : i32
    %dma_start3A_23 = tpu.memref_slice %arg12[%dma_start3A_16, %dma_start3A_22] : memref<5x2000xi32, #tpu.memory_space<vmem>> -> memref<1x2000xi32, #tpu.memory_space<vmem>>
    %dma_start3A_24 = tpu.memref_squeeze %dma_start3A_23 : memref<1x2000xi32, #tpu.memory_space<vmem>> -> memref<2000xi32, #tpu.memory_space<vmem>>
    %dma_start3A_25 = tpu.memref_slice %arg2[%dma_start3A_15, %add3A_14] : memref<2x320000xi32, #tpu.memory_space<hbm>> -> memref<1x2000xi32, #tpu.memory_space<hbm>>
    %dma_start3A_26 = tpu.memref_squeeze %dma_start3A_25 : memref<1x2000xi32, #tpu.memory_space<hbm>> -> memref<2000xi32, #tpu.memory_space<hbm>>
    tpu.enqueue_dma source(%dma_start3A_26 : memref<2000xi32, #tpu.memory_space<hbm>>) target(%dma_start3A_24 : memref<2000xi32, #tpu.memory_space<vmem>>) target_semaphore(%arg25 : memref<!tpu.dma_semaphore, #tpu.memory_space<semaphore_mem>>)
    %mul3A_27 = arith.constant 10000 : i32
    %mul3A_28 = arith.muli %add3A, %mul3A_27 : i32
    %add3A_29 = arith.constant 2000 : i32
    %add3A_30 = arith.addi %mul3A_28, %add3A_29 : i32
    %dma_start3A_31 = arith.constant 1 : i32
    %dma_start3A_32 = arith.constant 1 : i32
    %dma_start3A_33 = arith.constant 0 : i32
    %dma_start3A_34 = tpu.memref_slice %arg12[%dma_start3A_32, %dma_start3A_33] : memref<5x2000xi32, #tpu.memory_space<vmem>> -> memref<1x2000xi32, #tpu.memory_space<vmem>>
    %dma_start3A_35 = tpu.memref_squeeze %dma_start3A_34 : memref<1x2000xi32, #tpu.memory_space<vmem>> -> memref<2000xi32, #tpu.memory_space<vmem>>
    %dma_start3A_36 = tpu.memref_slice %arg2[%dma_start3A_31, %add3A_30] : memref<2x320000xi32, #tpu.memory_space<hbm>> -> memref<1x2000xi32, #tpu.memory_space<hbm>>
    %dma_start3A_37 = tpu.memref_squeeze %dma_start3A_36 : memref<1x2000xi32, #tpu.memory_space<hbm>> -> memref<2000xi32, #tpu.memory_space<hbm>>
    %dma_start3A_38 = arith.constant 0 : i32
    %dma_start3A_39 = tpu.memref_slice %arg12[%dma_start3A_32, %dma_start3A_38] : memref<5x2000xi32, #tpu.memory_space<vmem>> -> memref<1x2000xi32, #tpu.memory_space<vmem>>
    %dma_start3A_40 = tpu.memref_squeeze %dma_start3A_39 : memref<1x2000xi32, #tpu.memory_space<vmem>> -> memref<2000xi32, #tpu.memory_space<vmem>>
    %dma_start3A_41 = tpu.memref_slice %arg2[%dma_start3A_31, %add3A_30] : memref<2x320000xi32, #tpu.memory_space<hbm>> -> memref<1x2000xi32, #tpu.memory_space<hbm>>
    %dma_start3A_42 = tpu.memref_squeeze %dma_start3A_41 : memref<1x2000xi32, #tpu.memory_space<hbm>> -> memref<2000xi32, #tpu.memory_space<hbm>>
    tpu.enqueue_dma source(%dma_start3A_42 : memref<2000xi32, #tpu.memory_space<hbm>>) target(%dma_start3A_40 : memref<2000xi32, #tpu.memory_space<vmem>>) target_semaphore(%arg25 : memref<!tpu.dma_semaphore, #tpu.memory_space<semaphore_mem>>)
    %mul3A_43 = arith.constant 10000 : i32
    %mul3A_44 = arith.muli %add3A, %mul3A_43 : i32
    %add3A_45 = arith.constant 4000 : i32
    %add3A_46 = arith.addi %mul3A_44, %add3A_45 : i32
    %dma_start3A_47 = arith.constant 1 : i32
    %dma_start3A_48 = arith.constant 2 : i32
    %dma_start3A_49 = arith.constant 0 : i32
    %dma_start3A_50 = tpu.memref_slice %arg12[%dma_start3A_48, %dma_start3A_49] : memref<5x2000xi32, #tpu.memory_space<vmem>> -> memref<1x2000xi32, #tpu.memory_space<vmem>>
    %dma_start3A_51 = tpu.memref_squeeze %dma_start3A_50 : memref<1x2000xi32, #tpu.memory_space<vmem>> -> memref<2000xi32, #tpu.memory_space<vmem>>
    %dma_start3A_52 = tpu.memref_slice %arg2[%dma_start3A_47, %add3A_46] : memref<2x320000xi32, #tpu.memory_space<hbm>> -> memref<1x2000xi32, #tpu.memory_space<hbm>>
    %dma_start3A_53 = tpu.memref_squeeze %dma_start3A_52 : memref<1x2000xi32, #tpu.memory_space<hbm>> -> memref<2000xi32, #tpu.memory_space<hbm>>
    %dma_start3A_54 = arith.constant 0 : i32
    %dma_start3A_55 = tpu.memref_slice %arg12[%dma_start3A_48, %dma_start3A_54] : memref<5x2000xi32, #tpu.memory_space<vmem>> -> memref<1x2000xi32, #tpu.memory_space<vmem>>
    %dma_start3A_56 = tpu.memref_squeeze %dma_start3A_55 : memref<1x2000xi32, #tpu.memory_space<vmem>> -> memref<2000xi32, #tpu.memory_space<vmem>>
    %dma_start3A_57 = tpu.memref_slice %arg2[%dma_start3A_47, %add3A_46] : memref<2x320000xi32, #tpu.memory_space<hbm>> -> memref<1x2000xi32, #tpu.memory_space<hbm>>
    %dma_start3A_58 = tpu.memref_squeeze %dma_start3A_57 : memref<1x2000xi32, #tpu.memory_space<hbm>> -> memref<2000xi32, #tpu.memory_space<hbm>>
    tpu.enqueue_dma source(%dma_start3A_58 : memref<2000xi32, #tpu.memory_space<hbm>>) target(%dma_start3A_56 : memref<2000xi32, #tpu.memory_space<vmem>>) target_semaphore(%arg25 : memref<!tpu.dma_semaphore, #tpu.memory_space<semaphore_mem>>)
    %mul3A_59 = arith.constant 10000 : i32
    %mul3A_60 = arith.muli %add3A, %mul3A_59 : i32
    %add3A_61 = arith.constant 6000 : i32
    %add3A_62 = arith.addi %mul3A_60, %add3A_61 : i32
    %dma_start3A_63 = arith.constant 1 : i32
    %dma_start3A_64 = arith.constant 3 : i32
    %dma_start3A_65 = arith.constant 0 : i32
    %dma_start3A_66 = tpu.memref_slice %arg12[%dma_start3A_64, %dma_start3A_65] : memref<5x2000xi32, #tpu.memory_space<vmem>> -> memref<1x2000xi32, #tpu.memory_space<vmem>>
    %dma_start3A_67 = tpu.memref_squeeze %dma_start3A_66 : memref<1x2000xi32, #tpu.memory_space<vmem>> -> memref<2000xi32, #tpu.memory_space<vmem>>
    %dma_start3A_68 = tpu.memref_slice %arg2[%dma_start3A_63, %add3A_62] : memref<2x320000xi32, #tpu.memory_space<hbm>> -> memref<1x2000xi32, #tpu.memory_space<hbm>>
    %dma_start3A_69 = tpu.memref_squeeze %dma_start3A_68 : memref<1x2000xi32, #tpu.memory_space<hbm>> -> memref<2000xi32, #tpu.memory_space<hbm>>
    %dma_start3A_70 = arith.constant 0 : i32
    %dma_start3A_71 = tpu.memref_slice %arg12[%dma_start3A_64, %dma_start3A_70] : memref<5x2000xi32, #tpu.memory_space<vmem>> -> memref<1x2000xi32, #tpu.memory_space<vmem>>
    %dma_start3A_72 = tpu.memref_squeeze %dma_start3A_71 : memref<1x2000xi32, #tpu.memory_space<vmem>> -> memref<2000xi32, #tpu.memory_space<vmem>>
    %dma_start3A_73 = tpu.memref_slice %arg2[%dma_start3A_63, %add3A_62] : memref<2x320000xi32, #tpu.memory_space<hbm>> -> memref<1x2000xi32, #tpu.memory_space<hbm>>
    %dma_start3A_74 = tpu.memref_squeeze %dma_start3A_73 : memref<1x2000xi32, #tpu.memory_space<hbm>> -> memref<2000xi32, #tpu.memory_space<hbm>>
    tpu.enqueue_dma source(%dma_start3A_74 : memref<2000xi32, #tpu.memory_space<hbm>>) target(%dma_start3A_72 : memref<2000xi32, #tpu.memory_space<vmem>>) target_semaphore(%arg25 : memref<!tpu.dma_semaphore, #tpu.memory_space<semaphore_mem>>)
    %mul3A_75 = arith.constant 10000 : i32
    %mul3A_76 = arith.muli %add3A, %mul3A_75 : i32
    %add3A_77 = arith.constant 8000 : i32
    %add3A_78 = arith.addi %mul3A_76, %add3A_77 : i32
    %dma_start3A_79 = arith.constant 1 : i32
    %dma_start3A_80 = arith.constant 4 : i32
    %dma_start3A_81 = arith.constant 0 : i32
    %dma_start3A_82 = tpu.memref_slice %arg12[%dma_start3A_80, %dma_start3A_81] : memref<5x2000xi32, #tpu.memory_space<vmem>> -> memref<1x2000xi32, #tpu.memory_space<vmem>>
    %dma_start3A_83 = tpu.memref_squeeze %dma_start3A_82 : memref<1x2000xi32, #tpu.memory_space<vmem>> -> memref<2000xi32, #tpu.memory_space<vmem>>
    %dma_start3A_84 = tpu.memref_slice %arg2[%dma_start3A_79, %add3A_78] : memref<2x320000xi32, #tpu.memory_space<hbm>> -> memref<1x2000xi32, #tpu.memory_space<hbm>>
    %dma_start3A_85 = tpu.memref_squeeze %dma_start3A_84 : memref<1x2000xi32, #tpu.memory_space<hbm>> -> memref<2000xi32, #tpu.memory_space<hbm>>
    %dma_start3A_86 = arith.constant 0 : i32
    %dma_start3A_87 = tpu.memref_slice %arg12[%dma_start3A_80, %dma_start3A_86] : memref<5x2000xi32, #tpu.memory_space<vmem>> -> memref<1x2000xi32, #tpu.memory_space<vmem>>
    %dma_start3A_88 = tpu.memref_squeeze %dma_start3A_87 : memref<1x2000xi32, #tpu.memory_space<vmem>> -> memref<2000xi32, #tpu.memory_space<vmem>>
    %dma_start3A_89 = tpu.memref_slice %arg2[%dma_start3A_79, %add3A_78] : memref<2x320000xi32, #tpu.memory_space<hbm>> -> memref<1x2000xi32, #tpu.memory_space<hbm>>
    %dma_start3A_90 = tpu.memref_squeeze %dma_start3A_89 : memref<1x2000xi32, #tpu.memory_space<hbm>> -> memref<2000xi32, #tpu.memory_space<hbm>>
    tpu.enqueue_dma source(%dma_start3A_90 : memref<2000xi32, #tpu.memory_space<hbm>>) target(%dma_start3A_88 : memref<2000xi32, #tpu.memory_space<vmem>>) target_semaphore(%arg25 : memref<!tpu.dma_semaphore, #tpu.memory_space<semaphore_mem>>)
    %run_scoped3A = arith.constant 0 : i32
    "tpu.region"() ({
      %run_scoped3A_242 = tpu.sem_alloc : memref<!tpu.dma_semaphore, #tpu.memory_space<semaphore_mem>>
      %dma_start3A_243 = arith.constant 0 : i32
      %dma_start3A_244 = tpu.memref_slice %arg3[%run_scoped3A, %mul3A_2, %dma_start3A_243] : memref<2x10240x16xf32, #tpu.memory_space<hbm>> -> memref<1x640x16xf32, #tpu.memory_space<hbm>>
      %dma_start3A_245 = tpu.memref_squeeze %dma_start3A_244 : memref<1x640x16xf32, #tpu.memory_space<hbm>> -> memref<640x16xf32, #tpu.memory_space<hbm>>
      %dma_start3A_246 = arith.constant 0 : i32
      %dma_start3A_247 = tpu.memref_slice %arg3[%run_scoped3A, %mul3A_2, %dma_start3A_246] : memref<2x10240x16xf32, #tpu.memory_space<hbm>> -> memref<1x640x16xf32, #tpu.memory_space<hbm>>
      %dma_start3A_248 = tpu.memref_squeeze %dma_start3A_247 : memref<1x640x16xf32, #tpu.memory_space<hbm>> -> memref<640x16xf32, #tpu.memory_space<hbm>>
      tpu.enqueue_dma source(%dma_start3A_248 : memref<640x16xf32, #tpu.memory_space<hbm>>) target(%arg16 : memref<640x16xf32, #tpu.memory_space<vmem>>) target_semaphore(%run_scoped3A_242 : memref<!tpu.dma_semaphore, #tpu.memory_space<semaphore_mem>>)
      %dma_wait3A_249 = arith.constant 0 : i32
      %dma_wait3A_250 = tpu.memref_slice %arg3[%run_scoped3A, %mul3A_2, %dma_wait3A_249] : memref<2x10240x16xf32, #tpu.memory_space<hbm>> -> memref<1x640x16xf32, #tpu.memory_space<hbm>>
      %dma_wait3A_251 = tpu.memref_squeeze %dma_wait3A_250 : memref<1x640x16xf32, #tpu.memory_space<hbm>> -> memref<640x16xf32, #tpu.memory_space<hbm>>
      %dma_wait3A_252 = arith.constant 0 : i32
      %dma_wait3A_253 = tpu.memref_slice %arg3[%run_scoped3A, %mul3A_2, %dma_wait3A_252] : memref<2x10240x16xf32, #tpu.memory_space<hbm>> -> memref<1x640x16xf32, #tpu.memory_space<hbm>>
      %dma_wait3A_254 = tpu.memref_squeeze %dma_wait3A_253 : memref<1x640x16xf32, #tpu.memory_space<hbm>> -> memref<640x16xf32, #tpu.memory_space<hbm>>
      tpu.wait_dma2 semaphore(%run_scoped3A_242 : memref<!tpu.dma_semaphore, #tpu.memory_space<semaphore_mem>>) src(%dma_wait3A_254 : memref<640x16xf32, #tpu.memory_space<hbm>>) dst(%arg16 : memref<640x16xf32, #tpu.memory_space<vmem>>)
      tpu.yield
    }) : () -> ()
    %run_scoped3A_91 = arith.constant 1 : i32
    "tpu.region"() ({
      %run_scoped3A_242 = tpu.sem_alloc : memref<!tpu.dma_semaphore, #tpu.memory_space<semaphore_mem>>
      %dma_start3A_243 = arith.constant 0 : i32
      %dma_start3A_244 = tpu.memref_slice %arg3[%run_scoped3A_91, %mul3A_2, %dma_start3A_243] : memref<2x10240x16xf32, #tpu.memory_space<hbm>> -> memref<1x640x16xf32, #tpu.memory_space<hbm>>
      %dma_start3A_245 = tpu.memref_squeeze %dma_start3A_244 : memref<1x640x16xf32, #tpu.memory_space<hbm>> -> memref<640x16xf32, #tpu.memory_space<hbm>>
      %dma_start3A_246 = arith.constant 0 : i32
      %dma_start3A_247 = tpu.memref_slice %arg3[%run_scoped3A_91, %mul3A_2, %dma_start3A_246] : memref<2x10240x16xf32, #tpu.memory_space<hbm>> -> memref<1x640x16xf32, #tpu.memory_space<hbm>>
      %dma_start3A_248 = tpu.memref_squeeze %dma_start3A_247 : memref<1x640x16xf32, #tpu.memory_space<hbm>> -> memref<640x16xf32, #tpu.memory_space<hbm>>
      tpu.enqueue_dma source(%dma_start3A_248 : memref<640x16xf32, #tpu.memory_space<hbm>>) target(%arg17 : memref<640x16xf32, #tpu.memory_space<vmem>>) target_semaphore(%run_scoped3A_242 : memref<!tpu.dma_semaphore, #tpu.memory_space<semaphore_mem>>)
      %dma_wait3A_249 = arith.constant 0 : i32
      %dma_wait3A_250 = tpu.memref_slice %arg3[%run_scoped3A_91, %mul3A_2, %dma_wait3A_249] : memref<2x10240x16xf32, #tpu.memory_space<hbm>> -> memref<1x640x16xf32, #tpu.memory_space<hbm>>
      %dma_wait3A_251 = tpu.memref_squeeze %dma_wait3A_250 : memref<1x640x16xf32, #tpu.memory_space<hbm>> -> memref<640x16xf32, #tpu.memory_space<hbm>>
      %dma_wait3A_252 = arith.constant 0 : i32
      %dma_wait3A_253 = tpu.memref_slice %arg3[%run_scoped3A_91, %mul3A_2, %dma_wait3A_252] : memref<2x10240x16xf32, #tpu.memory_space<hbm>> -> memref<1x640x16xf32, #tpu.memory_space<hbm>>
      %dma_wait3A_254 = tpu.memref_squeeze %dma_wait3A_253 : memref<1x640x16xf32, #tpu.memory_space<hbm>> -> memref<640x16xf32, #tpu.memory_space<hbm>>
      tpu.wait_dma2 semaphore(%run_scoped3A_242 : memref<!tpu.dma_semaphore, #tpu.memory_space<semaphore_mem>>) src(%dma_wait3A_254 : memref<640x16xf32, #tpu.memory_space<hbm>>) dst(%arg17 : memref<640x16xf32, #tpu.memory_space<vmem>>)
      tpu.yield
    }) : () -> ()
    "tpu.region"() ({
      %run_scoped3A_242 = tpu.sem_alloc : memref<!tpu.dma_semaphore, #tpu.memory_space<semaphore_mem>>
      %dma_start3A_243 = arith.constant 0 : i32
      %dma_start3A_244 = tpu.memref_slice %arg4[%mul3A_2, %dma_start3A_243] : memref<10240x16xf32, #tpu.memory_space<hbm>> -> memref<640x16xf32, #tpu.memory_space<hbm>>
      %dma_start3A_245 = arith.constant 0 : i32
      %dma_start3A_246 = tpu.memref_slice %arg4[%mul3A_2, %dma_start3A_245] : memref<10240x16xf32, #tpu.memory_space<hbm>> -> memref<640x16xf32, #tpu.memory_space<hbm>>
      tpu.enqueue_dma source(%dma_start3A_246 : memref<640x16xf32, #tpu.memory_space<hbm>>) target(%arg18 : memref<640x16xf32, #tpu.memory_space<vmem>>) target_semaphore(%run_scoped3A_242 : memref<!tpu.dma_semaphore, #tpu.memory_space<semaphore_mem>>)
      %dma_wait3A_247 = arith.constant 0 : i32
      %dma_wait3A_248 = tpu.memref_slice %arg4[%mul3A_2, %dma_wait3A_247] : memref<10240x16xf32, #tpu.memory_space<hbm>> -> memref<640x16xf32, #tpu.memory_space<hbm>>
      %dma_wait3A_249 = arith.constant 0 : i32
      %dma_wait3A_250 = tpu.memref_slice %arg4[%mul3A_2, %dma_wait3A_249] : memref<10240x16xf32, #tpu.memory_space<hbm>> -> memref<640x16xf32, #tpu.memory_space<hbm>>
      tpu.wait_dma2 semaphore(%run_scoped3A_242 : memref<!tpu.dma_semaphore, #tpu.memory_space<semaphore_mem>>) src(%dma_wait3A_250 : memref<640x16xf32, #tpu.memory_space<hbm>>) dst(%arg18 : memref<640x16xf32, #tpu.memory_space<vmem>>)
      tpu.yield
    }) : () -> ()
    %run_scoped3A_92 = arith.constant 0 : i32
    "tpu.region"() ({
      %run_scoped3A_242 = tpu.sem_alloc : memref<!tpu.dma_semaphore, #tpu.memory_space<semaphore_mem>>
      %dma_start3A_243 = tpu.memref_slice %arg5[%run_scoped3A_92, %mul3A_2] : memref<1x10240xf32, #tpu.memory_space<hbm>> -> memref<1x640xf32, #tpu.memory_space<hbm>>
      %dma_start3A_244 = tpu.memref_squeeze %dma_start3A_243 : memref<1x640xf32, #tpu.memory_space<hbm>> -> memref<640xf32, #tpu.memory_space<hbm>>
      %dma_start3A_245 = tpu.memref_slice %arg5[%run_scoped3A_92, %mul3A_2] : memref<1x10240xf32, #tpu.memory_space<hbm>> -> memref<1x640xf32, #tpu.memory_space<hbm>>
      %dma_start3A_246 = tpu.memref_squeeze %dma_start3A_245 : memref<1x640xf32, #tpu.memory_space<hbm>> -> memref<640xf32, #tpu.memory_space<hbm>>
      tpu.enqueue_dma source(%dma_start3A_246 : memref<640xf32, #tpu.memory_space<hbm>>) target(%arg19 : memref<640xf32, #tpu.memory_space<vmem>>) target_semaphore(%run_scoped3A_242 : memref<!tpu.dma_semaphore, #tpu.memory_space<semaphore_mem>>)
      %dma_wait3A_247 = tpu.memref_slice %arg5[%run_scoped3A_92, %mul3A_2] : memref<1x10240xf32, #tpu.memory_space<hbm>> -> memref<1x640xf32, #tpu.memory_space<hbm>>
      %dma_wait3A_248 = tpu.memref_squeeze %dma_wait3A_247 : memref<1x640xf32, #tpu.memory_space<hbm>> -> memref<640xf32, #tpu.memory_space<hbm>>
      %dma_wait3A_249 = tpu.memref_slice %arg5[%run_scoped3A_92, %mul3A_2] : memref<1x10240xf32, #tpu.memory_space<hbm>> -> memref<1x640xf32, #tpu.memory_space<hbm>>
      %dma_wait3A_250 = tpu.memref_squeeze %dma_wait3A_249 : memref<1x640xf32, #tpu.memory_space<hbm>> -> memref<640xf32, #tpu.memory_space<hbm>>
      tpu.wait_dma2 semaphore(%run_scoped3A_242 : memref<!tpu.dma_semaphore, #tpu.memory_space<semaphore_mem>>) src(%dma_wait3A_250 : memref<640xf32, #tpu.memory_space<hbm>>) dst(%arg19 : memref<640xf32, #tpu.memory_space<vmem>>)
      tpu.yield
    }) : () -> ()
    "tpu.region"() ({
      %run_scoped3A_242 = tpu.sem_alloc : memref<!tpu.dma_semaphore, #tpu.memory_space<semaphore_mem>>
      tpu.enqueue_dma source(%arg6 : memref<16xf32, #tpu.memory_space<hbm>>) target(%arg20 : memref<16xf32, #tpu.memory_space<vmem>>) target_semaphore(%run_scoped3A_242 : memref<!tpu.dma_semaphore, #tpu.memory_space<semaphore_mem>>)
      tpu.wait_dma2 semaphore(%run_scoped3A_242 : memref<!tpu.dma_semaphore, #tpu.memory_space<semaphore_mem>>) src(%arg6 : memref<16xf32, #tpu.memory_space<hbm>>) dst(%arg20 : memref<16xf32, #tpu.memory_space<vmem>>)
      tpu.yield
    }) : () -> ()
    "tpu.region"() ({
      %run_scoped3A_242 = tpu.sem_alloc : memref<!tpu.dma_semaphore, #tpu.memory_space<semaphore_mem>>
      tpu.enqueue_dma source(%arg7 : memref<16xf32, #tpu.memory_space<hbm>>) target(%arg21 : memref<16xf32, #tpu.memory_space<vmem>>) target_semaphore(%run_scoped3A_242 : memref<!tpu.dma_semaphore, #tpu.memory_space<semaphore_mem>>)
      tpu.wait_dma2 semaphore(%run_scoped3A_242 : memref<!tpu.dma_semaphore, #tpu.memory_space<semaphore_mem>>) src(%arg7 : memref<16xf32, #tpu.memory_space<hbm>>) dst(%arg21 : memref<16xf32, #tpu.memory_space<vmem>>)
      tpu.yield
    }) : () -> ()
    %get3A = arith.constant 0 : index
    %get3A_93 = tpu.vector_load %arg20[%get3A] {strides = array<i32>} : memref<16xf32, #tpu.memory_space<vmem>>, vector<16xf32>,
    %get3A_94 = arith.constant 0 : index
    %get3A_95 = tpu.vector_load %arg21[%get3A_94] {strides = array<i32>} : memref<16xf32, #tpu.memory_space<vmem>>, vector<16xf32>,
    %parallel_loop3A = arith.constant 0 : i32
    %parallel_loop3A_96 = arith.constant 40 : i32
    %parallel_loop3A_97 = arith.constant 1 : i32
    scf.for %parallel_loop3A_242 = %parallel_loop3A to %parallel_loop3A_96 step %parallel_loop3A_97  : i32 {
      %parallel_loop3A_243 = tpu.iota {dimensions = array<i32: 0>} : vector<16xi32>
      %parallel_loop3A_244 = arith.constant 16 : i32
      %parallel_loop3A_245 = arith.muli %parallel_loop3A_242, %parallel_loop3A_244 : i32
      %parallel_loop3A_246 = vector.broadcast %parallel_loop3A_245 : i32 to vector<16xi32>
      %parallel_loop3A_247 = arith.addi %parallel_loop3A_243, %parallel_loop3A_246 : vector<16xi32>
      %parallel_loop3A_248 = arith.constant 16 : i32
      %parallel_loop3A_249 = arith.muli %parallel_loop3A_242, %parallel_loop3A_248 : i32
      %parallel_loop3A_250 = arith.index_cast %parallel_loop3A_249 : i32 to index
      %parallel_loop3A_251 = tpu.vector_load %arg19[%parallel_loop3A_250] {strides = array<i32>} : memref<640xf32, #tpu.memory_space<vmem>>, vector<16xf32>,
      %parallel_loop3A_252 = arith.constant 0.000000e+00 : f32
      %parallel_loop3A_253 = vector.broadcast %parallel_loop3A_252 : f32 to vector<16xf32>
      %parallel_loop3A_254 = arith.constant 0 : i32
      %parallel_loop3A_255 = vector.broadcast %parallel_loop3A_254 : i32 to vector<16xi32>
      %parallel_loop3A_256 = tpu.vector_load_idx %arg16[%parallel_loop3A_247, %parallel_loop3A_255] : memref<640x16xf32, #tpu.memory_space<vmem>>[vector<16xi32>, vector<16xi32>], vector<16xf32>,
      %parallel_loop3A_257 = tpu.vector_load_idx %arg17[%parallel_loop3A_247, %parallel_loop3A_255] : memref<640x16xf32, #tpu.memory_space<vmem>>[vector<16xi32>, vector<16xi32>], vector<16xf32>,
      %parallel_loop3A_258 = arith.addf %parallel_loop3A_256, %parallel_loop3A_257 : vector<16xf32>
      %parallel_loop3A_259 = tpu.vector_load_idx %arg18[%parallel_loop3A_247, %parallel_loop3A_255] : memref<640x16xf32, #tpu.memory_space<vmem>>[vector<16xi32>, vector<16xi32>], vector<16xf32>,
      %parallel_loop3A_260 = arith.addf %parallel_loop3A_258, %parallel_loop3A_259 : vector<16xf32>
      %parallel_loop3A_261 = arith.mulf %parallel_loop3A_260, %parallel_loop3A_251 : vector<16xf32>
      %parallel_loop3A_262 = vector.extract_strided_slice %get3A_93 {offsets = [0], sizes = [1], strides = [1]} : vector<16xf32> to vector<1xf32>
      %parallel_loop3A_263 = vector.extract %parallel_loop3A_262[0] : f32 from vector<1xf32>
      %parallel_loop3A_264 = vector.broadcast %parallel_loop3A_263 : f32 to vector<16xf32>
      %parallel_loop3A_265 = arith.addf %parallel_loop3A_261, %parallel_loop3A_264 : vector<16xf32>
      %parallel_loop3A_266 = arith.constant 0.000000e+00 : f32
      %parallel_loop3A_267 = vector.broadcast %parallel_loop3A_266 : f32 to vector<16xf32>
      %parallel_loop3A_268 = arith.maximumf %parallel_loop3A_265, %parallel_loop3A_267 : vector<16xf32>
      %parallel_loop3A_269 = vector.extract_strided_slice %get3A_95 {offsets = [0], sizes = [1], strides = [1]} : vector<16xf32> to vector<1xf32>
      %parallel_loop3A_270 = vector.extract %parallel_loop3A_269[0] : f32 from vector<1xf32>
      %parallel_loop3A_271 = vector.broadcast %parallel_loop3A_270 : f32 to vector<16xf32>
      %parallel_loop3A_272 = arith.mulf %parallel_loop3A_268, %parallel_loop3A_271 : vector<16xf32>
      %parallel_loop3A_273 = arith.addf %parallel_loop3A_253, %parallel_loop3A_272 : vector<16xf32>
      %parallel_loop3A_274 = arith.constant 1 : i32
      %parallel_loop3A_275 = vector.broadcast %parallel_loop3A_274 : i32 to vector<16xi32>
      %parallel_loop3A_276 = tpu.vector_load_idx %arg16[%parallel_loop3A_247, %parallel_loop3A_275] : memref<640x16xf32, #tpu.memory_space<vmem>>[vector<16xi32>, vector<16xi32>], vector<16xf32>,
      %parallel_loop3A_277 = tpu.vector_load_idx %arg17[%parallel_loop3A_247, %parallel_loop3A_275] : memref<640x16xf32, #tpu.memory_space<vmem>>[vector<16xi32>, vector<16xi32>], vector<16xf32>,
      %parallel_loop3A_278 = arith.addf %parallel_loop3A_276, %parallel_loop3A_277 : vector<16xf32>
      %parallel_loop3A_279 = tpu.vector_load_idx %arg18[%parallel_loop3A_247, %parallel_loop3A_275] : memref<640x16xf32, #tpu.memory_space<vmem>>[vector<16xi32>, vector<16xi32>], vector<16xf32>,
      %parallel_loop3A_280 = arith.addf %parallel_loop3A_278, %parallel_loop3A_279 : vector<16xf32>
      %parallel_loop3A_281 = arith.mulf %parallel_loop3A_280, %parallel_loop3A_251 : vector<16xf32>
      %parallel_loop3A_282 = vector.extract_strided_slice %get3A_93 {offsets = [1], sizes = [1], strides = [1]} : vector<16xf32> to vector<1xf32>
      %parallel_loop3A_283 = vector.extract %parallel_loop3A_282[0] : f32 from vector<1xf32>
      %parallel_loop3A_284 = vector.broadcast %parallel_loop3A_283 : f32 to vector<16xf32>
      %parallel_loop3A_285 = arith.addf %parallel_loop3A_281, %parallel_loop3A_284 : vector<16xf32>
      %parallel_loop3A_286 = arith.constant 0.000000e+00 : f32
      %parallel_loop3A_287 = vector.broadcast %parallel_loop3A_286 : f32 to vector<16xf32>
      %parallel_loop3A_288 = arith.maximumf %parallel_loop3A_285, %parallel_loop3A_287 : vector<16xf32>
      %parallel_loop3A_289 = vector.extract_strided_slice %get3A_95 {offsets = [1], sizes = [1], strides = [1]} : vector<16xf32> to vector<1xf32>
      %parallel_loop3A_290 = vector.extract %parallel_loop3A_289[0] : f32 from vector<1xf32>
      %parallel_loop3A_291 = vector.broadcast %parallel_loop3A_290 : f32 to vector<16xf32>
      %parallel_loop3A_292 = arith.mulf %parallel_loop3A_288, %parallel_loop3A_291 : vector<16xf32>
      %parallel_loop3A_293 = arith.addf %parallel_loop3A_273, %parallel_loop3A_292 : vector<16xf32>
      %parallel_loop3A_294 = arith.constant 2 : i32
      %parallel_loop3A_295 = vector.broadcast %parallel_loop3A_294 : i32 to vector<16xi32>
      %parallel_loop3A_296 = tpu.vector_load_idx %arg16[%parallel_loop3A_247, %parallel_loop3A_295] : memref<640x16xf32, #tpu.memory_space<vmem>>[vector<16xi32>, vector<16xi32>], vector<16xf32>,
      %parallel_loop3A_297 = tpu.vector_load_idx %arg17[%parallel_loop3A_247, %parallel_loop3A_295] : memref<640x16xf32, #tpu.memory_space<vmem>>[vector<16xi32>, vector<16xi32>], vector<16xf32>,
      %parallel_loop3A_298 = arith.addf %parallel_loop3A_296, %parallel_loop3A_297 : vector<16xf32>
      %parallel_loop3A_299 = tpu.vector_load_idx %arg18[%parallel_loop3A_247, %parallel_loop3A_295] : memref<640x16xf32, #tpu.memory_space<vmem>>[vector<16xi32>, vector<16xi32>], vector<16xf32>,
      %parallel_loop3A_300 = arith.addf %parallel_loop3A_298, %parallel_loop3A_299 : vector<16xf32>
      %parallel_loop3A_301 = arith.mulf %parallel_loop3A_300, %parallel_loop3A_251 : vector<16xf32>
      %parallel_loop3A_302 = vector.extract_strided_slice %get3A_93 {offsets = [2], sizes = [1], strides = [1]} : vector<16xf32> to vector<1xf32>
      %parallel_loop3A_303 = vector.extract %parallel_loop3A_302[0] : f32 from vector<1xf32>
      %parallel_loop3A_304 = vector.broadcast %parallel_loop3A_303 : f32 to vector<16xf32>
      %parallel_loop3A_305 = arith.addf %parallel_loop3A_301, %parallel_loop3A_304 : vector<16xf32>
      %parallel_loop3A_306 = arith.constant 0.000000e+00 : f32
      %parallel_loop3A_307 = vector.broadcast %parallel_loop3A_306 : f32 to vector<16xf32>
      %parallel_loop3A_308 = arith.maximumf %parallel_loop3A_305, %parallel_loop3A_307 : vector<16xf32>
      %parallel_loop3A_309 = vector.extract_strided_slice %get3A_95 {offsets = [2], sizes = [1], strides = [1]} : vector<16xf32> to vector<1xf32>
      %parallel_loop3A_310 = vector.extract %parallel_loop3A_309[0] : f32 from vector<1xf32>
      %parallel_loop3A_311 = vector.broadcast %parallel_loop3A_310 : f32 to vector<16xf32>
      %parallel_loop3A_312 = arith.mulf %parallel_loop3A_308, %parallel_loop3A_311 : vector<16xf32>
      %parallel_loop3A_313 = arith.addf %parallel_loop3A_293, %parallel_loop3A_312 : vector<16xf32>
      %parallel_loop3A_314 = arith.constant 3 : i32
      %parallel_loop3A_315 = vector.broadcast %parallel_loop3A_314 : i32 to vector<16xi32>
      %parallel_loop3A_316 = tpu.vector_load_idx %arg16[%parallel_loop3A_247, %parallel_loop3A_315] : memref<640x16xf32, #tpu.memory_space<vmem>>[vector<16xi32>, vector<16xi32>], vector<16xf32>,
      %parallel_loop3A_317 = tpu.vector_load_idx %arg17[%parallel_loop3A_247, %parallel_loop3A_315] : memref<640x16xf32, #tpu.memory_space<vmem>>[vector<16xi32>, vector<16xi32>], vector<16xf32>,
      %parallel_loop3A_318 = arith.addf %parallel_loop3A_316, %parallel_loop3A_317 : vector<16xf32>
      %parallel_loop3A_319 = tpu.vector_load_idx %arg18[%parallel_loop3A_247, %parallel_loop3A_315] : memref<640x16xf32, #tpu.memory_space<vmem>>[vector<16xi32>, vector<16xi32>], vector<16xf32>,
      %parallel_loop3A_320 = arith.addf %parallel_loop3A_318, %parallel_loop3A_319 : vector<16xf32>
      %parallel_loop3A_321 = arith.mulf %parallel_loop3A_320, %parallel_loop3A_251 : vector<16xf32>
      %parallel_loop3A_322 = vector.extract_strided_slice %get3A_93 {offsets = [3], sizes = [1], strides = [1]} : vector<16xf32> to vector<1xf32>
      %parallel_loop3A_323 = vector.extract %parallel_loop3A_322[0] : f32 from vector<1xf32>
      %parallel_loop3A_324 = vector.broadcast %parallel_loop3A_323 : f32 to vector<16xf32>
      %parallel_loop3A_325 = arith.addf %parallel_loop3A_321, %parallel_loop3A_324 : vector<16xf32>
      %parallel_loop3A_326 = arith.constant 0.000000e+00 : f32
      %parallel_loop3A_327 = vector.broadcast %parallel_loop3A_326 : f32 to vector<16xf32>
      %parallel_loop3A_328 = arith.maximumf %parallel_loop3A_325, %parallel_loop3A_327 : vector<16xf32>
      %parallel_loop3A_329 = vector.extract_strided_slice %get3A_95 {offsets = [3], sizes = [1], strides = [1]} : vector<16xf32> to vector<1xf32>
      %parallel_loop3A_330 = vector.extract %parallel_loop3A_329[0] : f32 from vector<1xf32>
      %parallel_loop3A_331 = vector.broadcast %parallel_loop3A_330 : f32 to vector<16xf32>
      %parallel_loop3A_332 = arith.mulf %parallel_loop3A_328, %parallel_loop3A_331 : vector<16xf32>
      %parallel_loop3A_333 = arith.addf %parallel_loop3A_313, %parallel_loop3A_332 : vector<16xf32>
      %parallel_loop3A_334 = arith.constant 4 : i32
      %parallel_loop3A_335 = vector.broadcast %parallel_loop3A_334 : i32 to vector<16xi32>
      %parallel_loop3A_336 = tpu.vector_load_idx %arg16[%parallel_loop3A_247, %parallel_loop3A_335] : memref<640x16xf32, #tpu.memory_space<vmem>>[vector<16xi32>, vector<16xi32>], vector<16xf32>,
      %parallel_loop3A_337 = tpu.vector_load_idx %arg17[%parallel_loop3A_247, %parallel_loop3A_335] : memref<640x16xf32, #tpu.memory_space<vmem>>[vector<16xi32>, vector<16xi32>], vector<16xf32>,
      %parallel_loop3A_338 = arith.addf %parallel_loop3A_336, %parallel_loop3A_337 : vector<16xf32>
      %parallel_loop3A_339 = tpu.vector_load_idx %arg18[%parallel_loop3A_247, %parallel_loop3A_335] : memref<640x16xf32, #tpu.memory_space<vmem>>[vector<16xi32>, vector<16xi32>], vector<16xf32>,
      %parallel_loop3A_340 = arith.addf %parallel_loop3A_338, %parallel_loop3A_339 : vector<16xf32>
      %parallel_loop3A_341 = arith.mulf %parallel_loop3A_340, %parallel_loop3A_251 : vector<16xf32>
      %parallel_loop3A_342 = vector.extract_strided_slice %get3A_93 {offsets = [4], sizes = [1], strides = [1]} : vector<16xf32> to vector<1xf32>
      %parallel_loop3A_343 = vector.extract %parallel_loop3A_342[0] : f32 from vector<1xf32>
      %parallel_loop3A_344 = vector.broadcast %parallel_loop3A_343 : f32 to vector<16xf32>
      %parallel_loop3A_345 = arith.addf %parallel_loop3A_341, %parallel_loop3A_344 : vector<16xf32>
      %parallel_loop3A_346 = arith.constant 0.000000e+00 : f32
      %parallel_loop3A_347 = vector.broadcast %parallel_loop3A_346 : f32 to vector<16xf32>
      %parallel_loop3A_348 = arith.maximumf %parallel_loop3A_345, %parallel_loop3A_347 : vector<16xf32>
      %parallel_loop3A_349 = vector.extract_strided_slice %get3A_95 {offsets = [4], sizes = [1], strides = [1]} : vector<16xf32> to vector<1xf32>
      %parallel_loop3A_350 = vector.extract %parallel_loop3A_349[0] : f32 from vector<1xf32>
      %parallel_loop3A_351 = vector.broadcast %parallel_loop3A_350 : f32 to vector<16xf32>
      %parallel_loop3A_352 = arith.mulf %parallel_loop3A_348, %parallel_loop3A_351 : vector<16xf32>
      %parallel_loop3A_353 = arith.addf %parallel_loop3A_333, %parallel_loop3A_352 : vector<16xf32>
      %parallel_loop3A_354 = arith.constant 5 : i32
      %parallel_loop3A_355 = vector.broadcast %parallel_loop3A_354 : i32 to vector<16xi32>
      %parallel_loop3A_356 = tpu.vector_load_idx %arg16[%parallel_loop3A_247, %parallel_loop3A_355] : memref<640x16xf32, #tpu.memory_space<vmem>>[vector<16xi32>, vector<16xi32>], vector<16xf32>,
      %parallel_loop3A_357 = tpu.vector_load_idx %arg17[%parallel_loop3A_247, %parallel_loop3A_355] : memref<640x16xf32, #tpu.memory_space<vmem>>[vector<16xi32>, vector<16xi32>], vector<16xf32>,
      %parallel_loop3A_358 = arith.addf %parallel_loop3A_356, %parallel_loop3A_357 : vector<16xf32>
      %parallel_loop3A_359 = tpu.vector_load_idx %arg18[%parallel_loop3A_247, %parallel_loop3A_355] : memref<640x16xf32, #tpu.memory_space<vmem>>[vector<16xi32>, vector<16xi32>], vector<16xf32>,
      %parallel_loop3A_360 = arith.addf %parallel_loop3A_358, %parallel_loop3A_359 : vector<16xf32>
      %parallel_loop3A_361 = arith.mulf %parallel_loop3A_360, %parallel_loop3A_251 : vector<16xf32>
      %parallel_loop3A_362 = vector.extract_strided_slice %get3A_93 {offsets = [5], sizes = [1], strides = [1]} : vector<16xf32> to vector<1xf32>
      %parallel_loop3A_363 = vector.extract %parallel_loop3A_362[0] : f32 from vector<1xf32>
      %parallel_loop3A_364 = vector.broadcast %parallel_loop3A_363 : f32 to vector<16xf32>
      %parallel_loop3A_365 = arith.addf %parallel_loop3A_361, %parallel_loop3A_364 : vector<16xf32>
      %parallel_loop3A_366 = arith.constant 0.000000e+00 : f32
      %parallel_loop3A_367 = vector.broadcast %parallel_loop3A_366 : f32 to vector<16xf32>
      %parallel_loop3A_368 = arith.maximumf %parallel_loop3A_365, %parallel_loop3A_367 : vector<16xf32>
      %parallel_loop3A_369 = vector.extract_strided_slice %get3A_95 {offsets = [5], sizes = [1], strides = [1]} : vector<16xf32> to vector<1xf32>
      %parallel_loop3A_370 = vector.extract %parallel_loop3A_369[0] : f32 from vector<1xf32>
      %parallel_loop3A_371 = vector.broadcast %parallel_loop3A_370 : f32 to vector<16xf32>
      %parallel_loop3A_372 = arith.mulf %parallel_loop3A_368, %parallel_loop3A_371 : vector<16xf32>
      %parallel_loop3A_373 = arith.addf %parallel_loop3A_353, %parallel_loop3A_372 : vector<16xf32>
      %parallel_loop3A_374 = arith.constant 6 : i32
      %parallel_loop3A_375 = vector.broadcast %parallel_loop3A_374 : i32 to vector<16xi32>
      %parallel_loop3A_376 = tpu.vector_load_idx %arg16[%parallel_loop3A_247, %parallel_loop3A_375] : memref<640x16xf32, #tpu.memory_space<vmem>>[vector<16xi32>, vector<16xi32>], vector<16xf32>,
      %parallel_loop3A_377 = tpu.vector_load_idx %arg17[%parallel_loop3A_247, %parallel_loop3A_375] : memref<640x16xf32, #tpu.memory_space<vmem>>[vector<16xi32>, vector<16xi32>], vector<16xf32>,
      %parallel_loop3A_378 = arith.addf %parallel_loop3A_376, %parallel_loop3A_377 : vector<16xf32>
      %parallel_loop3A_379 = tpu.vector_load_idx %arg18[%parallel_loop3A_247, %parallel_loop3A_375] : memref<640x16xf32, #tpu.memory_space<vmem>>[vector<16xi32>, vector<16xi32>], vector<16xf32>,
      %parallel_loop3A_380 = arith.addf %parallel_loop3A_378, %parallel_loop3A_379 : vector<16xf32>
      %parallel_loop3A_381 = arith.mulf %parallel_loop3A_380, %parallel_loop3A_251 : vector<16xf32>
      %parallel_loop3A_382 = vector.extract_strided_slice %get3A_93 {offsets = [6], sizes = [1], strides = [1]} : vector<16xf32> to vector<1xf32>
      %parallel_loop3A_383 = vector.extract %parallel_loop3A_382[0] : f32 from vector<1xf32>
      %parallel_loop3A_384 = vector.broadcast %parallel_loop3A_383 : f32 to vector<16xf32>
      %parallel_loop3A_385 = arith.addf %parallel_loop3A_381, %parallel_loop3A_384 : vector<16xf32>
      %parallel_loop3A_386 = arith.constant 0.000000e+00 : f32
      %parallel_loop3A_387 = vector.broadcast %parallel_loop3A_386 : f32 to vector<16xf32>
      %parallel_loop3A_388 = arith.maximumf %parallel_loop3A_385, %parallel_loop3A_387 : vector<16xf32>
      %parallel_loop3A_389 = vector.extract_strided_slice %get3A_95 {offsets = [6], sizes = [1], strides = [1]} : vector<16xf32> to vector<1xf32>
      %parallel_loop3A_390 = vector.extract %parallel_loop3A_389[0] : f32 from vector<1xf32>
      %parallel_loop3A_391 = vector.broadcast %parallel_loop3A_390 : f32 to vector<16xf32>
      %parallel_loop3A_392 = arith.mulf %parallel_loop3A_388, %parallel_loop3A_391 : vector<16xf32>
      %parallel_loop3A_393 = arith.addf %parallel_loop3A_373, %parallel_loop3A_392 : vector<16xf32>
      %parallel_loop3A_394 = arith.constant 7 : i32
      %parallel_loop3A_395 = vector.broadcast %parallel_loop3A_394 : i32 to vector<16xi32>
      %parallel_loop3A_396 = tpu.vector_load_idx %arg16[%parallel_loop3A_247, %parallel_loop3A_395] : memref<640x16xf32, #tpu.memory_space<vmem>>[vector<16xi32>, vector<16xi32>], vector<16xf32>,
      %parallel_loop3A_397 = tpu.vector_load_idx %arg17[%parallel_loop3A_247, %parallel_loop3A_395] : memref<640x16xf32, #tpu.memory_space<vmem>>[vector<16xi32>, vector<16xi32>], vector<16xf32>,
      %parallel_loop3A_398 = arith.addf %parallel_loop3A_396, %parallel_loop3A_397 : vector<16xf32>
      %parallel_loop3A_399 = tpu.vector_load_idx %arg18[%parallel_loop3A_247, %parallel_loop3A_395] : memref<640x16xf32, #tpu.memory_space<vmem>>[vector<16xi32>, vector<16xi32>], vector<16xf32>,
      %parallel_loop3A_400 = arith.addf %parallel_loop3A_398, %parallel_loop3A_399 : vector<16xf32>
      %parallel_loop3A_401 = arith.mulf %parallel_loop3A_400, %parallel_loop3A_251 : vector<16xf32>
      %parallel_loop3A_402 = vector.extract_strided_slice %get3A_93 {offsets = [7], sizes = [1], strides = [1]} : vector<16xf32> to vector<1xf32>
      %parallel_loop3A_403 = vector.extract %parallel_loop3A_402[0] : f32 from vector<1xf32>
      %parallel_loop3A_404 = vector.broadcast %parallel_loop3A_403 : f32 to vector<16xf32>
      %parallel_loop3A_405 = arith.addf %parallel_loop3A_401, %parallel_loop3A_404 : vector<16xf32>
      %parallel_loop3A_406 = arith.constant 0.000000e+00 : f32
      %parallel_loop3A_407 = vector.broadcast %parallel_loop3A_406 : f32 to vector<16xf32>
      %parallel_loop3A_408 = arith.maximumf %parallel_loop3A_405, %parallel_loop3A_407 : vector<16xf32>
      %parallel_loop3A_409 = vector.extract_strided_slice %get3A_95 {offsets = [7], sizes = [1], strides = [1]} : vector<16xf32> to vector<1xf32>
      %parallel_loop3A_410 = vector.extract %parallel_loop3A_409[0] : f32 from vector<1xf32>
      %parallel_loop3A_411 = vector.broadcast %parallel_loop3A_410 : f32 to vector<16xf32>
      %parallel_loop3A_412 = arith.mulf %parallel_loop3A_408, %parallel_loop3A_411 : vector<16xf32>
      %parallel_loop3A_413 = arith.addf %parallel_loop3A_393, %parallel_loop3A_412 : vector<16xf32>
      %parallel_loop3A_414 = arith.constant 8 : i32
      %parallel_loop3A_415 = vector.broadcast %parallel_loop3A_414 : i32 to vector<16xi32>
      %parallel_loop3A_416 = tpu.vector_load_idx %arg16[%parallel_loop3A_247, %parallel_loop3A_415] : memref<640x16xf32, #tpu.memory_space<vmem>>[vector<16xi32>, vector<16xi32>], vector<16xf32>,
      %parallel_loop3A_417 = tpu.vector_load_idx %arg17[%parallel_loop3A_247, %parallel_loop3A_415] : memref<640x16xf32, #tpu.memory_space<vmem>>[vector<16xi32>, vector<16xi32>], vector<16xf32>,
      %parallel_loop3A_418 = arith.addf %parallel_loop3A_416, %parallel_loop3A_417 : vector<16xf32>
      %parallel_loop3A_419 = tpu.vector_load_idx %arg18[%parallel_loop3A_247, %parallel_loop3A_415] : memref<640x16xf32, #tpu.memory_space<vmem>>[vector<16xi32>, vector<16xi32>], vector<16xf32>,
      %parallel_loop3A_420 = arith.addf %parallel_loop3A_418, %parallel_loop3A_419 : vector<16xf32>
      %parallel_loop3A_421 = arith.mulf %parallel_loop3A_420, %parallel_loop3A_251 : vector<16xf32>
      %parallel_loop3A_422 = vector.extract_strided_slice %get3A_93 {offsets = [8], sizes = [1], strides = [1]} : vector<16xf32> to vector<1xf32>
      %parallel_loop3A_423 = vector.extract %parallel_loop3A_422[0] : f32 from vector<1xf32>
      %parallel_loop3A_424 = vector.broadcast %parallel_loop3A_423 : f32 to vector<16xf32>
      %parallel_loop3A_425 = arith.addf %parallel_loop3A_421, %parallel_loop3A_424 : vector<16xf32>
      %parallel_loop3A_426 = arith.constant 0.000000e+00 : f32
      %parallel_loop3A_427 = vector.broadcast %parallel_loop3A_426 : f32 to vector<16xf32>
      %parallel_loop3A_428 = arith.maximumf %parallel_loop3A_425, %parallel_loop3A_427 : vector<16xf32>
      %parallel_loop3A_429 = vector.extract_strided_slice %get3A_95 {offsets = [8], sizes = [1], strides = [1]} : vector<16xf32> to vector<1xf32>
      %parallel_loop3A_430 = vector.extract %parallel_loop3A_429[0] : f32 from vector<1xf32>
      %parallel_loop3A_431 = vector.broadcast %parallel_loop3A_430 : f32 to vector<16xf32>
      %parallel_loop3A_432 = arith.mulf %parallel_loop3A_428, %parallel_loop3A_431 : vector<16xf32>
      %parallel_loop3A_433 = arith.addf %parallel_loop3A_413, %parallel_loop3A_432 : vector<16xf32>
      %parallel_loop3A_434 = arith.constant 9 : i32
      %parallel_loop3A_435 = vector.broadcast %parallel_loop3A_434 : i32 to vector<16xi32>
      %parallel_loop3A_436 = tpu.vector_load_idx %arg16[%parallel_loop3A_247, %parallel_loop3A_435] : memref<640x16xf32, #tpu.memory_space<vmem>>[vector<16xi32>, vector<16xi32>], vector<16xf32>,
      %parallel_loop3A_437 = tpu.vector_load_idx %arg17[%parallel_loop3A_247, %parallel_loop3A_435] : memref<640x16xf32, #tpu.memory_space<vmem>>[vector<16xi32>, vector<16xi32>], vector<16xf32>,
      %parallel_loop3A_438 = arith.addf %parallel_loop3A_436, %parallel_loop3A_437 : vector<16xf32>
      %parallel_loop3A_439 = tpu.vector_load_idx %arg18[%parallel_loop3A_247, %parallel_loop3A_435] : memref<640x16xf32, #tpu.memory_space<vmem>>[vector<16xi32>, vector<16xi32>], vector<16xf32>,
      %parallel_loop3A_440 = arith.addf %parallel_loop3A_438, %parallel_loop3A_439 : vector<16xf32>
      %parallel_loop3A_441 = arith.mulf %parallel_loop3A_440, %parallel_loop3A_251 : vector<16xf32>
      %parallel_loop3A_442 = vector.extract_strided_slice %get3A_93 {offsets = [9], sizes = [1], strides = [1]} : vector<16xf32> to vector<1xf32>
      %parallel_loop3A_443 = vector.extract %parallel_loop3A_442[0] : f32 from vector<1xf32>
      %parallel_loop3A_444 = vector.broadcast %parallel_loop3A_443 : f32 to vector<16xf32>
      %parallel_loop3A_445 = arith.addf %parallel_loop3A_441, %parallel_loop3A_444 : vector<16xf32>
      %parallel_loop3A_446 = arith.constant 0.000000e+00 : f32
      %parallel_loop3A_447 = vector.broadcast %parallel_loop3A_446 : f32 to vector<16xf32>
      %parallel_loop3A_448 = arith.maximumf %parallel_loop3A_445, %parallel_loop3A_447 : vector<16xf32>
      %parallel_loop3A_449 = vector.extract_strided_slice %get3A_95 {offsets = [9], sizes = [1], strides = [1]} : vector<16xf32> to vector<1xf32>
      %parallel_loop3A_450 = vector.extract %parallel_loop3A_449[0] : f32 from vector<1xf32>
      %parallel_loop3A_451 = vector.broadcast %parallel_loop3A_450 : f32 to vector<16xf32>
      %parallel_loop3A_452 = arith.mulf %parallel_loop3A_448, %parallel_loop3A_451 : vector<16xf32>
      %parallel_loop3A_453 = arith.addf %parallel_loop3A_433, %parallel_loop3A_452 : vector<16xf32>
      %parallel_loop3A_454 = arith.constant 10 : i32
      %parallel_loop3A_455 = vector.broadcast %parallel_loop3A_454 : i32 to vector<16xi32>
      %parallel_loop3A_456 = tpu.vector_load_idx %arg16[%parallel_loop3A_247, %parallel_loop3A_455] : memref<640x16xf32, #tpu.memory_space<vmem>>[vector<16xi32>, vector<16xi32>], vector<16xf32>,
      %parallel_loop3A_457 = tpu.vector_load_idx %arg17[%parallel_loop3A_247, %parallel_loop3A_455] : memref<640x16xf32, #tpu.memory_space<vmem>>[vector<16xi32>, vector<16xi32>], vector<16xf32>,
      %parallel_loop3A_458 = arith.addf %parallel_loop3A_456, %parallel_loop3A_457 : vector<16xf32>
      %parallel_loop3A_459 = tpu.vector_load_idx %arg18[%parallel_loop3A_247, %parallel_loop3A_455] : memref<640x16xf32, #tpu.memory_space<vmem>>[vector<16xi32>, vector<16xi32>], vector<16xf32>,
      %parallel_loop3A_460 = arith.addf %parallel_loop3A_458, %parallel_loop3A_459 : vector<16xf32>
      %parallel_loop3A_461 = arith.mulf %parallel_loop3A_460, %parallel_loop3A_251 : vector<16xf32>
      %parallel_loop3A_462 = vector.extract_strided_slice %get3A_93 {offsets = [10], sizes = [1], strides = [1]} : vector<16xf32> to vector<1xf32>
      %parallel_loop3A_463 = vector.extract %parallel_loop3A_462[0] : f32 from vector<1xf32>
      %parallel_loop3A_464 = vector.broadcast %parallel_loop3A_463 : f32 to vector<16xf32>
      %parallel_loop3A_465 = arith.addf %parallel_loop3A_461, %parallel_loop3A_464 : vector<16xf32>
      %parallel_loop3A_466 = arith.constant 0.000000e+00 : f32
      %parallel_loop3A_467 = vector.broadcast %parallel_loop3A_466 : f32 to vector<16xf32>
      %parallel_loop3A_468 = arith.maximumf %parallel_loop3A_465, %parallel_loop3A_467 : vector<16xf32>
      %parallel_loop3A_469 = vector.extract_strided_slice %get3A_95 {offsets = [10], sizes = [1], strides = [1]} : vector<16xf32> to vector<1xf32>
      %parallel_loop3A_470 = vector.extract %parallel_loop3A_469[0] : f32 from vector<1xf32>
      %parallel_loop3A_471 = vector.broadcast %parallel_loop3A_470 : f32 to vector<16xf32>
      %parallel_loop3A_472 = arith.mulf %parallel_loop3A_468, %parallel_loop3A_471 : vector<16xf32>
      %parallel_loop3A_473 = arith.addf %parallel_loop3A_453, %parallel_loop3A_472 : vector<16xf32>
      %parallel_loop3A_474 = arith.constant 11 : i32
      %parallel_loop3A_475 = vector.broadcast %parallel_loop3A_474 : i32 to vector<16xi32>
      %parallel_loop3A_476 = tpu.vector_load_idx %arg16[%parallel_loop3A_247, %parallel_loop3A_475] : memref<640x16xf32, #tpu.memory_space<vmem>>[vector<16xi32>, vector<16xi32>], vector<16xf32>,
      %parallel_loop3A_477 = tpu.vector_load_idx %arg17[%parallel_loop3A_247, %parallel_loop3A_475] : memref<640x16xf32, #tpu.memory_space<vmem>>[vector<16xi32>, vector<16xi32>], vector<16xf32>,
      %parallel_loop3A_478 = arith.addf %parallel_loop3A_476, %parallel_loop3A_477 : vector<16xf32>
      %parallel_loop3A_479 = tpu.vector_load_idx %arg18[%parallel_loop3A_247, %parallel_loop3A_475] : memref<640x16xf32, #tpu.memory_space<vmem>>[vector<16xi32>, vector<16xi32>], vector<16xf32>,
      %parallel_loop3A_480 = arith.addf %parallel_loop3A_478, %parallel_loop3A_479 : vector<16xf32>
      %parallel_loop3A_481 = arith.mulf %parallel_loop3A_480, %parallel_loop3A_251 : vector<16xf32>
      %parallel_loop3A_482 = vector.extract_strided_slice %get3A_93 {offsets = [11], sizes = [1], strides = [1]} : vector<16xf32> to vector<1xf32>
      %parallel_loop3A_483 = vector.extract %parallel_loop3A_482[0] : f32 from vector<1xf32>
      %parallel_loop3A_484 = vector.broadcast %parallel_loop3A_483 : f32 to vector<16xf32>
      %parallel_loop3A_485 = arith.addf %parallel_loop3A_481, %parallel_loop3A_484 : vector<16xf32>
      %parallel_loop3A_486 = arith.constant 0.000000e+00 : f32
      %parallel_loop3A_487 = vector.broadcast %parallel_loop3A_486 : f32 to vector<16xf32>
      %parallel_loop3A_488 = arith.maximumf %parallel_loop3A_485, %parallel_loop3A_487 : vector<16xf32>
      %parallel_loop3A_489 = vector.extract_strided_slice %get3A_95 {offsets = [11], sizes = [1], strides = [1]} : vector<16xf32> to vector<1xf32>
      %parallel_loop3A_490 = vector.extract %parallel_loop3A_489[0] : f32 from vector<1xf32>
      %parallel_loop3A_491 = vector.broadcast %parallel_loop3A_490 : f32 to vector<16xf32>
      %parallel_loop3A_492 = arith.mulf %parallel_loop3A_488, %parallel_loop3A_491 : vector<16xf32>
      %parallel_loop3A_493 = arith.addf %parallel_loop3A_473, %parallel_loop3A_492 : vector<16xf32>
      %parallel_loop3A_494 = arith.constant 12 : i32
      %parallel_loop3A_495 = vector.broadcast %parallel_loop3A_494 : i32 to vector<16xi32>
      %parallel_loop3A_496 = tpu.vector_load_idx %arg16[%parallel_loop3A_247, %parallel_loop3A_495] : memref<640x16xf32, #tpu.memory_space<vmem>>[vector<16xi32>, vector<16xi32>], vector<16xf32>,
      %parallel_loop3A_497 = tpu.vector_load_idx %arg17[%parallel_loop3A_247, %parallel_loop3A_495] : memref<640x16xf32, #tpu.memory_space<vmem>>[vector<16xi32>, vector<16xi32>], vector<16xf32>,
      %parallel_loop3A_498 = arith.addf %parallel_loop3A_496, %parallel_loop3A_497 : vector<16xf32>
      %parallel_loop3A_499 = tpu.vector_load_idx %arg18[%parallel_loop3A_247, %parallel_loop3A_495] : memref<640x16xf32, #tpu.memory_space<vmem>>[vector<16xi32>, vector<16xi32>], vector<16xf32>,
      %parallel_loop3A_500 = arith.addf %parallel_loop3A_498, %parallel_loop3A_499 : vector<16xf32>
      %parallel_loop3A_501 = arith.mulf %parallel_loop3A_500, %parallel_loop3A_251 : vector<16xf32>
      %parallel_loop3A_502 = vector.extract_strided_slice %get3A_93 {offsets = [12], sizes = [1], strides = [1]} : vector<16xf32> to vector<1xf32>
      %parallel_loop3A_503 = vector.extract %parallel_loop3A_502[0] : f32 from vector<1xf32>
      %parallel_loop3A_504 = vector.broadcast %parallel_loop3A_503 : f32 to vector<16xf32>
      %parallel_loop3A_505 = arith.addf %parallel_loop3A_501, %parallel_loop3A_504 : vector<16xf32>
      %parallel_loop3A_506 = arith.constant 0.000000e+00 : f32
      %parallel_loop3A_507 = vector.broadcast %parallel_loop3A_506 : f32 to vector<16xf32>
      %parallel_loop3A_508 = arith.maximumf %parallel_loop3A_505, %parallel_loop3A_507 : vector<16xf32>
      %parallel_loop3A_509 = vector.extract_strided_slice %get3A_95 {offsets = [12], sizes = [1], strides = [1]} : vector<16xf32> to vector<1xf32>
      %parallel_loop3A_510 = vector.extract %parallel_loop3A_509[0] : f32 from vector<1xf32>
      %parallel_loop3A_511 = vector.broadcast %parallel_loop3A_510 : f32 to vector<16xf32>
      %parallel_loop3A_512 = arith.mulf %parallel_loop3A_508, %parallel_loop3A_511 : vector<16xf32>
      %parallel_loop3A_513 = arith.addf %parallel_loop3A_493, %parallel_loop3A_512 : vector<16xf32>
      %parallel_loop3A_514 = arith.constant 13 : i32
      %parallel_loop3A_515 = vector.broadcast %parallel_loop3A_514 : i32 to vector<16xi32>
      %parallel_loop3A_516 = tpu.vector_load_idx %arg16[%parallel_loop3A_247, %parallel_loop3A_515] : memref<640x16xf32, #tpu.memory_space<vmem>>[vector<16xi32>, vector<16xi32>], vector<16xf32>,
      %parallel_loop3A_517 = tpu.vector_load_idx %arg17[%parallel_loop3A_247, %parallel_loop3A_515] : memref<640x16xf32, #tpu.memory_space<vmem>>[vector<16xi32>, vector<16xi32>], vector<16xf32>,
      %parallel_loop3A_518 = arith.addf %parallel_loop3A_516, %parallel_loop3A_517 : vector<16xf32>
      %parallel_loop3A_519 = tpu.vector_load_idx %arg18[%parallel_loop3A_247, %parallel_loop3A_515] : memref<640x16xf32, #tpu.memory_space<vmem>>[vector<16xi32>, vector<16xi32>], vector<16xf32>,
      %parallel_loop3A_520 = arith.addf %parallel_loop3A_518, %parallel_loop3A_519 : vector<16xf32>
      %parallel_loop3A_521 = arith.mulf %parallel_loop3A_520, %parallel_loop3A_251 : vector<16xf32>
      %parallel_loop3A_522 = vector.extract_strided_slice %get3A_93 {offsets = [13], sizes = [1], strides = [1]} : vector<16xf32> to vector<1xf32>
      %parallel_loop3A_523 = vector.extract %parallel_loop3A_522[0] : f32 from vector<1xf32>
      %parallel_loop3A_524 = vector.broadcast %parallel_loop3A_523 : f32 to vector<16xf32>
      %parallel_loop3A_525 = arith.addf %parallel_loop3A_521, %parallel_loop3A_524 : vector<16xf32>
      %parallel_loop3A_526 = arith.constant 0.000000e+00 : f32
      %parallel_loop3A_527 = vector.broadcast %parallel_loop3A_526 : f32 to vector<16xf32>
      %parallel_loop3A_528 = arith.maximumf %parallel_loop3A_525, %parallel_loop3A_527 : vector<16xf32>
      %parallel_loop3A_529 = vector.extract_strided_slice %get3A_95 {offsets = [13], sizes = [1], strides = [1]} : vector<16xf32> to vector<1xf32>
      %parallel_loop3A_530 = vector.extract %parallel_loop3A_529[0] : f32 from vector<1xf32>
      %parallel_loop3A_531 = vector.broadcast %parallel_loop3A_530 : f32 to vector<16xf32>
      %parallel_loop3A_532 = arith.mulf %parallel_loop3A_528, %parallel_loop3A_531 : vector<16xf32>
      %parallel_loop3A_533 = arith.addf %parallel_loop3A_513, %parallel_loop3A_532 : vector<16xf32>
      %parallel_loop3A_534 = arith.constant 14 : i32
      %parallel_loop3A_535 = vector.broadcast %parallel_loop3A_534 : i32 to vector<16xi32>
      %parallel_loop3A_536 = tpu.vector_load_idx %arg16[%parallel_loop3A_247, %parallel_loop3A_535] : memref<640x16xf32, #tpu.memory_space<vmem>>[vector<16xi32>, vector<16xi32>], vector<16xf32>,
      %parallel_loop3A_537 = tpu.vector_load_idx %arg17[%parallel_loop3A_247, %parallel_loop3A_535] : memref<640x16xf32, #tpu.memory_space<vmem>>[vector<16xi32>, vector<16xi32>], vector<16xf32>,
      %parallel_loop3A_538 = arith.addf %parallel_loop3A_536, %parallel_loop3A_537 : vector<16xf32>
      %parallel_loop3A_539 = tpu.vector_load_idx %arg18[%parallel_loop3A_247, %parallel_loop3A_535] : memref<640x16xf32, #tpu.memory_space<vmem>>[vector<16xi32>, vector<16xi32>], vector<16xf32>,
      %parallel_loop3A_540 = arith.addf %parallel_loop3A_538, %parallel_loop3A_539 : vector<16xf32>
      %parallel_loop3A_541 = arith.mulf %parallel_loop3A_540, %parallel_loop3A_251 : vector<16xf32>
      %parallel_loop3A_542 = vector.extract_strided_slice %get3A_93 {offsets = [14], sizes = [1], strides = [1]} : vector<16xf32> to vector<1xf32>
      %parallel_loop3A_543 = vector.extract %parallel_loop3A_542[0] : f32 from vector<1xf32>
      %parallel_loop3A_544 = vector.broadcast %parallel_loop3A_543 : f32 to vector<16xf32>
      %parallel_loop3A_545 = arith.addf %parallel_loop3A_541, %parallel_loop3A_544 : vector<16xf32>
      %parallel_loop3A_546 = arith.constant 0.000000e+00 : f32
      %parallel_loop3A_547 = vector.broadcast %parallel_loop3A_546 : f32 to vector<16xf32>
      %parallel_loop3A_548 = arith.maximumf %parallel_loop3A_545, %parallel_loop3A_547 : vector<16xf32>
      %parallel_loop3A_549 = vector.extract_strided_slice %get3A_95 {offsets = [14], sizes = [1], strides = [1]} : vector<16xf32> to vector<1xf32>
      %parallel_loop3A_550 = vector.extract %parallel_loop3A_549[0] : f32 from vector<1xf32>
      %parallel_loop3A_551 = vector.broadcast %parallel_loop3A_550 : f32 to vector<16xf32>
      %parallel_loop3A_552 = arith.mulf %parallel_loop3A_548, %parallel_loop3A_551 : vector<16xf32>
      %parallel_loop3A_553 = arith.addf %parallel_loop3A_533, %parallel_loop3A_552 : vector<16xf32>
      %parallel_loop3A_554 = arith.constant 15 : i32
      %parallel_loop3A_555 = vector.broadcast %parallel_loop3A_554 : i32 to vector<16xi32>
      %parallel_loop3A_556 = tpu.vector_load_idx %arg16[%parallel_loop3A_247, %parallel_loop3A_555] : memref<640x16xf32, #tpu.memory_space<vmem>>[vector<16xi32>, vector<16xi32>], vector<16xf32>,
      %parallel_loop3A_557 = tpu.vector_load_idx %arg17[%parallel_loop3A_247, %parallel_loop3A_555] : memref<640x16xf32, #tpu.memory_space<vmem>>[vector<16xi32>, vector<16xi32>], vector<16xf32>,
      %parallel_loop3A_558 = arith.addf %parallel_loop3A_556, %parallel_loop3A_557 : vector<16xf32>
      %parallel_loop3A_559 = tpu.vector_load_idx %arg18[%parallel_loop3A_247, %parallel_loop3A_555] : memref<640x16xf32, #tpu.memory_space<vmem>>[vector<16xi32>, vector<16xi32>], vector<16xf32>,
      %parallel_loop3A_560 = arith.addf %parallel_loop3A_558, %parallel_loop3A_559 : vector<16xf32>
      %parallel_loop3A_561 = arith.mulf %parallel_loop3A_560, %parallel_loop3A_251 : vector<16xf32>
      %parallel_loop3A_562 = vector.extract_strided_slice %get3A_93 {offsets = [15], sizes = [1], strides = [1]} : vector<16xf32> to vector<1xf32>
      %parallel_loop3A_563 = vector.extract %parallel_loop3A_562[0] : f32 from vector<1xf32>
      %parallel_loop3A_564 = vector.broadcast %parallel_loop3A_563 : f32 to vector<16xf32>
      %parallel_loop3A_565 = arith.addf %parallel_loop3A_561, %parallel_loop3A_564 : vector<16xf32>
      %parallel_loop3A_566 = arith.constant 0.000000e+00 : f32
      %parallel_loop3A_567 = vector.broadcast %parallel_loop3A_566 : f32 to vector<16xf32>
      %parallel_loop3A_568 = arith.maximumf %parallel_loop3A_565, %parallel_loop3A_567 : vector<16xf32>
      %parallel_loop3A_569 = vector.extract_strided_slice %get3A_95 {offsets = [15], sizes = [1], strides = [1]} : vector<16xf32> to vector<1xf32>
      %parallel_loop3A_570 = vector.extract %parallel_loop3A_569[0] : f32 from vector<1xf32>
      %parallel_loop3A_571 = vector.broadcast %parallel_loop3A_570 : f32 to vector<16xf32>
      %parallel_loop3A_572 = arith.mulf %parallel_loop3A_568, %parallel_loop3A_571 : vector<16xf32>
      %parallel_loop3A_573 = arith.addf %parallel_loop3A_553, %parallel_loop3A_572 : vector<16xf32>
      %parallel_loop3A_574 = arith.mulf %parallel_loop3A_251, %parallel_loop3A_573 : vector<16xf32>
      %parallel_loop3A_575 = arith.constant 16 : i32
      %parallel_loop3A_576 = arith.muli %parallel_loop3A_242, %parallel_loop3A_575 : i32
      %parallel_loop3A_577 = arith.index_cast %parallel_loop3A_576 : i32 to index
      %parallel_loop3A_578 = tpu.vector_load %arg22[%parallel_loop3A_577] {strides = array<i32>} : memref<640xf32, #tpu.memory_space<vmem>>, vector<16xf32>,
      tpu.vector_store %arg22[%parallel_loop3A_577], %parallel_loop3A_574 {strides = array<i32>} : memref<640xf32, #tpu.memory_space<vmem>>, vector<16xf32>,
    } {sc.loop_unroll_factor = 2 : i64, sc.parallel_access}
    "tpu.region"() ({
      %run_scoped3A_242 = tpu.sem_alloc : memref<!tpu.dma_semaphore, #tpu.memory_space<semaphore_mem>>
      %dma_start3A_243 = tpu.memref_slice %arg24[%mul3A_2] : memref<10240xf32, #tpu.memory_space<vmem_shared>> -> memref<640xf32, #tpu.memory_space<vmem_shared>>
      %dma_start3A_244 = tpu.memref_slice %arg24[%mul3A_2] : memref<10240xf32, #tpu.memory_space<vmem_shared>> -> memref<640xf32, #tpu.memory_space<vmem_shared>>
      tpu.enqueue_dma source(%arg22 : memref<640xf32, #tpu.memory_space<vmem>>) target(%dma_start3A_244 : memref<640xf32, #tpu.memory_space<vmem_shared>>) target_semaphore(%run_scoped3A_242 : memref<!tpu.dma_semaphore, #tpu.memory_space<semaphore_mem>>)
      %dma_wait3A_245 = tpu.memref_slice %arg24[%mul3A_2] : memref<10240xf32, #tpu.memory_space<vmem_shared>> -> memref<640xf32, #tpu.memory_space<vmem_shared>>
      %dma_wait3A_246 = tpu.memref_slice %arg24[%mul3A_2] : memref<10240xf32, #tpu.memory_space<vmem_shared>> -> memref<640xf32, #tpu.memory_space<vmem_shared>>
      tpu.wait_dma2 semaphore(%run_scoped3A_242 : memref<!tpu.dma_semaphore, #tpu.memory_space<semaphore_mem>>) src(%arg22 : memref<640xf32, #tpu.memory_space<vmem>>) dst(%dma_wait3A_246 : memref<640xf32, #tpu.memory_space<vmem_shared>>)
      tpu.yield
    }) : () -> ()
    %eq3A = arith.constant 0 : i32
    %eq3A_98 = arith.cmpi eq, %arg0, %eq3A : i32
    %convert_element_type3A = arith.extui %eq3A_98 : i1 to i32
    %cond3A = arith.constant 0 : i32
    %cond3A_99 = arith.cmpi ne, %convert_element_type3A, %cond3A : i32
    scf.if %cond3A_99 {
      %run_scoped3A_242 = arith.constant 0 : i32
      "tpu.region"() ({
        %run_scoped3A_243 = tpu.sem_alloc : memref<!tpu.dma_semaphore, #tpu.memory_space<semaphore_mem>>
        %dma_start3A_244 = tpu.memref_slice %arg10[%run_scoped3A_242, %mul3A_2] : memref<1x10240xf32, #tpu.memory_space<hbm>> -> memref<1x640xf32, #tpu.memory_space<hbm>>
        %dma_start3A_245 = tpu.memref_squeeze %dma_start3A_244 : memref<1x640xf32, #tpu.memory_space<hbm>> -> memref<640xf32, #tpu.memory_space<hbm>>
        %dma_start3A_246 = tpu.memref_slice %arg10[%run_scoped3A_242, %mul3A_2] : memref<1x10240xf32, #tpu.memory_space<hbm>> -> memref<1x640xf32, #tpu.memory_space<hbm>>
        %dma_start3A_247 = tpu.memref_squeeze %dma_start3A_246 : memref<1x640xf32, #tpu.memory_space<hbm>> -> memref<640xf32, #tpu.memory_space<hbm>>
        tpu.enqueue_dma source(%arg22 : memref<640xf32, #tpu.memory_space<vmem>>) target(%dma_start3A_247 : memref<640xf32, #tpu.memory_space<hbm>>) target_semaphore(%run_scoped3A_243 : memref<!tpu.dma_semaphore, #tpu.memory_space<semaphore_mem>>)
        %dma_wait3A_248 = tpu.memref_slice %arg10[%run_scoped3A_242, %mul3A_2] : memref<1x10240xf32, #tpu.memory_space<hbm>> -> memref<1x640xf32, #tpu.memory_space<hbm>>
        %dma_wait3A_249 = tpu.memref_squeeze %dma_wait3A_248 : memref<1x640xf32, #tpu.memory_space<hbm>> -> memref<640xf32, #tpu.memory_space<hbm>>
        %dma_wait3A_250 = tpu.memref_slice %arg10[%run_scoped3A_242, %mul3A_2] : memref<1x10240xf32, #tpu.memory_space<hbm>> -> memref<1x640xf32, #tpu.memory_space<hbm>>
        %dma_wait3A_251 = tpu.memref_squeeze %dma_wait3A_250 : memref<1x640xf32, #tpu.memory_space<hbm>> -> memref<640xf32, #tpu.memory_space<hbm>>
        tpu.wait_dma2 semaphore(%run_scoped3A_243 : memref<!tpu.dma_semaphore, #tpu.memory_space<semaphore_mem>>) src(%arg22 : memref<640xf32, #tpu.memory_space<vmem>>) dst(%dma_wait3A_251 : memref<640xf32, #tpu.memory_space<hbm>>)
        tpu.yield
      }) : () -> ()
    } else {
    }
    %dma_wait3A = tpu.memref_slice %arg23[%mul3A_2] : memref<10240xf32, #tpu.memory_space<vmem_shared>> -> memref<640xf32, #tpu.memory_space<vmem_shared>>
    %dma_wait3A_100 = tpu.memref_slice %arg8[%mul3A_2] : memref<10240xf32, #tpu.memory_space<hbm>> -> memref<640xf32, #tpu.memory_space<hbm>>
    tpu.wait_dma2 semaphore(%arg25 : memref<!tpu.dma_semaphore, #tpu.memory_space<semaphore_mem>>) src(%dma_wait3A_100 : memref<640xf32, #tpu.memory_space<hbm>>) dst(%dma_wait3A : memref<640xf32, #tpu.memory_space<vmem_shared>>)
    %dma_wait3A_101 = arith.constant 0 : i32
    %dma_wait3A_102 = tpu.memref_slice %arg2[%dma_wait3A_101, %mul3A_5] : memref<2x320000xi32, #tpu.memory_space<hbm>> -> memref<1x10000xi32, #tpu.memory_space<hbm>>
    %dma_wait3A_103 = tpu.memref_squeeze %dma_wait3A_102 : memref<1x10000xi32, #tpu.memory_space<hbm>> -> memref<10000xi32, #tpu.memory_space<hbm>>
    %dma_wait3A_104 = tpu.memref_slice %arg2[%dma_wait3A_101, %mul3A_5] : memref<2x320000xi32, #tpu.memory_space<hbm>> -> memref<1x10000xi32, #tpu.memory_space<hbm>>
    %dma_wait3A_105 = tpu.memref_squeeze %dma_wait3A_104 : memref<1x10000xi32, #tpu.memory_space<hbm>> -> memref<10000xi32, #tpu.memory_space<hbm>>
    tpu.wait_dma2 semaphore(%arg25 : memref<!tpu.dma_semaphore, #tpu.memory_space<semaphore_mem>>) src(%dma_wait3A_105 : memref<10000xi32, #tpu.memory_space<hbm>>) dst(%arg11 : memref<10000xi32, #tpu.memory_space<vmem>>)
    %dma_wait3A_106 = arith.constant 1 : i32
    %dma_wait3A_107 = arith.constant 0 : i32
    %dma_wait3A_108 = arith.constant 0 : i32
    %dma_wait3A_109 = tpu.memref_slice %arg12[%dma_wait3A_107, %dma_wait3A_108] : memref<5x2000xi32, #tpu.memory_space<vmem>> -> memref<1x2000xi32, #tpu.memory_space<vmem>>
    %dma_wait3A_110 = tpu.memref_squeeze %dma_wait3A_109 : memref<1x2000xi32, #tpu.memory_space<vmem>> -> memref<2000xi32, #tpu.memory_space<vmem>>
    %dma_wait3A_111 = tpu.memref_slice %arg2[%dma_wait3A_106, %add3A_14] : memref<2x320000xi32, #tpu.memory_space<hbm>> -> memref<1x2000xi32, #tpu.memory_space<hbm>>
    %dma_wait3A_112 = tpu.memref_squeeze %dma_wait3A_111 : memref<1x2000xi32, #tpu.memory_space<hbm>> -> memref<2000xi32, #tpu.memory_space<hbm>>
    %dma_wait3A_113 = arith.constant 0 : i32
    %dma_wait3A_114 = tpu.memref_slice %arg12[%dma_wait3A_107, %dma_wait3A_113] : memref<5x2000xi32, #tpu.memory_space<vmem>> -> memref<1x2000xi32, #tpu.memory_space<vmem>>
    %dma_wait3A_115 = tpu.memref_squeeze %dma_wait3A_114 : memref<1x2000xi32, #tpu.memory_space<vmem>> -> memref<2000xi32, #tpu.memory_space<vmem>>
    %dma_wait3A_116 = tpu.memref_slice %arg2[%dma_wait3A_106, %add3A_14] : memref<2x320000xi32, #tpu.memory_space<hbm>> -> memref<1x2000xi32, #tpu.memory_space<hbm>>
    %dma_wait3A_117 = tpu.memref_squeeze %dma_wait3A_116 : memref<1x2000xi32, #tpu.memory_space<hbm>> -> memref<2000xi32, #tpu.memory_space<hbm>>
    tpu.wait_dma2 semaphore(%arg25 : memref<!tpu.dma_semaphore, #tpu.memory_space<semaphore_mem>>) src(%dma_wait3A_117 : memref<2000xi32, #tpu.memory_space<hbm>>) dst(%dma_wait3A_115 : memref<2000xi32, #tpu.memory_space<vmem>>)
    %dma_wait3A_118 = arith.constant 1 : i32
    %dma_wait3A_119 = arith.constant 1 : i32
    %dma_wait3A_120 = arith.constant 0 : i32
    %dma_wait3A_121 = tpu.memref_slice %arg12[%dma_wait3A_119, %dma_wait3A_120] : memref<5x2000xi32, #tpu.memory_space<vmem>> -> memref<1x2000xi32, #tpu.memory_space<vmem>>
    %dma_wait3A_122 = tpu.memref_squeeze %dma_wait3A_121 : memref<1x2000xi32, #tpu.memory_space<vmem>> -> memref<2000xi32, #tpu.memory_space<vmem>>
    %dma_wait3A_123 = tpu.memref_slice %arg2[%dma_wait3A_118, %add3A_30] : memref<2x320000xi32, #tpu.memory_space<hbm>> -> memref<1x2000xi32, #tpu.memory_space<hbm>>
    %dma_wait3A_124 = tpu.memref_squeeze %dma_wait3A_123 : memref<1x2000xi32, #tpu.memory_space<hbm>> -> memref<2000xi32, #tpu.memory_space<hbm>>
    %dma_wait3A_125 = arith.constant 0 : i32
    %dma_wait3A_126 = tpu.memref_slice %arg12[%dma_wait3A_119, %dma_wait3A_125] : memref<5x2000xi32, #tpu.memory_space<vmem>> -> memref<1x2000xi32, #tpu.memory_space<vmem>>
    %dma_wait3A_127 = tpu.memref_squeeze %dma_wait3A_126 : memref<1x2000xi32, #tpu.memory_space<vmem>> -> memref<2000xi32, #tpu.memory_space<vmem>>
    %dma_wait3A_128 = tpu.memref_slice %arg2[%dma_wait3A_118, %add3A_30] : memref<2x320000xi32, #tpu.memory_space<hbm>> -> memref<1x2000xi32, #tpu.memory_space<hbm>>
    %dma_wait3A_129 = tpu.memref_squeeze %dma_wait3A_128 : memref<1x2000xi32, #tpu.memory_space<hbm>> -> memref<2000xi32, #tpu.memory_space<hbm>>
    tpu.wait_dma2 semaphore(%arg25 : memref<!tpu.dma_semaphore, #tpu.memory_space<semaphore_mem>>) src(%dma_wait3A_129 : memref<2000xi32, #tpu.memory_space<hbm>>) dst(%dma_wait3A_127 : memref<2000xi32, #tpu.memory_space<vmem>>)
    %dma_wait3A_130 = arith.constant 1 : i32
    %dma_wait3A_131 = arith.constant 2 : i32
    %dma_wait3A_132 = arith.constant 0 : i32
    %dma_wait3A_133 = tpu.memref_slice %arg12[%dma_wait3A_131, %dma_wait3A_132] : memref<5x2000xi32, #tpu.memory_space<vmem>> -> memref<1x2000xi32, #tpu.memory_space<vmem>>
    %dma_wait3A_134 = tpu.memref_squeeze %dma_wait3A_133 : memref<1x2000xi32, #tpu.memory_space<vmem>> -> memref<2000xi32, #tpu.memory_space<vmem>>
    %dma_wait3A_135 = tpu.memref_slice %arg2[%dma_wait3A_130, %add3A_46] : memref<2x320000xi32, #tpu.memory_space<hbm>> -> memref<1x2000xi32, #tpu.memory_space<hbm>>
    %dma_wait3A_136 = tpu.memref_squeeze %dma_wait3A_135 : memref<1x2000xi32, #tpu.memory_space<hbm>> -> memref<2000xi32, #tpu.memory_space<hbm>>
    %dma_wait3A_137 = arith.constant 0 : i32
    %dma_wait3A_138 = tpu.memref_slice %arg12[%dma_wait3A_131, %dma_wait3A_137] : memref<5x2000xi32, #tpu.memory_space<vmem>> -> memref<1x2000xi32, #tpu.memory_space<vmem>>
    %dma_wait3A_139 = tpu.memref_squeeze %dma_wait3A_138 : memref<1x2000xi32, #tpu.memory_space<vmem>> -> memref<2000xi32, #tpu.memory_space<vmem>>
    %dma_wait3A_140 = tpu.memref_slice %arg2[%dma_wait3A_130, %add3A_46] : memref<2x320000xi32, #tpu.memory_space<hbm>> -> memref<1x2000xi32, #tpu.memory_space<hbm>>
    %dma_wait3A_141 = tpu.memref_squeeze %dma_wait3A_140 : memref<1x2000xi32, #tpu.memory_space<hbm>> -> memref<2000xi32, #tpu.memory_space<hbm>>
    tpu.wait_dma2 semaphore(%arg25 : memref<!tpu.dma_semaphore, #tpu.memory_space<semaphore_mem>>) src(%dma_wait3A_141 : memref<2000xi32, #tpu.memory_space<hbm>>) dst(%dma_wait3A_139 : memref<2000xi32, #tpu.memory_space<vmem>>)
    %dma_wait3A_142 = arith.constant 1 : i32
    %dma_wait3A_143 = arith.constant 3 : i32
    %dma_wait3A_144 = arith.constant 0 : i32
    %dma_wait3A_145 = tpu.memref_slice %arg12[%dma_wait3A_143, %dma_wait3A_144] : memref<5x2000xi32, #tpu.memory_space<vmem>> -> memref<1x2000xi32, #tpu.memory_space<vmem>>
    %dma_wait3A_146 = tpu.memref_squeeze %dma_wait3A_145 : memref<1x2000xi32, #tpu.memory_space<vmem>> -> memref<2000xi32, #tpu.memory_space<vmem>>
    %dma_wait3A_147 = tpu.memref_slice %arg2[%dma_wait3A_142, %add3A_62] : memref<2x320000xi32, #tpu.memory_space<hbm>> -> memref<1x2000xi32, #tpu.memory_space<hbm>>
    %dma_wait3A_148 = tpu.memref_squeeze %dma_wait3A_147 : memref<1x2000xi32, #tpu.memory_space<hbm>> -> memref<2000xi32, #tpu.memory_space<hbm>>
    %dma_wait3A_149 = arith.constant 0 : i32
    %dma_wait3A_150 = tpu.memref_slice %arg12[%dma_wait3A_143, %dma_wait3A_149] : memref<5x2000xi32, #tpu.memory_space<vmem>> -> memref<1x2000xi32, #tpu.memory_space<vmem>>
    %dma_wait3A_151 = tpu.memref_squeeze %dma_wait3A_150 : memref<1x2000xi32, #tpu.memory_space<vmem>> -> memref<2000xi32, #tpu.memory_space<vmem>>
    %dma_wait3A_152 = tpu.memref_slice %arg2[%dma_wait3A_142, %add3A_62] : memref<2x320000xi32, #tpu.memory_space<hbm>> -> memref<1x2000xi32, #tpu.memory_space<hbm>>
    %dma_wait3A_153 = tpu.memref_squeeze %dma_wait3A_152 : memref<1x2000xi32, #tpu.memory_space<hbm>> -> memref<2000xi32, #tpu.memory_space<hbm>>
    tpu.wait_dma2 semaphore(%arg25 : memref<!tpu.dma_semaphore, #tpu.memory_space<semaphore_mem>>) src(%dma_wait3A_153 : memref<2000xi32, #tpu.memory_space<hbm>>) dst(%dma_wait3A_151 : memref<2000xi32, #tpu.memory_space<vmem>>)
    %dma_wait3A_154 = arith.constant 1 : i32
    %dma_wait3A_155 = arith.constant 4 : i32
    %dma_wait3A_156 = arith.constant 0 : i32
    %dma_wait3A_157 = tpu.memref_slice %arg12[%dma_wait3A_155, %dma_wait3A_156] : memref<5x2000xi32, #tpu.memory_space<vmem>> -> memref<1x2000xi32, #tpu.memory_space<vmem>>
    %dma_wait3A_158 = tpu.memref_squeeze %dma_wait3A_157 : memref<1x2000xi32, #tpu.memory_space<vmem>> -> memref<2000xi32, #tpu.memory_space<vmem>>
    %dma_wait3A_159 = tpu.memref_slice %arg2[%dma_wait3A_154, %add3A_78] : memref<2x320000xi32, #tpu.memory_space<hbm>> -> memref<1x2000xi32, #tpu.memory_space<hbm>>
    %dma_wait3A_160 = tpu.memref_squeeze %dma_wait3A_159 : memref<1x2000xi32, #tpu.memory_space<hbm>> -> memref<2000xi32, #tpu.memory_space<hbm>>
    %dma_wait3A_161 = arith.constant 0 : i32
    %dma_wait3A_162 = tpu.memref_slice %arg12[%dma_wait3A_155, %dma_wait3A_161] : memref<5x2000xi32, #tpu.memory_space<vmem>> -> memref<1x2000xi32, #tpu.memory_space<vmem>>
    %dma_wait3A_163 = tpu.memref_squeeze %dma_wait3A_162 : memref<1x2000xi32, #tpu.memory_space<vmem>> -> memref<2000xi32, #tpu.memory_space<vmem>>
    %dma_wait3A_164 = tpu.memref_slice %arg2[%dma_wait3A_154, %add3A_78] : memref<2x320000xi32, #tpu.memory_space<hbm>> -> memref<1x2000xi32, #tpu.memory_space<hbm>>
    %dma_wait3A_165 = tpu.memref_squeeze %dma_wait3A_164 : memref<1x2000xi32, #tpu.memory_space<hbm>> -> memref<2000xi32, #tpu.memory_space<hbm>>
    tpu.wait_dma2 semaphore(%arg25 : memref<!tpu.dma_semaphore, #tpu.memory_space<semaphore_mem>>) src(%dma_wait3A_165 : memref<2000xi32, #tpu.memory_space<hbm>>) dst(%dma_wait3A_163 : memref<2000xi32, #tpu.memory_space<vmem>>)
    %barrier3A = arith.constant 0 : index
    tpu.barrier barrier_id(%barrier3A)
    "tpu.region"() ({
      %run_scoped3A_242 = tpu.sem_alloc : memref<!tpu.dma_semaphore, #tpu.memory_space<semaphore_mem>>
      tpu.enqueue_dma source(%arg24 : memref<10240xf32, #tpu.memory_space<vmem_shared>>) target(%arg15 : memref<10240xf32, #tpu.memory_space<vmem>>) target_semaphore(%run_scoped3A_242 : memref<!tpu.dma_semaphore, #tpu.memory_space<semaphore_mem>>)
      tpu.wait_dma2 semaphore(%run_scoped3A_242 : memref<!tpu.dma_semaphore, #tpu.memory_space<semaphore_mem>>) src(%arg24 : memref<10240xf32, #tpu.memory_space<vmem_shared>>) dst(%arg15 : memref<10240xf32, #tpu.memory_space<vmem>>)
      tpu.yield
    }) : () -> ()
    %parallel_loop3A_166 = arith.constant 0 : i32
    %parallel_loop3A_167 = arith.constant 125 : i32
    %parallel_loop3A_168 = arith.constant 1 : i32
    scf.for %parallel_loop3A_242 = %parallel_loop3A_166 to %parallel_loop3A_167 step %parallel_loop3A_168  : i32 {
      %parallel_loop3A_243 = arith.constant 16 : i32
      %parallel_loop3A_244 = arith.muli %parallel_loop3A_242, %parallel_loop3A_243 : i32
      %parallel_loop3A_245 = arith.constant 0 : i32
      %parallel_loop3A_246 = arith.addi %parallel_loop3A_245, %parallel_loop3A_244 : i32
      %parallel_loop3A_247 = arith.index_cast %parallel_loop3A_246 : i32 to index
      %parallel_loop3A_248 = tpu.vector_load %arg11[%parallel_loop3A_247] {strides = array<i32>} : memref<10000xi32, #tpu.memory_space<vmem>>, vector<16xi32>,
      %parallel_loop3A_249 = tpu.vector_load_idx %arg15[%parallel_loop3A_248] : memref<10240xf32, #tpu.memory_space<vmem>>[vector<16xi32>], vector<16xf32>,
      %parallel_loop3A_250 = arith.constant 16 : i32
      %parallel_loop3A_251 = arith.muli %parallel_loop3A_242, %parallel_loop3A_250 : i32
      %parallel_loop3A_252 = arith.index_cast %parallel_loop3A_251 : i32 to index
      %parallel_loop3A_253 = tpu.vector_load %arg13[%parallel_loop3A_252] {strides = array<i32>} : memref<2000xf32, #tpu.memory_space<vmem>>, vector<16xf32>,
      tpu.vector_store %arg13[%parallel_loop3A_252], %parallel_loop3A_249 {strides = array<i32>} : memref<2000xf32, #tpu.memory_space<vmem>>, vector<16xf32>,
    } {sc.loop_unroll_factor = 4 : i64, sc.parallel_access}
    %dma_start3A_169 = arith.constant 0 : i32
    %dma_start3A_170 = arith.constant 0 : i32
    %dma_start3A_171 = tpu.memref_slice %arg12[%dma_start3A_169, %dma_start3A_170] : memref<5x2000xi32, #tpu.memory_space<vmem>> -> memref<1x2000xi32, #tpu.memory_space<vmem>>
    %dma_start3A_172 = tpu.memref_squeeze %dma_start3A_171 : memref<1x2000xi32, #tpu.memory_space<vmem>> -> memref<2000xi32, #tpu.memory_space<vmem>>
    %dma_start3A_173 = arith.constant 0 : i32
    %dma_start3A_174 = tpu.memref_slice %arg23[%dma_start3A_173] : memref<10240xf32, #tpu.memory_space<vmem_shared>> -> memref<10240xf32, #tpu.memory_space<vmem_shared>>
    tpu.enqueue_indirect_dma source(%arg13 : memref<2000xf32, #tpu.memory_space<vmem>>) target(%dma_start3A_174 : memref<10240xf32, #tpu.memory_space<vmem_shared>>) offsets(%dma_start3A_172 : memref<2000xi32, #tpu.memory_space<vmem>>) semaphore(%arg26 : memref<!tpu.dma_semaphore, #tpu.memory_space<semaphore_mem>>) {add = true}
    %parallel_loop3A_175 = arith.constant 0 : i32
    %parallel_loop3A_176 = arith.constant 125 : i32
    %parallel_loop3A_177 = arith.constant 1 : i32
    scf.for %parallel_loop3A_242 = %parallel_loop3A_175 to %parallel_loop3A_176 step %parallel_loop3A_177  : i32 {
      %parallel_loop3A_243 = arith.constant 16 : i32
      %parallel_loop3A_244 = arith.muli %parallel_loop3A_242, %parallel_loop3A_243 : i32
      %parallel_loop3A_245 = arith.constant 2000 : i32
      %parallel_loop3A_246 = arith.addi %parallel_loop3A_245, %parallel_loop3A_244 : i32
      %parallel_loop3A_247 = arith.index_cast %parallel_loop3A_246 : i32 to index
      %parallel_loop3A_248 = tpu.vector_load %arg11[%parallel_loop3A_247] {strides = array<i32>} : memref<10000xi32, #tpu.memory_space<vmem>>, vector<16xi32>,
      %parallel_loop3A_249 = tpu.vector_load_idx %arg15[%parallel_loop3A_248] : memref<10240xf32, #tpu.memory_space<vmem>>[vector<16xi32>], vector<16xf32>,
      %parallel_loop3A_250 = arith.constant 16 : i32
      %parallel_loop3A_251 = arith.muli %parallel_loop3A_242, %parallel_loop3A_250 : i32
      %parallel_loop3A_252 = arith.index_cast %parallel_loop3A_251 : i32 to index
      %parallel_loop3A_253 = tpu.vector_load %arg14[%parallel_loop3A_252] {strides = array<i32>} : memref<2000xf32, #tpu.memory_space<vmem>>, vector<16xf32>,
      tpu.vector_store %arg14[%parallel_loop3A_252], %parallel_loop3A_249 {strides = array<i32>} : memref<2000xf32, #tpu.memory_space<vmem>>, vector<16xf32>,
    } {sc.loop_unroll_factor = 4 : i64, sc.parallel_access}
    %dma_start3A_178 = arith.constant 1 : i32
    %dma_start3A_179 = arith.constant 0 : i32
    %dma_start3A_180 = tpu.memref_slice %arg12[%dma_start3A_178, %dma_start3A_179] : memref<5x2000xi32, #tpu.memory_space<vmem>> -> memref<1x2000xi32, #tpu.memory_space<vmem>>
    %dma_start3A_181 = tpu.memref_squeeze %dma_start3A_180 : memref<1x2000xi32, #tpu.memory_space<vmem>> -> memref<2000xi32, #tpu.memory_space<vmem>>
    %dma_start3A_182 = arith.constant 0 : i32
    %dma_start3A_183 = tpu.memref_slice %arg23[%dma_start3A_182] : memref<10240xf32, #tpu.memory_space<vmem_shared>> -> memref<10240xf32, #tpu.memory_space<vmem_shared>>
    tpu.enqueue_indirect_dma source(%arg14 : memref<2000xf32, #tpu.memory_space<vmem>>) target(%dma_start3A_183 : memref<10240xf32, #tpu.memory_space<vmem_shared>>) offsets(%dma_start3A_181 : memref<2000xi32, #tpu.memory_space<vmem>>) semaphore(%arg27 : memref<!tpu.dma_semaphore, #tpu.memory_space<semaphore_mem>>) {add = true}
    %dma_wait3A_184 = arith.constant 0 : i32
    %dma_wait3A_185 = arith.constant 0 : i32
    %dma_wait3A_186 = tpu.memref_slice %arg12[%dma_wait3A_184, %dma_wait3A_185] : memref<5x2000xi32, #tpu.memory_space<vmem>> -> memref<1x2000xi32, #tpu.memory_space<vmem>>
    %dma_wait3A_187 = tpu.memref_squeeze %dma_wait3A_186 : memref<1x2000xi32, #tpu.memory_space<vmem>> -> memref<2000xi32, #tpu.memory_space<vmem>>
    %dma_wait3A_188 = arith.constant 0 : i32
    %dma_wait3A_189 = tpu.memref_slice %arg23[%dma_wait3A_188] : memref<10240xf32, #tpu.memory_space<vmem_shared>> -> memref<10240xf32, #tpu.memory_space<vmem_shared>>
    tpu.wait_indirect_dma semaphore(%arg26 : memref<!tpu.dma_semaphore, #tpu.memory_space<semaphore_mem>>) src(%arg13 : memref<2000xf32, #tpu.memory_space<vmem>>) dst(%dma_wait3A_189 : memref<10240xf32, #tpu.memory_space<vmem_shared>>)
    %parallel_loop3A_190 = arith.constant 0 : i32
    %parallel_loop3A_191 = arith.constant 125 : i32
    %parallel_loop3A_192 = arith.constant 1 : i32
    scf.for %parallel_loop3A_242 = %parallel_loop3A_190 to %parallel_loop3A_191 step %parallel_loop3A_192  : i32 {
      %parallel_loop3A_243 = arith.constant 16 : i32
      %parallel_loop3A_244 = arith.muli %parallel_loop3A_242, %parallel_loop3A_243 : i32
      %parallel_loop3A_245 = arith.constant 4000 : i32
      %parallel_loop3A_246 = arith.addi %parallel_loop3A_245, %parallel_loop3A_244 : i32
      %parallel_loop3A_247 = arith.index_cast %parallel_loop3A_246 : i32 to index
      %parallel_loop3A_248 = tpu.vector_load %arg11[%parallel_loop3A_247] {strides = array<i32>} : memref<10000xi32, #tpu.memory_space<vmem>>, vector<16xi32>,
      %parallel_loop3A_249 = tpu.vector_load_idx %arg15[%parallel_loop3A_248] : memref<10240xf32, #tpu.memory_space<vmem>>[vector<16xi32>], vector<16xf32>,
      %parallel_loop3A_250 = arith.constant 16 : i32
      %parallel_loop3A_251 = arith.muli %parallel_loop3A_242, %parallel_loop3A_250 : i32
      %parallel_loop3A_252 = arith.index_cast %parallel_loop3A_251 : i32 to index
      %parallel_loop3A_253 = tpu.vector_load %arg13[%parallel_loop3A_252] {strides = array<i32>} : memref<2000xf32, #tpu.memory_space<vmem>>, vector<16xf32>,
      tpu.vector_store %arg13[%parallel_loop3A_252], %parallel_loop3A_249 {strides = array<i32>} : memref<2000xf32, #tpu.memory_space<vmem>>, vector<16xf32>,
    } {sc.loop_unroll_factor = 4 : i64, sc.parallel_access}
    %dma_start3A_193 = arith.constant 2 : i32
    %dma_start3A_194 = arith.constant 0 : i32
    %dma_start3A_195 = tpu.memref_slice %arg12[%dma_start3A_193, %dma_start3A_194] : memref<5x2000xi32, #tpu.memory_space<vmem>> -> memref<1x2000xi32, #tpu.memory_space<vmem>>
    %dma_start3A_196 = tpu.memref_squeeze %dma_start3A_195 : memref<1x2000xi32, #tpu.memory_space<vmem>> -> memref<2000xi32, #tpu.memory_space<vmem>>
    %dma_start3A_197 = arith.constant 0 : i32
    %dma_start3A_198 = tpu.memref_slice %arg23[%dma_start3A_197] : memref<10240xf32, #tpu.memory_space<vmem_shared>> -> memref<10240xf32, #tpu.memory_space<vmem_shared>>
    tpu.enqueue_indirect_dma source(%arg13 : memref<2000xf32, #tpu.memory_space<vmem>>) target(%dma_start3A_198 : memref<10240xf32, #tpu.memory_space<vmem_shared>>) offsets(%dma_start3A_196 : memref<2000xi32, #tpu.memory_space<vmem>>) semaphore(%arg26 : memref<!tpu.dma_semaphore, #tpu.memory_space<semaphore_mem>>) {add = true}
    %dma_wait3A_199 = arith.constant 1 : i32
    %dma_wait3A_200 = arith.constant 0 : i32
    %dma_wait3A_201 = tpu.memref_slice %arg12[%dma_wait3A_199, %dma_wait3A_200] : memref<5x2000xi32, #tpu.memory_space<vmem>> -> memref<1x2000xi32, #tpu.memory_space<vmem>>
    %dma_wait3A_202 = tpu.memref_squeeze %dma_wait3A_201 : memref<1x2000xi32, #tpu.memory_space<vmem>> -> memref<2000xi32, #tpu.memory_space<vmem>>
    %dma_wait3A_203 = arith.constant 0 : i32
    %dma_wait3A_204 = tpu.memref_slice %arg23[%dma_wait3A_203] : memref<10240xf32, #tpu.memory_space<vmem_shared>> -> memref<10240xf32, #tpu.memory_space<vmem_shared>>
    tpu.wait_indirect_dma semaphore(%arg27 : memref<!tpu.dma_semaphore, #tpu.memory_space<semaphore_mem>>) src(%arg14 : memref<2000xf32, #tpu.memory_space<vmem>>) dst(%dma_wait3A_204 : memref<10240xf32, #tpu.memory_space<vmem_shared>>)
    %parallel_loop3A_205 = arith.constant 0 : i32
    %parallel_loop3A_206 = arith.constant 125 : i32
    %parallel_loop3A_207 = arith.constant 1 : i32
    scf.for %parallel_loop3A_242 = %parallel_loop3A_205 to %parallel_loop3A_206 step %parallel_loop3A_207  : i32 {
      %parallel_loop3A_243 = arith.constant 16 : i32
      %parallel_loop3A_244 = arith.muli %parallel_loop3A_242, %parallel_loop3A_243 : i32
      %parallel_loop3A_245 = arith.constant 6000 : i32
      %parallel_loop3A_246 = arith.addi %parallel_loop3A_245, %parallel_loop3A_244 : i32
      %parallel_loop3A_247 = arith.index_cast %parallel_loop3A_246 : i32 to index
      %parallel_loop3A_248 = tpu.vector_load %arg11[%parallel_loop3A_247] {strides = array<i32>} : memref<10000xi32, #tpu.memory_space<vmem>>, vector<16xi32>,
      %parallel_loop3A_249 = tpu.vector_load_idx %arg15[%parallel_loop3A_248] : memref<10240xf32, #tpu.memory_space<vmem>>[vector<16xi32>], vector<16xf32>,
      %parallel_loop3A_250 = arith.constant 16 : i32
      %parallel_loop3A_251 = arith.muli %parallel_loop3A_242, %parallel_loop3A_250 : i32
      %parallel_loop3A_252 = arith.index_cast %parallel_loop3A_251 : i32 to index
      %parallel_loop3A_253 = tpu.vector_load %arg14[%parallel_loop3A_252] {strides = array<i32>} : memref<2000xf32, #tpu.memory_space<vmem>>, vector<16xf32>,
      tpu.vector_store %arg14[%parallel_loop3A_252], %parallel_loop3A_249 {strides = array<i32>} : memref<2000xf32, #tpu.memory_space<vmem>>, vector<16xf32>,
    } {sc.loop_unroll_factor = 4 : i64, sc.parallel_access}
    %dma_start3A_208 = arith.constant 3 : i32
    %dma_start3A_209 = arith.constant 0 : i32
    %dma_start3A_210 = tpu.memref_slice %arg12[%dma_start3A_208, %dma_start3A_209] : memref<5x2000xi32, #tpu.memory_space<vmem>> -> memref<1x2000xi32, #tpu.memory_space<vmem>>
    %dma_start3A_211 = tpu.memref_squeeze %dma_start3A_210 : memref<1x2000xi32, #tpu.memory_space<vmem>> -> memref<2000xi32, #tpu.memory_space<vmem>>
    %dma_start3A_212 = arith.constant 0 : i32
    %dma_start3A_213 = tpu.memref_slice %arg23[%dma_start3A_212] : memref<10240xf32, #tpu.memory_space<vmem_shared>> -> memref<10240xf32, #tpu.memory_space<vmem_shared>>
    tpu.enqueue_indirect_dma source(%arg14 : memref<2000xf32, #tpu.memory_space<vmem>>) target(%dma_start3A_213 : memref<10240xf32, #tpu.memory_space<vmem_shared>>) offsets(%dma_start3A_211 : memref<2000xi32, #tpu.memory_space<vmem>>) semaphore(%arg27 : memref<!tpu.dma_semaphore, #tpu.memory_space<semaphore_mem>>) {add = true}
    %dma_wait3A_214 = arith.constant 2 : i32
    %dma_wait3A_215 = arith.constant 0 : i32
    %dma_wait3A_216 = tpu.memref_slice %arg12[%dma_wait3A_214, %dma_wait3A_215] : memref<5x2000xi32, #tpu.memory_space<vmem>> -> memref<1x2000xi32, #tpu.memory_space<vmem>>
    %dma_wait3A_217 = tpu.memref_squeeze %dma_wait3A_216 : memref<1x2000xi32, #tpu.memory_space<vmem>> -> memref<2000xi32, #tpu.memory_space<vmem>>
    %dma_wait3A_218 = arith.constant 0 : i32
    %dma_wait3A_219 = tpu.memref_slice %arg23[%dma_wait3A_218] : memref<10240xf32, #tpu.memory_space<vmem_shared>> -> memref<10240xf32, #tpu.memory_space<vmem_shared>>
    tpu.wait_indirect_dma semaphore(%arg26 : memref<!tpu.dma_semaphore, #tpu.memory_space<semaphore_mem>>) src(%arg13 : memref<2000xf32, #tpu.memory_space<vmem>>) dst(%dma_wait3A_219 : memref<10240xf32, #tpu.memory_space<vmem_shared>>)
    %parallel_loop3A_220 = arith.constant 0 : i32
    %parallel_loop3A_221 = arith.constant 125 : i32
    %parallel_loop3A_222 = arith.constant 1 : i32
    scf.for %parallel_loop3A_242 = %parallel_loop3A_220 to %parallel_loop3A_221 step %parallel_loop3A_222  : i32 {
      %parallel_loop3A_243 = arith.constant 16 : i32
      %parallel_loop3A_244 = arith.muli %parallel_loop3A_242, %parallel_loop3A_243 : i32
      %parallel_loop3A_245 = arith.constant 8000 : i32
      %parallel_loop3A_246 = arith.addi %parallel_loop3A_245, %parallel_loop3A_244 : i32
      %parallel_loop3A_247 = arith.index_cast %parallel_loop3A_246 : i32 to index
      %parallel_loop3A_248 = tpu.vector_load %arg11[%parallel_loop3A_247] {strides = array<i32>} : memref<10000xi32, #tpu.memory_space<vmem>>, vector<16xi32>,
      %parallel_loop3A_249 = tpu.vector_load_idx %arg15[%parallel_loop3A_248] : memref<10240xf32, #tpu.memory_space<vmem>>[vector<16xi32>], vector<16xf32>,
      %parallel_loop3A_250 = arith.constant 16 : i32
      %parallel_loop3A_251 = arith.muli %parallel_loop3A_242, %parallel_loop3A_250 : i32
      %parallel_loop3A_252 = arith.index_cast %parallel_loop3A_251 : i32 to index
      %parallel_loop3A_253 = tpu.vector_load %arg13[%parallel_loop3A_252] {strides = array<i32>} : memref<2000xf32, #tpu.memory_space<vmem>>, vector<16xf32>,
      tpu.vector_store %arg13[%parallel_loop3A_252], %parallel_loop3A_249 {strides = array<i32>} : memref<2000xf32, #tpu.memory_space<vmem>>, vector<16xf32>,
    } {sc.loop_unroll_factor = 4 : i64, sc.parallel_access}
    %dma_start3A_223 = arith.constant 4 : i32
    %dma_start3A_224 = arith.constant 0 : i32
    %dma_start3A_225 = tpu.memref_slice %arg12[%dma_start3A_223, %dma_start3A_224] : memref<5x2000xi32, #tpu.memory_space<vmem>> -> memref<1x2000xi32, #tpu.memory_space<vmem>>
    %dma_start3A_226 = tpu.memref_squeeze %dma_start3A_225 : memref<1x2000xi32, #tpu.memory_space<vmem>> -> memref<2000xi32, #tpu.memory_space<vmem>>
    %dma_start3A_227 = arith.constant 0 : i32
    %dma_start3A_228 = tpu.memref_slice %arg23[%dma_start3A_227] : memref<10240xf32, #tpu.memory_space<vmem_shared>> -> memref<10240xf32, #tpu.memory_space<vmem_shared>>
    tpu.enqueue_indirect_dma source(%arg13 : memref<2000xf32, #tpu.memory_space<vmem>>) target(%dma_start3A_228 : memref<10240xf32, #tpu.memory_space<vmem_shared>>) offsets(%dma_start3A_226 : memref<2000xi32, #tpu.memory_space<vmem>>) semaphore(%arg26 : memref<!tpu.dma_semaphore, #tpu.memory_space<semaphore_mem>>) {add = true}
    %dma_wait3A_229 = arith.constant 3 : i32
    %dma_wait3A_230 = arith.constant 0 : i32
    %dma_wait3A_231 = tpu.memref_slice %arg12[%dma_wait3A_229, %dma_wait3A_230] : memref<5x2000xi32, #tpu.memory_space<vmem>> -> memref<1x2000xi32, #tpu.memory_space<vmem>>
    %dma_wait3A_232 = tpu.memref_squeeze %dma_wait3A_231 : memref<1x2000xi32, #tpu.memory_space<vmem>> -> memref<2000xi32, #tpu.memory_space<vmem>>
    %dma_wait3A_233 = arith.constant 0 : i32
    %dma_wait3A_234 = tpu.memref_slice %arg23[%dma_wait3A_233] : memref<10240xf32, #tpu.memory_space<vmem_shared>> -> memref<10240xf32, #tpu.memory_space<vmem_shared>>
    tpu.wait_indirect_dma semaphore(%arg27 : memref<!tpu.dma_semaphore, #tpu.memory_space<semaphore_mem>>) src(%arg14 : memref<2000xf32, #tpu.memory_space<vmem>>) dst(%dma_wait3A_234 : memref<10240xf32, #tpu.memory_space<vmem_shared>>)
    %dma_wait3A_235 = arith.constant 4 : i32
    %dma_wait3A_236 = arith.constant 0 : i32
    %dma_wait3A_237 = tpu.memref_slice %arg12[%dma_wait3A_235, %dma_wait3A_236] : memref<5x2000xi32, #tpu.memory_space<vmem>> -> memref<1x2000xi32, #tpu.memory_space<vmem>>
    %dma_wait3A_238 = tpu.memref_squeeze %dma_wait3A_237 : memref<1x2000xi32, #tpu.memory_space<vmem>> -> memref<2000xi32, #tpu.memory_space<vmem>>
    %dma_wait3A_239 = arith.constant 0 : i32
    %dma_wait3A_240 = tpu.memref_slice %arg23[%dma_wait3A_239] : memref<10240xf32, #tpu.memory_space<vmem_shared>> -> memref<10240xf32, #tpu.memory_space<vmem_shared>>
    tpu.wait_indirect_dma semaphore(%arg26 : memref<!tpu.dma_semaphore, #tpu.memory_space<semaphore_mem>>) src(%arg13 : memref<2000xf32, #tpu.memory_space<vmem>>) dst(%dma_wait3A_240 : memref<10240xf32, #tpu.memory_space<vmem_shared>>)
    %barrier3A_241 = arith.constant 0 : index
    tpu.barrier barrier_id(%barrier3A_241)
    "tpu.region"() ({
      %run_scoped3A_242 = tpu.sem_alloc : memref<!tpu.dma_semaphore, #tpu.memory_space<semaphore_mem>>
      %dma_start3A_243 = tpu.memref_slice %arg9[%arg0, %mul3A_2] : memref<2x10240xf32, #tpu.memory_space<hbm>> -> memref<1x640xf32, #tpu.memory_space<hbm>>
      %dma_start3A_244 = tpu.memref_squeeze %dma_start3A_243 : memref<1x640xf32, #tpu.memory_space<hbm>> -> memref<640xf32, #tpu.memory_space<hbm>>
      %dma_start3A_245 = tpu.memref_slice %arg23[%mul3A_2] : memref<10240xf32, #tpu.memory_space<vmem_shared>> -> memref<640xf32, #tpu.memory_space<vmem_shared>>
      tpu.enqueue_dma source(%dma_start3A_245 : memref<640xf32, #tpu.memory_space<vmem_shared>>) target(%dma_start3A_244 : memref<640xf32, #tpu.memory_space<hbm>>) target_semaphore(%run_scoped3A_242 : memref<!tpu.dma_semaphore, #tpu.memory_space<semaphore_mem>>)
      %dma_wait3A_246 = tpu.memref_slice %arg9[%arg0, %mul3A_2] : memref<2x10240xf32, #tpu.memory_space<hbm>> -> memref<1x640xf32, #tpu.memory_space<hbm>>
      %dma_wait3A_247 = tpu.memref_squeeze %dma_wait3A_246 : memref<1x640xf32, #tpu.memory_space<hbm>> -> memref<640xf32, #tpu.memory_space<hbm>>
      %dma_wait3A_248 = tpu.memref_slice %arg23[%mul3A_2] : memref<10240xf32, #tpu.memory_space<vmem_shared>> -> memref<640xf32, #tpu.memory_space<vmem_shared>>
      tpu.wait_dma2 semaphore(%run_scoped3A_242 : memref<!tpu.dma_semaphore, #tpu.memory_space<semaphore_mem>>) src(%dma_wait3A_248 : memref<640xf32, #tpu.memory_space<vmem_shared>>) dst(%dma_wait3A_247 : memref<640xf32, #tpu.memory_space<hbm>>)
      tpu.yield
    }) : () -> ()
    return
  }
}

module attributes {stable_mosaic.version = 14 : i64} {
  func.func @_tc_mm_body(%arg0: memref<10000x128xf32, #tpu.memory_space<vmem>>, %arg1: memref<128x16xf32, #tpu.memory_space<vmem>>, %arg2: memref<16x10000xf32, #tpu.memory_space<vmem>>) attributes {dimension_semantics = [], scalar_prefetch = 0 : i64, scratch_operands = 0 : i64, tpu.core_type = #tpu.core_type<tc>} {
    %get3A = arith.constant 0 : index
    %get3A_0 = arith.constant 0 : index
    %get3A_1 = vector.load %arg1[%get3A, %get3A_0] : memref<128x16xf32, #tpu.memory_space<vmem>>, vector<128x16xf32>
    %get3A_2 = arith.constant 0 : index
    %get3A_3 = arith.constant 0 : index
    %get3A_4 = vector.load %arg0[%get3A_2, %get3A_3] : memref<10000x128xf32, #tpu.memory_space<vmem>>, vector<10000x128xf32>
    %dot_general3A = arith.constant dense<0.000000e+00> : vector<16x10000xf32>
    %dot_general3A_5 = tpu.matmul %get3A_1, %get3A_4, %dot_general3A {dimension_numbers = #tpu.dot_dimension_numbers<[0], [1], [1], [0], [0, 1, 1, 0], [], []>, transpose_lhs_hint = false} : vector<128x16xf32>, vector<10000x128xf32>, vector<16x10000xf32> -> vector<16x10000xf32>
    %swap3A = arith.constant 0 : index
    %swap3A_6 = arith.constant 0 : index
    %swap3A_7 = vector.load %arg2[%swap3A, %swap3A_6] : memref<16x10000xf32, #tpu.memory_space<vmem>>, vector<16x10000xf32>
    tpu.vector_store %arg2[%swap3A, %swap3A_6], %dot_general3A_5 {strides = array<i32>} : memref<16x10000xf32, #tpu.memory_space<vmem>>, vector<16x10000xf32>,
    return
  }
}

module attributes {stable_mosaic.version = 14 : i64} {
  func.func @_tc_final_body(%arg0: memref<2x10240xf32, #tpu.memory_space<vmem>>, %arg1: memref<1x10240xf32, #tpu.memory_space<vmem>>, %arg2: memref<1x10240xf32, #tpu.memory_space<vmem>>, %arg3: memref<1x1xf32, #tpu.memory_space<vmem>>, %arg4: memref<1x10240xf32, #tpu.memory_space<vmem>>) attributes {dimension_semantics = [], scalar_prefetch = 0 : i64, scratch_operands = 0 : i64, tpu.core_type = #tpu.core_type<tc>} {
    %get3A = arith.constant 0 : index
    %get3A_0 = arith.constant 0 : index
    %get3A_1 = vector.load %arg0[%get3A, %get3A_0] : memref<2x10240xf32, #tpu.memory_space<vmem>>, vector<1x10240xf32>
    %get3A_2 = arith.constant 1 : index
    %get3A_3 = arith.constant 0 : index
    %get3A_4 = vector.load %arg0[%get3A_2, %get3A_3] : memref<2x10240xf32, #tpu.memory_space<vmem>>, vector<1x10240xf32>
    %add3A = arith.addf %get3A_1, %get3A_4 : vector<1x10240xf32>
    %get3A_5 = arith.constant 0 : index
    %get3A_6 = arith.constant 0 : index
    %get3A_7 = vector.load %arg1[%get3A_5, %get3A_6] : memref<1x10240xf32, #tpu.memory_space<vmem>>, vector<1x10240xf32>
    %add3A_8 = arith.addf %add3A, %get3A_7 : vector<1x10240xf32>
    %get3A_9 = arith.constant 0 : index
    %get3A_10 = arith.constant 0 : index
    %get3A_11 = vector.load %arg2[%get3A_9, %get3A_10] : memref<1x10240xf32, #tpu.memory_space<vmem>>, vector<1x10240xf32>
    %mul3A = arith.mulf %get3A_11, %add3A_8 : vector<1x10240xf32>
    %get3A_12 = arith.constant 0 : index
    %get3A_13 = arith.constant 0 : index
    %get3A_14 = vector.load %arg3[%get3A_12, %get3A_13] : memref<1x1xf32, #tpu.memory_space<vmem>>, vector<1x1xf32>
    %add3A_15 = vector.broadcast %get3A_14 : vector<1x1xf32> to vector<1x10240xf32>
    %add3A_16 = arith.addf %mul3A, %add3A_15 : vector<1x10240xf32>
    %swap3A = arith.constant 0 : index
    %swap3A_17 = arith.constant 0 : index
    %swap3A_18 = vector.load %arg4[%swap3A, %swap3A_17] : memref<1x10240xf32, #tpu.memory_space<vmem>>, vector<1x10240xf32>
    tpu.vector_store %arg4[%swap3A, %swap3A_17], %add3A_16 {strides = array<i32>} : memref<1x10240xf32, #tpu.memory_space<vmem>>, vector<1x10240xf32>,
    return
  }
}

</mosaic_0001>

<sc_bundles>
// kernel: kernel.10.cloned.1.call-start
scs
__scs_entry_jumppad:
0x0: {  	(pc) =	sbr.rel $0x88, $3  }
0x1: {  	(tag) =	ssettag $0x0;
	lr =	simm.s32 $0x1  }
0x2: {  	[smem:$0x3F9B] =	sst lr;
	_ =	strace $0xD0000000  }
0x3: {  	_ = 	snop  }
0x4: {  	_ = 	snop  }
0x5: {  	_ = 	snop  }
0x6: {  	_ = 	snop  }
0x7: {  	_ = 	snop  }
__scs_overlays_trampoline_lowered:
0x8: {  	[smem:$0x3FAA] =	sst s0  }
0x9: {  	[smem:$0x3FAB] =	sst s1  }
0xa: {  	[smem:$0x3FAC] =	sst s2  }
0xb: {  	[smem:$0x3FAD] =	sst s3  }
0xc: {  	[smem:$0x3FAE] =	sst s4  }
0xd: {  	[smem:$0x3FAF] =	sst s5  }
0xe: {  	[smem:$0x3FB0] =	sst s6  }
0xf: {  	[smem:$0x3FB1] =	sst s7  }
0x10: {  	[smem:$0x3FB2] =	sst s8  }
0x11: {  	[smem:$0x3FB3] =	sst s9;
	s0 =	simm.s32 @!p0 $0x0  }
0x12: {  	s1 =	sld [smem:$0x3F99];
	s0 =	simm.s32 @p0 $0x1  }
0x13: {  	[smem:$0x3FB4] =	sst s0;
	s0 =	simm.s32 @!p1 $0x0  }
0x14: {  	s2 =	sld [smem:$0x3F98];
	s0 =	simm.s32 @p1 $0x1  }
0x15: {  	[smem:$0x3FB5] =	sst s0;
	s0 =	simm.s32 @!p2 $0x0  }
0x16: {  	s3 =	sld [smem:$0x3FDB];
	s0 =	simm.s32 @p2 $0x1  }
0x17: {  	s4 =	simm.s32 $0x1BF5;
	[smem:$0x3FB7] =	sst s0  }
0x18: {  	s0 =	sld [smem:$0x3F9A];
	_ =	swait.ge [sflag:s4], $0x0  }
0x19: {  	s7 =	sld [smem:$0x3F9B]  }
0x1a: {  	s8 =	sadd.s32 $0xFFFFE003, lr  }
0x1b: {  	s9 =	sadd.s32 $0xFFFFFEF7, lr;
	s5 =	simm.s32 $0xFFFFFFFF;
	p2 =	slt.u32 s8, $0xFFFFF086  }
0x1c: {  	p1 =	slt.u32 s9, $0xF7A;
	s5 =	simm.s32 @!p2 $0x0  }
0x1d: {  	s5 =	simm.s32 @p1 $0x1;
	p0 =	seq.s32 s7, s2  }
0x1e: {  	s7 =	smul.u32 @!p0 $0xF7A, s2;
	p2 =	seq.s32 @!p0 s5, $0x0  }
0x1f: {  	s9 =	smul.u32 $0xF7A, s1;
	s8 =	simm.s32 @!p0 $0x1BF5;
	p2 =	por !p2, p0  }
0x20: {  	[sflag:s8] =	ssyncset.s32 @!p0 $0xFFFFF086;
	s6 =	sadd.s32 @!p0 s3, s7;
	s7 =	simm.s32 @!p0 $0x108  }
0x21: {  	s3 =	sadd.s32 s3, s9;
	s6 =	sadd.s32 @!p0 $0x88, s6;
	s7 =	simm.s32 @p2 $0x1082  }
0x22: {  	[simem:s7], [sflag:s8] =	dma.local @!p0 [hbm:s6], $0xF7A  }
0x23: {  	s9 =	sor.u32 $0xD0000000, s2;
	s6 =	simm.s32 $0x108;
	_ =	swait.ge @!p0 [sflag:s8], $0x0  }
0x24: {  	s3 =	sadd.s32 $0x88, s3;
	s6 =	simm.s32 @!p1 $0x1082;
	[sflag:s4] =	ssyncset.s32 $0xFFFFF086  }
0x25: {  	[simem:s6], [sflag:s4] =	dma.local [hbm:s3], $0xF7A  }
0x26: {  	[smem:$0x3F9B] =	sst s1;
	(tag) =	ssettag s2;
	_ =	strace s9  }
0x27: {  	s1 =	sld [smem:$0x3FAB]  }
0x28: {  	s2 =	sld [smem:$0x3FAC]  }
0x29: {  	s4 =	sld [smem:$0x3FAE]  }
0x2a: {  	p0 =	seq.s32 s5, $0x0;
	s5 =	sld [smem:$0x3FAF]  }
0x2b: {  	s6 =	sld [smem:$0x3FB0]  }
0x2c: {  	s7 =	sld [smem:$0x3FB1]  }
0x2d: {  	s3 =	simm.s32 $0x108;
	s8 =	sld [smem:$0x3FB2]  }
0x2e: {  	s3 =	simm.s32 @!p0 $0x1082;
	s9 =	sld [smem:$0x3FB3]  }
0x2f: {  	lr =	sadd.s32 s0, s3;
	s0 =	sld [smem:$0x3FAA]  }
0x30: {  	s3 =	sld [smem:$0x3FAD]  }
0x31: {  	[smem:$0x3FB6] =	sst s10  }
0x32: {  	s10 =	sld [smem:$0x3FB4];
	_ =	sdelay $0x3  }
0x33: {  	p0 =	seq.s32 s10, $0x1;
	s10 =	sld [smem:$0x3FB6];
	_ =	sdelay $0x3  }
0x34: {  	[smem:$0x3FB6] =	sst s10  }
0x35: {  	s10 =	sld [smem:$0x3FB5];
	_ =	sdelay $0x3  }
0x36: {  	p1 =	seq.s32 s10, $0x1;
	s10 =	sld [smem:$0x3FB6];
	_ =	sdelay $0x3  }
0x37: {  	[smem:$0x3FB6] =	sst s10  }
0x38: {  	s10 =	sld [smem:$0x3FB7]  }
0x39: {  	_ = 	snop;
	(pc) =	sbr.ind lr, $3  }
0x3a: {  	_ = 	snop  }
0x3b: {  	_ = 	snop  }
0x3c: {  	p2 =	seq.s32 s10, $0x1;
	s10 =	sld [smem:$0x3FB6]  }
0x3d: {  	_ =	shalt  }
0x3e: {  	_ =	shalt  }
0x3f: {  	_ =	shalt  }
0x40: {  	_ =	shalt  }
0x41: {  	_ =	shalt  }
0x42: {  	_ =	shalt  }
0x43: {  	_ =	shalt  }
0x44: {  	_ =	shalt  }
0x45: {  	_ =	shalt  }
0x46: {  	_ =	shalt  }
0x47: {  	_ =	shalt  }
0x48: {  	_ =	shalt  }
0x49: {  	_ =	shalt  }
0x4a: {  	_ =	shalt  }
0x4b: {  	_ =	shalt  }
0x4c: {  	_ =	shalt  }
0x4d: {  	_ =	shalt  }
0x4e: {  	_ =	shalt  }
0x4f: {  	_ =	shalt  }
0x50: {  	_ =	shalt  }
0x51: {  	_ =	shalt  }
0x52: {  	_ =	shalt  }
0x53: {  	_ =	shalt  }
0x54: {  	_ =	shalt  }
0x55: {  	_ =	shalt  }
0x56: {  	_ =	shalt  }
0x57: {  	_ =	shalt  }
0x58: {  	_ =	shalt  }
0x59: {  	_ =	shalt  }
0x5a: {  	_ =	shalt  }
0x5b: {  	_ =	shalt  }
0x5c: {  	_ =	shalt  }
0x5d: {  	_ =	shalt  }
0x5e: {  	_ =	shalt  }
0x5f: {  	_ =	shalt  }
0x60: {  	_ =	shalt  }
0x61: {  	_ =	shalt  }
0x62: {  	_ =	shalt  }
0x63: {  	_ =	shalt  }
0x64: {  	_ =	shalt  }
0x65: {  	_ =	shalt  }
0x66: {  	_ =	shalt  }
0x67: {  	_ =	shalt  }
0x68: {  	_ =	shalt  }
0x69: {  	_ =	shalt  }
0x6a: {  	_ =	shalt  }
0x6b: {  	_ =	shalt  }
0x6c: {  	_ =	shalt  }
0x6d: {  	_ =	shalt  }
0x6e: {  	_ =	shalt  }
0x6f: {  	_ =	shalt  }
0x70: {  	_ =	shalt  }
0x71: {  	_ =	shalt  }
0x72: {  	_ =	shalt  }
0x73: {  	_ =	shalt  }
0x74: {  	_ =	shalt  }
0x75: {  	_ =	shalt  }
0x76: {  	_ =	shalt  }
0x77: {  	_ =	shalt  }
0x78: {  	_ =	shalt  }
0x79: {  	_ =	shalt  }
0x7a: {  	_ =	shalt  }
0x7b: {  	_ =	shalt  }
0x7c: {  	_ =	shalt  }
0x7d: {  	_ =	shalt  }
0x7e: {  	_ =	shalt  }
0x7f: {  	_ =	shalt  }
0x80: {  	_ =	shalt  }
0x81: {  	_ =	shalt  }
0x82: {  	_ =	shalt  }
0x83: {  	_ =	shalt  }
0x84: {  	_ =	shalt  }
0x85: {  	_ =	shalt  }
0x86: {  	_ =	shalt  }
0x87: {  	_ =	shalt  }
.Lfunc_end0:
.L_simem_size_0:
called_computation.1_lowered:
.L_overlay_start_0:
0x88: {  	s2 =	sld [smem:$0x3FD9]  }
0x89: {  	s3 =	sld [smem:$0x3FFE];
	_ =	sdelay $0x1  }
0x8a: {  	s1 =	srdreg.scid  }
0x8b: {  	s0 =	sand.u32 $0x1, s1  }
0x8c: {  	s16 =	sshll.u32 s0, $0xA;
	s2 =	sadd.s32 s3, s2  }
0x8d: {  	s2 =	sadd.s32 s2, s16  }
0x8e: {  	[smem:$0x3FC2] =	sst s2  }
0x8f: {  	_ = 	snop  }
0x90: {  	(tm) =	ssettm $0x1  }
0x91: {  	s17 =	sld [smem:$0x3FFB];
	_ =	sdelay $0x3  }
0x92: {  	_ =	strace s17  }
0x93: {  	s2 =	sld [smem:$0x3FFC];
	_ =	sdelay $0x3  }
0x94: {  	_ =	strace s2  }
0x95: {  	s2 =	sld [smem:$0x3FFD];
	_ =	sdelay $0x3  }
0x96: {  	_ =	strace s2  }
0x97: {  	_ =	strace $0x8FFFFFFF  }
0x98: {  	s18 =	sld [smem:$0x3FDB];
	_ =	sdelay $0x1  }
0x99: {  	s19 =	simm.s32 $_scs_section_size  }
0x9a: {  	s4 =	simm.s32 $_size__tile_overlayer_lowered;
	s5 =	simm.s32 $_tile_overlayer_lowered  }
0x9b: {  	s22 =	simm.s32 $0x1BFF;
	s21 =	sshll.u32 s5, $0x1;
	s2 =	sadd.s32 s19, s18  }
0x9c: {  	s6 =	simm.s32 $0x0;
	s20 =	sshll.u32 s4, $0x1;
	s4 =	sadd.s32 s21, s2  }
0x9d: {  	[timem:s6], [sflag:s22] =	dma.local [hbm:s4], s20  }
0x9e: {  	_ =	swait.ge [sflag:s22], s20  }
0x9f: {  	s3 =	ssub.s32 $0x0, s20;
	[sflag:s22] =	ssyncset.done $0x0  }
0xa0: {  	[sflag:s22] =	ssyncadd.s32 s3;
	_ =	sdelay $0x1  }
0xa1: {  	s23 =	simm.s32 $0x1B8B  }
0xa2: {  	_ =	swait.ge [sflag:s23], $0x1  }
0xa3: {  	[sflag:s23] =	ssyncset.done $0x0  }
0xa4: {  	s25 =	simm.s32 $0x1B8E;
	s24 =	sld [smem:$0x3FFE];
	[sflag:s23] =	ssyncadd.s32 $0xFFFFFFFF  }
0xa5: {  	s26 =	simm.s32 $execute0_lowered;
	[smem:$0x3FD2] =	sst s25  }
0xa6: {  	s4 =	sshll.u32 s26, $0x1;
	_ =	strace $0x80000049;
	[dreg:$0x1] =	wrdreg $0xFFFFFFFF  }
0xa7: {  	s28 =	simm.s32 $_size_execute0_lowered;
	s2 =	sadd.s32 s2, s4;
	[dreg:$0x0] =	wrdreg $0x0  }
0xa8: {  	s4 =	sshll.u32 s28, $0x1;
	[dreg:$0x2] =	wrdreg s2  }
0xa9: {  	[dreg:$0x3] =	wrdreg s4  }
0xaa: {  	[dreg:$0x4] =	wrdreg $0xC0  }
0xab: {  	_ =	task [dreg:s6], $0x5FFFF  }
0xac: {  	[dreg:$0x1] =	wrdreg $0xFFFFFFFF  }
0xad: {  	[dreg:$0x0] =	wrdreg $0x60  }
0xae: {  	[dreg:$0x2] =	wrdreg s24  }
0xaf: {  	[dreg:$0x3] =	wrdreg $0x19FA00  }
0xb0: {  	[dreg:$0x4] =	wrdreg $0x1C7A00  }
0xb1: {  	[dreg:$0x5] =	wrdreg $0x9  }
0xb2: {  	_ =	task.clear_ibuf [dreg:s6], $0x6FFFF;
	_ =	strace $0x90000049  }
0xb3: {  	s29 =	simm.s32 $0x9;
	_ =	strace $0x8000004B  }
0xb4: {  	_ =	swait.ge [sflag:s29], $0x1  }
0xb5: {  	[sflag:s29] =	ssyncadd.s32 $0xFFFFFFFF  }
0xb6: {  	_ =	strace $0x9000004B  }
0xb7: {  	_ =	sfence  }
0xb8: {  	s30 =	sld [smem:$0x0];
	_ =	sdelay $0x2  }
0xb9: {  	s31 =	sshll.u32 s1, $0xD;
	s1 =	sshrl.u32 s1, $0x2  }
0xba: {  	s3 =	sand.u32 $0x4000, s31;
	s1 =	sadd.s32 s1, s30  }
0xbb: {  	s0 =	sor.u32 s3, s0;
	s1 =	sshll.u32 s1, $0x11  }
0xbc: {  	s0 =	sor.u32 s1, s0  }
0xbd: {  	s0 =	sadd.s32 $0x8F2B, s0  }
0xbe: {  	[sflag:s0] =	ssyncadd.remote.s32 $0x1  }
0xbf: {  	_ =	sfence.sel $0xFFFF  }
0xc0: {  	[dreg:$0x0] =	wrdreg $0xFFFFFFFF;
	(pc) =	sbr.abs _section_cstart, $3  }
0xc1: {  	[dreg:$0x1] =	wrdreg $0xFFFFFFFF  }
0xc2: {  	_ =	task.clear_ibuf [dreg:s6], $0x2FFFF;
	_ =	strace $0x9FFFFFFF  }
0xc3: {  	(tm) =	ssettm $0x7FFFFFFF  }
tec
execute0_lowered:
.L_overlay_start_1:
0x0: {  	(tag) =	ssettag $0x1  }
0x1: {  	s0 =	rddreg [dreg:$0x0]  }
0x2: {  	s2 =	rddreg [dreg:$0x1]  }
0x3: {  	s3 =	rddreg [dreg:$0x2];
	s1 =	srdreg.scid  }
0x4: {  	s12 =	stileid.u32;
	s4 =	simm.s32 $0x0;
	s30 =	simm.s32 $0x4  }
0x5: {  	s29 =	simm.s32 $0x1;
	s31 =	simm.s32 $0x7D0;
	s1 =	sand.u32 $0x1, s1  }
0x6: {  	s5 =	sshll.u32 s12, $0x1;
	s7 =	smul.u32 $0x2800, s12;
	[smem:$0x7FF] =	sst s4  }
0x7: {  	s8 =	smul.u32 $0x280, s12;
	p0 =	sne.s32 s12, $0xF;
	s5 =	sor.u32 s1, s5  }
0x8: {  	s6 =	smul.u32 $0x28000, s1;
	_ =	strace $0x8000004A;
	s14 =	ssub.s32 $0x2, s1  }
0x9: {  	p1 =	sne.s32 s1, $0x0;
	s1 =	simm.s32 $0x14820;
	s5 =	smul.u32 $0x2710, s5  }
0xa: {  	s10 =	sshrl.u32 s7, $0x3;
	s26 =	sadd.s32 s7, s3;
	s6 =	sadd.s32 s7, s6  }
0xb: {  	s10 =	sadd.s32 s10, s0;
	[dreg:$0xe] =	wrdreg s26;
	s5 =	sshrl.u32 s5, $0x3  }
0xc: {  	s6 =	sshrl.u32 s6, $0x3;
	s18 =	sadd.s32 $0x1C200, s10;
	s28 =	sadd.s32 $0x2B200, s10  }
0xd: {  	s9 =	sadd.s32 s6, s0;
	[dreg:$0x4] =	wrdreg s18;
	s6 =	sshll.u32 s12, $0x6  }
0xe: {  	s5 =	sadd.s32 s5, s0;
	[dreg:$0xf] =	wrdreg s28;
	s13 =	sor.u32 $0x1C01, s6  }
0xf: {  	s8 =	sshrl.u32 s8, $0x3;
	s19 =	sadd.s32 $0x2200, s5;
	[dreg:$0x5] =	wrdreg s13  }
0x10: {  	s11 =	sshrl.u32 s14, $0x1;
	s20 =	sadd.s32 $0xBE40, s5;
	[dreg:$0x6] =	wrdreg s19  }
0x11: {  	s17 =	sadd.s32 s7, s2;
	s21 =	sadd.s32 $0xBF3A, s5;
	[dreg:$0x7] =	wrdreg s20  }
0x12: {  	s15 =	ssub.s32 s14, s11;
	s22 =	sadd.s32 $0xC034, s5;
	[dreg:$0x8] =	wrdreg s21  }
0x13: {  	v0 =	vlaneseq.u32;
	s11 =	simm.s32 $0x4650;
	s23 =	sadd.s32 $0xC12E, s5;
	[dreg:$0x9] =	wrdreg s22  }
0x14: {  	v0 =	vmul.u32 $0x10, v0;
	s0 =	sadd.s32 s8, s0;
	s5 =	sadd.s32 $0xC228, s5;
	[dreg:$0xa] =	wrdreg s23  }
0x15: {  	s10 =	simm.s32 $0x3E80;
	s24 =	sadd.s32 $0x16800, s0;
	[dreg:$0xb] =	wrdreg s5  }
0x16: {  	v1 =	vor.u32 $0x1800, v0;
	s25 =	sadd.s32 $0x16D00, s0;
	s16 =	sadd.s32 $0x17200, s0;
	[dreg:$0xc] =	wrdreg s24  }
.Ltmp0:
0x17: {  	v2 =	vor.u32 $0x1801, v0;
	v3 =	vor.u32 $0x1802, v0;
	v4 =	vor.u32 $0x1803, v0;
	s0 =	sadd.s32 $0x16200, s0;
	[dreg:$0xd] =	wrdreg s25;
	(pc) =	sbr.rel .LBB2_1-.Ltmp0, $4  }
0x18: {  	v5 =	vor.u32 $0x1804, v0;
	v6 =	vor.u32 $0x1805, v0;
	v7 =	vor.u32 $0x1806, v0;
	s8 =	simm.s32 $0x2EE0;
	s18 =	simm.s32 $0x2;
	[dreg:$0x10] =	wrdreg s0  }
0x19: {  	v8 =	vor.u32 $0x1807, v0;
	v9 =	vor.u32 $0x1808, v0;
	v10 =	vor.u32 $0x1809, v0;
	s20 =	sadd.s32 $0x21200, s9;
	s21 =	smax.u32 s15, $0x1;
	s22 =	sshrl.u32 s17, $0x3  }
0x1a: {  	v11 =	vor.u32 $0x180A, v0;
	v12 =	vor.u32 $0x180B, v0;
	v13 =	vor.u32 $0x180C, v0;
	s23 =	simm.s32 $0x2710;
	s9 =	simm.s32 $0x36B0;
	s0 =	simm.s32 $0x4E20  }
0x1b: {  	v14 =	vor.u32 $0x180D, v0;
	v15 =	vor.u32 $0x180E, v0;
	v16 =	vor.u32 $0x180F, v0;
	s19 =	simm.s32 $0xCB20;
	s24 =	simm.s32 $0x3;
	s25 =	simm.s32 $0x0  }
.LBB2_10:
0x1c: {  	s5 =	rddreg [dreg:$0x10];
	s7 =	simm.s32 $0x19D20  }
0x1d: {  	[hbm4b:s5+s4] =	stream.linear.scatter [tilespmem:s7], [sflag:$0x4], $0x280, $0x38;
	[tilespmem:$0x1EFA0] =	vst v63  }
0x1e: {  	_ =	swait.ge [sflag:s30], $0x280  }
0x1f: {  	[sflag:s30] =	ssyncset.done $0x0  }
0x20: {  	[sflag:s30] =	ssyncadd.s32 $0xFFFFFD80  }
.LBB2_11:
0x21: {  	_ =	swait.ge [sflag:s29], $0x500  }
0x22: {  	[sflag:s29] =	ssyncset.done $0x0  }
0x23: {  	[sflag:s29] =	ssyncadd.s32 $0xFFFFFB00  }
0x24: {  	_ =	swait.ge [sflag:s29], $0x2710  }
0x25: {  	[sflag:s29] =	ssyncset.done $0x0  }
0x26: {  	[sflag:s29] =	ssyncadd.s32 $0xFFFFD8F0  }
0x27: {  	_ =	swait.ge [sflag:s29], $0x7D0  }
0x28: {  	[sflag:s29] =	ssyncset.done $0x0  }
0x29: {  	[sflag:s29] =	ssyncadd.s32 $0xFFFFF830  }
0x2a: {  	_ =	swait.ge [sflag:s29], $0x7D0  }
0x2b: {  	[sflag:s29] =	ssyncset.done $0x0  }
0x2c: {  	[sflag:s29] =	ssyncadd.s32 $0xFFFFF830  }
0x2d: {  	_ =	swait.ge [sflag:s29], $0x7D0  }
0x2e: {  	[sflag:s29] =	ssyncset.done $0x0  }
0x2f: {  	[sflag:s29] =	ssyncadd.s32 $0xFFFFF830  }
0x30: {  	_ =	swait.ge [sflag:s29], $0x7D0  }
0x31: {  	[sflag:s29] =	ssyncset.done $0x0  }
0x32: {  	[sflag:s29] =	ssyncadd.s32 $0xFFFFF830  }
0x33: {  	_ =	swait.ge [sflag:s29], $0x7D0  }
0x34: {  	[sflag:s29] =	ssyncset.done $0x0  }
0x35: {  	[sflag:s29] =	ssyncadd.s32 $0xFFFFF830  }
0x36: {  	[bflag:$0x0] =	sbarrier.arrive $0xFFFF  }
0x37: {  	[tilespmem:s0], [sflag:$0x2] =	stream.indirect.gather [spmem:s3], $0x10, s4, s31, $0xb8;
	[tilespmem:$0x1EFA0] =	vst v63  }
0x38: {  	_ =	swait.ge [sflag:s18], $0x7D00  }
0x39: {  	[sflag:s18] =	ssyncset.done $0x0  }
0x3a: {  	[sflag:s18] =	ssyncadd.s32 $0xFFFF8300  }
0x3b: {  	[tilespmem:s19], [sflag:$0x3] =	stream.indirect.gather [spmem:s3], $0x10, s31, s31, $0xb8;
	[tilespmem:$0x1EFA0] =	vst v63  }
0x3c: {  	_ = 	snop  }
0x3d: {  	[spmem:s2] =	stream.indirect.scatter.add.f32 [tilespmem:s0], [sflag:$0x4], $0x10, s23, s31, $0xb8;
	[tilespmem:$0x1EFA0] =	vst v63  }
0x3e: {  	_ =	swait.ge [sflag:s30], $0x7D00  }
0x3f: {  	[sflag:s30] =	ssyncset.done $0x0  }
0x40: {  	[sflag:s30] =	ssyncadd.s32 $0xFFFF8300  }
0x41: {  	_ =	swait.ge [sflag:s24], $0x7D00  }
0x42: {  	[sflag:s24] =	ssyncset.done $0x0  }
0x43: {  	s5 =	simm.s32 $0xFA0;
	[sflag:s24] =	ssyncadd.s32 $0xFFFF8300  }
0x44: {  	[tilespmem:s0], [sflag:$0x2] =	stream.indirect.gather [spmem:s3], $0x10, s5, s31, $0xb8;
	[tilespmem:$0x1EFA0] =	vst v63  }
0x45: {  	_ = 	snop  }
0x46: {  	[spmem:s2] =	stream.indirect.scatter.add.f32 [tilespmem:s19], [sflag:$0x4], $0x10, s8, s31, $0xb8;
	[tilespmem:$0x1EFA0] =	vst v63  }
0x47: {  	_ =	swait.ge [sflag:s30], $0x7D00  }
0x48: {  	[sflag:s30] =	ssyncset.done $0x0  }
0x49: {  	[sflag:s30] =	ssyncadd.s32 $0xFFFF8300  }
0x4a: {  	_ =	swait.ge [sflag:s18], $0x7D00  }
0x4b: {  	[sflag:s18] =	ssyncset.done $0x0  }
0x4c: {  	s17 =	simm.s32 $0x1770;
	[sflag:s18] =	ssyncadd.s32 $0xFFFF8300  }
0x4d: {  	[tilespmem:s19], [sflag:$0x3] =	stream.indirect.gather [spmem:s3], $0x10, s17, s31, $0xb8;
	[tilespmem:$0x1EFA0] =	vst v63  }
0x4e: {  	_ = 	snop  }
0x4f: {  	[spmem:s2] =	stream.indirect.scatter.add.f32 [tilespmem:s0], [sflag:$0x4], $0x10, s9, s31, $0xb8;
	[tilespmem:$0x1EFA0] =	vst v63  }
0x50: {  	_ =	swait.ge [sflag:s30], $0x7D00  }
0x51: {  	[sflag:s30] =	ssyncset.done $0x0  }
0x52: {  	[sflag:s30] =	ssyncadd.s32 $0xFFFF8300  }
0x53: {  	_ =	swait.ge [sflag:s24], $0x7D00  }
0x54: {  	[sflag:s24] =	ssyncset.done $0x0  }
0x55: {  	s26 =	simm.s32 $0x1F40;
	[sflag:s24] =	ssyncadd.s32 $0xFFFF8300  }
0x56: {  	[tilespmem:s0], [sflag:$0x2] =	stream.indirect.gather [spmem:s3], $0x10, s26, s31, $0xb8;
	[tilespmem:$0x1EFA0] =	vst v63  }
0x57: {  	_ = 	snop  }
0x58: {  	[spmem:s2] =	stream.indirect.scatter.add.f32 [tilespmem:s19], [sflag:$0x4], $0x10, s10, s31, $0xb8;
	[tilespmem:$0x1EFA0] =	vst v63  }
0x59: {  	_ =	swait.ge [sflag:s30], $0x7D00  }
0x5a: {  	[sflag:s30] =	ssyncset.done $0x0  }
0x5b: {  	[sflag:s30] =	ssyncadd.s32 $0xFFFF8300  }
0x5c: {  	_ =	swait.ge [sflag:s18], $0x7D00  }
0x5d: {  	[sflag:s18] =	ssyncset.done $0x0  }
0x5e: {  	[sflag:s18] =	ssyncadd.s32 $0xFFFF8300  }
0x5f: {  	[spmem:s2] =	stream.indirect.scatter.add.f32 [tilespmem:s0], [sflag:$0x4], $0x10, s11, s31, $0xb8;
	[tilespmem:$0x1EFA0] =	vst v63  }
0x60: {  	_ =	swait.ge [sflag:s30], $0x7D00  }
0x61: {  	s25 =	sadd.s32 $0x1, s25;
	[sflag:s30] =	ssyncset.done $0x0  }
0x62: {  	p2 =	sne.s32 s25, s21;
	[sflag:s30] =	ssyncadd.s32 $0xFFFF8300  }
.Ltmp1:
0x63: {  	s28 =	sor.u32 $0x1C04, s6;
	[bflag:$0x0] =	sbarrier.arrive $0xFFFF;
	(pc) =	sbr.rel @!p2 .LBB2_12-.Ltmp1, $4  }
0x64: {  	[hbm:s20], [sflag:s28] =	dma.local [spmem:s22], $0x500  }
0x65: {  	_ =	swait.ge [sflag:s30], $0x500  }
0x66: {  	[sflag:s30] =	ssyncset.done $0x0  }
0x67: {  	[sflag:s30] =	ssyncadd.s32 $0xFFFFFB00  }
.LBB2_1:
0x68: {  	s5 =	rddreg [dreg:$0x4]  }
0x69: {  	s7 =	rddreg [dreg:$0x5]  }
0x6a: {  	[spmem:s22], [sflag:s7] =	dma.local [hbm:s5], $0x500  }
0x6b: {  	s5 =	rddreg [dreg:$0x6]  }
0x6c: {  	[tilespmem:s4], [sflag:$0x1] =	stream.linear.gather [hbm4b:s5+s4], $0x2710, $0x38;
	[tilespmem:$0x1EFA0] =	vst v63  }
0x6d: {  	s28 =	rddreg [dreg:$0x7]  }
0x6e: {  	[tilespmem:s23], [sflag:$0x1] =	stream.linear.gather [hbm4b:s28+s4], $0x7D0, $0x38;
	[tilespmem:$0x1EFA0] =	vst v63  }
0x6f: {  	s7 =	rddreg [dreg:$0x8]  }
0x70: {  	[tilespmem:s8], [sflag:$0x1] =	stream.linear.gather [hbm4b:s7+s4], $0x7D0, $0x38;
	[tilespmem:$0x1EFA0] =	vst v63  }
0x71: {  	s12 =	rddreg [dreg:$0x9]  }
0x72: {  	[tilespmem:s9], [sflag:$0x1] =	stream.linear.gather [hbm4b:s12+s4], $0x7D0, $0x38;
	[tilespmem:$0x1EFA0] =	vst v63  }
0x73: {  	s13 =	rddreg [dreg:$0xa]  }
0x74: {  	[tilespmem:s10], [sflag:$0x1] =	stream.linear.gather [hbm4b:s13+s4], $0x7D0, $0x38;
	[tilespmem:$0x1EFA0] =	vst v63  }
0x75: {  	s14 =	rddreg [dreg:$0xb]  }
0x76: {  	[tilespmem:s11], [sflag:$0x1] =	stream.linear.gather [hbm4b:s14+s4], $0x7D0, $0x38;
	[tilespmem:$0x1EFA0] =	vst v63  }
0x77: {  	s17 =	simm.s32 $0x19820;
	s15 =	rddreg [dreg:$0xc]  }
0x78: {  	[tilespmem:s17], [sflag:$0x4] =	stream.linear.gather [hbm4b:s15+s4], $0x280, $0x38;
	[tilespmem:$0x1EFA0] =	vst v63  }
0x79: {  	_ =	swait.ge [sflag:s30], $0x280  }
0x7a: {  	s28 =	simm.s32 $0x19AA0;
	[sflag:s30] =	ssyncset.done $0x0  }
.Ltmp2:
0x7b: {  	s26 =	rddreg [dreg:$0xd];
	[sflag:s30] =	ssyncadd.s32 $0xFFFFFD80;
	(pc) =	sbr.rel @p0 .LBB2_6-.Ltmp2, $4  }
0x7c: {  	[tilespmem:s28], [sflag:$0x4] =	stream.linear.gather [hbm4b:s26+s4], $0x280, $0x38;
	[tilespmem:$0x1EFA0] =	vst v63  }
0x7d: {  	_ =	swait.ge [sflag:s30], $0x280  }
0x7e: {  	[sflag:s30] =	ssyncset.done $0x0  }
0x7f: {  	[sflag:s30] =	ssyncadd.s32 $0xFFFFFD80  }
0x80: {  	s5 =	simm.s32 $0x0;
	s7 =	simm.s32 $0x17020  }
0x81: {  	[tilespmem:s7], [sflag:$0x4] =	stream.linear.gather [hbm4b:s16+s5], $0x190, $0x38;
	[tilespmem:$0x1EFA0] =	vst v63  }
0x82: {  	s11 =	sadd.s32 $0x4E2, s16;
	s8 =	simm.s32 $0x172A0  }
0x83: {  	[tilespmem:s8], [sflag:$0x4] =	stream.linear.gather [hbm4b:s11+s5], $0x190, $0x38;
	[tilespmem:$0x1EFA0] =	vst v63  }
0x84: {  	s12 =	sadd.s32 $0x9C4, s16;
	s13 =	simm.s32 $0x17520  }
0x85: {  	[tilespmem:s13], [sflag:$0x4] =	stream.linear.gather [hbm4b:s12+s5], $0x190, $0x38;
	[tilespmem:$0x1EFA0] =	vst v63  }
0x86: {  	s14 =	sadd.s32 $0xEA6, s16;
	s15 =	simm.s32 $0x177A0  }
0x87: {  	[tilespmem:s15], [sflag:$0x4] =	stream.linear.gather [hbm4b:s14+s5], $0x190, $0x38;
	[tilespmem:$0x1EFA0] =	vst v63  }
0x88: {  	s17 =	sadd.s32 $0x1388, s16;
	s26 =	simm.s32 $0x17A20  }
0x89: {  	[tilespmem:s26], [sflag:$0x4] =	stream.linear.gather [hbm4b:s17+s5], $0x190, $0x38;
	[tilespmem:$0x1EFA0] =	vst v63  }
0x8a: {  	s9 =	simm.s32 $0x17CA0;
	s8 =	sadd.s32 $0x186A, s16  }
0x8b: {  	[tilespmem:s9], [sflag:$0x4] =	stream.linear.gather [hbm4b:s8+s5], $0x190, $0x38;
	[tilespmem:$0x1EFA0] =	vst v63  }
0x8c: {  	s10 =	sadd.s32 $0x1D4C, s16;
	s11 =	simm.s32 $0x17F20  }
0x8d: {  	[tilespmem:s11], [sflag:$0x4] =	stream.linear.gather [hbm4b:s10+s5], $0x190, $0x38;
	[tilespmem:$0x1EFA0] =	vst v63  }
0x8e: {  	s12 =	sadd.s32 $0x222E, s16;
	s13 =	simm.s32 $0x181A0  }
0x8f: {  	[tilespmem:s13], [sflag:$0x4] =	stream.linear.gather [hbm4b:s12+s5], $0x190, $0x38;
	[tilespmem:$0x1EFA0] =	vst v63  }
0x90: {  	s7 =	simm.s32 $0x18420;
	s14 =	sadd.s32 $0x2710, s16  }
0x91: {  	[tilespmem:s7], [sflag:$0x4] =	stream.linear.gather [hbm4b:s14+s5], $0x190, $0x38;
	[tilespmem:$0x1EFA0] =	vst v63  }
0x92: {  	s15 =	sadd.s32 $0x2BF2, s16;
	s9 =	simm.s32 $0x186A0  }
0x93: {  	[tilespmem:s9], [sflag:$0x4] =	stream.linear.gather [hbm4b:s15+s5], $0x190, $0x38;
	[tilespmem:$0x1EFA0] =	vst v63  }
0x94: {  	s17 =	sadd.s32 $0x30D4, s16;
	s26 =	simm.s32 $0x18920  }
0x95: {  	[tilespmem:s26], [sflag:$0x4] =	stream.linear.gather [hbm4b:s17+s5], $0x190, $0x38;
	[tilespmem:$0x1EFA0] =	vst v63  }
0x96: {  	s10 =	sadd.s32 $0x35B6, s16;
	s11 =	simm.s32 $0x18BA0  }
0x97: {  	[tilespmem:s11], [sflag:$0x4] =	stream.linear.gather [hbm4b:s10+s5], $0x190, $0x38;
	[tilespmem:$0x1EFA0] =	vst v63  }
0x98: {  	s12 =	sadd.s32 $0x3A98, s16;
	s13 =	simm.s32 $0x18E20  }
0x99: {  	[tilespmem:s13], [sflag:$0x4] =	stream.linear.gather [hbm4b:s12+s5], $0x190, $0x38;
	[tilespmem:$0x1EFA0] =	vst v63  }
0x9a: {  	s14 =	sadd.s32 $0x3F7A, s16;
	s15 =	simm.s32 $0x190A0  }
0x9b: {  	[tilespmem:s15], [sflag:$0x4] =	stream.linear.gather [hbm4b:s14+s5], $0x190, $0x38;
	[tilespmem:$0x1EFA0] =	vst v63  }
0x9c: {  	s17 =	sadd.s32 $0x445C, s16;
	s26 =	simm.s32 $0x19320  }
0x9d: {  	[tilespmem:s26], [sflag:$0x4] =	stream.linear.gather [hbm4b:s17+s5], $0x190, $0x38;
	[tilespmem:$0x1EFA0] =	vst v63  }
0x9e: {  	s9 =	sadd.s32 $0x493E, s16;
	s10 =	simm.s32 $0x195A0  }
0x9f: {  	[tilespmem:s10], [sflag:$0x4] =	stream.linear.gather [hbm4b:s9+s5], $0x190, $0x38;
	[tilespmem:$0x1EFA0] =	vst v63  }
0xa0: {  	_ =	swait.ge [sflag:s30], $0x1900  }
0xa1: {  	[sflag:s30] =	ssyncset.done $0x0  }
0xa2: {  	s11 =	simm.s32 $0x19830;
	[sflag:s30] =	ssyncadd.s32 $0xFFFFE700  }
0xa3: {  	s12 =	simm.s32 $0x19AB0;
	v17 =	vld [tilespmem:s11+$0xFFFFFFF0]  }
0xa4: {  	v18 =	vld [tilespmem:s12+$0xFFFFFFF0];
	_ =	sdelay $0x1  }
0xa5: {  	v19 =	vld [tilespmem:s11+$0x0]  }
0xa6: {  	v20 =	vld [tilespmem:s12+$0x0];
	_ =	sdelay $0x1  }
0xa7: {  	v17 =	vadd.f32 v18, v17;
	_ =	sdelay $0x1  }
0xa8: {  	v17 =	vadd.f32 $1.000000000e+00, v17  }
0xa9: {  	v18 =	vadd.f32 v20, v19  }
0xaa: {  	v19 =	vshra.s32 v17, $0x1;
	v17 =	vmul.f32 $5.000000000e-01, v17  }
0xab: {  	v18 =	vadd.f32 $1.000000000e+00, v18;
	v19 =	vsub.s32 $0x5F3759DF, v19  }
0xac: {  	v20 =	vmul.f32 v19, v17  }
0xad: {  	v21 =	vshra.s32 v18, $0x1;
	v18 =	vmul.f32 $5.000000000e-01, v18  }
0xae: {  	v21 =	vsub.s32 $0x5F3759DF, v21;
	v20 =	vmul.f32 v19, v20  }
0xaf: {  	v22 =	vmul.f32 v21, v18  }
0xb0: {  	v20 =	vsub.f32 $1.500000000e+00, v20  }
0xb1: {  	v22 =	vmul.f32 v21, v22  }
0xb2: {  	v19 =	vmul.f32 v19, v20  }
0xb3: {  	v20 =	vsub.f32 $1.500000000e+00, v22  }
0xb4: {  	v22 =	vmul.f32 v19, v17  }
0xb5: {  	v20 =	vmul.f32 v21, v20  }
0xb6: {  	v21 =	vmul.f32 v22, v19  }
0xb7: {  	v22 =	vmul.f32 v20, v18  }
0xb8: {  	v21 =	vsub.f32 $1.500000000e+00, v21  }
0xb9: {  	v22 =	vmul.f32 v22, v20  }
0xba: {  	v19 =	vmul.f32 v21, v19  }
0xbb: {  	s14 =	simm.s32 $0x19AD0;
	v21 =	vsub.f32 $1.500000000e+00, v22  }
0xbc: {  	s13 =	simm.s32 $0x19850;
	v23 =	vld [tilespmem:s14+$0xFFFFFFF0];
	v17 =	vmul.f32 v19, v17  }
0xbd: {  	v22 =	vld [tilespmem:s13+$0xFFFFFFF0];
	v20 =	vmul.f32 v21, v20  }
0xbe: {  	v17 =	vmul.f32 v17, v19  }
0xbf: {  	v18 =	vmul.f32 v20, v18  }
0xc0: {  	v17 =	vsub.f32 $1.500000000e+00, v17  }
0xc1: {  	v18 =	vmul.f32 v18, v20  }
0xc2: {  	v33 =	vmul.f32 v17, v19;
	v17 =	vadd.f32 v23, v22  }
0xc3: {  	s10 =	simm.s32 $0x19D30;
	v21 =	vld [tilespmem:s14+$0x0];
	v18 =	vsub.f32 $1.500000000e+00, v18  }
0xc4: {  	v19 =	vld [tilespmem:s13+$0x0];
	[tilespmem:s10+$0xFFFFFFF0] =	vst v33;
	v17 =	vadd.f32 $1.000000000e+00, v17  }
0xc5: {  	v29 =	vmul.f32 v18, v20;
	v20 =	vmov s5;
	v18 =	vld [tilespmem:s7+$0xFFFFEC00]  }
0xc6: {  	v20 =	vshll.u32 v20, $0x4;
	v22 =	vshra.s32 v17, $0x1;
	v17 =	vmul.f32 $5.000000000e-01, v17  }
0xc7: {  	v32 =	vor.u32 v0, v20;
	v22 =	vsub.s32 $0x5F3759DF, v22  }
0xc8: {  	s15 =	simm.s32 $0x10;
	[tilespmem:s10+$0x0] =	vst v29;
	v20 =	vmul.f32 v22, v17  }
0xc9: {  	v23 =	vmov s15;
	v19 =	vadd.f32 v21, v19;
	v21 =	vld [tilespmem:s7+$0xFFFFEC10]  }
0xca: {  	v23 =	vshll.u32 v23, $0x4;
	v20 =	vmul.f32 v22, v20;
	v18 =	vmul.f32 v33, v18  }
0xcb: {  	v34 =	vor.u32 v0, v23;
	v19 =	vadd.f32 $1.000000000e+00, v19  }
0xcc: {  	v20 =	vsub.f32 $1.500000000e+00, v20;
	[tilespmem:v32+s1+$0x0] =	vst.idx.msk $0xffff, v18  }
0xcd: {  	v23 =	vmul.f32 $5.000000000e-01, v19;
	v18 =	vshra.s32 v19, $0x1;
	v19 =	vld [tilespmem:s7+$0xFFFFEE80]  }
0xce: {  	v21 =	vmul.f32 v29, v21;
	v18 =	vsub.s32 $0x5F3759DF, v18;
	v20 =	vmul.f32 v22, v20  }
0xcf: {  	v24 =	vor.u32 $0x1, v32;
	v22 =	vmul.f32 v18, v23  }
0xd0: {  	[tilespmem:v34+s1+$0x0] =	vst.idx.msk $0xffff, v21;
	v25 =	vmul.f32 v20, v17  }
0xd1: {  	v21 =	vmul.f32 v18, v22;
	v22 =	vld [tilespmem:s7+$0xFFFFEE90]  }
0xd2: {  	v25 =	vmul.f32 v25, v20;
	v19 =	vmul.f32 v33, v19  }
0xd3: {  	v26 =	vor.u32 $0x1, v34;
	v21 =	vsub.f32 $1.500000000e+00, v21  }
0xd4: {  	v25 =	vsub.f32 $1.500000000e+00, v25;
	[tilespmem:v24+s1+$0x0] =	vst.idx.msk $0xffff, v19  }
0xd5: {  	s26 =	simm.s32 $0x19AF0;
	v18 =	vmul.f32 v18, v21;
	v19 =	vld [tilespmem:s7+$0xFFFFF100]  }
0xd6: {  	s17 =	simm.s32 $0x19870;
	v28 =	vld [tilespmem:s26+$0x0];
	v22 =	vmul.f32 v29, v22;
	v20 =	vmul.f32 v25, v20  }
0xd7: {  	v27 =	vor.u32 $0x2, v32;
	v21 =	vld [tilespmem:s17+$0xFFFFFFF0];
	v24 =	vmul.f32 v18, v23  }
0xd8: {  	v25 =	vld [tilespmem:s17+$0x0];
	[tilespmem:v26+s1+$0x0] =	vst.idx.msk $0xffff, v22;
	v17 =	vmul.f32 v20, v17  }
0xd9: {  	v22 =	vmul.f32 v24, v18;
	v24 =	vld [tilespmem:s7+$0xFFFFF110]  }
0xda: {  	v26 =	vld [tilespmem:s26+$0xFFFFFFF0];
	v17 =	vmul.f32 v17, v20;
	v19 =	vmul.f32 v33, v19  }
0xdb: {  	v30 =	vor.u32 $0x2, v34;
	v22 =	vsub.f32 $1.500000000e+00, v22  }
0xdc: {  	v17 =	vsub.f32 $1.500000000e+00, v17;
	[tilespmem:v27+s1+$0x0] =	vst.idx.msk $0xffff, v19  }
0xdd: {  	v18 =	vmul.f32 v22, v18;
	v22 =	vadd.f32 v28, v25;
	v25 =	vld [tilespmem:s7+$0xFFFFF380]  }
0xde: {  	v19 =	vmul.f32 v17, v20;
	v17 =	vmul.f32 v29, v24  }
0xdf: {  	v20 =	vadd.f32 v26, v21;
	v21 =	vadd.f32 $1.000000000e+00, v22;
	v22 =	vor.u32 $0x3, v32  }
0xe0: {  	s9 =	simm.s32 $0x19D50;
	[tilespmem:v30+s1+$0x0] =	vst.idx.msk $0xffff, v17  }
0xe1: {  	s28 =	simm.s32 $0x18440;
	s10 =	simm.s32 $0x20;
	v17 =	vmul.f32 v18, v23;
	[tilespmem:s9+$0xFFFFFFF0] =	vst v19;
	v20 =	vadd.f32 $1.000000000e+00, v20;
	v23 =	vshra.s32 v21, $0x1;
	v24 =	vld [tilespmem:s7+$0xFFFFF390]  }
0xe2: {  	v26 =	vld [tilespmem:s28+$0xFFFFEC00];
	v27 =	vsub.s32 $0x5F3759DF, v23;
	v23 =	vmul.f32 v33, v25;
	v25 =	vmov s10  }
0xe3: {  	v28 =	vor.u32 $0x3, v34;
	v21 =	vmul.f32 $5.000000000e-01, v21;
	v25 =	vshll.u32 v25, $0x4  }
0xe4: {  	v30 =	vshra.s32 v20, $0x1;
	v20 =	vmul.f32 $5.000000000e-01, v20;
	[tilespmem:v22+s1+$0x0] =	vst.idx.msk $0xffff, v23;
	v22 =	vor.u32 v0, v25  }
0xe5: {  	v17 =	vmul.f32 v17, v18;
	v25 =	vsub.s32 $0x5F3759DF, v30;
	v23 =	vmul.f32 v27, v21;
	v30 =	vld [tilespmem:s7+$0xFFFFF600]  }
0xe6: {  	v31 =	vor.u32 $0x4, v32;
	v35 =	vmul.f32 v25, v20;
	v24 =	vmul.f32 v29, v24  }
0xe7: {  	v17 =	vsub.f32 $1.500000000e+00, v17;
	v36 =	vmul.f32 v27, v23;
	v26 =	vmul.f32 v19, v26  }
0xe8: {  	v35 =	vmul.f32 v25, v35;
	[tilespmem:v28+s1+$0x0] =	vst.idx.msk $0xffff, v24  }
0xe9: {  	v23 =	vmul.f32 v17, v18;
	v17 =	vsub.f32 $1.500000000e+00, v36;
	[tilespmem:v22+s1+$0x0] =	vst.idx.msk $0xffff, v26;
	v18 =	vld [tilespmem:s7+$0xFFFFF610]  }
0xea: {  	v24 =	vsub.f32 $1.500000000e+00, v35;
	v26 =	vmul.f32 v33, v30;
	v28 =	vld [tilespmem:s28+$0xFFFFEE80]  }
0xeb: {  	s11 =	simm.s32 $0x30;
	[tilespmem:s9+$0x0] =	vst v23;
	v17 =	vmul.f32 v27, v17;
	v27 =	vor.u32 $0x4, v34  }
0xec: {  	v51 =	vld [tilespmem:s28+$0xFFFFEC10];
	v30 =	vmov s11;
	v24 =	vmul.f32 v25, v24;
	[tilespmem:v31+s1+$0x0] =	vst.idx.msk $0xffff, v26;
	v26 =	vor.u32 $0x1, v22  }
0xed: {  	v25 =	vshll.u32 v30, $0x4;
	v30 =	vmul.f32 v17, v21;
	v31 =	vld [tilespmem:s7+$0xFFFFF880]  }
0xee: {  	s12 =	simm.s32 $0x19890;
	v25 =	vor.u32 v0, v25;
	v52 =	vmul.f32 v24, v20;
	v18 =	vmul.f32 v29, v18  }
0xef: {  	v37 =	vld [tilespmem:s12+$0xFFFFFFF0];
	v38 =	vor.u32 $0x5, v32;
	v30 =	vmul.f32 v30, v17;
	v28 =	vmul.f32 v19, v28  }
0xf0: {  	v39 =	vld [tilespmem:s12+$0x0];
	v36 =	vmul.f32 v52, v24;
	[tilespmem:v27+s1+$0x0] =	vst.idx.msk $0xffff, v18  }
0xf1: {  	v18 =	vsub.f32 $1.500000000e+00, v30;
	v27 =	vmul.f32 v23, v51;
	[tilespmem:v26+s1+$0x0] =	vst.idx.msk $0xffff, v28;
	v26 =	vld [tilespmem:s7+$0xFFFFF890]  }
0xf2: {  	s13 =	simm.s32 $0x19B10;
	v28 =	vsub.f32 $1.500000000e+00, v36;
	v30 =	vmul.f32 v33, v31;
	v31 =	vld [tilespmem:s28+$0xFFFFF100]  }
0xf3: {  	v53 =	vld [tilespmem:s13+$0xFFFFFFF0];
	v17 =	vmul.f32 v18, v17;
	[tilespmem:v25+s1+$0x0] =	vst.idx.msk $0xffff, v27;
	v18 =	vor.u32 $0x5, v34  }
0xf4: {  	v24 =	vmul.f32 v28, v24;
	v27 =	vld [tilespmem:s28+$0xFFFFEE90];
	v28 =	vor.u32 $0x2, v22;
	[tilespmem:v38+s1+$0x0] =	vst.idx.msk $0xffff, v30  }
0xf5: {  	v21 =	vmul.f32 v17, v21;
	v30 =	vld [tilespmem:s7+$0xFFFFFB00]  }
0xf6: {  	v54 =	vld [tilespmem:s13+$0x0];
	v55 =	vor.u32 $0x1, v25;
	v20 =	vmul.f32 v24, v20;
	v26 =	vmul.f32 v29, v26  }
0xf7: {  	v31 =	vmul.f32 v19, v31  }
0xf8: {  	v21 =	vmul.f32 v21, v17;
	v20 =	vmul.f32 v20, v24;
	[tilespmem:v18+s1+$0x0] =	vst.idx.msk $0xffff, v26  }
0xf9: {  	v40 =	vor.u32 $0x6, v32;
	v18 =	vmul.f32 v23, v27;
	v26 =	vadd.f32 v53, v37;
	[tilespmem:v28+s1+$0x0] =	vst.idx.msk $0xffff, v31;
	v27 =	vld [tilespmem:s7+$0xFFFFFB10]  }
0xfa: {  	v21 =	vsub.f32 $1.500000000e+00, v21;
	v20 =	vsub.f32 $1.500000000e+00, v20;
	v28 =	vmul.f32 v33, v30;
	v30 =	vld [tilespmem:s28+$0xFFFFF380]  }
0xfb: {  	v56 =	vor.u32 $0x6, v34;
	v31 =	vadd.f32 v54, v39;
	v26 =	vadd.f32 $1.000000000e+00, v26;
	[tilespmem:v55+s1+$0x0] =	vst.idx.msk $0xffff, v18  }
0xfc: {  	v17 =	vmul.f32 v21, v17;
	v18 =	vmul.f32 v20, v24;
	v20 =	vor.u32 $0x3, v22;
	v21 =	vld [tilespmem:s28+$0xFFFFF110]  }
0xfd: {  	v24 =	vadd.f32 $1.000000000e+00, v31;
	v31 =	vshra.s32 v26, $0x1;
	v26 =	vmul.f32 $5.000000000e-01, v26  }
0xfe: {  	v57 =	vor.u32 $0x2, v25;
	[tilespmem:v40+s1+$0x0] =	vst.idx.msk $0xffff, v28;
	v31 =	vsub.s32 $0x5F3759DF, v31;
	v27 =	vmul.f32 v29, v27  }
0xff: {  	v28 =	vld [tilespmem:s7+$0xFFFFFD80];
	v58 =	vmul.f32 v31, v26;
	v30 =	vmul.f32 v19, v30  }
0x100: {  	v60 =	vor.u32 $0x7, v32;
	v59 =	vshra.s32 v24, $0x1;
	v24 =	vmul.f32 $5.000000000e-01, v24;
	[tilespmem:v56+s1+$0x0] =	vst.idx.msk $0xffff, v27  }
0x101: {  	s15 =	simm.s32 $0x19D70;
	v27 =	vsub.s32 $0x5F3759DF, v59;
	v61 =	vmul.f32 v31, v58;
	[tilespmem:v20+s1+$0x0] =	vst.idx.msk $0xffff, v30;
	v20 =	vmul.f32 v23, v21;
	v21 =	vld [tilespmem:s7+$0xFFFFFD90]  }
0x102: {  	v49 =	vor.u32 $0x7, v34;
	s17 =	simm.s32 $0x40;
	s26 =	simm.s32 $0x18460;
	v41 =	vor.u32 $0x4, v22;
	[tilespmem:s15+$0xFFFFFFF0] =	vst v18;
	v62 =	vmul.f32 v27, v24;
	v63 =	vld [tilespmem:s28+$0xFFFFF600]  }
0x103: {  	v50 =	vor.u32 $0x3, v25;
	v48 =	vld [tilespmem:s26+$0xFFFFEC00];
	v35 =	vsub.f32 $1.500000000e+00, v61;
	[tilespmem:v57+s1+$0x0] =	vst.idx.msk $0xffff, v20;
	v20 =	vmov s17  }
0x104: {  	s14 =	simm.s32 $0x50;
	s10 =	simm.s32 $0x19B30;
	v28 =	vmul.f32 v33, v28;
	v37 =	vmul.f32 v27, v62;
	v42 =	vld [tilespmem:s28+$0xFFFFF390];
	v20 =	vshll.u32 v20, $0x4  }
0x105: {  	v46 =	vld [tilespmem:s10+$0xFFFFFFF0];
	s9 =	simm.s32 $0x198B0;
	v30 =	vmov s14;
	v31 =	vmul.f32 v31, v35;
	v20 =	vor.u32 v0, v20  }
0x106: {  	v44 =	vld [tilespmem:s9+$0xFFFFFFF0];
	v30 =	vshll.u32 v30, $0x4;
	[tilespmem:v60+s1+$0x0] =	vst.idx.msk $0xffff, v28;
	v28 =	vsub.f32 $1.500000000e+00, v37;
	v52 =	vmul.f32 v29, v21  }
0x107: {  	[tilespmem:s15+$0x0] =	vst v17;
	v51 =	vld [tilespmem:s7+$0x0];
	v21 =	vor.u32 v0, v30;
	v30 =	vmul.f32 v31, v26;
	v38 =	vmul.f32 v19, v63  }
0x108: {  	v43 =	vld [tilespmem:s26+$0xFFFFEC10];
	v40 =	vmul.f32 v18, v48;
	v27 =	vmul.f32 v27, v28;
	[tilespmem:v49+s1+$0x0] =	vst.idx.msk $0xffff, v52  }
0x109: {  	v53 =	vor.u32 $0x8, v32;
	v30 =	vmul.f32 v30, v31;
	[tilespmem:v41+s1+$0x0] =	vst.idx.msk $0xffff, v38;
	v54 =	vmul.f32 v23, v42;
	v39 =	vld [tilespmem:s7+$0x10]  }
0x10a: {  	v55 =	vmul.f32 v27, v24;
	v56 =	vld [tilespmem:s28+$0xFFFFF880];
	[tilespmem:v20+s1+$0x0] =	vst.idx.msk $0xffff, v40  }
0x10b: {  	v59 =	vor.u32 $0x8, v34;
	v30 =	vsub.f32 $1.500000000e+00, v30;
	v58 =	vld [tilespmem:s26+$0xFFFFEE80];
	[tilespmem:v50+s1+$0x0] =	vst.idx.msk $0xffff, v54  }
0x10c: {  	v61 =	vor.u32 $0x5, v22;
	v37 =	vmul.f32 v33, v51;
	v60 =	vmul.f32 v55, v27;
	v45 =	vld [tilespmem:s28+$0xFFFFF610]  }
0x10d: {  	v57 =	vmul.f32 v17, v43;
	v28 =	vld [tilespmem:s9+$0x0];
	v30 =	vmul.f32 v30, v31;
	v31 =	vor.u32 $0x1, v20  }
0x10e: {  	v62 =	vor.u32 $0x4, v25;
	v49 =	vld [tilespmem:s10+$0x0];
	[tilespmem:v53+s1+$0x0] =	vst.idx.msk $0xffff, v37;
	v38 =	vsub.f32 $1.500000000e+00, v60;
	v63 =	vmul.f32 v29, v39  }
0x10f: {  	[tilespmem:v21+s1+$0x0] =	vst.idx.msk $0xffff, v57;
	v48 =	vld [tilespmem:s7+$0x280];
	v26 =	vmul.f32 v30, v26;
	v47 =	vmul.f32 v19, v56  }
0x110: {  	v27 =	vmul.f32 v38, v27;
	v43 =	vmul.f32 v18, v58;
	[tilespmem:v59+s1+$0x0] =	vst.idx.msk $0xffff, v63  }
0x111: {  	v40 =	vld [tilespmem:s26+$0xFFFFEE90];
	v26 =	vmul.f32 v26, v30;
	[tilespmem:v61+s1+$0x0] =	vst.idx.msk $0xffff, v47;
	v51 =	vmul.f32 v23, v45  }
0x112: {  	v44 =	vadd.f32 v46, v44;
	v50 =	vor.u32 $0x9, v32;
	v52 =	vld [tilespmem:s7+$0x290];
	[tilespmem:v31+s1+$0x0] =	vst.idx.msk $0xffff, v43  }
0x113: {  	v24 =	vmul.f32 v27, v24;
	v61 =	vor.u32 $0x1, v21;
	v26 =	vsub.f32 $1.500000000e+00, v26;
	v53 =	vld [tilespmem:s26+$0xFFFFF100];
	[tilespmem:v62+s1+$0x0] =	vst.idx.msk $0xffff, v51  }
0x114: {  	v54 =	vor.u32 $0x9, v34;
	v28 =	vadd.f32 v49, v28;
	v55 =	vmul.f32 v48, v33;
	v56 =	vld [tilespmem:s28+$0xFFFFF890]  }
0x115: {  	v31 =	vld [tilespmem:s28+$0xFFFFFB00];
	v57 =	vmul.f32 v24, v27;
	v24 =	vmul.f32 v26, v30;
	v26 =	vor.u32 $0x2, v20  }
0x116: {  	v44 =	vadd.f32 $1.000000000e+00, v44;
	v59 =	vmul.f32 v17, v40;
	v30 =	vor.u32 $0x5, v25  }
0x117: {  	s13 =	simm.s32 $0x90;
	v60 =	vor.u32 $0x6, v22;
	v28 =	vadd.f32 $1.000000000e+00, v28;
	[tilespmem:v50+s1+$0x0] =	vst.idx.msk $0xffff, v55;
	v58 =	vmul.f32 v52, v29  }
0x118: {  	s8 =	simm.s32 $0x198D0;
	v39 =	vmov s13;
	v38 =	vor.u32 $0xC, v32;
	v62 =	vld [tilespmem:s7+$0x500];
	[tilespmem:v61+s1+$0x0] =	vst.idx.msk $0xffff, v59;
	v41 =	vmul.f32 v18, v53  }
0x119: {  	v46 =	vmul.f32 $5.000000000e-01, v28;
	v51 =	vld [tilespmem:s8+$0xFFFFFFF0];
	v55 =	vshra.s32 v28, $0x1;
	[tilespmem:v54+s1+$0x0] =	vst.idx.msk $0xffff, v58;
	v52 =	vmul.f32 v23, v56  }
0x11a: {  	v63 =	vsub.f32 $1.500000000e+00, v57;
	v31 =	vmul.f32 v19, v31;
	v54 =	vor.u32 $0xA, v32;
	v53 =	vld [tilespmem:s7+$0x510];
	[tilespmem:v26+s1+$0x0] =	vst.idx.msk $0xffff, v41  }
0x11b: {  	v45 =	vsub.s32 $0x5F3759DF, v55;
	v26 =	vshra.s32 v44, $0x1;
	v28 =	vld [tilespmem:s26+$0xFFFFF380];
	[tilespmem:v30+s1+$0x0] =	vst.idx.msk $0xffff, v52;
	v30 =	vmul.f32 $5.000000000e-01, v44  }
0x11c: {  	v59 =	vmul.f32 v45, v46;
	v56 =	vor.u32 $0xA, v34;
	[tilespmem:v60+s1+$0x0] =	vst.idx.msk $0xffff, v31;
	v31 =	vsub.s32 $0x5F3759DF, v26;
	v58 =	vld [tilespmem:s28+$0xFFFFFB10]  }
0x11d: {  	s11 =	simm.s32 $0x19D90;
	v61 =	vld [tilespmem:s26+$0xFFFFF110];
	v60 =	vor.u32 $0x3, v20;
	v57 =	vmul.f32 v62, v33;
	v48 =	vmul.f32 v31, v30  }
0x11e: {  	s5 =	simm.s32 $0x18480;
	v47 =	vor.u32 $0x6, v25;
	[tilespmem:s11+$0xFFFFFFF0] =	vst v24;
	v62 =	vld [tilespmem:s28+$0xFFFFFD80];
	v26 =	vmul.f32 v63, v27;
	v27 =	vmul.f32 v45, v59  }
0x11f: {  	v63 =	vld [tilespmem:s5+$0xFFFFEC00];
	v52 =	vor.u32 $0x2, v21;
	[tilespmem:v54+s1+$0x0] =	vst.idx.msk $0xffff, v57;
	v42 =	vmul.f32 v53, v29;
	v48 =	vmul.f32 v31, v48  }
0x120: {  	v27 =	vsub.f32 $1.500000000e+00, v27;
	[tilespmem:s11+$0x0] =	vst v26;
	v53 =	vor.u32 $0x7, v22;
	v43 =	vld [tilespmem:s7+$0x780];
	v28 =	vmul.f32 v18, v28  }
0x121: {  	v50 =	vor.u32 $0x7, v25;
	v49 =	vld [tilespmem:s5+$0xFFFFEC10];
	[tilespmem:v56+s1+$0x0] =	vst.idx.msk $0xffff, v42;
	v37 =	vmul.f32 v23, v58;
	v48 =	vsub.f32 $1.500000000e+00, v48  }
0x122: {  	v57 =	vor.u32 $0xB, v32;
	v44 =	vmul.f32 v45, v27;
	v42 =	vld [tilespmem:s7+$0x790];
	[tilespmem:v60+s1+$0x0] =	vst.idx.msk $0xffff, v28;
	v28 =	vmul.f32 v17, v61  }
0x123: {  	s12 =	simm.s32 $0x70;
	v59 =	vor.u32 $0x4, v20;
	v55 =	vmul.f32 v19, v62;
	v56 =	vld [tilespmem:s26+$0xFFFFF600];
	[tilespmem:v47+s1+$0x0] =	vst.idx.msk $0xffff, v37;
	v31 =	vmul.f32 v31, v48  }
0x124: {  	v54 =	vmov s12;
	v60 =	vor.u32 $0xB, v34;
	[tilespmem:v52+s1+$0x0] =	vst.idx.msk $0xffff, v28;
	v58 =	vld [tilespmem:s28+$0xFFFFFD90];
	v28 =	vmul.f32 v44, v46  }
0x125: {  	s15 =	simm.s32 $0x19B50;
	s14 =	simm.s32 $0x60;
	v41 =	vshll.u32 v54, $0x4;
	[tilespmem:v53+s1+$0x0] =	vst.idx.msk $0xffff, v55;
	v61 =	vmul.f32 v43, v33;
	v53 =	vld [tilespmem:s8+$0x0];
	v62 =	vmul.f32 v31, v30  }
0x126: {  	v35 =	vmul.f32 v24, v63;
	v55 =	vld [tilespmem:s15+$0xFFFFFFF0];
	v52 =	vmov s14;
	v28 =	vmul.f32 v28, v44  }
0x127: {  	v47 =	vld [tilespmem:s26+$0xFFFFF390];
	v52 =	vshll.u32 v52, $0x4;
	[tilespmem:v57+s1+$0x0] =	vst.idx.msk $0xffff, v61;
	v42 =	vmul.f32 v42, v29;
	v43 =	vmul.f32 v62, v31  }
0x128: {  	v57 =	vld [tilespmem:s7+$0xA00];
	v45 =	vmul.f32 v18, v56;
	v54 =	vsub.f32 $1.500000000e+00, v28;
	v28 =	vor.u32 v0, v52  }
0x129: {  	v63 =	vld [tilespmem:s28+$0x0];
	v52 =	vor.u32 $0x3, v21;
	[tilespmem:v60+s1+$0x0] =	vst.idx.msk $0xffff, v42;
	v56 =	vsub.f32 $1.500000000e+00, v43;
	v36 =	vmul.f32 v23, v58  }
0x12a: {  	v27 =	vor.u32 v0, v41;
	v61 =	vor.u32 $0x8, v25;
	v43 =	vshll.u32 v39, $0x4;
	[tilespmem:v59+s1+$0x0] =	vst.idx.msk $0xffff, v45;
	v45 =	vld [tilespmem:s7+$0xA10]  }
0x12b: {  	v39 =	vmul.f32 v54, v44;
	v54 =	vld [tilespmem:s15+$0x0];
	v40 =	vmul.f32 v56, v31;
	v31 =	vor.u32 $0x8, v22;
	[tilespmem:v50+s1+$0x0] =	vst.idx.msk $0xffff, v36  }
0x12c: {  	s17 =	simm.s32 $0xB0;
	v62 =	vor.u32 $0x5, v20;
	v58 =	vmul.f32 v26, v49;
	v47 =	vmul.f32 v17, v47;
	v49 =	vld [tilespmem:s28+$0x10]  }
0x12d: {  	v59 =	vmov s17;
	v44 =	vor.u32 $0xC, v34;
	v42 =	vld [tilespmem:s26+$0xFFFFF880];
	v41 =	vmul.f32 v57, v33;
	[tilespmem:v28+s1+$0x0] =	vst.idx.msk $0xffff, v35  }
0x12e: {  	v36 =	vshll.u32 v59, $0x4;
	v46 =	vmul.f32 v39, v46;
	v35 =	vmul.f32 v19, v63;
	[tilespmem:v52+s1+$0x0] =	vst.idx.msk $0xffff, v47;
	v60 =	vld [tilespmem:s5+$0xFFFFEE80]  }
0x12f: {  	[tilespmem:v27+s1+$0x0] =	vst.idx.msk $0xffff, v58;
	v56 =	vor.u32 $0x1, v28;
	v57 =	vor.u32 $0x4, v21;
	v30 =	vmul.f32 v40, v30;
	v63 =	vld [tilespmem:s26+$0xFFFFF610]  }
0x130: {  	v50 =	vld [tilespmem:s5+$0xFFFFEE90];
	v47 =	vor.u32 $0xD, v34;
	v46 =	vmul.f32 v46, v39;
	v45 =	vmul.f32 v45, v29;
	[tilespmem:v31+s1+$0x0] =	vst.idx.msk $0xffff, v35  }
0x131: {  	[tilespmem:v38+s1+$0x0] =	vst.idx.msk $0xffff, v41;
	v52 =	vor.u32 $0x6, v20;
	v30 =	vmul.f32 v30, v40;
	v58 =	vld [tilespmem:s28+$0x280];
	v49 =	vmul.f32 v23, v49  }
0x132: {  	v38 =	vor.u32 $0x1, v27;
	v41 =	vld [tilespmem:s7+$0xC80];
	v46 =	vsub.f32 $1.500000000e+00, v46;
	v59 =	vmul.f32 v18, v42;
	[tilespmem:v44+s1+$0x0] =	vst.idx.msk $0xffff, v45  }
0x133: {  	v42 =	vor.u32 $0x9, v22;
	v30 =	vsub.f32 $1.500000000e+00, v30;
	v37 =	vld [tilespmem:s7+$0xC90];
	v60 =	vmul.f32 v24, v60;
	[tilespmem:v61+s1+$0x0] =	vst.idx.msk $0xffff, v49  }
0x134: {  	v53 =	vadd.f32 v54, v53;
	v44 =	vor.u32 $0xD, v32;
	[tilespmem:v62+s1+$0x0] =	vst.idx.msk $0xffff, v59;
	v61 =	vmul.f32 v17, v63;
	v62 =	vld [tilespmem:s28+$0x290]  }
0x135: {  	v31 =	vmul.f32 v46, v39;
	v39 =	vor.u32 $0xF, v34;
	v30 =	vmul.f32 v30, v40;
	v48 =	vld [tilespmem:s26+$0xFFFFFB00];
	[tilespmem:v56+s1+$0x0] =	vst.idx.msk $0xffff, v60  }
0x136: {  	s10 =	simm.s32 $0x19DB0;
	v49 =	vor.u32 $0xE, v34;
	[tilespmem:v57+s1+$0x0] =	vst.idx.msk $0xffff, v61;
	v60 =	vor.u32 $0x9, v25;
	v34 =	vld [tilespmem:s5+$0xFFFFF100];
	v63 =	vmul.f32 v58, v19  }
0x137: {  	s9 =	simm.s32 $0x184A0;
	v35 =	vor.u32 $0x4, v28;
	v45 =	vmul.f32 v26, v50;
	v41 =	vmul.f32 v41, v33;
	[tilespmem:s10+$0xFFFFFFF0] =	vst v30;
	v61 =	vld [tilespmem:s26+$0xFFFFF890]  }
0x138: {  	v40 =	vor.u32 $0xF, v32;
	v57 =	vor.u32 $0x2, v28;
	v54 =	vld [tilespmem:s9+$0xFFFFEC00];
	v37 =	vmul.f32 v37, v29;
	[tilespmem:v42+s1+$0x0] =	vst.idx.msk $0xffff, v63  }
0x139: {  	v32 =	vor.u32 $0xE, v32;
	[tilespmem:v44+s1+$0x0] =	vst.idx.msk $0xffff, v41;
	v42 =	vor.u32 $0x5, v21;
	v58 =	vld [tilespmem:s28+$0x500];
	v46 =	vmul.f32 v62, v23  }
0x13a: {  	v63 =	vadd.f32 $1.000000000e+00, v53;
	v48 =	vmul.f32 v18, v48;
	v62 =	vadd.f32 v55, v51;
	v51 =	vld [tilespmem:s7+$0xF00];
	[tilespmem:v47+s1+$0x0] =	vst.idx.msk $0xffff, v37  }
0x13b: {  	v47 =	vor.u32 $0xA, v22;
	v55 =	vor.u32 $0x6, v21;
	v50 =	vld [tilespmem:s7+$0xF10];
	v59 =	vmul.f32 v24, v34;
	[tilespmem:v60+s1+$0x0] =	vst.idx.msk $0xffff, v46  }
0x13c: {  	[tilespmem:v52+s1+$0x0] =	vst.idx.msk $0xffff, v48;
	v41 =	vadd.f32 $1.000000000e+00, v62;
	v60 =	vshra.s32 v63, $0x1;
	v61 =	vmul.f32 v17, v61;
	v52 =	vld [tilespmem:s28+$0x510]  }
0x13d: {  	v46 =	vor.u32 $0xA, v25;
	v34 =	vmul.f32 $5.000000000e-01, v63;
	v44 =	vld [tilespmem:s26+$0xFFFFFD80];
	v53 =	vsub.s32 $0x5F3759DF, v60;
	[tilespmem:v57+s1+$0x0] =	vst.idx.msk $0xffff, v59  }
0x13e: {  	v62 =	vshra.s32 v41, $0x1;
	v37 =	vmul.f32 $5.000000000e-01, v41;
	[tilespmem:v42+s1+$0x0] =	vst.idx.msk $0xffff, v61;
	v41 =	vld [tilespmem:s5+$0xFFFFF380];
	v63 =	vmul.f32 v58, v19  }
0x13f: {  	[tilespmem:v38+s1+$0x0] =	vst.idx.msk $0xffff, v45;
	v60 =	vmul.f32 v53, v34;
	v56 =	vsub.s32 $0x5F3759DF, v62;
	v38 =	vld [tilespmem:s26+$0xFFFFFB10];
	v61 =	vmul.f32 v51, v33  }
0x140: {  	v57 =	vor.u32 $0x3, v28;
	v58 =	vld [tilespmem:s5+$0xFFFFF110];
	v62 =	vmul.f32 v56, v37;
	[tilespmem:v47+s1+$0x0] =	vst.idx.msk $0xffff, v63;
	v47 =	vmul.f32 v50, v29  }
0x141: {  	v42 =	vor.u32 $0x7, v20;
	v50 =	vmul.f32 v53, v60;
	[tilespmem:v32+s1+$0x0] =	vst.idx.msk $0xffff, v61;
	v59 =	vld [tilespmem:s28+$0x780];
	v52 =	vmul.f32 v52, v23  }
0x142: {  	v60 =	vor.u32 $0x2, v27;
	v48 =	vmul.f32 v18, v44;
	v45 =	vmul.f32 v56, v62;
	v61 =	vld [tilespmem:s7+$0x1180];
	[tilespmem:v49+s1+$0x0] =	vst.idx.msk $0xffff, v47  }
0x143: {  	v32 =	vor.u32 v0, v43;
	v63 =	vsub.f32 $1.500000000e+00, v50;
	v41 =	vmul.f32 v24, v41;
	[tilespmem:v46+s1+$0x0] =	vst.idx.msk $0xffff, v52;
	v51 =	vld [tilespmem:s7+$0x1190]  }
0x144: {  	[tilespmem:s10+$0x0] =	vst v31;
	v44 =	vmul.f32 v30, v54;
	v62 =	vsub.f32 $1.500000000e+00, v45;
	v38 =	vmul.f32 v17, v38;
	v50 =	vld [tilespmem:s28+$0x790]  }
0x145: {  	v47 =	vor.u32 $0xB, v22;
	v52 =	vld [tilespmem:s9+$0xFFFFEC10];
	v53 =	vmul.f32 v53, v63;
	v63 =	vmul.f32 v26, v58;
	[tilespmem:v57+s1+$0x0] =	vst.idx.msk $0xffff, v41  }
0x146: {  	s13 =	simm.s32 $0xA;
	s12 =	simm.s32 $0x80;
	s11 =	simm.s32 $0xA0;
	v45 =	vor.u32 $0xB, v25;
	v54 =	vmul.f32 v56, v62;
	[tilespmem:v55+s1+$0x0] =	vst.idx.msk $0xffff, v38;
	v49 =	vld [tilespmem:s5+$0xFFFFF600];
	v46 =	vmul.f32 v59, v19  }
0x147: {  	s14 =	simm.s32 $0xC0;
	s15 =	simm.s32 $0x19B70;
	s7 =	simm.s32 $0x184A0;
	v41 =	vor.u32 $0x7, v21;
	v56 =	vmul.f32 v53, v34;
	[tilespmem:v60+s1+$0x0] =	vst.idx.msk $0xffff, v63;
	v43 =	vld [tilespmem:s26+$0xFFFFFD90];
	v55 =	vmul.f32 v61, v33  }
.LBB2_3:
0x148: {  	s17 =	sadd.s32 $0x10, s14;
	s13 =	sadd.s32 $0x2, s13;
	v38 =	vmul.f32 v54, v37;
	s8 =	sadd.s32 $0x20, s8;
	v57 =	vld [tilespmem:s5+$0xFFFFF390];
	v58 =	vor.u32 $0x3, v27;
	[tilespmem:v42+s1+$0x0] =	vst.idx.msk $0xffff, v48;
	v48 =	vmul.f32 v51, v29  }
0x149: {  	v29 =	vmovc v23;
	v33 =	vmov s17;
	p2 =	slt.u32 s13, $0x16;
	v51 =	vmul.f32 v56, v53;
	v56 =	vld [tilespmem:s26+$0x0];
	v50 =	vmul.f32 v50, v23;
	[tilespmem:v40+s1+$0x0] =	vst.idx.msk $0xffff, v55  }
0x14a: {  	v40 =	vmov s12;
	v23 =	vmovc v17;
	v17 =	vmovc v26;
	s12 =	smov.u32 s11;
	s11 =	smov.u32 s14;
	v42 =	vld [tilespmem:s8+$0xFFFFFFF0];
	v33 =	vshll.u32 v33, $0x4;
	v38 =	vmul.f32 v38, v54;
	[tilespmem:v39+s1+$0x0] =	vst.idx.msk $0xffff, v48  }
0x14b: {  	v26 =	vmovc v31;
	v40 =	vshll.u32 v40, $0x4;
	v48 =	vld [tilespmem:s8+$0x0];
	v39 =	vsub.f32 $1.500000000e+00, v51;
	v49 =	vmul.f32 v24, v49;
	[tilespmem:v45+s1+$0x0] =	vst.idx.msk $0xffff, v50  }
0x14c: {  	v50 =	vor.u32 v0, v40;
	v51 =	vmul.f32 v26, v52;
	v45 =	vld [tilespmem:s15+$0xFFFFFFF0];
	v31 =	vsub.f32 $1.500000000e+00, v38;
	[tilespmem:v47+s1+$0x0] =	vst.idx.msk $0xffff, v46  }
0x14d: {  	v40 =	vmul.f32 v23, v43;
	v39 =	vmul.f32 v39, v53;
	[tilespmem:v35+s1+$0x0] =	vst.idx.msk $0xffff, v49;
	v35 =	vor.u32 $0x4, v50;
	v43 =	vld [tilespmem:s28+$0xA00]  }
0x14e: {  	v47 =	vor.u32 $0xC, v22;
	v46 =	vmul.f32 v31, v54;
	[tilespmem:v32+s1+$0x0] =	vst.idx.msk $0xffff, v51;
	v31 =	vld [tilespmem:s5+$0xFFFFF880];
	v38 =	vmovc v19;
	v19 =	vmov v18  }
0x14f: {  	v51 =	vor.u32 $0x8, v20;
	v34 =	vmul.f32 v39, v34;
	v49 =	vmul.f32 v19, v56;
	[tilespmem:v41+s1+$0x0] =	vst.idx.msk $0xffff, v40;
	v40 =	vld [tilespmem:s28+$0xA10]  }
0x150: {  	v53 =	vor.u32 $0xC, v25;
	v18 =	vmovc v24;
	v24 =	vmovc v30;
	v41 =	vmul.f32 v17, v57;
	v37 =	vmul.f32 v46, v37;
	v52 =	vld [tilespmem:s26+$0x10]  }
0x151: {  	v30 =	vmul.f32 v34, v39;
	[tilespmem:v50+s1+$0x0] =	vst.idx.msk $0xffff, v44;
	v34 =	vld [tilespmem:s9+$0xFFFFEE90]  }
0x152: {  	v37 =	vmul.f32 v37, v46;
	v44 =	vld [tilespmem:s9+$0xFFFFEE80];
	[tilespmem:v58+s1+$0x0] =	vst.idx.msk $0xffff, v41;
	v41 =	vor.u32 $0x8, v21;
	v43 =	vmul.f32 v43, v38  }
0x153: {  	v55 =	vor.u32 $0x5, v28;
	v30 =	vsub.f32 $1.500000000e+00, v30;
	v54 =	vmul.f32 v18, v31;
	v56 =	vld [tilespmem:s5+$0xFFFFF610]  }
0x154: {  	v58 =	vor.u32 $0x1, v50;
	v57 =	vld [tilespmem:s15+$0x0];
	v37 =	vsub.f32 $1.500000000e+00, v37;
	[tilespmem:v51+s1+$0x0] =	vst.idx.msk $0xffff, v49;
	v40 =	vmul.f32 v40, v29  }
0x155: {  	v49 =	vor.u32 $0x4, v27;
	v31 =	vmul.f32 v30, v39;
	v51 =	vld [tilespmem:s26+$0x280];
	v39 =	vmul.f32 v23, v52;
	[tilespmem:v47+s1+$0x0] =	vst.idx.msk $0xffff, v43  }
0x156: {  	s10 =	sadd.s32 $0x20, s10;
	v30 =	vmul.f32 v37, v46;
	v37 =	vld [tilespmem:s28+$0xC80];
	[tilespmem:v53+s1+$0x0] =	vst.idx.msk $0xffff, v40  }
0x157: {  	s9 =	sadd.s32 $0x20, s9;
	v43 =	vor.u32 $0x9, v20;
	v40 =	vmul.f32 v24, v44;
	[tilespmem:v41+s1+$0x0] =	vst.idx.msk $0xffff, v39;
	v41 =	vor.u32 $0xD, v22;
	v44 =	vld [tilespmem:s28+$0xC90]  }
0x158: {  	v52 =	vor.u32 $0xD, v25;
	v46 =	vmul.f32 v26, v34;
	[tilespmem:v55+s1+$0x0] =	vst.idx.msk $0xffff, v54;
	v34 =	vmul.f32 v17, v56;
	v47 =	vld [tilespmem:s26+$0x290]  }
0x159: {  	v39 =	vor.u32 $0xF, v25;
	v54 =	vor.u32 $0xE, v25;
	v25 =	vmovc v21;
	v21 =	vmovc v27;
	v27 =	vmov v32;
	[tilespmem:v58+s1+$0x0] =	vst.idx.msk $0xffff, v40;
	v53 =	vld [tilespmem:s5+$0xFFFFFB00]  }
0x15a: {  	v40 =	vor.u32 $0xF, v22;
	v32 =	vld [tilespmem:s7+$0xFFFFF100];
	[tilespmem:v49+s1+$0x0] =	vst.idx.msk $0xffff, v34;
	v34 =	vmul.f32 v51, v19;
	v49 =	vor.u32 $0x9, v25  }
0x15b: {  	v56 =	vor.u32 $0xE, v22;
	v22 =	vmovc v20;
	v20 =	vmovc v28;
	v51 =	vor.u32 $0x6, v28;
	[tilespmem:s10+$0xFFFFFFF0] =	vst v30;
	v55 =	vld [tilespmem:s5+$0xFFFFF890];
	v37 =	vmul.f32 v37, v38  }
0x15c: {  	v48 =	vadd.f32 v57, v48;
	v58 =	vor.u32 $0x2, v50;
	v57 =	vld [tilespmem:s9+$0xFFFFEC00];
	[tilespmem:v43+s1+$0x0] =	vst.idx.msk $0xffff, v34;
	v34 =	vmul.f32 v44, v29  }
0x15d: {  	v28 =	vmovc v50;
	v43 =	vor.u32 $0x1, v27;
	v44 =	vor.u32 $0x5, v21;
	v59 =	vld [tilespmem:s26+$0x500];
	v47 =	vmul.f32 v47, v23;
	[tilespmem:v41+s1+$0x0] =	vst.idx.msk $0xffff, v37  }
0x15e: {  	v37 =	vadd.f32 v45, v42;
	v41 =	vadd.f32 $1.000000000e+00, v48;
	v42 =	vmul.f32 v18, v53;
	v45 =	vld [tilespmem:s28+$0xF00];
	[tilespmem:v52+s1+$0x0] =	vst.idx.msk $0xffff, v34  }
0x15f: {  	v48 =	vor.u32 $0xA, v22;
	v32 =	vmul.f32 v24, v32;
	[tilespmem:v49+s1+$0x0] =	vst.idx.msk $0xffff, v47;
	v47 =	vor.u32 $0xA, v25;
	v49 =	vld [tilespmem:s28+$0xF10]  }
0x160: {  	v37 =	vadd.f32 $1.000000000e+00, v37;
	v34 =	vshra.s32 v41, $0x1;
	[tilespmem:v51+s1+$0x0] =	vst.idx.msk $0xffff, v42;
	v42 =	vmul.f32 v17, v55;
	v50 =	vld [tilespmem:s26+$0x510]  }
0x161: {  	v52 =	vsub.s32 $0x5F3759DF, v34;
	v34 =	vmul.f32 $5.000000000e-01, v41;
	v41 =	vor.u32 $0x6, v21;
	[tilespmem:v58+s1+$0x0] =	vst.idx.msk $0xffff, v32;
	v32 =	vld [tilespmem:s5+$0xFFFFFD80]  }
0x162: {  	v51 =	vshra.s32 v37, $0x1;
	v37 =	vmul.f32 $5.000000000e-01, v37;
	v53 =	vld [tilespmem:s7+$0xFFFFF380];
	[tilespmem:v44+s1+$0x0] =	vst.idx.msk $0xffff, v42;
	v42 =	vmul.f32 v59, v19  }
0x163: {  	v55 =	vsub.s32 $0x5F3759DF, v51;
	v44 =	vmul.f32 v52, v34;
	[tilespmem:v43+s1+$0x0] =	vst.idx.msk $0xffff, v46;
	v43 =	vld [tilespmem:s5+$0xFFFFFB10];
	v45 =	vmul.f32 v45, v38  }
0x164: {  	v58 =	vor.u32 $0x3, v28;
	v46 =	vmul.f32 v55, v37;
	v59 =	vld [tilespmem:s7+$0xFFFFF110];
	[tilespmem:v48+s1+$0x0] =	vst.idx.msk $0xffff, v42;
	v49 =	vmul.f32 v49, v29  }
0x165: {  	v44 =	vmul.f32 v52, v44;
	v42 =	vor.u32 $0x7, v20;
	v60 =	vld [tilespmem:s26+$0x780];
	v50 =	vmul.f32 v50, v23;
	[tilespmem:v56+s1+$0x0] =	vst.idx.msk $0xffff, v45  }
0x166: {  	v61 =	vor.u32 $0x2, v27;
	v45 =	vmul.f32 v55, v46;
	v48 =	vmul.f32 v18, v32;
	v62 =	vld [tilespmem:s28+$0x1180];
	[tilespmem:v54+s1+$0x0] =	vst.idx.msk $0xffff, v49  }
.Ltmp3:
0x167: {  	v46 =	vsub.f32 $1.500000000e+00, v44;
	v32 =	vor.u32 v0, v36;
	v49 =	vmul.f32 v24, v53;
	[tilespmem:v47+s1+$0x0] =	vst.idx.msk $0xffff, v50;
	v51 =	vld [tilespmem:s28+$0x1190];
	s28 =	smov.u32 s26;
	s26 =	smov.u32 s5;
	(pc) =	sbr.rel @p2 .LBB2_3-.Ltmp3, $4  }
0x168: {  	v44 =	vmul.f32 v30, v57;
	v36 =	vmovc v33;
	v47 =	vsub.f32 $1.500000000e+00, v45;
	s5 =	smov.u32 s7;
	s7 =	smov.u32 s9;
	[tilespmem:s10+$0x0] =	vst v31;
	v43 =	vmul.f32 v17, v43;
	v50 =	vld [tilespmem:s28+$0x790]  }
0x169: {  	v45 =	vor.u32 $0xB, v25;
	v53 =	vmul.f32 v52, v46;
	v52 =	vld [tilespmem:s9+$0xFFFFEC10];
	[tilespmem:v58+s1+$0x0] =	vst.idx.msk $0xffff, v49;
	v33 =	vmul.f32 v26, v59  }
0x16a: {  	v54 =	vmul.f32 v55, v47;
	v47 =	vor.u32 $0xB, v22;
	v49 =	vld [tilespmem:s5+$0xFFFFF600];
	[tilespmem:v41+s1+$0x0] =	vst.idx.msk $0xffff, v43;
	v46 =	vmul.f32 v60, v19  }
0x16b: {  	s14 =	sadd.s32 $0x20, s14;
	s15 =	sadd.s32 $0x20, s15;
	v56 =	vmul.f32 v53, v34;
	v41 =	vor.u32 $0x7, v21;
	[tilespmem:v61+s1+$0x0] =	vst.idx.msk $0xffff, v33;
	v43 =	vld [tilespmem:s26+$0xFFFFFD90];
	v55 =	vmul.f32 v62, v38  }
0x16c: {  	v33 =	vmul.f32 v54, v37;
	_ =	sdelay $0x1  }
0x16d: {  	v33 =	vmul.f32 v33, v54  }
0x16e: {  	v38 =	vmul.f32 v56, v53  }
0x16f: {  	v33 =	vsub.f32 $1.500000000e+00, v33  }
0x170: {  	v38 =	vsub.f32 $1.500000000e+00, v38  }
0x171: {  	v33 =	vmul.f32 v33, v54  }
0x172: {  	v38 =	vmul.f32 v38, v53  }
0x173: {  	v59 =	vmul.f32 v33, v37  }
0x174: {  	v34 =	vmul.f32 v38, v34  }
0x175: {  	v37 =	vmul.f32 v59, v33  }
0x176: {  	v34 =	vmul.f32 v34, v38  }
0x177: {  	v37 =	vsub.f32 $1.500000000e+00, v37  }
0x178: {  	v60 =	vsub.f32 $1.500000000e+00, v34  }
0x179: {  	v34 =	vmul.f32 v37, v33  }
0x17a: {  	v61 =	vmov s12;
	s10 =	sadd.s32 $0x20, s10;
	v33 =	vmul.f32 v60, v38  }
0x17b: {  	s8 =	sadd.s32 $0x20, s9;
	v37 =	vshll.u32 v61, $0x4;
	[tilespmem:s10+$0xFFFFFFF0] =	vst v34  }
0x17c: {  	v63 =	vmov s11;
	v38 =	vor.u32 v0, v37;
	[tilespmem:s10+$0x0] =	vst v33;
	v62 =	vld [tilespmem:s8+$0xFFFFEC00]  }
0x17d: {  	v37 =	vshll.u32 v63, $0x4;
	v57 =	vld [tilespmem:s8+$0xFFFFEC10]  }
0x17e: {  	v37 =	vor.u32 v0, v37  }
0x17f: {  	v36 =	vor.u32 v0, v36  }
0x180: {  	v52 =	vmul.f32 v31, v52  }
0x181: {  	[tilespmem:v38+s1+$0x0] =	vst.idx.msk $0xffff, v44;
	v58 =	vmul.f32 v34, v62  }
0x182: {  	[tilespmem:v32+s1+$0x0] =	vst.idx.msk $0xffff, v52;
	v52 =	vld [tilespmem:s9+$0xFFFFEE80];
	v59 =	vmul.f32 v33, v57  }
0x183: {  	v60 =	vld [tilespmem:s9+$0xFFFFEE90];
	[tilespmem:v37+s1+$0x0] =	vst.idx.msk $0xffff, v58  }
0x184: {  	v61 =	vor.u32 $0x1, v38;
	[tilespmem:v36+s1+$0x0] =	vst.idx.msk $0xffff, v59;
	v62 =	vld [tilespmem:s8+$0xFFFFEE80]  }
0x185: {  	v63 =	vor.u32 $0x1, v32;
	v57 =	vld [tilespmem:s8+$0xFFFFEE90]  }
0x186: {  	v58 =	vor.u32 $0x1, v37  }
0x187: {  	v59 =	vor.u32 $0x1, v36;
	v52 =	vmul.f32 v30, v52  }
0x188: {  	v54 =	vmul.f32 v31, v60  }
0x189: {  	[tilespmem:v61+s1+$0x0] =	vst.idx.msk $0xffff, v52;
	v60 =	vmul.f32 v34, v62  }
0x18a: {  	[tilespmem:v63+s1+$0x0] =	vst.idx.msk $0xffff, v54;
	v52 =	vld [tilespmem:s7+$0xFFFFF100];
	v61 =	vmul.f32 v33, v57  }
0x18b: {  	v54 =	vld [tilespmem:s7+$0xFFFFF110];
	[tilespmem:v58+s1+$0x0] =	vst.idx.msk $0xffff, v60  }
0x18c: {  	v44 =	vor.u32 $0x2, v38;
	[tilespmem:v59+s1+$0x0] =	vst.idx.msk $0xffff, v61;
	v62 =	vld [tilespmem:s8+$0xFFFFF100]  }
0x18d: {  	v53 =	vor.u32 $0x2, v32;
	v63 =	vld [tilespmem:s8+$0xFFFFF110]  }
0x18e: {  	[tilespmem:v42+s1+$0x0] =	vst.idx.msk $0xffff, v48;
	v42 =	vor.u32 $0x2, v37  }
0x18f: {  	[tilespmem:v47+s1+$0x0] =	vst.idx.msk $0xffff, v46;
	v59 =	vor.u32 $0x2, v36;
	v58 =	vmul.f32 v30, v52  }
0x190: {  	[tilespmem:v40+s1+$0x0] =	vst.idx.msk $0xffff, v55;
	v60 =	vmul.f32 v31, v54  }
0x191: {  	v61 =	vld [tilespmem:s5+$0xFFFFF390];
	[tilespmem:v44+s1+$0x0] =	vst.idx.msk $0xffff, v58;
	v62 =	vmul.f32 v34, v62  }
0x192: {  	[tilespmem:v53+s1+$0x0] =	vst.idx.msk $0xffff, v60;
	v44 =	vld [tilespmem:s7+$0xFFFFF380];
	v63 =	vmul.f32 v33, v63  }
0x193: {  	v29 =	vmul.f32 v51, v29;
	v56 =	vor.u32 $0x3, v27;
	v57 =	vld [tilespmem:s7+$0xFFFFF390];
	[tilespmem:v42+s1+$0x0] =	vst.idx.msk $0xffff, v62  }
0x194: {  	v50 =	vmul.f32 v50, v23;
	v58 =	vor.u32 $0x3, v38;
	[tilespmem:v59+s1+$0x0] =	vst.idx.msk $0xffff, v63;
	v42 =	vld [tilespmem:s8+$0xFFFFF380]  }
0x195: {  	[tilespmem:v39+s1+$0x0] =	vst.idx.msk $0xffff, v29;
	v60 =	vor.u32 $0x3, v32;
	v59 =	vmul.f32 v24, v49;
	v48 =	vld [tilespmem:s8+$0xFFFFF390]  }
0x196: {  	[tilespmem:v45+s1+$0x0] =	vst.idx.msk $0xffff, v50;
	v46 =	vor.u32 $0x3, v37;
	v39 =	vmul.f32 v26, v61  }
0x197: {  	v61 =	vld [tilespmem:s26+$0x0];
	[tilespmem:v35+s1+$0x0] =	vst.idx.msk $0xffff, v59;
	v62 =	vmul.f32 v30, v44;
	v35 =	vor.u32 $0x3, v36  }
0x198: {  	[tilespmem:v56+s1+$0x0] =	vst.idx.msk $0xffff, v39;
	v63 =	vld [tilespmem:s28+$0xA00];
	v53 =	vmul.f32 v31, v57  }
0x199: {  	v49 =	vor.u32 $0x8, v20;
	v54 =	vld [tilespmem:s5+$0xFFFFF610];
	[tilespmem:v58+s1+$0x0] =	vst.idx.msk $0xffff, v62;
	v55 =	vmul.f32 v34, v42  }
0x19a: {  	v56 =	vor.u32 $0xC, v22;
	[tilespmem:v60+s1+$0x0] =	vst.idx.msk $0xffff, v53;
	v57 =	vld [tilespmem:s7+$0xFFFFF600];
	v58 =	vmul.f32 v33, v48  }
0x19b: {  	v43 =	vmul.f32 v17, v43;
	v59 =	vor.u32 $0x4, v27;
	v60 =	vld [tilespmem:s7+$0xFFFFF610];
	[tilespmem:v46+s1+$0x0] =	vst.idx.msk $0xffff, v55  }
0x19c: {  	v29 =	vor.u32 $0x4, v38;
	v61 =	vmul.f32 v18, v61;
	[tilespmem:v35+s1+$0x0] =	vst.idx.msk $0xffff, v58;
	v62 =	vld [tilespmem:s8+$0xFFFFF600]  }
0x19d: {  	[tilespmem:v41+s1+$0x0] =	vst.idx.msk $0xffff, v43;
	v39 =	vor.u32 $0x4, v32;
	v63 =	vmul.f32 v63, v19;
	v52 =	vld [tilespmem:s8+$0xFFFFF610]  }
0x19e: {  	v53 =	vld [tilespmem:s28+$0xA10];
	[tilespmem:v49+s1+$0x0] =	vst.idx.msk $0xffff, v61;
	v54 =	vmul.f32 v26, v54;
	v46 =	vor.u32 $0x4, v37  }
0x19f: {  	v40 =	vor.u32 $0x4, v36;
	[tilespmem:v56+s1+$0x0] =	vst.idx.msk $0xffff, v63;
	v55 =	vld [tilespmem:s26+$0x10];
	v56 =	vmul.f32 v30, v57  }
0x1a0: {  	[tilespmem:v59+s1+$0x0] =	vst.idx.msk $0xffff, v54;
	v58 =	vor.u32 $0xC, v25;
	v59 =	vmul.f32 v31, v60;
	v57 =	vld [tilespmem:s5+$0xFFFFF880]  }
0x1a1: {  	v60 =	vor.u32 $0x8, v21;
	v61 =	vld [tilespmem:s5+$0xFFFFF890];
	[tilespmem:v29+s1+$0x0] =	vst.idx.msk $0xffff, v56;
	v62 =	vmul.f32 v34, v62  }
0x1a2: {  	v35 =	vor.u32 $0x5, v28;
	[tilespmem:v39+s1+$0x0] =	vst.idx.msk $0xffff, v59;
	v63 =	vld [tilespmem:s7+$0xFFFFF880];
	v52 =	vmul.f32 v33, v52  }
0x1a3: {  	v53 =	vmul.f32 v53, v23;
	v54 =	vor.u32 $0x5, v27;
	v44 =	vld [tilespmem:s7+$0xFFFFF890];
	[tilespmem:v46+s1+$0x0] =	vst.idx.msk $0xffff, v62  }
0x1a4: {  	v55 =	vmul.f32 v17, v55;
	v46 =	vor.u32 $0x5, v38;
	[tilespmem:v40+s1+$0x0] =	vst.idx.msk $0xffff, v52;
	v56 =	vld [tilespmem:s8+$0xFFFFF880]  }
0x1a5: {  	[tilespmem:v58+s1+$0x0] =	vst.idx.msk $0xffff, v53;
	v57 =	vmul.f32 v24, v57;
	v40 =	vor.u32 $0x5, v32;
	v58 =	vld [tilespmem:s8+$0xFFFFF890]  }
0x1a6: {  	v59 =	vld [tilespmem:s26+$0x280];
	[tilespmem:v60+s1+$0x0] =	vst.idx.msk $0xffff, v55;
	v60 =	vmul.f32 v26, v61;
	v61 =	vor.u32 $0x5, v37  }
0x1a7: {  	v39 =	vor.u32 $0x5, v36;
	v62 =	vld [tilespmem:s28+$0xC80];
	[tilespmem:v35+s1+$0x0] =	vst.idx.msk $0xffff, v57;
	v63 =	vmul.f32 v30, v63  }
0x1a8: {  	v52 =	vor.u32 $0x9, v20;
	[tilespmem:v54+s1+$0x0] =	vst.idx.msk $0xffff, v60;
	v54 =	vmul.f32 v31, v44;
	v53 =	vld [tilespmem:s5+$0xFFFFFB00]  }
0x1a9: {  	v43 =	vor.u32 $0xD, v22;
	v55 =	vld [tilespmem:s5+$0xFFFFFB10];
	[tilespmem:v46+s1+$0x0] =	vst.idx.msk $0xffff, v63;
	v56 =	vmul.f32 v34, v56  }
0x1aa: {  	v46 =	vor.u32 $0x6, v28;
	[tilespmem:v40+s1+$0x0] =	vst.idx.msk $0xffff, v54;
	v57 =	vld [tilespmem:s7+$0xFFFFFB00];
	v58 =	vmul.f32 v33, v58  }
0x1ab: {  	v41 =	vor.u32 $0x6, v27;
	v59 =	vmul.f32 v59, v18;
	v60 =	vld [tilespmem:s7+$0xFFFFFB10];
	[tilespmem:v61+s1+$0x0] =	vst.idx.msk $0xffff, v56  }
0x1ac: {  	v61 =	vmul.f32 v62, v19;
	v62 =	vor.u32 $0x6, v38;
	[tilespmem:v39+s1+$0x0] =	vst.idx.msk $0xffff, v58;
	v63 =	vld [tilespmem:s8+$0xFFFFFB00]  }
0x1ad: {  	[tilespmem:v52+s1+$0x0] =	vst.idx.msk $0xffff, v59;
	v52 =	vor.u32 $0x6, v32;
	v51 =	vmul.f32 v24, v53;
	v53 =	vld [tilespmem:s8+$0xFFFFFB10]  }
0x1ae: {  	v54 =	vld [tilespmem:s28+$0xC90];
	v55 =	vmul.f32 v26, v55;
	[tilespmem:v43+s1+$0x0] =	vst.idx.msk $0xffff, v61;
	v43 =	vor.u32 $0x6, v37  }
0x1af: {  	v56 =	vld [tilespmem:s26+$0x290];
	[tilespmem:v46+s1+$0x0] =	vst.idx.msk $0xffff, v51;
	v46 =	vor.u32 $0x6, v36;
	v57 =	vmul.f32 v30, v57  }
0x1b0: {  	v58 =	vor.u32 $0xD, v25;
	[tilespmem:v41+s1+$0x0] =	vst.idx.msk $0xffff, v55;
	v59 =	vld [tilespmem:s5+$0xFFFFFD80];
	v60 =	vmul.f32 v31, v60  }
0x1b1: {  	v41 =	vor.u32 $0x9, v21;
	v61 =	vld [tilespmem:s5+$0xFFFFFD90];
	[tilespmem:v62+s1+$0x0] =	vst.idx.msk $0xffff, v57;
	v62 =	vmul.f32 v34, v63  }
0x1b2: {  	v45 =	vor.u32 $0x7, v28;
	[tilespmem:v52+s1+$0x0] =	vst.idx.msk $0xffff, v60;
	v63 =	vld [tilespmem:s7+$0xFFFFFD80];
	v52 =	vmul.f32 v33, v53  }
0x1b3: {  	v53 =	vmul.f32 v54, v23;
	v54 =	vor.u32 $0x7, v27;
	v55 =	vld [tilespmem:s7+$0xFFFFFD90];
	[tilespmem:v43+s1+$0x0] =	vst.idx.msk $0xffff, v62  }
0x1b4: {  	v56 =	vmul.f32 v56, v17;
	v43 =	vor.u32 $0x7, v38;
	[tilespmem:v46+s1+$0x0] =	vst.idx.msk $0xffff, v52;
	v57 =	vld [tilespmem:s8+$0xFFFFFD80]  }
0x1b5: {  	[tilespmem:v58+s1+$0x0] =	vst.idx.msk $0xffff, v53;
	v58 =	vmul.f32 v24, v59;
	v59 =	vor.u32 $0x7, v32;
	v46 =	vld [tilespmem:s8+$0xFFFFFD90]  }
0x1b6: {  	v60 =	vld [tilespmem:s26+$0x500];
	[tilespmem:v41+s1+$0x0] =	vst.idx.msk $0xffff, v56;
	v61 =	vmul.f32 v26, v61;
	v41 =	vor.u32 $0x7, v37  }
0x1b7: {  	v62 =	vld [tilespmem:s28+$0xF00];
	[tilespmem:v45+s1+$0x0] =	vst.idx.msk $0xffff, v58;
	v45 =	vor.u32 $0x7, v36;
	v63 =	vmul.f32 v30, v63  }
0x1b8: {  	v52 =	vor.u32 $0xA, v20;
	v53 =	vld [tilespmem:s5+$0x0];
	[tilespmem:v54+s1+$0x0] =	vst.idx.msk $0xffff, v61;
	v54 =	vmul.f32 v31, v55  }
0x1b9: {  	v55 =	vor.u32 $0xE, v22;
	v56 =	vld [tilespmem:s5+$0x10];
	[tilespmem:v43+s1+$0x0] =	vst.idx.msk $0xffff, v63;
	v57 =	vmul.f32 v34, v57  }
0x1ba: {  	v43 =	vor.u32 $0x8, v28;
	[tilespmem:v59+s1+$0x0] =	vst.idx.msk $0xffff, v54;
	v58 =	vld [tilespmem:s7+$0x0];
	v59 =	vmul.f32 v33, v46  }
0x1bb: {  	v60 =	vmul.f32 v60, v18;
	v46 =	vor.u32 $0x8, v27;
	v61 =	vld [tilespmem:s7+$0x10];
	[tilespmem:v41+s1+$0x0] =	vst.idx.msk $0xffff, v57  }
0x1bc: {  	v62 =	vmul.f32 v62, v19;
	v41 =	vor.u32 $0x8, v38;
	[tilespmem:v45+s1+$0x0] =	vst.idx.msk $0xffff, v59;
	v63 =	vld [tilespmem:s8+$0x0]  }
0x1bd: {  	[tilespmem:v52+s1+$0x0] =	vst.idx.msk $0xffff, v60;
	v52 =	vmul.f32 v24, v53;
	v53 =	vor.u32 $0x8, v32;
	v45 =	vld [tilespmem:s8+$0x10]  }
0x1be: {  	v54 =	vld [tilespmem:s28+$0xF10];
	[tilespmem:v55+s1+$0x0] =	vst.idx.msk $0xffff, v62;
	v55 =	vmul.f32 v26, v56;
	v56 =	vor.u32 $0x8, v37  }
0x1bf: {  	v57 =	vld [tilespmem:s26+$0x510];
	[tilespmem:v43+s1+$0x0] =	vst.idx.msk $0xffff, v52;
	v43 =	vor.u32 $0x8, v36;
	v58 =	vmul.f32 v30, v58  }
0x1c0: {  	v59 =	vor.u32 $0xE, v25;
	v60 =	vld [tilespmem:s5+$0x280];
	[tilespmem:v46+s1+$0x0] =	vst.idx.msk $0xffff, v55;
	v61 =	vmul.f32 v31, v61  }
0x1c1: {  	v46 =	vor.u32 $0xA, v21;
	v62 =	vld [tilespmem:s5+$0x290];
	[tilespmem:v41+s1+$0x0] =	vst.idx.msk $0xffff, v58;
	v63 =	vmul.f32 v34, v63  }
0x1c2: {  	v41 =	vor.u32 $0x9, v28;
	[tilespmem:v53+s1+$0x0] =	vst.idx.msk $0xffff, v61;
	v52 =	vld [tilespmem:s7+$0x280];
	v53 =	vmul.f32 v33, v45  }
0x1c3: {  	v54 =	vmul.f32 v54, v23;
	v45 =	vor.u32 $0x9, v27;
	v55 =	vld [tilespmem:s7+$0x290];
	[tilespmem:v56+s1+$0x0] =	vst.idx.msk $0xffff, v63  }
0x1c4: {  	v56 =	vmul.f32 v57, v17;
	v57 =	vor.u32 $0x9, v38;
	[tilespmem:v43+s1+$0x0] =	vst.idx.msk $0xffff, v53;
	v58 =	vld [tilespmem:s8+$0x280]  }
0x1c5: {  	[tilespmem:v59+s1+$0x0] =	vst.idx.msk $0xffff, v54;
	v59 =	vmul.f32 v60, v24;
	v60 =	vor.u32 $0x9, v32;
	v43 =	vld [tilespmem:s8+$0x290]  }
0x1c6: {  	v61 =	vld [tilespmem:s28+$0x1180];
	v62 =	vmul.f32 v62, v26;
	[tilespmem:v46+s1+$0x0] =	vst.idx.msk $0xffff, v56;
	v46 =	vor.u32 $0x9, v37  }
0x1c7: {  	v63 =	vld [tilespmem:s28+$0x1190];
	[tilespmem:v41+s1+$0x0] =	vst.idx.msk $0xffff, v59;
	v51 =	vmul.f32 v52, v30;
	v52 =	vor.u32 $0x9, v36  }
0x1c8: {  	v53 =	vor.u32 $0xF, v22;
	v54 =	vld [tilespmem:s5+$0x500];
	[tilespmem:v45+s1+$0x0] =	vst.idx.msk $0xffff, v62;
	v55 =	vmul.f32 v55, v31  }
0x1c9: {  	v56 =	vor.u32 $0xF, v25;
	v45 =	vld [tilespmem:s5+$0x510];
	[tilespmem:v57+s1+$0x0] =	vst.idx.msk $0xffff, v51;
	v57 =	vmul.f32 v58, v34  }
0x1ca: {  	[tilespmem:v60+s1+$0x0] =	vst.idx.msk $0xffff, v55;
	v58 =	vor.u32 $0xA, v28;
	v59 =	vld [tilespmem:s7+$0x500];
	v60 =	vmul.f32 v43, v33  }
0x1cb: {  	v19 =	vmul.f32 v61, v19;
	v61 =	vor.u32 $0xA, v27;
	v62 =	vld [tilespmem:s7+$0x510];
	[tilespmem:v46+s1+$0x0] =	vst.idx.msk $0xffff, v57  }
0x1cc: {  	v48 =	vor.u32 $0xA, v38;
	v63 =	vmul.f32 v63, v23;
	[tilespmem:v52+s1+$0x0] =	vst.idx.msk $0xffff, v60;
	v49 =	vld [tilespmem:s8+$0x500]  }
0x1cd: {  	v50 =	vor.u32 $0xA, v32;
	[tilespmem:v53+s1+$0x0] =	vst.idx.msk $0xffff, v19;
	v19 =	vmul.f32 v54, v24;
	v29 =	vld [tilespmem:s8+$0x510]  }
0x1ce: {  	v51 =	vld [tilespmem:s26+$0x780];
	v53 =	vor.u32 $0xA, v37;
	[tilespmem:v56+s1+$0x0] =	vst.idx.msk $0xffff, v63;
	v52 =	vmul.f32 v45, v26  }
0x1cf: {  	v55 =	vor.u32 $0xA, v36;
	v54 =	vld [tilespmem:s26+$0x790];
	[tilespmem:v58+s1+$0x0] =	vst.idx.msk $0xffff, v19;
	v19 =	vmul.f32 v59, v30  }
0x1d0: {  	v56 =	vor.u32 $0xB, v20;
	[tilespmem:v61+s1+$0x0] =	vst.idx.msk $0xffff, v52;
	v58 =	vmul.f32 v62, v31;
	v57 =	vld [tilespmem:s5+$0x780]  }
0x1d1: {  	v59 =	vor.u32 $0xB, v21;
	v60 =	vld [tilespmem:s5+$0x790];
	[tilespmem:v48+s1+$0x0] =	vst.idx.msk $0xffff, v19;
	v19 =	vmul.f32 v49, v34  }
0x1d2: {  	v61 =	vor.u32 $0xB, v28;
	[tilespmem:v50+s1+$0x0] =	vst.idx.msk $0xffff, v58;
	v62 =	vld [tilespmem:s7+$0x780];
	v63 =	vmul.f32 v29, v33  }
0x1d3: {  	v47 =	vmul.f32 v51, v18;
	v48 =	vor.u32 $0xB, v27;
	v49 =	vld [tilespmem:s7+$0x790];
	[tilespmem:v53+s1+$0x0] =	vst.idx.msk $0xffff, v19  }
0x1d4: {  	v50 =	vor.u32 $0xB, v38;
	v19 =	vmul.f32 v54, v17;
	[tilespmem:v55+s1+$0x0] =	vst.idx.msk $0xffff, v63;
	v51 =	vld [tilespmem:s8+$0x780]  }
0x1d5: {  	[tilespmem:v56+s1+$0x0] =	vst.idx.msk $0xffff, v47;
	v53 =	vor.u32 $0xB, v32;
	v52 =	vmul.f32 v57, v24;
	v40 =	vld [tilespmem:s8+$0x790]  }
0x1d6: {  	v55 =	vor.u32 $0xB, v37;
	v54 =	vmul.f32 v60, v26;
	[tilespmem:v59+s1+$0x0] =	vst.idx.msk $0xffff, v19;
	v19 =	vld [tilespmem:s26+$0xA00]  }
0x1d7: {  	v58 =	vor.u32 $0xB, v36;
	v56 =	vld [tilespmem:s26+$0xA10];
	[tilespmem:v61+s1+$0x0] =	vst.idx.msk $0xffff, v52;
	v57 =	vmul.f32 v62, v30  }
0x1d8: {  	v59 =	vor.u32 $0xC, v20;
	[tilespmem:v48+s1+$0x0] =	vst.idx.msk $0xffff, v54;
	v61 =	vmul.f32 v49, v31;
	v60 =	vld [tilespmem:s5+$0xA00]  }
0x1d9: {  	v62 =	vor.u32 $0xC, v21;
	v63 =	vld [tilespmem:s5+$0xA10];
	[tilespmem:v50+s1+$0x0] =	vst.idx.msk $0xffff, v57;
	v48 =	vmul.f32 v51, v34  }
0x1da: {  	v49 =	vor.u32 $0xC, v28;
	[tilespmem:v53+s1+$0x0] =	vst.idx.msk $0xffff, v61;
	v50 =	vld [tilespmem:s7+$0xA00];
	v51 =	vmul.f32 v40, v33  }
0x1db: {  	v52 =	vor.u32 $0xC, v27;
	v53 =	vld [tilespmem:s7+$0xA10];
	v19 =	vmul.f32 v19, v18;
	[tilespmem:v55+s1+$0x0] =	vst.idx.msk $0xffff, v48  }
0x1dc: {  	v54 =	vmul.f32 v56, v17;
	v55 =	vor.u32 $0xC, v38;
	[tilespmem:v58+s1+$0x0] =	vst.idx.msk $0xffff, v51;
	v56 =	vld [tilespmem:s8+$0xA00]  }
0x1dd: {  	v57 =	vor.u32 $0xC, v32;
	[tilespmem:v59+s1+$0x0] =	vst.idx.msk $0xffff, v19;
	v19 =	vmul.f32 v60, v24;
	v39 =	vld [tilespmem:s8+$0xA10]  }
0x1de: {  	v58 =	vmul.f32 v63, v26;
	v59 =	vor.u32 $0xC, v37;
	v44 =	vld [tilespmem:s26+$0xC80];
	[tilespmem:v62+s1+$0x0] =	vst.idx.msk $0xffff, v54  }
0x1df: {  	v61 =	vor.u32 $0xC, v36;
	v60 =	vld [tilespmem:s26+$0xC90];
	[tilespmem:v49+s1+$0x0] =	vst.idx.msk $0xffff, v19;
	v19 =	vmul.f32 v50, v30  }
0x1e0: {  	v62 =	vor.u32 $0xD, v20;
	[tilespmem:v52+s1+$0x0] =	vst.idx.msk $0xffff, v58;
	v48 =	vmul.f32 v53, v31;
	v63 =	vld [tilespmem:s5+$0xC80]  }
0x1e1: {  	v49 =	vor.u32 $0xD, v21;
	v50 =	vld [tilespmem:s5+$0xC90];
	[tilespmem:v55+s1+$0x0] =	vst.idx.msk $0xffff, v19;
	v19 =	vmul.f32 v56, v34  }
0x1e2: {  	v51 =	vor.u32 $0xD, v28;
	[tilespmem:v57+s1+$0x0] =	vst.idx.msk $0xffff, v48;
	v43 =	vld [tilespmem:s7+$0xC80];
	v52 =	vmul.f32 v39, v33  }
0x1e3: {  	v54 =	vor.u32 $0xD, v27;
	v55 =	vld [tilespmem:s7+$0xC90];
	v53 =	vmul.f32 v44, v18;
	[tilespmem:v59+s1+$0x0] =	vst.idx.msk $0xffff, v19  }
0x1e4: {  	v56 =	vor.u32 $0xD, v38;
	v19 =	vmul.f32 v60, v17;
	[tilespmem:v61+s1+$0x0] =	vst.idx.msk $0xffff, v52;
	v57 =	vld [tilespmem:s8+$0xC80]  }
0x1e5: {  	v59 =	vor.u32 $0xD, v32;
	[tilespmem:v62+s1+$0x0] =	vst.idx.msk $0xffff, v53;
	v58 =	vmul.f32 v63, v24;
	v60 =	vld [tilespmem:s8+$0xC90]  }
0x1e6: {  	v61 =	vor.u32 $0xD, v37;
	v29 =	vld [tilespmem:s26+$0xF00];
	[tilespmem:v49+s1+$0x0] =	vst.idx.msk $0xffff, v19;
	v19 =	vmul.f32 v50, v26  }
0x1e7: {  	v48 =	vor.u32 $0xD, v36;
	v62 =	vld [tilespmem:s26+$0xF10];
	[tilespmem:v51+s1+$0x0] =	vst.idx.msk $0xffff, v58;
	v63 =	vmul.f32 v43, v30  }
0x1e8: {  	v49 =	vor.u32 $0xE, v20;
	v50 =	vld [tilespmem:s5+$0xF00];
	[tilespmem:v54+s1+$0x0] =	vst.idx.msk $0xffff, v19;
	v19 =	vmul.f32 v55, v31  }
0x1e9: {  	v51 =	vor.u32 $0xE, v21;
	v52 =	vld [tilespmem:s5+$0xF10];
	[tilespmem:v56+s1+$0x0] =	vst.idx.msk $0xffff, v63;
	v53 =	vmul.f32 v57, v34  }
0x1ea: {  	v54 =	vor.u32 $0xE, v28;
	v55 =	vld [tilespmem:s7+$0xF00];
	[tilespmem:v59+s1+$0x0] =	vst.idx.msk $0xffff, v19;
	v19 =	vmul.f32 v60, v33  }
0x1eb: {  	v57 =	vor.u32 $0xE, v27;
	v56 =	vmul.f32 v29, v18;
	v58 =	vld [tilespmem:s7+$0xF10];
	[tilespmem:v61+s1+$0x0] =	vst.idx.msk $0xffff, v53  }
0x1ec: {  	v60 =	vor.u32 $0xE, v38;
	v59 =	vmul.f32 v62, v17;
	[tilespmem:v48+s1+$0x0] =	vst.idx.msk $0xffff, v19;
	v61 =	vld [tilespmem:s8+$0xF00]  }
0x1ed: {  	v62 =	vor.u32 $0xE, v32;
	[tilespmem:v49+s1+$0x0] =	vst.idx.msk $0xffff, v56;
	v19 =	vmul.f32 v50, v24;
	v35 =	vld [tilespmem:s8+$0xF10]  }
0x1ee: {  	v48 =	vor.u32 $0xE, v37;
	v43 =	vld [tilespmem:s26+$0x1180];
	[tilespmem:v51+s1+$0x0] =	vst.idx.msk $0xffff, v59;
	v63 =	vmul.f32 v52, v26  }
0x1ef: {  	v50 =	vor.u32 $0xE, v36;
	v49 =	vld [tilespmem:s26+$0x1190];
	[tilespmem:v54+s1+$0x0] =	vst.idx.msk $0xffff, v19;
	v19 =	vmul.f32 v55, v30  }
0x1f0: {  	v51 =	vor.u32 $0xF, v20;
	v52 =	vld [tilespmem:s5+$0x1180];
	[tilespmem:v57+s1+$0x0] =	vst.idx.msk $0xffff, v63;
	v53 =	vmul.f32 v58, v31  }
0x1f1: {  	v54 =	vor.u32 $0xF, v21;
	v25 =	vld [tilespmem:s5+$0x1190];
	[tilespmem:v60+s1+$0x0] =	vst.idx.msk $0xffff, v19;
	v19 =	vmul.f32 v61, v34  }
0x1f2: {  	v55 =	vor.u32 $0xF, v28;
	v56 =	vld [tilespmem:s7+$0x1180];
	[tilespmem:v62+s1+$0x0] =	vst.idx.msk $0xffff, v53;
	v57 =	vmul.f32 v35, v33  }
0x1f3: {  	v58 =	vor.u32 $0xF, v27;
	v18 =	vmul.f32 v43, v18;
	v59 =	vld [tilespmem:s7+$0x1190];
	[tilespmem:v48+s1+$0x0] =	vst.idx.msk $0xffff, v19  }
0x1f4: {  	v17 =	vmul.f32 v49, v17;
	v19 =	vor.u32 $0xF, v38;
	[tilespmem:v50+s1+$0x0] =	vst.idx.msk $0xffff, v57;
	v60 =	vld [tilespmem:s8+$0x1180]  }
0x1f5: {  	v61 =	vor.u32 $0xF, v32;
	[tilespmem:v51+s1+$0x0] =	vst.idx.msk $0xffff, v18;
	v18 =	vmul.f32 v52, v24;
	v22 =	vld [tilespmem:s8+$0x1190]  }
0x1f6: {  	v62 =	vor.u32 $0xF, v37;
	[tilespmem:v54+s1+$0x0] =	vst.idx.msk $0xffff, v17;
	v17 =	vmul.f32 v25, v26  }
0x1f7: {  	v63 =	vor.u32 $0xF, v36;
	[tilespmem:v55+s1+$0x0] =	vst.idx.msk $0xffff, v18;
	v18 =	vmul.f32 v56, v30  }
0x1f8: {  	[tilespmem:v58+s1+$0x0] =	vst.idx.msk $0xffff, v17;
	v17 =	vmul.f32 v59, v31  }
0x1f9: {  	[tilespmem:v19+s1+$0x0] =	vst.idx.msk $0xffff, v18;
	v18 =	vmul.f32 v60, v34  }
0x1fa: {  	[tilespmem:v61+s1+$0x0] =	vst.idx.msk $0xffff, v17;
	v17 =	vmul.f32 v22, v33  }
0x1fb: {  	[tilespmem:v62+s1+$0x0] =	vst.idx.msk $0xffff, v18  }
0x1fc: {  	[tilespmem:v63+s1+$0x0] =	vst.idx.msk $0xffff, v17  }
0x1fd: {  	v17 =	vld [tilespmem:$0x199A0]  }
0x1fe: {  	v18 =	vld [tilespmem:$0x19C20];
	_ =	sdelay $0x4  }
0x1ff: {  	v17 =	vadd.f32 v18, v17;
	_ =	sdelay $0x1  }
0x200: {  	v17 =	vadd.f32 $1.000000000e+00, v17;
	_ =	sdelay $0x1  }
0x201: {  	v18 =	vshra.s32 v17, $0x1;
	v17 =	vmul.f32 $5.000000000e-01, v17  }
0x202: {  	v18 =	vsub.s32 $0x5F3759DF, v18  }
0x203: {  	v19 =	vmul.f32 v18, v17;
	_ =	sdelay $0x1  }
0x204: {  	v19 =	vmul.f32 v18, v19;
	_ =	sdelay $0x1  }
0x205: {  	v19 =	vsub.f32 $1.500000000e+00, v19;
	_ =	sdelay $0x1  }
0x206: {  	v18 =	vmul.f32 v18, v19;
	_ =	sdelay $0x1  }
0x207: {  	v19 =	vmul.f32 v18, v17;
	_ =	sdelay $0x1  }
0x208: {  	v19 =	vmul.f32 v19, v18;
	_ =	sdelay $0x1  }
0x209: {  	v19 =	vsub.f32 $1.500000000e+00, v19;
	_ =	sdelay $0x1  }
0x20a: {  	v18 =	vmul.f32 v19, v18;
	_ =	sdelay $0x1  }
0x20b: {  	v17 =	vmul.f32 v18, v17;
	_ =	sdelay $0x1  }
0x20c: {  	v17 =	vmul.f32 v17, v18  }
0x20d: {  	v19 =	vld [tilespmem:$0x171A0]  }
0x20e: {  	v17 =	vsub.f32 $1.500000000e+00, v17;
	_ =	sdelay $0x1  }
0x20f: {  	v17 =	vmul.f32 v17, v18;
	_ =	sdelay $0x1  }
0x210: {  	v18 =	vmul.f32 v17, v19  }
0x211: {  	[tilespmem:$0x19EA0] =	vst v17  }
0x212: {  	[tilespmem:v1+s1+$0x0] =	vst.idx.msk $0xffff, v18  }
0x213: {  	v18 =	vld [tilespmem:$0x17420];
	_ =	sdelay $0x4  }
0x214: {  	v18 =	vmul.f32 v17, v18;
	_ =	sdelay $0x1  }
0x215: {  	[tilespmem:v2+s1+$0x0] =	vst.idx.msk $0xffff, v18  }
0x216: {  	v18 =	vld [tilespmem:$0x176A0];
	_ =	sdelay $0x4  }
0x217: {  	v18 =	vmul.f32 v17, v18;
	_ =	sdelay $0x1  }
0x218: {  	[tilespmem:v3+s1+$0x0] =	vst.idx.msk $0xffff, v18  }
0x219: {  	v18 =	vld [tilespmem:$0x17920];
	_ =	sdelay $0x4  }
0x21a: {  	v18 =	vmul.f32 v17, v18;
	_ =	sdelay $0x1  }
0x21b: {  	[tilespmem:v4+s1+$0x0] =	vst.idx.msk $0xffff, v18  }
0x21c: {  	v18 =	vld [tilespmem:$0x17BA0];
	_ =	sdelay $0x4  }
0x21d: {  	v18 =	vmul.f32 v17, v18;
	_ =	sdelay $0x1  }
0x21e: {  	[tilespmem:v5+s1+$0x0] =	vst.idx.msk $0xffff, v18  }
0x21f: {  	v18 =	vld [tilespmem:$0x17E20];
	_ =	sdelay $0x4  }
0x220: {  	v18 =	vmul.f32 v17, v18;
	_ =	sdelay $0x1  }
0x221: {  	[tilespmem:v6+s1+$0x0] =	vst.idx.msk $0xffff, v18  }
0x222: {  	v18 =	vld [tilespmem:$0x180A0];
	_ =	sdelay $0x4  }
0x223: {  	v18 =	vmul.f32 v17, v18;
	_ =	sdelay $0x1  }
0x224: {  	[tilespmem:v7+s1+$0x0] =	vst.idx.msk $0xffff, v18  }
0x225: {  	v18 =	vld [tilespmem:$0x18320];
	_ =	sdelay $0x4  }
0x226: {  	v18 =	vmul.f32 v17, v18;
	_ =	sdelay $0x1  }
0x227: {  	[tilespmem:v8+s1+$0x0] =	vst.idx.msk $0xffff, v18  }
0x228: {  	v18 =	vld [tilespmem:$0x185A0];
	_ =	sdelay $0x4  }
0x229: {  	v18 =	vmul.f32 v17, v18;
	_ =	sdelay $0x1  }
0x22a: {  	[tilespmem:v9+s1+$0x0] =	vst.idx.msk $0xffff, v18  }
0x22b: {  	v18 =	vld [tilespmem:$0x18820];
	_ =	sdelay $0x4  }
0x22c: {  	v18 =	vmul.f32 v18, v17;
	_ =	sdelay $0x1  }
0x22d: {  	[tilespmem:v10+s1+$0x0] =	vst.idx.msk $0xffff, v18  }
0x22e: {  	v18 =	vld [tilespmem:$0x18AA0];
	_ =	sdelay $0x4  }
0x22f: {  	v18 =	vmul.f32 v18, v17;
	_ =	sdelay $0x1  }
0x230: {  	[tilespmem:v11+s1+$0x0] =	vst.idx.msk $0xffff, v18  }
0x231: {  	v18 =	vld [tilespmem:$0x18D20];
	_ =	sdelay $0x4  }
0x232: {  	v18 =	vmul.f32 v18, v17;
	_ =	sdelay $0x1  }
0x233: {  	[tilespmem:v12+s1+$0x0] =	vst.idx.msk $0xffff, v18  }
0x234: {  	v18 =	vld [tilespmem:$0x18FA0];
	_ =	sdelay $0x4  }
0x235: {  	v18 =	vmul.f32 v18, v17;
	_ =	sdelay $0x1  }
0x236: {  	[tilespmem:v13+s1+$0x0] =	vst.idx.msk $0xffff, v18  }
0x237: {  	v18 =	vld [tilespmem:$0x19220];
	_ =	sdelay $0x4  }
0x238: {  	v18 =	vmul.f32 v18, v17;
	_ =	sdelay $0x1  }
0x239: {  	[tilespmem:v14+s1+$0x0] =	vst.idx.msk $0xffff, v18  }
0x23a: {  	v18 =	vld [tilespmem:$0x194A0];
	_ =	sdelay $0x4  }
0x23b: {  	v18 =	vmul.f32 v18, v17;
	_ =	sdelay $0x1  }
0x23c: {  	[tilespmem:v15+s1+$0x0] =	vst.idx.msk $0xffff, v18  }
0x23d: {  	v18 =	vld [tilespmem:$0x19720];
	_ =	sdelay $0x4  }
0x23e: {  	v17 =	vmul.f32 v18, v17;
	_ =	sdelay $0x1  }
.Ltmp4:
0x23f: {  	s28 =	rddreg [dreg:$0xe];
	[tilespmem:v16+s1+$0x0] =	vst.idx.msk $0xffff, v17;
	(pc) =	sbr.rel @p1 .LBB2_11-.Ltmp4, $4  }
0x240: {  	[spmem:s28] =	stream.linear.scatter [tilespmem:s1], [sflag:$0x4], $0x1900, $0x38;
	[tilespmem:$0x1EFA0] =	vst v63  }
0x241: {  	_ =	swait.ge [sflag:s30], $0x1900  }
0x242: {  	s11 =	simm.s32 $0x4650;
	s10 =	simm.s32 $0x3E80;
	[sflag:s30] =	ssyncset.done $0x0  }
0x243: {  	s9 =	simm.s32 $0x36B0;
	s8 =	simm.s32 $0x2EE0;
	[sflag:s30] =	ssyncadd.s32 $0xFFFFE700  }
.Ltmp5:
0x244: {  	s5 =	rddreg [dreg:$0xf];
	(pc) =	sbr.rel .LBB2_10-.Ltmp5, $4  }
0x245: {  	[hbm4b:s5+s4] =	stream.linear.scatter [tilespmem:s1], [sflag:$0x4], $0x1900, $0x38;
	[tilespmem:$0x1EFA0] =	vst v63  }
0x246: {  	_ =	swait.ge [sflag:s30], $0x1900  }
0x247: {  	[sflag:s30] =	ssyncset.done $0x0  }
0x248: {  	[sflag:s30] =	ssyncadd.s32 $0xFFFFE700  }
.LBB2_6:
0x249: {  	s5 =	simm.s32 $0x17020;
	s7 =	simm.s32 $0x280  }
0x24a: {  	[tilespmem:s5], [sflag:$0x4] =	stream.strided.gather [hbm4b:s16+s7], $0x2800, s23, s7, $0x38;
	[tilespmem:$0x1EFA0] =	vst v63  }
0x24b: {  	_ =	swait.ge [sflag:s30], $0x2800  }
0x24c: {  	[sflag:s30] =	ssyncset.done $0x0  }
0x24d: {  	s11 =	simm.s32 $0x19830;
	[sflag:s30] =	ssyncadd.s32 $0xFFFFD800  }
0x24e: {  	s12 =	simm.s32 $0x19AB0;
	v17 =	vld [tilespmem:s11+$0xFFFFFFF0]  }
0x24f: {  	v18 =	vld [tilespmem:s12+$0xFFFFFFF0];
	_ =	sdelay $0x1  }
0x250: {  	v19 =	vld [tilespmem:s11+$0x0]  }
0x251: {  	v20 =	vld [tilespmem:s12+$0x0];
	_ =	sdelay $0x1  }
0x252: {  	v17 =	vadd.f32 v18, v17;
	_ =	sdelay $0x1  }
0x253: {  	v17 =	vadd.f32 $1.000000000e+00, v17  }
0x254: {  	v18 =	vadd.f32 v20, v19  }
0x255: {  	v19 =	vshra.s32 v17, $0x1;
	v17 =	vmul.f32 $5.000000000e-01, v17  }
0x256: {  	v18 =	vadd.f32 $1.000000000e+00, v18;
	v19 =	vsub.s32 $0x5F3759DF, v19  }
0x257: {  	v20 =	vmul.f32 v19, v17  }
0x258: {  	v21 =	vshra.s32 v18, $0x1;
	v18 =	vmul.f32 $5.000000000e-01, v18  }
0x259: {  	v21 =	vsub.s32 $0x5F3759DF, v21;
	v20 =	vmul.f32 v19, v20  }
0x25a: {  	v22 =	vmul.f32 v21, v18  }
0x25b: {  	v20 =	vsub.f32 $1.500000000e+00, v20  }
0x25c: {  	v22 =	vmul.f32 v21, v22  }
0x25d: {  	v19 =	vmul.f32 v19, v20  }
0x25e: {  	v20 =	vsub.f32 $1.500000000e+00, v22  }
0x25f: {  	v22 =	vmul.f32 v19, v17  }
0x260: {  	v20 =	vmul.f32 v21, v20  }
0x261: {  	v21 =	vmul.f32 v22, v19  }
0x262: {  	v22 =	vmul.f32 v20, v18  }
0x263: {  	v21 =	vsub.f32 $1.500000000e+00, v21  }
0x264: {  	v22 =	vmul.f32 v22, v20  }
0x265: {  	v19 =	vmul.f32 v21, v19  }
0x266: {  	s8 =	simm.s32 $0x19AD0;
	v21 =	vsub.f32 $1.500000000e+00, v22  }
0x267: {  	s13 =	simm.s32 $0x19850;
	v23 =	vld [tilespmem:s8+$0xFFFFFFF0];
	v17 =	vmul.f32 v19, v17  }
0x268: {  	v22 =	vld [tilespmem:s13+$0xFFFFFFF0];
	v20 =	vmul.f32 v21, v20  }
0x269: {  	v17 =	vmul.f32 v17, v19  }
0x26a: {  	v18 =	vmul.f32 v20, v18  }
0x26b: {  	v17 =	vsub.f32 $1.500000000e+00, v17  }
0x26c: {  	v18 =	vmul.f32 v18, v20  }
0x26d: {  	v33 =	vmul.f32 v17, v19;
	v17 =	vadd.f32 v23, v22  }
0x26e: {  	s9 =	simm.s32 $0x19D30;
	v21 =	vld [tilespmem:s8+$0x0];
	v18 =	vsub.f32 $1.500000000e+00, v18  }
0x26f: {  	s14 =	simm.s32 $0x0;
	s7 =	simm.s32 $0x18420;
	v19 =	vld [tilespmem:s13+$0x0];
	[tilespmem:s9+$0xFFFFFFF0] =	vst v33;
	v17 =	vadd.f32 $1.000000000e+00, v17  }
0x270: {  	v29 =	vmul.f32 v18, v20;
	v20 =	vmov s14;
	v18 =	vld [tilespmem:s7+$0xFFFFEC00]  }
0x271: {  	v20 =	vshll.u32 v20, $0x4;
	v22 =	vshra.s32 v17, $0x1;
	v17 =	vmul.f32 $5.000000000e-01, v17  }
0x272: {  	v32 =	vor.u32 v0, v20;
	v22 =	vsub.s32 $0x5F3759DF, v22  }
0x273: {  	s15 =	simm.s32 $0x10;
	[tilespmem:s9+$0x0] =	vst v29;
	v20 =	vmul.f32 v22, v17  }
0x274: {  	v23 =	vmov s15;
	v19 =	vadd.f32 v21, v19;
	v21 =	vld [tilespmem:s7+$0xFFFFEC10]  }
0x275: {  	v23 =	vshll.u32 v23, $0x4;
	v20 =	vmul.f32 v22, v20;
	v18 =	vmul.f32 v33, v18  }
0x276: {  	v34 =	vor.u32 v0, v23;
	v19 =	vadd.f32 $1.000000000e+00, v19  }
0x277: {  	v20 =	vsub.f32 $1.500000000e+00, v20;
	[tilespmem:v32+s1+$0x0] =	vst.idx.msk $0xffff, v18  }
0x278: {  	v23 =	vmul.f32 $5.000000000e-01, v19;
	v18 =	vshra.s32 v19, $0x1;
	v19 =	vld [tilespmem:s7+$0xFFFFEE80]  }
0x279: {  	v21 =	vmul.f32 v29, v21;
	v18 =	vsub.s32 $0x5F3759DF, v18;
	v20 =	vmul.f32 v22, v20  }
0x27a: {  	v24 =	vor.u32 $0x1, v32;
	v22 =	vmul.f32 v18, v23  }
0x27b: {  	[tilespmem:v34+s1+$0x0] =	vst.idx.msk $0xffff, v21;
	v25 =	vmul.f32 v20, v17  }
0x27c: {  	v21 =	vmul.f32 v18, v22;
	v22 =	vld [tilespmem:s7+$0xFFFFEE90]  }
0x27d: {  	v25 =	vmul.f32 v25, v20;
	v19 =	vmul.f32 v33, v19  }
0x27e: {  	v26 =	vor.u32 $0x1, v34;
	v21 =	vsub.f32 $1.500000000e+00, v21  }
0x27f: {  	v25 =	vsub.f32 $1.500000000e+00, v25;
	[tilespmem:v24+s1+$0x0] =	vst.idx.msk $0xffff, v19  }
0x280: {  	s26 =	simm.s32 $0x19AF0;
	v18 =	vmul.f32 v18, v21;
	v19 =	vld [tilespmem:s7+$0xFFFFF100]  }
0x281: {  	s17 =	simm.s32 $0x19870;
	v28 =	vld [tilespmem:s26+$0x0];
	v22 =	vmul.f32 v29, v22;
	v20 =	vmul.f32 v25, v20  }
0x282: {  	v27 =	vor.u32 $0x2, v32;
	v21 =	vld [tilespmem:s17+$0xFFFFFFF0];
	v24 =	vmul.f32 v18, v23  }
0x283: {  	v25 =	vld [tilespmem:s17+$0x0];
	[tilespmem:v26+s1+$0x0] =	vst.idx.msk $0xffff, v22;
	v17 =	vmul.f32 v20, v17  }
0x284: {  	v22 =	vmul.f32 v24, v18;
	v24 =	vld [tilespmem:s7+$0xFFFFF110]  }
0x285: {  	v26 =	vld [tilespmem:s26+$0xFFFFFFF0];
	v17 =	vmul.f32 v17, v20;
	v19 =	vmul.f32 v33, v19  }
0x286: {  	v30 =	vor.u32 $0x2, v34;
	v22 =	vsub.f32 $1.500000000e+00, v22  }
0x287: {  	v17 =	vsub.f32 $1.500000000e+00, v17;
	[tilespmem:v27+s1+$0x0] =	vst.idx.msk $0xffff, v19  }
0x288: {  	v18 =	vmul.f32 v22, v18;
	v22 =	vadd.f32 v28, v25;
	v25 =	vld [tilespmem:s7+$0xFFFFF380]  }
0x289: {  	v19 =	vmul.f32 v17, v20;
	v17 =	vmul.f32 v29, v24  }
0x28a: {  	v20 =	vadd.f32 v26, v21;
	v21 =	vadd.f32 $1.000000000e+00, v22;
	v22 =	vor.u32 $0x3, v32  }
0x28b: {  	s9 =	simm.s32 $0x19D50;
	[tilespmem:v30+s1+$0x0] =	vst.idx.msk $0xffff, v17  }
0x28c: {  	s10 =	simm.s32 $0x20;
	s28 =	simm.s32 $0x18440;
	v17 =	vmul.f32 v18, v23;
	[tilespmem:s9+$0xFFFFFFF0] =	vst v19;
	v20 =	vadd.f32 $1.000000000e+00, v20;
	v23 =	vshra.s32 v21, $0x1;
	v24 =	vld [tilespmem:s7+$0xFFFFF390]  }
0x28d: {  	v26 =	vld [tilespmem:s28+$0xFFFFEC00];
	v27 =	vsub.s32 $0x5F3759DF, v23;
	v23 =	vmul.f32 v33, v25;
	v25 =	vmov s10  }
0x28e: {  	v28 =	vor.u32 $0x3, v34;
	v21 =	vmul.f32 $5.000000000e-01, v21;
	v25 =	vshll.u32 v25, $0x4  }
0x28f: {  	v30 =	vshra.s32 v20, $0x1;
	v20 =	vmul.f32 $5.000000000e-01, v20;
	[tilespmem:v22+s1+$0x0] =	vst.idx.msk $0xffff, v23;
	v22 =	vor.u32 v0, v25  }
0x290: {  	v17 =	vmul.f32 v17, v18;
	v25 =	vsub.s32 $0x5F3759DF, v30;
	v23 =	vmul.f32 v27, v21;
	v30 =	vld [tilespmem:s7+$0xFFFFF600]  }
0x291: {  	v31 =	vor.u32 $0x4, v32;
	v35 =	vmul.f32 v25, v20;
	v24 =	vmul.f32 v29, v24  }
0x292: {  	v17 =	vsub.f32 $1.500000000e+00, v17;
	v36 =	vmul.f32 v27, v23;
	v26 =	vmul.f32 v19, v26  }
0x293: {  	v35 =	vmul.f32 v25, v35;
	[tilespmem:v28+s1+$0x0] =	vst.idx.msk $0xffff, v24  }
0x294: {  	v23 =	vmul.f32 v17, v18;
	v17 =	vsub.f32 $1.500000000e+00, v36;
	[tilespmem:v22+s1+$0x0] =	vst.idx.msk $0xffff, v26;
	v18 =	vld [tilespmem:s7+$0xFFFFF610]  }
0x295: {  	v24 =	vsub.f32 $1.500000000e+00, v35;
	v26 =	vmul.f32 v33, v30;
	v28 =	vld [tilespmem:s28+$0xFFFFEE80]  }
0x296: {  	s11 =	simm.s32 $0x30;
	[tilespmem:s9+$0x0] =	vst v23;
	v17 =	vmul.f32 v27, v17;
	v27 =	vor.u32 $0x4, v34  }
0x297: {  	v51 =	vld [tilespmem:s28+$0xFFFFEC10];
	v30 =	vmov s11;
	v24 =	vmul.f32 v25, v24;
	[tilespmem:v31+s1+$0x0] =	vst.idx.msk $0xffff, v26;
	v26 =	vor.u32 $0x1, v22  }
0x298: {  	v25 =	vshll.u32 v30, $0x4;
	v30 =	vmul.f32 v17, v21;
	v31 =	vld [tilespmem:s7+$0xFFFFF880]  }
0x299: {  	s12 =	simm.s32 $0x19890;
	v25 =	vor.u32 v0, v25;
	v52 =	vmul.f32 v24, v20;
	v18 =	vmul.f32 v29, v18  }
0x29a: {  	v37 =	vld [tilespmem:s12+$0xFFFFFFF0];
	v38 =	vor.u32 $0x5, v32;
	v30 =	vmul.f32 v30, v17;
	v28 =	vmul.f32 v19, v28  }
0x29b: {  	v39 =	vld [tilespmem:s12+$0x0];
	v36 =	vmul.f32 v52, v24;
	[tilespmem:v27+s1+$0x0] =	vst.idx.msk $0xffff, v18  }
0x29c: {  	v18 =	vsub.f32 $1.500000000e+00, v30;
	v27 =	vmul.f32 v23, v51;
	[tilespmem:v26+s1+$0x0] =	vst.idx.msk $0xffff, v28;
	v26 =	vld [tilespmem:s7+$0xFFFFF890]  }
0x29d: {  	s13 =	simm.s32 $0x19B10;
	v28 =	vsub.f32 $1.500000000e+00, v36;
	v30 =	vmul.f32 v33, v31;
	v31 =	vld [tilespmem:s28+$0xFFFFF100]  }
0x29e: {  	v53 =	vld [tilespmem:s13+$0xFFFFFFF0];
	v17 =	vmul.f32 v18, v17;
	[tilespmem:v25+s1+$0x0] =	vst.idx.msk $0xffff, v27;
	v18 =	vor.u32 $0x5, v34  }
0x29f: {  	v24 =	vmul.f32 v28, v24;
	v27 =	vld [tilespmem:s28+$0xFFFFEE90];
	v28 =	vor.u32 $0x2, v22;
	[tilespmem:v38+s1+$0x0] =	vst.idx.msk $0xffff, v30  }
0x2a0: {  	v21 =	vmul.f32 v17, v21;
	v30 =	vld [tilespmem:s7+$0xFFFFFB00]  }
0x2a1: {  	v54 =	vld [tilespmem:s13+$0x0];
	v55 =	vor.u32 $0x1, v25;
	v20 =	vmul.f32 v24, v20;
	v26 =	vmul.f32 v29, v26  }
0x2a2: {  	v31 =	vmul.f32 v19, v31  }
0x2a3: {  	v21 =	vmul.f32 v21, v17;
	v20 =	vmul.f32 v20, v24;
	[tilespmem:v18+s1+$0x0] =	vst.idx.msk $0xffff, v26  }
0x2a4: {  	v40 =	vor.u32 $0x6, v32;
	v18 =	vmul.f32 v23, v27;
	v26 =	vadd.f32 v53, v37;
	[tilespmem:v28+s1+$0x0] =	vst.idx.msk $0xffff, v31;
	v27 =	vld [tilespmem:s7+$0xFFFFFB10]  }
0x2a5: {  	v21 =	vsub.f32 $1.500000000e+00, v21;
	v20 =	vsub.f32 $1.500000000e+00, v20;
	v28 =	vmul.f32 v33, v30;
	v30 =	vld [tilespmem:s28+$0xFFFFF380]  }
0x2a6: {  	v56 =	vor.u32 $0x6, v34;
	v31 =	vadd.f32 v54, v39;
	v26 =	vadd.f32 $1.000000000e+00, v26;
	[tilespmem:v55+s1+$0x0] =	vst.idx.msk $0xffff, v18  }
0x2a7: {  	v17 =	vmul.f32 v21, v17;
	v18 =	vmul.f32 v20, v24;
	v20 =	vor.u32 $0x3, v22;
	v21 =	vld [tilespmem:s28+$0xFFFFF110]  }
0x2a8: {  	v24 =	vadd.f32 $1.000000000e+00, v31;
	v31 =	vshra.s32 v26, $0x1;
	v26 =	vmul.f32 $5.000000000e-01, v26  }
0x2a9: {  	v57 =	vor.u32 $0x2, v25;
	[tilespmem:v40+s1+$0x0] =	vst.idx.msk $0xffff, v28;
	v31 =	vsub.s32 $0x5F3759DF, v31;
	v27 =	vmul.f32 v29, v27  }
0x2aa: {  	v28 =	vld [tilespmem:s7+$0xFFFFFD80];
	v58 =	vmul.f32 v31, v26;
	v30 =	vmul.f32 v19, v30  }
0x2ab: {  	v60 =	vor.u32 $0x7, v32;
	v59 =	vshra.s32 v24, $0x1;
	v24 =	vmul.f32 $5.000000000e-01, v24;
	[tilespmem:v56+s1+$0x0] =	vst.idx.msk $0xffff, v27  }
0x2ac: {  	s15 =	simm.s32 $0x19D70;
	v27 =	vsub.s32 $0x5F3759DF, v59;
	v61 =	vmul.f32 v31, v58;
	[tilespmem:v20+s1+$0x0] =	vst.idx.msk $0xffff, v30;
	v20 =	vmul.f32 v23, v21;
	v21 =	vld [tilespmem:s7+$0xFFFFFD90]  }
0x2ad: {  	v49 =	vor.u32 $0x7, v34;
	s17 =	simm.s32 $0x40;
	s26 =	simm.s32 $0x18460;
	v41 =	vor.u32 $0x4, v22;
	[tilespmem:s15+$0xFFFFFFF0] =	vst v18;
	v62 =	vmul.f32 v27, v24;
	v63 =	vld [tilespmem:s28+$0xFFFFF600]  }
0x2ae: {  	v50 =	vor.u32 $0x3, v25;
	v48 =	vld [tilespmem:s26+$0xFFFFEC00];
	v35 =	vsub.f32 $1.500000000e+00, v61;
	[tilespmem:v57+s1+$0x0] =	vst.idx.msk $0xffff, v20;
	v20 =	vmov s17  }
0x2af: {  	s14 =	simm.s32 $0x50;
	s10 =	simm.s32 $0x198B0;
	v28 =	vmul.f32 v33, v28;
	v37 =	vmul.f32 v27, v62;
	v42 =	vld [tilespmem:s28+$0xFFFFF390];
	v20 =	vshll.u32 v20, $0x4  }
0x2b0: {  	v44 =	vld [tilespmem:s10+$0xFFFFFFF0];
	s11 =	simm.s32 $0x19B30;
	v30 =	vmov s14;
	v31 =	vmul.f32 v31, v35;
	v20 =	vor.u32 v0, v20  }
0x2b1: {  	v46 =	vld [tilespmem:s11+$0xFFFFFFF0];
	v30 =	vshll.u32 v30, $0x4;
	[tilespmem:v60+s1+$0x0] =	vst.idx.msk $0xffff, v28;
	v28 =	vsub.f32 $1.500000000e+00, v37;
	v52 =	vmul.f32 v29, v21  }
0x2b2: {  	[tilespmem:s15+$0x0] =	vst v17;
	v51 =	vld [tilespmem:s7+$0x0];
	v21 =	vor.u32 v0, v30;
	v30 =	vmul.f32 v31, v26;
	v38 =	vmul.f32 v19, v63  }
0x2b3: {  	v43 =	vld [tilespmem:s26+$0xFFFFEC10];
	v40 =	vmul.f32 v18, v48;
	v27 =	vmul.f32 v27, v28;
	[tilespmem:v49+s1+$0x0] =	vst.idx.msk $0xffff, v52  }
0x2b4: {  	v53 =	vor.u32 $0x8, v32;
	v30 =	vmul.f32 v30, v31;
	[tilespmem:v41+s1+$0x0] =	vst.idx.msk $0xffff, v38;
	v54 =	vmul.f32 v23, v42;
	v39 =	vld [tilespmem:s7+$0x10]  }
0x2b5: {  	v55 =	vmul.f32 v27, v24;
	v56 =	vld [tilespmem:s28+$0xFFFFF880];
	[tilespmem:v20+s1+$0x0] =	vst.idx.msk $0xffff, v40  }
0x2b6: {  	v59 =	vor.u32 $0x8, v34;
	v30 =	vsub.f32 $1.500000000e+00, v30;
	v58 =	vld [tilespmem:s26+$0xFFFFEE80];
	[tilespmem:v50+s1+$0x0] =	vst.idx.msk $0xffff, v54  }
0x2b7: {  	v61 =	vor.u32 $0x5, v22;
	v37 =	vmul.f32 v33, v51;
	v60 =	vmul.f32 v55, v27;
	v45 =	vld [tilespmem:s28+$0xFFFFF610]  }
0x2b8: {  	v57 =	vmul.f32 v17, v43;
	v28 =	vld [tilespmem:s10+$0x0];
	v30 =	vmul.f32 v30, v31;
	v31 =	vor.u32 $0x1, v20  }
0x2b9: {  	v62 =	vor.u32 $0x4, v25;
	v49 =	vld [tilespmem:s11+$0x0];
	[tilespmem:v53+s1+$0x0] =	vst.idx.msk $0xffff, v37;
	v38 =	vsub.f32 $1.500000000e+00, v60;
	v63 =	vmul.f32 v29, v39  }
0x2ba: {  	[tilespmem:v21+s1+$0x0] =	vst.idx.msk $0xffff, v57;
	v48 =	vld [tilespmem:s7+$0x280];
	v26 =	vmul.f32 v30, v26;
	v47 =	vmul.f32 v19, v56  }
0x2bb: {  	v27 =	vmul.f32 v38, v27;
	v43 =	vmul.f32 v18, v58;
	[tilespmem:v59+s1+$0x0] =	vst.idx.msk $0xffff, v63  }
0x2bc: {  	v40 =	vld [tilespmem:s26+$0xFFFFEE90];
	v26 =	vmul.f32 v26, v30;
	[tilespmem:v61+s1+$0x0] =	vst.idx.msk $0xffff, v47;
	v51 =	vmul.f32 v23, v45  }
0x2bd: {  	v44 =	vadd.f32 v46, v44;
	v50 =	vor.u32 $0x9, v32;
	v52 =	vld [tilespmem:s7+$0x290];
	[tilespmem:v31+s1+$0x0] =	vst.idx.msk $0xffff, v43  }
0x2be: {  	v24 =	vmul.f32 v27, v24;
	v61 =	vor.u32 $0x1, v21;
	v26 =	vsub.f32 $1.500000000e+00, v26;
	v53 =	vld [tilespmem:s26+$0xFFFFF100];
	[tilespmem:v62+s1+$0x0] =	vst.idx.msk $0xffff, v51  }
0x2bf: {  	v54 =	vor.u32 $0x9, v34;
	v28 =	vadd.f32 v49, v28;
	v55 =	vmul.f32 v48, v33;
	v56 =	vld [tilespmem:s28+$0xFFFFF890]  }
0x2c0: {  	v31 =	vld [tilespmem:s28+$0xFFFFFB00];
	v57 =	vmul.f32 v24, v27;
	v24 =	vmul.f32 v26, v30;
	v26 =	vor.u32 $0x2, v20  }
0x2c1: {  	v44 =	vadd.f32 $1.000000000e+00, v44;
	v59 =	vmul.f32 v17, v40;
	v30 =	vor.u32 $0x5, v25  }
0x2c2: {  	s14 =	simm.s32 $0x90;
	v60 =	vor.u32 $0x6, v22;
	v28 =	vadd.f32 $1.000000000e+00, v28;
	[tilespmem:v50+s1+$0x0] =	vst.idx.msk $0xffff, v55;
	v58 =	vmul.f32 v52, v29  }
0x2c3: {  	s8 =	simm.s32 $0x198D0;
	v39 =	vmov s14;
	v38 =	vor.u32 $0xC, v32;
	v62 =	vld [tilespmem:s7+$0x500];
	[tilespmem:v61+s1+$0x0] =	vst.idx.msk $0xffff, v59;
	v41 =	vmul.f32 v18, v53  }
0x2c4: {  	v46 =	vmul.f32 $5.000000000e-01, v28;
	v51 =	vld [tilespmem:s8+$0xFFFFFFF0];
	v55 =	vshra.s32 v28, $0x1;
	[tilespmem:v54+s1+$0x0] =	vst.idx.msk $0xffff, v58;
	v52 =	vmul.f32 v23, v56  }
0x2c5: {  	v63 =	vsub.f32 $1.500000000e+00, v57;
	v31 =	vmul.f32 v19, v31;
	v54 =	vor.u32 $0xA, v32;
	v53 =	vld [tilespmem:s7+$0x510];
	[tilespmem:v26+s1+$0x0] =	vst.idx.msk $0xffff, v41  }
0x2c6: {  	v45 =	vsub.s32 $0x5F3759DF, v55;
	v26 =	vshra.s32 v44, $0x1;
	v28 =	vld [tilespmem:s26+$0xFFFFF380];
	[tilespmem:v30+s1+$0x0] =	vst.idx.msk $0xffff, v52;
	v30 =	vmul.f32 $5.000000000e-01, v44  }
0x2c7: {  	v59 =	vmul.f32 v45, v46;
	v56 =	vor.u32 $0xA, v34;
	[tilespmem:v60+s1+$0x0] =	vst.idx.msk $0xffff, v31;
	v31 =	vsub.s32 $0x5F3759DF, v26;
	v58 =	vld [tilespmem:s28+$0xFFFFFB10]  }
0x2c8: {  	s12 =	simm.s32 $0x19D90;
	v61 =	vld [tilespmem:s26+$0xFFFFF110];
	v60 =	vor.u32 $0x3, v20;
	v57 =	vmul.f32 v62, v33;
	v48 =	vmul.f32 v31, v30  }
0x2c9: {  	s5 =	simm.s32 $0x18480;
	v47 =	vor.u32 $0x6, v25;
	[tilespmem:s12+$0xFFFFFFF0] =	vst v24;
	v62 =	vld [tilespmem:s28+$0xFFFFFD80];
	v26 =	vmul.f32 v63, v27;
	v27 =	vmul.f32 v45, v59  }
0x2ca: {  	v63 =	vld [tilespmem:s5+$0xFFFFEC00];
	v52 =	vor.u32 $0x2, v21;
	[tilespmem:v54+s1+$0x0] =	vst.idx.msk $0xffff, v57;
	v42 =	vmul.f32 v53, v29;
	v48 =	vmul.f32 v31, v48  }
0x2cb: {  	v27 =	vsub.f32 $1.500000000e+00, v27;
	[tilespmem:s12+$0x0] =	vst v26;
	v53 =	vor.u32 $0x7, v22;
	v43 =	vld [tilespmem:s7+$0x780];
	v28 =	vmul.f32 v18, v28  }
0x2cc: {  	v50 =	vor.u32 $0x7, v25;
	v49 =	vld [tilespmem:s5+$0xFFFFEC10];
	[tilespmem:v56+s1+$0x0] =	vst.idx.msk $0xffff, v42;
	v37 =	vmul.f32 v23, v58;
	v48 =	vsub.f32 $1.500000000e+00, v48  }
0x2cd: {  	v57 =	vor.u32 $0xB, v32;
	v44 =	vmul.f32 v45, v27;
	v42 =	vld [tilespmem:s7+$0x790];
	[tilespmem:v60+s1+$0x0] =	vst.idx.msk $0xffff, v28;
	v28 =	vmul.f32 v17, v61  }
0x2ce: {  	s13 =	simm.s32 $0x70;
	v59 =	vor.u32 $0x4, v20;
	v55 =	vmul.f32 v19, v62;
	v56 =	vld [tilespmem:s26+$0xFFFFF600];
	[tilespmem:v47+s1+$0x0] =	vst.idx.msk $0xffff, v37;
	v31 =	vmul.f32 v31, v48  }
0x2cf: {  	v54 =	vmov s13;
	v60 =	vor.u32 $0xB, v34;
	[tilespmem:v52+s1+$0x0] =	vst.idx.msk $0xffff, v28;
	v58 =	vld [tilespmem:s28+$0xFFFFFD90];
	v28 =	vmul.f32 v44, v46  }
0x2d0: {  	s15 =	simm.s32 $0x60;
	s17 =	simm.s32 $0x19B50;
	v41 =	vshll.u32 v54, $0x4;
	[tilespmem:v53+s1+$0x0] =	vst.idx.msk $0xffff, v55;
	v61 =	vmul.f32 v43, v33;
	v53 =	vld [tilespmem:s8+$0x0];
	v62 =	vmul.f32 v31, v30  }
0x2d1: {  	v35 =	vmul.f32 v24, v63;
	v55 =	vld [tilespmem:s17+$0xFFFFFFF0];
	v52 =	vmov s15;
	v28 =	vmul.f32 v28, v44  }
0x2d2: {  	v47 =	vld [tilespmem:s26+$0xFFFFF390];
	v52 =	vshll.u32 v52, $0x4;
	[tilespmem:v57+s1+$0x0] =	vst.idx.msk $0xffff, v61;
	v42 =	vmul.f32 v42, v29;
	v43 =	vmul.f32 v62, v31  }
0x2d3: {  	v57 =	vld [tilespmem:s7+$0xA00];
	v45 =	vmul.f32 v18, v56;
	v54 =	vsub.f32 $1.500000000e+00, v28;
	v28 =	vor.u32 v0, v52  }
0x2d4: {  	v63 =	vld [tilespmem:s28+$0x0];
	v52 =	vor.u32 $0x3, v21;
	[tilespmem:v60+s1+$0x0] =	vst.idx.msk $0xffff, v42;
	v56 =	vsub.f32 $1.500000000e+00, v43;
	v36 =	vmul.f32 v23, v58  }
0x2d5: {  	v27 =	vor.u32 v0, v41;
	v61 =	vor.u32 $0x8, v25;
	v43 =	vshll.u32 v39, $0x4;
	[tilespmem:v59+s1+$0x0] =	vst.idx.msk $0xffff, v45;
	v45 =	vld [tilespmem:s7+$0xA10]  }
0x2d6: {  	v39 =	vmul.f32 v54, v44;
	v54 =	vld [tilespmem:s17+$0x0];
	v40 =	vmul.f32 v56, v31;
	v31 =	vor.u32 $0x8, v22;
	[tilespmem:v50+s1+$0x0] =	vst.idx.msk $0xffff, v36  }
0x2d7: {  	s10 =	simm.s32 $0xB0;
	v62 =	vor.u32 $0x5, v20;
	v58 =	vmul.f32 v26, v49;
	v47 =	vmul.f32 v17, v47;
	v49 =	vld [tilespmem:s28+$0x10]  }
0x2d8: {  	v59 =	vmov s10;
	v44 =	vor.u32 $0xC, v34;
	v42 =	vld [tilespmem:s26+$0xFFFFF880];
	v41 =	vmul.f32 v57, v33;
	[tilespmem:v28+s1+$0x0] =	vst.idx.msk $0xffff, v35  }
0x2d9: {  	v36 =	vshll.u32 v59, $0x4;
	v46 =	vmul.f32 v39, v46;
	v35 =	vmul.f32 v19, v63;
	[tilespmem:v52+s1+$0x0] =	vst.idx.msk $0xffff, v47;
	v60 =	vld [tilespmem:s5+$0xFFFFEE80]  }
0x2da: {  	[tilespmem:v27+s1+$0x0] =	vst.idx.msk $0xffff, v58;
	v56 =	vor.u32 $0x1, v28;
	v57 =	vor.u32 $0x4, v21;
	v30 =	vmul.f32 v40, v30;
	v63 =	vld [tilespmem:s26+$0xFFFFF610]  }
0x2db: {  	v50 =	vld [tilespmem:s5+$0xFFFFEE90];
	v47 =	vor.u32 $0xD, v34;
	v46 =	vmul.f32 v46, v39;
	v45 =	vmul.f32 v45, v29;
	[tilespmem:v31+s1+$0x0] =	vst.idx.msk $0xffff, v35  }
0x2dc: {  	[tilespmem:v38+s1+$0x0] =	vst.idx.msk $0xffff, v41;
	v52 =	vor.u32 $0x6, v20;
	v30 =	vmul.f32 v30, v40;
	v58 =	vld [tilespmem:s28+$0x280];
	v49 =	vmul.f32 v23, v49  }
0x2dd: {  	v38 =	vor.u32 $0x1, v27;
	v41 =	vld [tilespmem:s7+$0xC80];
	v46 =	vsub.f32 $1.500000000e+00, v46;
	v59 =	vmul.f32 v18, v42;
	[tilespmem:v44+s1+$0x0] =	vst.idx.msk $0xffff, v45  }
0x2de: {  	v42 =	vor.u32 $0x9, v22;
	v30 =	vsub.f32 $1.500000000e+00, v30;
	v37 =	vld [tilespmem:s7+$0xC90];
	v60 =	vmul.f32 v24, v60;
	[tilespmem:v61+s1+$0x0] =	vst.idx.msk $0xffff, v49  }
0x2df: {  	v53 =	vadd.f32 v54, v53;
	v44 =	vor.u32 $0xD, v32;
	[tilespmem:v62+s1+$0x0] =	vst.idx.msk $0xffff, v59;
	v61 =	vmul.f32 v17, v63;
	v62 =	vld [tilespmem:s28+$0x290]  }
0x2e0: {  	v31 =	vmul.f32 v46, v39;
	v39 =	vor.u32 $0xF, v34;
	v30 =	vmul.f32 v30, v40;
	v48 =	vld [tilespmem:s26+$0xFFFFFB00];
	[tilespmem:v56+s1+$0x0] =	vst.idx.msk $0xffff, v60  }
0x2e1: {  	s10 =	simm.s32 $0x19DB0;
	v49 =	vor.u32 $0xE, v34;
	[tilespmem:v57+s1+$0x0] =	vst.idx.msk $0xffff, v61;
	v60 =	vor.u32 $0x9, v25;
	v34 =	vld [tilespmem:s5+$0xFFFFF100];
	v63 =	vmul.f32 v58, v19  }
0x2e2: {  	s9 =	simm.s32 $0x184A0;
	v35 =	vor.u32 $0x4, v28;
	v45 =	vmul.f32 v26, v50;
	v41 =	vmul.f32 v41, v33;
	[tilespmem:s10+$0xFFFFFFF0] =	vst v30;
	v61 =	vld [tilespmem:s26+$0xFFFFF890]  }
0x2e3: {  	v40 =	vor.u32 $0xF, v32;
	v57 =	vor.u32 $0x2, v28;
	v54 =	vld [tilespmem:s9+$0xFFFFEC00];
	v37 =	vmul.f32 v37, v29;
	[tilespmem:v42+s1+$0x0] =	vst.idx.msk $0xffff, v63  }
0x2e4: {  	v32 =	vor.u32 $0xE, v32;
	[tilespmem:v44+s1+$0x0] =	vst.idx.msk $0xffff, v41;
	v42 =	vor.u32 $0x5, v21;
	v58 =	vld [tilespmem:s28+$0x500];
	v46 =	vmul.f32 v62, v23  }
0x2e5: {  	v63 =	vadd.f32 $1.000000000e+00, v53;
	v48 =	vmul.f32 v18, v48;
	v62 =	vadd.f32 v55, v51;
	v51 =	vld [tilespmem:s7+$0xF00];
	[tilespmem:v47+s1+$0x0] =	vst.idx.msk $0xffff, v37  }
0x2e6: {  	v47 =	vor.u32 $0xA, v22;
	v55 =	vor.u32 $0x6, v21;
	v50 =	vld [tilespmem:s7+$0xF10];
	v59 =	vmul.f32 v24, v34;
	[tilespmem:v60+s1+$0x0] =	vst.idx.msk $0xffff, v46  }
0x2e7: {  	[tilespmem:v52+s1+$0x0] =	vst.idx.msk $0xffff, v48;
	v41 =	vadd.f32 $1.000000000e+00, v62;
	v60 =	vshra.s32 v63, $0x1;
	v61 =	vmul.f32 v17, v61;
	v52 =	vld [tilespmem:s28+$0x510]  }
0x2e8: {  	v46 =	vor.u32 $0xA, v25;
	v34 =	vmul.f32 $5.000000000e-01, v63;
	v44 =	vld [tilespmem:s26+$0xFFFFFD80];
	v53 =	vsub.s32 $0x5F3759DF, v60;
	[tilespmem:v57+s1+$0x0] =	vst.idx.msk $0xffff, v59  }
0x2e9: {  	v62 =	vshra.s32 v41, $0x1;
	v37 =	vmul.f32 $5.000000000e-01, v41;
	[tilespmem:v42+s1+$0x0] =	vst.idx.msk $0xffff, v61;
	v41 =	vld [tilespmem:s5+$0xFFFFF380];
	v63 =	vmul.f32 v58, v19  }
0x2ea: {  	[tilespmem:v38+s1+$0x0] =	vst.idx.msk $0xffff, v45;
	v60 =	vmul.f32 v53, v34;
	v56 =	vsub.s32 $0x5F3759DF, v62;
	v38 =	vld [tilespmem:s26+$0xFFFFFB10];
	v61 =	vmul.f32 v51, v33  }
0x2eb: {  	v57 =	vor.u32 $0x3, v28;
	v58 =	vld [tilespmem:s5+$0xFFFFF110];
	v62 =	vmul.f32 v56, v37;
	[tilespmem:v47+s1+$0x0] =	vst.idx.msk $0xffff, v63;
	v47 =	vmul.f32 v50, v29  }
0x2ec: {  	v42 =	vor.u32 $0x7, v20;
	v50 =	vmul.f32 v53, v60;
	[tilespmem:v32+s1+$0x0] =	vst.idx.msk $0xffff, v61;
	v59 =	vld [tilespmem:s28+$0x780];
	v52 =	vmul.f32 v52, v23  }
0x2ed: {  	v60 =	vor.u32 $0x2, v27;
	v48 =	vmul.f32 v18, v44;
	v45 =	vmul.f32 v56, v62;
	v61 =	vld [tilespmem:s7+$0x1180];
	[tilespmem:v49+s1+$0x0] =	vst.idx.msk $0xffff, v47  }
0x2ee: {  	v32 =	vor.u32 v0, v43;
	v63 =	vsub.f32 $1.500000000e+00, v50;
	v41 =	vmul.f32 v24, v41;
	[tilespmem:v46+s1+$0x0] =	vst.idx.msk $0xffff, v52;
	v51 =	vld [tilespmem:s7+$0x1190]  }
0x2ef: {  	[tilespmem:s10+$0x0] =	vst v31;
	v44 =	vmul.f32 v30, v54;
	v62 =	vsub.f32 $1.500000000e+00, v45;
	v38 =	vmul.f32 v17, v38;
	v50 =	vld [tilespmem:s28+$0x790]  }
0x2f0: {  	v47 =	vor.u32 $0xB, v22;
	v52 =	vld [tilespmem:s9+$0xFFFFEC10];
	v53 =	vmul.f32 v53, v63;
	v63 =	vmul.f32 v26, v58;
	[tilespmem:v57+s1+$0x0] =	vst.idx.msk $0xffff, v41  }
0x2f1: {  	s11 =	simm.s32 $0xA0;
	s14 =	simm.s32 $0xC0;
	s12 =	simm.s32 $0x80;
	v45 =	vor.u32 $0xB, v25;
	v54 =	vmul.f32 v56, v62;
	[tilespmem:v55+s1+$0x0] =	vst.idx.msk $0xffff, v38;
	v49 =	vld [tilespmem:s5+$0xFFFFF600];
	v46 =	vmul.f32 v59, v19  }
0x2f2: {  	s13 =	simm.s32 $0xA;
	s15 =	simm.s32 $0x19B70;
	s7 =	simm.s32 $0x184A0;
	v41 =	vor.u32 $0x7, v21;
	v56 =	vmul.f32 v53, v34;
	[tilespmem:v60+s1+$0x0] =	vst.idx.msk $0xffff, v63;
	v43 =	vld [tilespmem:s26+$0xFFFFFD90];
	v55 =	vmul.f32 v61, v33  }
.LBB2_7:
0x2f3: {  	s17 =	sadd.s32 $0x10, s14;
	s13 =	sadd.s32 $0x2, s13;
	v38 =	vmul.f32 v54, v37;
	s8 =	sadd.s32 $0x20, s8;
	v57 =	vld [tilespmem:s5+$0xFFFFF390];
	v58 =	vor.u32 $0x3, v27;
	[tilespmem:v42+s1+$0x0] =	vst.idx.msk $0xffff, v48;
	v48 =	vmul.f32 v51, v29  }
0x2f4: {  	v29 =	vmovc v23;
	v33 =	vmov s17;
	p2 =	slt.u32 s13, $0x26;
	v51 =	vmul.f32 v56, v53;
	v56 =	vld [tilespmem:s26+$0x0];
	v50 =	vmul.f32 v50, v23;
	[tilespmem:v40+s1+$0x0] =	vst.idx.msk $0xffff, v55  }
0x2f5: {  	v40 =	vmov s12;
	v23 =	vmovc v17;
	v17 =	vmovc v26;
	s12 =	smov.u32 s11;
	s11 =	smov.u32 s14;
	v42 =	vld [tilespmem:s8+$0xFFFFFFF0];
	v33 =	vshll.u32 v33, $0x4;
	v38 =	vmul.f32 v38, v54;
	[tilespmem:v39+s1+$0x0] =	vst.idx.msk $0xffff, v48  }
0x2f6: {  	v26 =	vmovc v31;
	v40 =	vshll.u32 v40, $0x4;
	v48 =	vld [tilespmem:s8+$0x0];
	v39 =	vsub.f32 $1.500000000e+00, v51;
	v49 =	vmul.f32 v24, v49;
	[tilespmem:v45+s1+$0x0] =	vst.idx.msk $0xffff, v50  }
0x2f7: {  	v50 =	vor.u32 v0, v40;
	v51 =	vmul.f32 v26, v52;
	v45 =	vld [tilespmem:s15+$0xFFFFFFF0];
	v31 =	vsub.f32 $1.500000000e+00, v38;
	[tilespmem:v47+s1+$0x0] =	vst.idx.msk $0xffff, v46  }
0x2f8: {  	v40 =	vmul.f32 v23, v43;
	v39 =	vmul.f32 v39, v53;
	[tilespmem:v35+s1+$0x0] =	vst.idx.msk $0xffff, v49;
	v35 =	vor.u32 $0x4, v50;
	v43 =	vld [tilespmem:s28+$0xA00]  }
0x2f9: {  	v47 =	vor.u32 $0xC, v22;
	v46 =	vmul.f32 v31, v54;
	[tilespmem:v32+s1+$0x0] =	vst.idx.msk $0xffff, v51;
	v31 =	vld [tilespmem:s5+$0xFFFFF880];
	v38 =	vmovc v19;
	v19 =	vmov v18  }
0x2fa: {  	v51 =	vor.u32 $0x8, v20;
	v34 =	vmul.f32 v39, v34;
	v49 =	vmul.f32 v19, v56;
	[tilespmem:v41+s1+$0x0] =	vst.idx.msk $0xffff, v40;
	v40 =	vld [tilespmem:s28+$0xA10]  }
0x2fb: {  	v53 =	vor.u32 $0xC, v25;
	v18 =	vmovc v24;
	v24 =	vmovc v30;
	v41 =	vmul.f32 v17, v57;
	v37 =	vmul.f32 v46, v37;
	v52 =	vld [tilespmem:s26+$0x10]  }
0x2fc: {  	v30 =	vmul.f32 v34, v39;
	[tilespmem:v50+s1+$0x0] =	vst.idx.msk $0xffff, v44;
	v34 =	vld [tilespmem:s9+$0xFFFFEE90]  }
0x2fd: {  	v37 =	vmul.f32 v37, v46;
	v44 =	vld [tilespmem:s9+$0xFFFFEE80];
	[tilespmem:v58+s1+$0x0] =	vst.idx.msk $0xffff, v41;
	v41 =	vor.u32 $0x8, v21;
	v43 =	vmul.f32 v43, v38  }
0x2fe: {  	v55 =	vor.u32 $0x5, v28;
	v30 =	vsub.f32 $1.500000000e+00, v30;
	v54 =	vmul.f32 v18, v31;
	v56 =	vld [tilespmem:s5+$0xFFFFF610]  }
0x2ff: {  	v58 =	vor.u32 $0x1, v50;
	v57 =	vld [tilespmem:s15+$0x0];
	v37 =	vsub.f32 $1.500000000e+00, v37;
	[tilespmem:v51+s1+$0x0] =	vst.idx.msk $0xffff, v49;
	v40 =	vmul.f32 v40, v29  }
0x300: {  	v49 =	vor.u32 $0x4, v27;
	v31 =	vmul.f32 v30, v39;
	v51 =	vld [tilespmem:s26+$0x280];
	v39 =	vmul.f32 v23, v52;
	[tilespmem:v47+s1+$0x0] =	vst.idx.msk $0xffff, v43  }
0x301: {  	s10 =	sadd.s32 $0x20, s10;
	v30 =	vmul.f32 v37, v46;
	v37 =	vld [tilespmem:s28+$0xC80];
	[tilespmem:v53+s1+$0x0] =	vst.idx.msk $0xffff, v40  }
0x302: {  	s9 =	sadd.s32 $0x20, s9;
	v43 =	vor.u32 $0x9, v20;
	v40 =	vmul.f32 v24, v44;
	[tilespmem:v41+s1+$0x0] =	vst.idx.msk $0xffff, v39;
	v41 =	vor.u32 $0xD, v22;
	v44 =	vld [tilespmem:s28+$0xC90]  }
0x303: {  	v52 =	vor.u32 $0xD, v25;
	v46 =	vmul.f32 v26, v34;
	[tilespmem:v55+s1+$0x0] =	vst.idx.msk $0xffff, v54;
	v34 =	vmul.f32 v17, v56;
	v47 =	vld [tilespmem:s26+$0x290]  }
0x304: {  	v39 =	vor.u32 $0xF, v25;
	v54 =	vor.u32 $0xE, v25;
	v25 =	vmovc v21;
	v21 =	vmovc v27;
	v27 =	vmov v32;
	[tilespmem:v58+s1+$0x0] =	vst.idx.msk $0xffff, v40;
	v53 =	vld [tilespmem:s5+$0xFFFFFB00]  }
0x305: {  	v40 =	vor.u32 $0xF, v22;
	v32 =	vld [tilespmem:s7+$0xFFFFF100];
	[tilespmem:v49+s1+$0x0] =	vst.idx.msk $0xffff, v34;
	v34 =	vmul.f32 v51, v19;
	v49 =	vor.u32 $0x9, v25  }
0x306: {  	v56 =	vor.u32 $0xE, v22;
	v22 =	vmovc v20;
	v20 =	vmovc v28;
	v51 =	vor.u32 $0x6, v28;
	[tilespmem:s10+$0xFFFFFFF0] =	vst v30;
	v55 =	vld [tilespmem:s5+$0xFFFFF890];
	v37 =	vmul.f32 v37, v38  }
0x307: {  	v48 =	vadd.f32 v57, v48;
	v58 =	vor.u32 $0x2, v50;
	v57 =	vld [tilespmem:s9+$0xFFFFEC00];
	[tilespmem:v43+s1+$0x0] =	vst.idx.msk $0xffff, v34;
	v34 =	vmul.f32 v44, v29  }
0x308: {  	v28 =	vmovc v50;
	v43 =	vor.u32 $0x1, v27;
	v44 =	vor.u32 $0x5, v21;
	v59 =	vld [tilespmem:s26+$0x500];
	v47 =	vmul.f32 v47, v23;
	[tilespmem:v41+s1+$0x0] =	vst.idx.msk $0xffff, v37  }
0x309: {  	v37 =	vadd.f32 v45, v42;
	v41 =	vadd.f32 $1.000000000e+00, v48;
	v42 =	vmul.f32 v18, v53;
	v45 =	vld [tilespmem:s28+$0xF00];
	[tilespmem:v52+s1+$0x0] =	vst.idx.msk $0xffff, v34  }
0x30a: {  	v48 =	vor.u32 $0xA, v22;
	v32 =	vmul.f32 v24, v32;
	[tilespmem:v49+s1+$0x0] =	vst.idx.msk $0xffff, v47;
	v47 =	vor.u32 $0xA, v25;
	v49 =	vld [tilespmem:s28+$0xF10]  }
0x30b: {  	v37 =	vadd.f32 $1.000000000e+00, v37;
	v34 =	vshra.s32 v41, $0x1;
	[tilespmem:v51+s1+$0x0] =	vst.idx.msk $0xffff, v42;
	v42 =	vmul.f32 v17, v55;
	v50 =	vld [tilespmem:s26+$0x510]  }
0x30c: {  	v52 =	vsub.s32 $0x5F3759DF, v34;
	v34 =	vmul.f32 $5.000000000e-01, v41;
	v41 =	vor.u32 $0x6, v21;
	[tilespmem:v58+s1+$0x0] =	vst.idx.msk $0xffff, v32;
	v32 =	vld [tilespmem:s5+$0xFFFFFD80]  }
0x30d: {  	v51 =	vshra.s32 v37, $0x1;
	v37 =	vmul.f32 $5.000000000e-01, v37;
	v53 =	vld [tilespmem:s7+$0xFFFFF380];
	[tilespmem:v44+s1+$0x0] =	vst.idx.msk $0xffff, v42;
	v42 =	vmul.f32 v59, v19  }
0x30e: {  	v55 =	vsub.s32 $0x5F3759DF, v51;
	v44 =	vmul.f32 v52, v34;
	[tilespmem:v43+s1+$0x0] =	vst.idx.msk $0xffff, v46;
	v43 =	vld [tilespmem:s5+$0xFFFFFB10];
	v45 =	vmul.f32 v45, v38  }
0x30f: {  	v58 =	vor.u32 $0x3, v28;
	v46 =	vmul.f32 v55, v37;
	v59 =	vld [tilespmem:s7+$0xFFFFF110];
	[tilespmem:v48+s1+$0x0] =	vst.idx.msk $0xffff, v42;
	v49 =	vmul.f32 v49, v29  }
0x310: {  	v44 =	vmul.f32 v52, v44;
	v42 =	vor.u32 $0x7, v20;
	v60 =	vld [tilespmem:s26+$0x780];
	v50 =	vmul.f32 v50, v23;
	[tilespmem:v56+s1+$0x0] =	vst.idx.msk $0xffff, v45  }
0x311: {  	v61 =	vor.u32 $0x2, v27;
	v45 =	vmul.f32 v55, v46;
	v48 =	vmul.f32 v18, v32;
	v62 =	vld [tilespmem:s28+$0x1180];
	[tilespmem:v54+s1+$0x0] =	vst.idx.msk $0xffff, v49  }
.Ltmp6:
0x312: {  	v46 =	vsub.f32 $1.500000000e+00, v44;
	v32 =	vor.u32 v0, v36;
	v49 =	vmul.f32 v24, v53;
	[tilespmem:v47+s1+$0x0] =	vst.idx.msk $0xffff, v50;
	v51 =	vld [tilespmem:s28+$0x1190];
	s28 =	smov.u32 s26;
	s26 =	smov.u32 s5;
	(pc) =	sbr.rel @p2 .LBB2_7-.Ltmp6, $4  }
0x313: {  	v44 =	vmul.f32 v30, v57;
	v36 =	vmovc v33;
	v47 =	vsub.f32 $1.500000000e+00, v45;
	s5 =	smov.u32 s7;
	s7 =	smov.u32 s9;
	[tilespmem:s10+$0x0] =	vst v31;
	v43 =	vmul.f32 v17, v43;
	v50 =	vld [tilespmem:s28+$0x790]  }
0x314: {  	v45 =	vor.u32 $0xB, v25;
	v53 =	vmul.f32 v52, v46;
	v52 =	vld [tilespmem:s9+$0xFFFFEC10];
	[tilespmem:v58+s1+$0x0] =	vst.idx.msk $0xffff, v49;
	v33 =	vmul.f32 v26, v59  }
0x315: {  	v54 =	vmul.f32 v55, v47;
	v47 =	vor.u32 $0xB, v22;
	v49 =	vld [tilespmem:s5+$0xFFFFF600];
	[tilespmem:v41+s1+$0x0] =	vst.idx.msk $0xffff, v43;
	v46 =	vmul.f32 v60, v19  }
0x316: {  	s14 =	sadd.s32 $0x20, s14;
	s15 =	sadd.s32 $0x20, s15;
	v56 =	vmul.f32 v53, v34;
	v41 =	vor.u32 $0x7, v21;
	[tilespmem:v61+s1+$0x0] =	vst.idx.msk $0xffff, v33;
	v43 =	vld [tilespmem:s26+$0xFFFFFD90];
	v55 =	vmul.f32 v62, v38  }
0x317: {  	v33 =	vmul.f32 v54, v37;
	_ =	sdelay $0x1  }
0x318: {  	v33 =	vmul.f32 v33, v54  }
0x319: {  	v38 =	vmul.f32 v56, v53  }
0x31a: {  	v33 =	vsub.f32 $1.500000000e+00, v33  }
0x31b: {  	v38 =	vsub.f32 $1.500000000e+00, v38  }
0x31c: {  	v33 =	vmul.f32 v33, v54  }
0x31d: {  	v38 =	vmul.f32 v38, v53  }
0x31e: {  	v59 =	vmul.f32 v33, v37  }
0x31f: {  	v34 =	vmul.f32 v38, v34  }
0x320: {  	v37 =	vmul.f32 v59, v33  }
0x321: {  	v34 =	vmul.f32 v34, v38  }
0x322: {  	v37 =	vsub.f32 $1.500000000e+00, v37  }
0x323: {  	v60 =	vsub.f32 $1.500000000e+00, v34  }
0x324: {  	v34 =	vmul.f32 v37, v33  }
0x325: {  	v61 =	vmov s12;
	s10 =	sadd.s32 $0x20, s10;
	v33 =	vmul.f32 v60, v38  }
0x326: {  	s8 =	sadd.s32 $0x20, s9;
	v37 =	vshll.u32 v61, $0x4;
	[tilespmem:s10+$0xFFFFFFF0] =	vst v34  }
0x327: {  	v63 =	vmov s11;
	v38 =	vor.u32 v0, v37;
	[tilespmem:s10+$0x0] =	vst v33;
	v62 =	vld [tilespmem:s8+$0xFFFFEC00]  }
0x328: {  	v37 =	vshll.u32 v63, $0x4;
	v57 =	vld [tilespmem:s8+$0xFFFFEC10]  }
0x329: {  	v37 =	vor.u32 v0, v37  }
0x32a: {  	v36 =	vor.u32 v0, v36  }
0x32b: {  	v52 =	vmul.f32 v31, v52  }
0x32c: {  	[tilespmem:v38+s1+$0x0] =	vst.idx.msk $0xffff, v44;
	v58 =	vmul.f32 v34, v62  }
0x32d: {  	[tilespmem:v32+s1+$0x0] =	vst.idx.msk $0xffff, v52;
	v52 =	vld [tilespmem:s9+$0xFFFFEE80];
	v59 =	vmul.f32 v33, v57  }
0x32e: {  	v60 =	vld [tilespmem:s9+$0xFFFFEE90];
	[tilespmem:v37+s1+$0x0] =	vst.idx.msk $0xffff, v58  }
0x32f: {  	v61 =	vor.u32 $0x1, v38;
	[tilespmem:v36+s1+$0x0] =	vst.idx.msk $0xffff, v59;
	v62 =	vld [tilespmem:s8+$0xFFFFEE80]  }
0x330: {  	v63 =	vor.u32 $0x1, v32;
	v57 =	vld [tilespmem:s8+$0xFFFFEE90]  }
0x331: {  	v58 =	vor.u32 $0x1, v37  }
0x332: {  	v59 =	vor.u32 $0x1, v36;
	v52 =	vmul.f32 v30, v52  }
0x333: {  	v54 =	vmul.f32 v31, v60  }
0x334: {  	[tilespmem:v61+s1+$0x0] =	vst.idx.msk $0xffff, v52;
	v60 =	vmul.f32 v34, v62  }
0x335: {  	[tilespmem:v63+s1+$0x0] =	vst.idx.msk $0xffff, v54;
	v52 =	vld [tilespmem:s7+$0xFFFFF100];
	v61 =	vmul.f32 v33, v57  }
0x336: {  	v54 =	vld [tilespmem:s7+$0xFFFFF110];
	[tilespmem:v58+s1+$0x0] =	vst.idx.msk $0xffff, v60  }
0x337: {  	v44 =	vor.u32 $0x2, v38;
	[tilespmem:v59+s1+$0x0] =	vst.idx.msk $0xffff, v61;
	v62 =	vld [tilespmem:s8+$0xFFFFF100]  }
0x338: {  	v53 =	vor.u32 $0x2, v32;
	v63 =	vld [tilespmem:s8+$0xFFFFF110]  }
0x339: {  	[tilespmem:v42+s1+$0x0] =	vst.idx.msk $0xffff, v48;
	v42 =	vor.u32 $0x2, v37  }
0x33a: {  	[tilespmem:v47+s1+$0x0] =	vst.idx.msk $0xffff, v46;
	v59 =	vor.u32 $0x2, v36;
	v58 =	vmul.f32 v30, v52  }
0x33b: {  	[tilespmem:v40+s1+$0x0] =	vst.idx.msk $0xffff, v55;
	v60 =	vmul.f32 v31, v54  }
0x33c: {  	v61 =	vld [tilespmem:s5+$0xFFFFF390];
	[tilespmem:v44+s1+$0x0] =	vst.idx.msk $0xffff, v58;
	v62 =	vmul.f32 v34, v62  }
0x33d: {  	[tilespmem:v53+s1+$0x0] =	vst.idx.msk $0xffff, v60;
	v44 =	vld [tilespmem:s7+$0xFFFFF380];
	v63 =	vmul.f32 v33, v63  }
0x33e: {  	v29 =	vmul.f32 v51, v29;
	v56 =	vor.u32 $0x3, v27;
	v57 =	vld [tilespmem:s7+$0xFFFFF390];
	[tilespmem:v42+s1+$0x0] =	vst.idx.msk $0xffff, v62  }
0x33f: {  	v50 =	vmul.f32 v50, v23;
	v58 =	vor.u32 $0x3, v38;
	[tilespmem:v59+s1+$0x0] =	vst.idx.msk $0xffff, v63;
	v42 =	vld [tilespmem:s8+$0xFFFFF380]  }
0x340: {  	[tilespmem:v39+s1+$0x0] =	vst.idx.msk $0xffff, v29;
	v60 =	vor.u32 $0x3, v32;
	v59 =	vmul.f32 v24, v49;
	v48 =	vld [tilespmem:s8+$0xFFFFF390]  }
0x341: {  	[tilespmem:v45+s1+$0x0] =	vst.idx.msk $0xffff, v50;
	v46 =	vor.u32 $0x3, v37;
	v39 =	vmul.f32 v26, v61  }
0x342: {  	v61 =	vld [tilespmem:s26+$0x0];
	[tilespmem:v35+s1+$0x0] =	vst.idx.msk $0xffff, v59;
	v62 =	vmul.f32 v30, v44;
	v35 =	vor.u32 $0x3, v36  }
0x343: {  	[tilespmem:v56+s1+$0x0] =	vst.idx.msk $0xffff, v39;
	v63 =	vld [tilespmem:s28+$0xA00];
	v53 =	vmul.f32 v31, v57  }
0x344: {  	v49 =	vor.u32 $0x8, v20;
	v54 =	vld [tilespmem:s5+$0xFFFFF610];
	[tilespmem:v58+s1+$0x0] =	vst.idx.msk $0xffff, v62;
	v55 =	vmul.f32 v34, v42  }
0x345: {  	v56 =	vor.u32 $0xC, v22;
	[tilespmem:v60+s1+$0x0] =	vst.idx.msk $0xffff, v53;
	v57 =	vld [tilespmem:s7+$0xFFFFF600];
	v58 =	vmul.f32 v33, v48  }
0x346: {  	v43 =	vmul.f32 v17, v43;
	v59 =	vor.u32 $0x4, v27;
	v60 =	vld [tilespmem:s7+$0xFFFFF610];
	[tilespmem:v46+s1+$0x0] =	vst.idx.msk $0xffff, v55  }
0x347: {  	v29 =	vor.u32 $0x4, v38;
	v61 =	vmul.f32 v18, v61;
	[tilespmem:v35+s1+$0x0] =	vst.idx.msk $0xffff, v58;
	v62 =	vld [tilespmem:s8+$0xFFFFF600]  }
0x348: {  	[tilespmem:v41+s1+$0x0] =	vst.idx.msk $0xffff, v43;
	v39 =	vor.u32 $0x4, v32;
	v63 =	vmul.f32 v63, v19;
	v52 =	vld [tilespmem:s8+$0xFFFFF610]  }
0x349: {  	v53 =	vld [tilespmem:s28+$0xA10];
	[tilespmem:v49+s1+$0x0] =	vst.idx.msk $0xffff, v61;
	v54 =	vmul.f32 v26, v54;
	v46 =	vor.u32 $0x4, v37  }
0x34a: {  	v40 =	vor.u32 $0x4, v36;
	[tilespmem:v56+s1+$0x0] =	vst.idx.msk $0xffff, v63;
	v55 =	vld [tilespmem:s26+$0x10];
	v56 =	vmul.f32 v30, v57  }
0x34b: {  	[tilespmem:v59+s1+$0x0] =	vst.idx.msk $0xffff, v54;
	v58 =	vor.u32 $0xC, v25;
	v59 =	vmul.f32 v31, v60;
	v57 =	vld [tilespmem:s5+$0xFFFFF880]  }
0x34c: {  	v60 =	vor.u32 $0x8, v21;
	v61 =	vld [tilespmem:s5+$0xFFFFF890];
	[tilespmem:v29+s1+$0x0] =	vst.idx.msk $0xffff, v56;
	v62 =	vmul.f32 v34, v62  }
0x34d: {  	v35 =	vor.u32 $0x5, v28;
	[tilespmem:v39+s1+$0x0] =	vst.idx.msk $0xffff, v59;
	v63 =	vld [tilespmem:s7+$0xFFFFF880];
	v52 =	vmul.f32 v33, v52  }
0x34e: {  	v53 =	vmul.f32 v53, v23;
	v54 =	vor.u32 $0x5, v27;
	v44 =	vld [tilespmem:s7+$0xFFFFF890];
	[tilespmem:v46+s1+$0x0] =	vst.idx.msk $0xffff, v62  }
0x34f: {  	v55 =	vmul.f32 v17, v55;
	v46 =	vor.u32 $0x5, v38;
	[tilespmem:v40+s1+$0x0] =	vst.idx.msk $0xffff, v52;
	v56 =	vld [tilespmem:s8+$0xFFFFF880]  }
0x350: {  	[tilespmem:v58+s1+$0x0] =	vst.idx.msk $0xffff, v53;
	v57 =	vmul.f32 v24, v57;
	v40 =	vor.u32 $0x5, v32;
	v58 =	vld [tilespmem:s8+$0xFFFFF890]  }
0x351: {  	v59 =	vld [tilespmem:s26+$0x280];
	[tilespmem:v60+s1+$0x0] =	vst.idx.msk $0xffff, v55;
	v60 =	vmul.f32 v26, v61;
	v61 =	vor.u32 $0x5, v37  }
0x352: {  	v39 =	vor.u32 $0x5, v36;
	v62 =	vld [tilespmem:s28+$0xC80];
	[tilespmem:v35+s1+$0x0] =	vst.idx.msk $0xffff, v57;
	v63 =	vmul.f32 v30, v63  }
0x353: {  	v52 =	vor.u32 $0x9, v20;
	[tilespmem:v54+s1+$0x0] =	vst.idx.msk $0xffff, v60;
	v54 =	vmul.f32 v31, v44;
	v53 =	vld [tilespmem:s5+$0xFFFFFB00]  }
0x354: {  	v43 =	vor.u32 $0xD, v22;
	v55 =	vld [tilespmem:s5+$0xFFFFFB10];
	[tilespmem:v46+s1+$0x0] =	vst.idx.msk $0xffff, v63;
	v56 =	vmul.f32 v34, v56  }
0x355: {  	v46 =	vor.u32 $0x6, v28;
	[tilespmem:v40+s1+$0x0] =	vst.idx.msk $0xffff, v54;
	v57 =	vld [tilespmem:s7+$0xFFFFFB00];
	v58 =	vmul.f32 v33, v58  }
0x356: {  	v41 =	vor.u32 $0x6, v27;
	v59 =	vmul.f32 v59, v18;
	v60 =	vld [tilespmem:s7+$0xFFFFFB10];
	[tilespmem:v61+s1+$0x0] =	vst.idx.msk $0xffff, v56  }
0x357: {  	v61 =	vmul.f32 v62, v19;
	v62 =	vor.u32 $0x6, v38;
	[tilespmem:v39+s1+$0x0] =	vst.idx.msk $0xffff, v58;
	v63 =	vld [tilespmem:s8+$0xFFFFFB00]  }
0x358: {  	[tilespmem:v52+s1+$0x0] =	vst.idx.msk $0xffff, v59;
	v52 =	vor.u32 $0x6, v32;
	v51 =	vmul.f32 v24, v53;
	v53 =	vld [tilespmem:s8+$0xFFFFFB10]  }
0x359: {  	v54 =	vld [tilespmem:s28+$0xC90];
	v55 =	vmul.f32 v26, v55;
	[tilespmem:v43+s1+$0x0] =	vst.idx.msk $0xffff, v61;
	v43 =	vor.u32 $0x6, v37  }
0x35a: {  	v56 =	vld [tilespmem:s26+$0x290];
	[tilespmem:v46+s1+$0x0] =	vst.idx.msk $0xffff, v51;
	v46 =	vor.u32 $0x6, v36;
	v57 =	vmul.f32 v30, v57  }
0x35b: {  	v58 =	vor.u32 $0xD, v25;
	[tilespmem:v41+s1+$0x0] =	vst.idx.msk $0xffff, v55;
	v59 =	vld [tilespmem:s5+$0xFFFFFD80];
	v60 =	vmul.f32 v31, v60  }
0x35c: {  	v41 =	vor.u32 $0x9, v21;
	v61 =	vld [tilespmem:s5+$0xFFFFFD90];
	[tilespmem:v62+s1+$0x0] =	vst.idx.msk $0xffff, v57;
	v62 =	vmul.f32 v34, v63  }
0x35d: {  	v45 =	vor.u32 $0x7, v28;
	[tilespmem:v52+s1+$0x0] =	vst.idx.msk $0xffff, v60;
	v63 =	vld [tilespmem:s7+$0xFFFFFD80];
	v52 =	vmul.f32 v33, v53  }
0x35e: {  	v53 =	vmul.f32 v54, v23;
	v54 =	vor.u32 $0x7, v27;
	v55 =	vld [tilespmem:s7+$0xFFFFFD90];
	[tilespmem:v43+s1+$0x0] =	vst.idx.msk $0xffff, v62  }
0x35f: {  	v56 =	vmul.f32 v56, v17;
	v43 =	vor.u32 $0x7, v38;
	[tilespmem:v46+s1+$0x0] =	vst.idx.msk $0xffff, v52;
	v57 =	vld [tilespmem:s8+$0xFFFFFD80]  }
0x360: {  	[tilespmem:v58+s1+$0x0] =	vst.idx.msk $0xffff, v53;
	v58 =	vmul.f32 v24, v59;
	v59 =	vor.u32 $0x7, v32;
	v46 =	vld [tilespmem:s8+$0xFFFFFD90]  }
0x361: {  	v60 =	vld [tilespmem:s26+$0x500];
	[tilespmem:v41+s1+$0x0] =	vst.idx.msk $0xffff, v56;
	v61 =	vmul.f32 v26, v61;
	v41 =	vor.u32 $0x7, v37  }
0x362: {  	v62 =	vld [tilespmem:s28+$0xF00];
	[tilespmem:v45+s1+$0x0] =	vst.idx.msk $0xffff, v58;
	v45 =	vor.u32 $0x7, v36;
	v63 =	vmul.f32 v30, v63  }
0x363: {  	v52 =	vor.u32 $0xA, v20;
	v53 =	vld [tilespmem:s5+$0x0];
	[tilespmem:v54+s1+$0x0] =	vst.idx.msk $0xffff, v61;
	v54 =	vmul.f32 v31, v55  }
0x364: {  	v55 =	vor.u32 $0xE, v22;
	v56 =	vld [tilespmem:s5+$0x10];
	[tilespmem:v43+s1+$0x0] =	vst.idx.msk $0xffff, v63;
	v57 =	vmul.f32 v34, v57  }
0x365: {  	v43 =	vor.u32 $0x8, v28;
	[tilespmem:v59+s1+$0x0] =	vst.idx.msk $0xffff, v54;
	v58 =	vld [tilespmem:s7+$0x0];
	v59 =	vmul.f32 v33, v46  }
0x366: {  	v60 =	vmul.f32 v60, v18;
	v46 =	vor.u32 $0x8, v27;
	v61 =	vld [tilespmem:s7+$0x10];
	[tilespmem:v41+s1+$0x0] =	vst.idx.msk $0xffff, v57  }
0x367: {  	v62 =	vmul.f32 v62, v19;
	v41 =	vor.u32 $0x8, v38;
	[tilespmem:v45+s1+$0x0] =	vst.idx.msk $0xffff, v59;
	v63 =	vld [tilespmem:s8+$0x0]  }
0x368: {  	[tilespmem:v52+s1+$0x0] =	vst.idx.msk $0xffff, v60;
	v52 =	vmul.f32 v24, v53;
	v53 =	vor.u32 $0x8, v32;
	v45 =	vld [tilespmem:s8+$0x10]  }
0x369: {  	v54 =	vld [tilespmem:s28+$0xF10];
	[tilespmem:v55+s1+$0x0] =	vst.idx.msk $0xffff, v62;
	v55 =	vmul.f32 v26, v56;
	v56 =	vor.u32 $0x8, v37  }
0x36a: {  	v57 =	vld [tilespmem:s26+$0x510];
	[tilespmem:v43+s1+$0x0] =	vst.idx.msk $0xffff, v52;
	v43 =	vor.u32 $0x8, v36;
	v58 =	vmul.f32 v30, v58  }
0x36b: {  	v59 =	vor.u32 $0xE, v25;
	v60 =	vld [tilespmem:s5+$0x280];
	[tilespmem:v46+s1+$0x0] =	vst.idx.msk $0xffff, v55;
	v61 =	vmul.f32 v31, v61  }
0x36c: {  	v46 =	vor.u32 $0xA, v21;
	v62 =	vld [tilespmem:s5+$0x290];
	[tilespmem:v41+s1+$0x0] =	vst.idx.msk $0xffff, v58;
	v63 =	vmul.f32 v34, v63  }
0x36d: {  	v41 =	vor.u32 $0x9, v28;
	[tilespmem:v53+s1+$0x0] =	vst.idx.msk $0xffff, v61;
	v52 =	vld [tilespmem:s7+$0x280];
	v53 =	vmul.f32 v33, v45  }
0x36e: {  	v54 =	vmul.f32 v54, v23;
	v45 =	vor.u32 $0x9, v27;
	v55 =	vld [tilespmem:s7+$0x290];
	[tilespmem:v56+s1+$0x0] =	vst.idx.msk $0xffff, v63  }
0x36f: {  	v56 =	vmul.f32 v57, v17;
	v57 =	vor.u32 $0x9, v38;
	[tilespmem:v43+s1+$0x0] =	vst.idx.msk $0xffff, v53;
	v58 =	vld [tilespmem:s8+$0x280]  }
0x370: {  	[tilespmem:v59+s1+$0x0] =	vst.idx.msk $0xffff, v54;
	v59 =	vmul.f32 v60, v24;
	v60 =	vor.u32 $0x9, v32;
	v43 =	vld [tilespmem:s8+$0x290]  }
0x371: {  	v61 =	vld [tilespmem:s28+$0x1180];
	v62 =	vmul.f32 v62, v26;
	[tilespmem:v46+s1+$0x0] =	vst.idx.msk $0xffff, v56;
	v46 =	vor.u32 $0x9, v37  }
0x372: {  	v63 =	vld [tilespmem:s28+$0x1190];
	[tilespmem:v41+s1+$0x0] =	vst.idx.msk $0xffff, v59;
	v51 =	vmul.f32 v52, v30;
	v52 =	vor.u32 $0x9, v36  }
0x373: {  	v53 =	vor.u32 $0xF, v22;
	v54 =	vld [tilespmem:s5+$0x500];
	[tilespmem:v45+s1+$0x0] =	vst.idx.msk $0xffff, v62;
	v55 =	vmul.f32 v55, v31  }
0x374: {  	v56 =	vor.u32 $0xF, v25;
	v45 =	vld [tilespmem:s5+$0x510];
	[tilespmem:v57+s1+$0x0] =	vst.idx.msk $0xffff, v51;
	v57 =	vmul.f32 v58, v34  }
0x375: {  	[tilespmem:v60+s1+$0x0] =	vst.idx.msk $0xffff, v55;
	v58 =	vor.u32 $0xA, v28;
	v59 =	vld [tilespmem:s7+$0x500];
	v60 =	vmul.f32 v43, v33  }
0x376: {  	v19 =	vmul.f32 v61, v19;
	v61 =	vor.u32 $0xA, v27;
	v62 =	vld [tilespmem:s7+$0x510];
	[tilespmem:v46+s1+$0x0] =	vst.idx.msk $0xffff, v57  }
0x377: {  	v48 =	vor.u32 $0xA, v38;
	v63 =	vmul.f32 v63, v23;
	[tilespmem:v52+s1+$0x0] =	vst.idx.msk $0xffff, v60;
	v49 =	vld [tilespmem:s8+$0x500]  }
0x378: {  	v50 =	vor.u32 $0xA, v32;
	[tilespmem:v53+s1+$0x0] =	vst.idx.msk $0xffff, v19;
	v19 =	vmul.f32 v54, v24;
	v29 =	vld [tilespmem:s8+$0x510]  }
0x379: {  	v51 =	vld [tilespmem:s26+$0x780];
	v53 =	vor.u32 $0xA, v37;
	[tilespmem:v56+s1+$0x0] =	vst.idx.msk $0xffff, v63;
	v52 =	vmul.f32 v45, v26  }
0x37a: {  	v55 =	vor.u32 $0xA, v36;
	v54 =	vld [tilespmem:s26+$0x790];
	[tilespmem:v58+s1+$0x0] =	vst.idx.msk $0xffff, v19;
	v19 =	vmul.f32 v59, v30  }
0x37b: {  	v56 =	vor.u32 $0xB, v20;
	[tilespmem:v61+s1+$0x0] =	vst.idx.msk $0xffff, v52;
	v58 =	vmul.f32 v62, v31;
	v57 =	vld [tilespmem:s5+$0x780]  }
0x37c: {  	v59 =	vor.u32 $0xB, v21;
	v60 =	vld [tilespmem:s5+$0x790];
	[tilespmem:v48+s1+$0x0] =	vst.idx.msk $0xffff, v19;
	v19 =	vmul.f32 v49, v34  }
0x37d: {  	v61 =	vor.u32 $0xB, v28;
	[tilespmem:v50+s1+$0x0] =	vst.idx.msk $0xffff, v58;
	v62 =	vld [tilespmem:s7+$0x780];
	v63 =	vmul.f32 v29, v33  }
0x37e: {  	v47 =	vmul.f32 v51, v18;
	v48 =	vor.u32 $0xB, v27;
	v49 =	vld [tilespmem:s7+$0x790];
	[tilespmem:v53+s1+$0x0] =	vst.idx.msk $0xffff, v19  }
0x37f: {  	v50 =	vor.u32 $0xB, v38;
	v19 =	vmul.f32 v54, v17;
	[tilespmem:v55+s1+$0x0] =	vst.idx.msk $0xffff, v63;
	v51 =	vld [tilespmem:s8+$0x780]  }
0x380: {  	[tilespmem:v56+s1+$0x0] =	vst.idx.msk $0xffff, v47;
	v53 =	vor.u32 $0xB, v32;
	v52 =	vmul.f32 v57, v24;
	v40 =	vld [tilespmem:s8+$0x790]  }
0x381: {  	v55 =	vor.u32 $0xB, v37;
	v54 =	vmul.f32 v60, v26;
	[tilespmem:v59+s1+$0x0] =	vst.idx.msk $0xffff, v19;
	v19 =	vld [tilespmem:s26+$0xA00]  }
0x382: {  	v58 =	vor.u32 $0xB, v36;
	v56 =	vld [tilespmem:s26+$0xA10];
	[tilespmem:v61+s1+$0x0] =	vst.idx.msk $0xffff, v52;
	v57 =	vmul.f32 v62, v30  }
0x383: {  	v59 =	vor.u32 $0xC, v20;
	[tilespmem:v48+s1+$0x0] =	vst.idx.msk $0xffff, v54;
	v61 =	vmul.f32 v49, v31;
	v60 =	vld [tilespmem:s5+$0xA00]  }
0x384: {  	v62 =	vor.u32 $0xC, v21;
	v63 =	vld [tilespmem:s5+$0xA10];
	[tilespmem:v50+s1+$0x0] =	vst.idx.msk $0xffff, v57;
	v48 =	vmul.f32 v51, v34  }
0x385: {  	v49 =	vor.u32 $0xC, v28;
	[tilespmem:v53+s1+$0x0] =	vst.idx.msk $0xffff, v61;
	v50 =	vld [tilespmem:s7+$0xA00];
	v51 =	vmul.f32 v40, v33  }
0x386: {  	v52 =	vor.u32 $0xC, v27;
	v53 =	vld [tilespmem:s7+$0xA10];
	v19 =	vmul.f32 v19, v18;
	[tilespmem:v55+s1+$0x0] =	vst.idx.msk $0xffff, v48  }
0x387: {  	v54 =	vmul.f32 v56, v17;
	v55 =	vor.u32 $0xC, v38;
	[tilespmem:v58+s1+$0x0] =	vst.idx.msk $0xffff, v51;
	v56 =	vld [tilespmem:s8+$0xA00]  }
0x388: {  	v57 =	vor.u32 $0xC, v32;
	[tilespmem:v59+s1+$0x0] =	vst.idx.msk $0xffff, v19;
	v19 =	vmul.f32 v60, v24;
	v39 =	vld [tilespmem:s8+$0xA10]  }
0x389: {  	v58 =	vmul.f32 v63, v26;
	v59 =	vor.u32 $0xC, v37;
	v44 =	vld [tilespmem:s26+$0xC80];
	[tilespmem:v62+s1+$0x0] =	vst.idx.msk $0xffff, v54  }
0x38a: {  	v61 =	vor.u32 $0xC, v36;
	v60 =	vld [tilespmem:s26+$0xC90];
	[tilespmem:v49+s1+$0x0] =	vst.idx.msk $0xffff, v19;
	v19 =	vmul.f32 v50, v30  }
0x38b: {  	v62 =	vor.u32 $0xD, v20;
	[tilespmem:v52+s1+$0x0] =	vst.idx.msk $0xffff, v58;
	v48 =	vmul.f32 v53, v31;
	v63 =	vld [tilespmem:s5+$0xC80]  }
0x38c: {  	v49 =	vor.u32 $0xD, v21;
	v50 =	vld [tilespmem:s5+$0xC90];
	[tilespmem:v55+s1+$0x0] =	vst.idx.msk $0xffff, v19;
	v19 =	vmul.f32 v56, v34  }
0x38d: {  	v51 =	vor.u32 $0xD, v28;
	[tilespmem:v57+s1+$0x0] =	vst.idx.msk $0xffff, v48;
	v43 =	vld [tilespmem:s7+$0xC80];
	v52 =	vmul.f32 v39, v33  }
0x38e: {  	v54 =	vor.u32 $0xD, v27;
	v55 =	vld [tilespmem:s7+$0xC90];
	v53 =	vmul.f32 v44, v18;
	[tilespmem:v59+s1+$0x0] =	vst.idx.msk $0xffff, v19  }
0x38f: {  	v56 =	vor.u32 $0xD, v38;
	v19 =	vmul.f32 v60, v17;
	[tilespmem:v61+s1+$0x0] =	vst.idx.msk $0xffff, v52;
	v57 =	vld [tilespmem:s8+$0xC80]  }
0x390: {  	v59 =	vor.u32 $0xD, v32;
	[tilespmem:v62+s1+$0x0] =	vst.idx.msk $0xffff, v53;
	v58 =	vmul.f32 v63, v24;
	v60 =	vld [tilespmem:s8+$0xC90]  }
0x391: {  	v61 =	vor.u32 $0xD, v37;
	v29 =	vld [tilespmem:s26+$0xF00];
	[tilespmem:v49+s1+$0x0] =	vst.idx.msk $0xffff, v19;
	v19 =	vmul.f32 v50, v26  }
0x392: {  	v48 =	vor.u32 $0xD, v36;
	v62 =	vld [tilespmem:s26+$0xF10];
	[tilespmem:v51+s1+$0x0] =	vst.idx.msk $0xffff, v58;
	v63 =	vmul.f32 v43, v30  }
0x393: {  	v49 =	vor.u32 $0xE, v20;
	v50 =	vld [tilespmem:s5+$0xF00];
	[tilespmem:v54+s1+$0x0] =	vst.idx.msk $0xffff, v19;
	v19 =	vmul.f32 v55, v31  }
0x394: {  	v51 =	vor.u32 $0xE, v21;
	v52 =	vld [tilespmem:s5+$0xF10];
	[tilespmem:v56+s1+$0x0] =	vst.idx.msk $0xffff, v63;
	v53 =	vmul.f32 v57, v34  }
0x395: {  	v54 =	vor.u32 $0xE, v28;
	v55 =	vld [tilespmem:s7+$0xF00];
	[tilespmem:v59+s1+$0x0] =	vst.idx.msk $0xffff, v19;
	v19 =	vmul.f32 v60, v33  }
0x396: {  	v57 =	vor.u32 $0xE, v27;
	v56 =	vmul.f32 v29, v18;
	v58 =	vld [tilespmem:s7+$0xF10];
	[tilespmem:v61+s1+$0x0] =	vst.idx.msk $0xffff, v53  }
0x397: {  	v60 =	vor.u32 $0xE, v38;
	v59 =	vmul.f32 v62, v17;
	[tilespmem:v48+s1+$0x0] =	vst.idx.msk $0xffff, v19;
	v61 =	vld [tilespmem:s8+$0xF00]  }
0x398: {  	v62 =	vor.u32 $0xE, v32;
	[tilespmem:v49+s1+$0x0] =	vst.idx.msk $0xffff, v56;
	v19 =	vmul.f32 v50, v24;
	v35 =	vld [tilespmem:s8+$0xF10]  }
0x399: {  	v48 =	vor.u32 $0xE, v37;
	v43 =	vld [tilespmem:s26+$0x1180];
	[tilespmem:v51+s1+$0x0] =	vst.idx.msk $0xffff, v59;
	v63 =	vmul.f32 v52, v26  }
0x39a: {  	v50 =	vor.u32 $0xE, v36;
	v49 =	vld [tilespmem:s26+$0x1190];
	[tilespmem:v54+s1+$0x0] =	vst.idx.msk $0xffff, v19;
	v19 =	vmul.f32 v55, v30  }
0x39b: {  	v51 =	vor.u32 $0xF, v20;
	v52 =	vld [tilespmem:s5+$0x1180];
	[tilespmem:v57+s1+$0x0] =	vst.idx.msk $0xffff, v63;
	v53 =	vmul.f32 v58, v31  }
0x39c: {  	v54 =	vor.u32 $0xF, v21;
	v25 =	vld [tilespmem:s5+$0x1190];
	[tilespmem:v60+s1+$0x0] =	vst.idx.msk $0xffff, v19;
	v19 =	vmul.f32 v61, v34  }
0x39d: {  	v55 =	vor.u32 $0xF, v28;
	v56 =	vld [tilespmem:s7+$0x1180];
	[tilespmem:v62+s1+$0x0] =	vst.idx.msk $0xffff, v53;
	v57 =	vmul.f32 v35, v33  }
0x39e: {  	v58 =	vor.u32 $0xF, v27;
	v18 =	vmul.f32 v43, v18;
	v59 =	vld [tilespmem:s7+$0x1190];
	[tilespmem:v48+s1+$0x0] =	vst.idx.msk $0xffff, v19  }
0x39f: {  	v17 =	vmul.f32 v49, v17;
	v19 =	vor.u32 $0xF, v38;
	[tilespmem:v50+s1+$0x0] =	vst.idx.msk $0xffff, v57;
	v60 =	vld [tilespmem:s8+$0x1180]  }
0x3a0: {  	v61 =	vor.u32 $0xF, v32;
	[tilespmem:v51+s1+$0x0] =	vst.idx.msk $0xffff, v18;
	v18 =	vmul.f32 v52, v24;
	v22 =	vld [tilespmem:s8+$0x1190]  }
0x3a1: {  	v62 =	vor.u32 $0xF, v37;
	[tilespmem:v54+s1+$0x0] =	vst.idx.msk $0xffff, v17;
	v17 =	vmul.f32 v25, v26  }
0x3a2: {  	v63 =	vor.u32 $0xF, v36;
	[tilespmem:v55+s1+$0x0] =	vst.idx.msk $0xffff, v18;
	v18 =	vmul.f32 v56, v30  }
0x3a3: {  	[tilespmem:v58+s1+$0x0] =	vst.idx.msk $0xffff, v17;
	v17 =	vmul.f32 v59, v31  }
0x3a4: {  	[tilespmem:v19+s1+$0x0] =	vst.idx.msk $0xffff, v18;
	v18 =	vmul.f32 v60, v34  }
0x3a5: {  	[tilespmem:v61+s1+$0x0] =	vst.idx.msk $0xffff, v17;
	v17 =	vmul.f32 v22, v33  }
0x3a6: {  	[tilespmem:v62+s1+$0x0] =	vst.idx.msk $0xffff, v18  }
0x3a7: {  	[tilespmem:v63+s1+$0x0] =	vst.idx.msk $0xffff, v17  }
.Ltmp7:
0x3a8: {  	s28 =	rddreg [dreg:$0xe];
	(pc) =	sbr.rel @p1 .LBB2_11-.Ltmp7, $4  }
0x3a9: {  	[spmem:s28] =	stream.linear.scatter [tilespmem:s1], [sflag:$0x4], $0x2800, $0x38;
	[tilespmem:$0x1EFA0] =	vst v63  }
0x3aa: {  	_ =	swait.ge [sflag:s30], $0x2800  }
0x3ab: {  	s11 =	simm.s32 $0x4650;
	s10 =	simm.s32 $0x3E80;
	[sflag:s30] =	ssyncset.done $0x0  }
0x3ac: {  	s9 =	simm.s32 $0x36B0;
	s8 =	simm.s32 $0x2EE0;
	[sflag:s30] =	ssyncadd.s32 $0xFFFFD800  }
.Ltmp8:
0x3ad: {  	s5 =	rddreg [dreg:$0xf];
	(pc) =	sbr.rel .LBB2_10-.Ltmp8, $4  }
0x3ae: {  	[hbm4b:s5+s4] =	stream.linear.scatter [tilespmem:s1], [sflag:$0x4], $0x2800, $0x38;
	[tilespmem:$0x1EFA0] =	vst v63  }
0x3af: {  	_ =	swait.ge [sflag:s30], $0x2800  }
0x3b0: {  	[sflag:s30] =	ssyncset.done $0x0  }
0x3b1: {  	[sflag:s30] =	ssyncadd.s32 $0xFFFFD800  }
.LBB2_12:
0x3b2: {  	_ =	sfence.sel $0x180000  }
0x3b3: {  	[bflag:$0x0] =	sbarrier.arrive $0xFFFF  }
0x3b4: {  	_ =	strace $0x9000004A  }
0x3b5: {  	s0 =	stileid.u32;
	[bflag:$0x2] =	sbarrier.arrive $0xFFFF  }
0x3b6: {  	p0 =	sne.s32 s0, $0x0;
	s0 =	rddreg [dreg:$0x3]  }
0x3b7: {  	s0 =	sadd.s32 @!p0 $0x100000, s0  }
0x3b8: {  	[sflag:s0] =	ssyncadd.tile.s32 @!p0 $0x1;
	_ =	shalt  }
.Lfunc_end2:
_tile_overlayer_lowered:
.L_overlay_start_2:
0x3b9: {  	(tag) =	ssettag $0x2  }
0x3ba: {  	s0 =	rddreg [dreg:$0x0];
	s2 =	stileid.u32  }
0x3bb: {  	s1 =	rddreg [dreg:$0x1];
	p0 =	sne.s32 s2, $0x0  }
0x3bc: {  	s3 =	rddreg [dreg:$0x2];
	[bflag:$0x3] =	sbarrier.arrive $0xFFFF;
	s2 =	simm.s32 @!p0 $0x1C04  }
0x3bd: {  	[timem:s3], [sflag:s2] =	dma.local @!p0 [hbm:s0], s1  }
0x3be: {  	s0 =	simm.s32 @!p0 $0x4  }
0x3bf: {  	_ =	swait.ge @!p0 [sflag:s0], s1  }
0x3c0: {  	s1 =	ssub.s32 @!p0 $0x0, s1;
	[sflag:s0] =	ssyncset.done @!p0 $0x0  }
0x3c1: {  	[sflag:s0] =	ssyncadd.s32 @!p0 s1  }
0x3c2: {  	[bflag:$0x3] =	sbarrier.arrive $0xFFFF  }
0x3c3: {  	_ =	shalt  }

// kernel: kernel.13.cloned.1.call-start
scs
__scs_entry_jumppad:
0x0: {  	(pc) =	sbr.rel $0x88, $3  }
0x1: {  	(tag) =	ssettag $0x0;
	lr =	simm.s32 $0x1  }
0x2: {  	[smem:$0x3F9B] =	sst lr;
	_ =	strace $0xD0000000  }
0x3: {  	_ = 	snop  }
0x4: {  	_ = 	snop  }
0x5: {  	_ = 	snop  }
0x6: {  	_ = 	snop  }
0x7: {  	_ = 	snop  }
__scs_overlays_trampoline_lowered:
0x8: {  	[smem:$0x3FAA] =	sst s0  }
0x9: {  	[smem:$0x3FAB] =	sst s1  }
0xa: {  	[smem:$0x3FAC] =	sst s2  }
0xb: {  	[smem:$0x3FAD] =	sst s3  }
0xc: {  	[smem:$0x3FAE] =	sst s4  }
0xd: {  	[smem:$0x3FAF] =	sst s5  }
0xe: {  	[smem:$0x3FB0] =	sst s6  }
0xf: {  	[smem:$0x3FB1] =	sst s7  }
0x10: {  	[smem:$0x3FB2] =	sst s8  }
0x11: {  	[smem:$0x3FB3] =	sst s9;
	s0 =	simm.s32 @!p0 $0x0  }
0x12: {  	s1 =	sld [smem:$0x3F99];
	s0 =	simm.s32 @p0 $0x1  }
0x13: {  	[smem:$0x3FB4] =	sst s0;
	s0 =	simm.s32 @!p1 $0x0  }
0x14: {  	s2 =	sld [smem:$0x3F98];
	s0 =	simm.s32 @p1 $0x1  }
0x15: {  	[smem:$0x3FB5] =	sst s0;
	s0 =	simm.s32 @!p2 $0x0  }
0x16: {  	s3 =	sld [smem:$0x3FDB];
	s0 =	simm.s32 @p2 $0x1  }
0x17: {  	s4 =	simm.s32 $0x1BF5;
	[smem:$0x3FB7] =	sst s0  }
0x18: {  	s0 =	sld [smem:$0x3F9A];
	_ =	swait.ge [sflag:s4], $0x0  }
0x19: {  	s7 =	sld [smem:$0x3F9B]  }
0x1a: {  	s8 =	sadd.s32 $0xFFFFE003, lr  }
0x1b: {  	s9 =	sadd.s32 $0xFFFFFEF7, lr;
	s5 =	simm.s32 $0xFFFFFFFF;
	p2 =	slt.u32 s8, $0xFFFFF086  }
0x1c: {  	p1 =	slt.u32 s9, $0xF7A;
	s5 =	simm.s32 @!p2 $0x0  }
0x1d: {  	s5 =	simm.s32 @p1 $0x1;
	p0 =	seq.s32 s7, s2  }
0x1e: {  	s7 =	smul.u32 @!p0 $0xF7A, s2;
	p2 =	seq.s32 @!p0 s5, $0x0  }
0x1f: {  	s9 =	smul.u32 $0xF7A, s1;
	s8 =	simm.s32 @!p0 $0x1BF5;
	p2 =	por !p2, p0  }
0x20: {  	[sflag:s8] =	ssyncset.s32 @!p0 $0xFFFFF086;
	s6 =	sadd.s32 @!p0 s3, s7;
	s7 =	simm.s32 @!p0 $0x108  }
0x21: {  	s3 =	sadd.s32 s3, s9;
	s6 =	sadd.s32 @!p0 $0x88, s6;
	s7 =	simm.s32 @p2 $0x1082  }
0x22: {  	[simem:s7], [sflag:s8] =	dma.local @!p0 [hbm:s6], $0xF7A  }
0x23: {  	s9 =	sor.u32 $0xD0000000, s2;
	s6 =	simm.s32 $0x108;
	_ =	swait.ge @!p0 [sflag:s8], $0x0  }
0x24: {  	s3 =	sadd.s32 $0x88, s3;
	s6 =	simm.s32 @!p1 $0x1082;
	[sflag:s4] =	ssyncset.s32 $0xFFFFF086  }
0x25: {  	[simem:s6], [sflag:s4] =	dma.local [hbm:s3], $0xF7A  }
0x26: {  	[smem:$0x3F9B] =	sst s1;
	(tag) =	ssettag s2;
	_ =	strace s9  }
0x27: {  	s1 =	sld [smem:$0x3FAB]  }
0x28: {  	s2 =	sld [smem:$0x3FAC]  }
0x29: {  	s4 =	sld [smem:$0x3FAE]  }
0x2a: {  	p0 =	seq.s32 s5, $0x0;
	s5 =	sld [smem:$0x3FAF]  }
0x2b: {  	s6 =	sld [smem:$0x3FB0]  }
0x2c: {  	s7 =	sld [smem:$0x3FB1]  }
0x2d: {  	s3 =	simm.s32 $0x108;
	s8 =	sld [smem:$0x3FB2]  }
0x2e: {  	s3 =	simm.s32 @!p0 $0x1082;
	s9 =	sld [smem:$0x3FB3]  }
0x2f: {  	lr =	sadd.s32 s0, s3;
	s0 =	sld [smem:$0x3FAA]  }
0x30: {  	s3 =	sld [smem:$0x3FAD]  }
0x31: {  	[smem:$0x3FB6] =	sst s10  }
0x32: {  	s10 =	sld [smem:$0x3FB4];
	_ =	sdelay $0x3  }
0x33: {  	p0 =	seq.s32 s10, $0x1;
	s10 =	sld [smem:$0x3FB6];
	_ =	sdelay $0x3  }
0x34: {  	[smem:$0x3FB6] =	sst s10  }
0x35: {  	s10 =	sld [smem:$0x3FB5];
	_ =	sdelay $0x3  }
0x36: {  	p1 =	seq.s32 s10, $0x1;
	s10 =	sld [smem:$0x3FB6];
	_ =	sdelay $0x3  }
0x37: {  	[smem:$0x3FB6] =	sst s10  }
0x38: {  	s10 =	sld [smem:$0x3FB7]  }
0x39: {  	_ = 	snop;
	(pc) =	sbr.ind lr, $3  }
0x3a: {  	_ = 	snop  }
0x3b: {  	_ = 	snop  }
0x3c: {  	p2 =	seq.s32 s10, $0x1;
	s10 =	sld [smem:$0x3FB6]  }
0x3d: {  	_ =	shalt  }
0x3e: {  	_ =	shalt  }
0x3f: {  	_ =	shalt  }
0x40: {  	_ =	shalt  }
0x41: {  	_ =	shalt  }
0x42: {  	_ =	shalt  }
0x43: {  	_ =	shalt  }
0x44: {  	_ =	shalt  }
0x45: {  	_ =	shalt  }
0x46: {  	_ =	shalt  }
0x47: {  	_ =	shalt  }
0x48: {  	_ =	shalt  }
0x49: {  	_ =	shalt  }
0x4a: {  	_ =	shalt  }
0x4b: {  	_ =	shalt  }
0x4c: {  	_ =	shalt  }
0x4d: {  	_ =	shalt  }
0x4e: {  	_ =	shalt  }
0x4f: {  	_ =	shalt  }
0x50: {  	_ =	shalt  }
0x51: {  	_ =	shalt  }
0x52: {  	_ =	shalt  }
0x53: {  	_ =	shalt  }
0x54: {  	_ =	shalt  }
0x55: {  	_ =	shalt  }
0x56: {  	_ =	shalt  }
0x57: {  	_ =	shalt  }
0x58: {  	_ =	shalt  }
0x59: {  	_ =	shalt  }
0x5a: {  	_ =	shalt  }
0x5b: {  	_ =	shalt  }
0x5c: {  	_ =	shalt  }
0x5d: {  	_ =	shalt  }
0x5e: {  	_ =	shalt  }
0x5f: {  	_ =	shalt  }
0x60: {  	_ =	shalt  }
0x61: {  	_ =	shalt  }
0x62: {  	_ =	shalt  }
0x63: {  	_ =	shalt  }
0x64: {  	_ =	shalt  }
0x65: {  	_ =	shalt  }
0x66: {  	_ =	shalt  }
0x67: {  	_ =	shalt  }
0x68: {  	_ =	shalt  }
0x69: {  	_ =	shalt  }
0x6a: {  	_ =	shalt  }
0x6b: {  	_ =	shalt  }
0x6c: {  	_ =	shalt  }
0x6d: {  	_ =	shalt  }
0x6e: {  	_ =	shalt  }
0x6f: {  	_ =	shalt  }
0x70: {  	_ =	shalt  }
0x71: {  	_ =	shalt  }
0x72: {  	_ =	shalt  }
0x73: {  	_ =	shalt  }
0x74: {  	_ =	shalt  }
0x75: {  	_ =	shalt  }
0x76: {  	_ =	shalt  }
0x77: {  	_ =	shalt  }
0x78: {  	_ =	shalt  }
0x79: {  	_ =	shalt  }
0x7a: {  	_ =	shalt  }
0x7b: {  	_ =	shalt  }
0x7c: {  	_ =	shalt  }
0x7d: {  	_ =	shalt  }
0x7e: {  	_ =	shalt  }
0x7f: {  	_ =	shalt  }
0x80: {  	_ =	shalt  }
0x81: {  	_ =	shalt  }
0x82: {  	_ =	shalt  }
0x83: {  	_ =	shalt  }
0x84: {  	_ =	shalt  }
0x85: {  	_ =	shalt  }
0x86: {  	_ =	shalt  }
0x87: {  	_ =	shalt  }
.Lfunc_end0:
.L_simem_size_0:
called_computation.2_lowered:
.L_overlay_start_0:
0x88: {  	s2 =	sld [smem:$0x3FD9]  }
0x89: {  	s3 =	sld [smem:$0x3FFE];
	_ =	sdelay $0x1  }
0x8a: {  	s1 =	srdreg.scid  }
0x8b: {  	s0 =	sand.u32 $0x1, s1  }
0x8c: {  	s17 =	sshll.u32 s0, $0xA;
	s2 =	sadd.s32 s3, s2  }
0x8d: {  	s2 =	sadd.s32 s2, s17  }
0x8e: {  	[smem:$0x3FC2] =	sst s2  }
0x8f: {  	_ = 	snop  }
0x90: {  	s2 =	sld [smem:$0x3FC6]  }
0x91: {  	s18 =	sld [smem:$0x3FC5];
	(tm) =	ssettm $0x1  }
0x92: {  	s4 =	sld [smem:$0x3FFB];
	_ =	sdelay $0x3  }
0x93: {  	_ =	strace s4  }
0x94: {  	s4 =	sld [smem:$0x3FFC];
	_ =	sdelay $0x3  }
0x95: {  	_ =	strace s4  }
0x96: {  	s4 =	sld [smem:$0x3FFD];
	_ =	sdelay $0x3  }
0x97: {  	_ =	strace s4  }
0x98: {  	_ =	strace $0x8FFFFFFF  }
0x99: {  	s19 =	sld [smem:$0x3FDB];
	_ =	sdelay $0x1  }
0x9a: {  	s5 =	simm.s32 $_scs_section_size  }
0x9b: {  	s6 =	simm.s32 $_size__tile_overlayer_lowered;
	s7 =	simm.s32 $_tile_overlayer_lowered  }
0x9c: {  	s22 =	simm.s32 $0x1BFF;
	s21 =	sshll.u32 s7, $0x1;
	s4 =	sadd.s32 s5, s19  }
0x9d: {  	s8 =	simm.s32 $0x0;
	s20 =	sshll.u32 s6, $0x1;
	s6 =	sadd.s32 s21, s4  }
0x9e: {  	[timem:s8], [sflag:s22] =	dma.local [hbm:s6], s20  }
0x9f: {  	_ =	swait.ge [sflag:s22], s20  }
0xa0: {  	s5 =	ssub.s32 $0x0, s20;
	[sflag:s22] =	ssyncset.done $0x0  }
0xa1: {  	[sflag:s22] =	ssyncadd.s32 s5;
	_ =	sdelay $0x1  }
0xa2: {  	s23 =	simm.s32 $0x1B8B  }
0xa3: {  	_ =	swait.ge [sflag:s23], $0x1  }
0xa4: {  	[sflag:s23] =	ssyncset.done $0x0  }
0xa5: {  	s25 =	simm.s32 $0x1B8E;
	s24 =	sld [smem:$0x3FFE];
	[sflag:s23] =	ssyncadd.s32 $0xFFFFFFFF  }
0xa6: {  	s26 =	simm.s32 $execute0_lowered;
	[smem:$0x3FD2] =	sst s25  }
0xa7: {  	s6 =	sshll.u32 s26, $0x1;
	_ =	strace $0x8000004C;
	[dreg:$0x1] =	wrdreg $0xFFFFFFFF  }
0xa8: {  	s28 =	simm.s32 $_size_execute0_lowered;
	s4 =	sadd.s32 s4, s6;
	[dreg:$0x0] =	wrdreg $0x0  }
0xa9: {  	s6 =	sshll.u32 s28, $0x1;
	[dreg:$0x2] =	wrdreg s4  }
0xaa: {  	[dreg:$0x3] =	wrdreg s6  }
0xab: {  	[dreg:$0x4] =	wrdreg $0xC0  }
0xac: {  	_ =	task [dreg:s8], $0x5FFFF  }
0xad: {  	[dreg:$0x1] =	wrdreg $0xFFFFFFFF  }
0xae: {  	[dreg:$0x0] =	wrdreg $0x60  }
0xaf: {  	[dreg:$0x2] =	wrdreg s24  }
0xb0: {  	[dreg:$0x3] =	wrdreg s2  }
0xb1: {  	[dreg:$0x4] =	wrdreg s18  }
0xb2: {  	[dreg:$0x5] =	wrdreg $0x102E00  }
0xb3: {  	[dreg:$0x6] =	wrdreg $0x105600  }
0xb4: {  	[dreg:$0x7] =	wrdreg $0x9  }
0xb5: {  	_ =	task.clear_ibuf [dreg:s8], $0x8FFFF;
	_ =	strace $0x9000004C  }
0xb6: {  	s29 =	simm.s32 $0x9;
	_ =	strace $0x8000004E  }
0xb7: {  	_ =	swait.ge [sflag:s29], $0x1  }
0xb8: {  	[sflag:s29] =	ssyncadd.s32 $0xFFFFFFFF  }
0xb9: {  	_ =	strace $0x9000004E  }
0xba: {  	_ =	sfence  }
0xbb: {  	s30 =	sld [smem:$0x0];
	_ =	sdelay $0x2  }
0xbc: {  	s31 =	sshll.u32 s1, $0xD;
	s1 =	sshrl.u32 s1, $0x2  }
0xbd: {  	s3 =	sand.u32 $0x4000, s31;
	s1 =	sadd.s32 s1, s30  }
0xbe: {  	s0 =	sor.u32 s3, s0;
	s1 =	sshll.u32 s1, $0x11  }
0xbf: {  	s0 =	sor.u32 s1, s0  }
0xc0: {  	s0 =	sadd.s32 $0x8F2B, s0  }
0xc1: {  	[sflag:s0] =	ssyncadd.remote.s32 $0x1  }
0xc2: {  	_ =	sfence.sel $0xFFFF  }
0xc3: {  	[dreg:$0x0] =	wrdreg $0xFFFFFFFF;
	(pc) =	sbr.abs _section_cstart, $3  }
0xc4: {  	[dreg:$0x1] =	wrdreg $0xFFFFFFFF  }
0xc5: {  	_ =	task.clear_ibuf [dreg:s8], $0x2FFFF;
	_ =	strace $0x9FFFFFFF  }
0xc6: {  	(tm) =	ssettm $0x7FFFFFFF  }
0xc7: {  	_ =	shalt  }
tec
execute0_lowered:
.L_overlay_start_1:
0x0: {  	(tag) =	ssettag $0x1  }
0x1: {  	s0 =	rddreg [dreg:$0x0]  }
0x2: {  	s1 =	srdreg.scid;
	s4 =	rddreg [dreg:$0x3]  }
0x3: {  	s11 =	stileid.u32;
	s12 =	rddreg [dreg:$0x4]  }
0x4: {  	s6 =	simm.s32 $0x0;
	s13 =	simm.s32 $0x2710;
	s14 =	simm.s32 $0x2EE0  }
0x5: {  	s31 =	simm.s32 $0x85C0;
	s28 =	simm.s32 $0x55F0;
	s29 =	simm.s32 $0x3  }
0x6: {  	s1 =	sand.u32 $0x1, s1;
	s2 =	sshll.u32 s11, $0x1;
	s3 =	smul.u32 $0x2800, s11  }
0x7: {  	s5 =	smul.u32 $0x280, s11;
	[smem:$0x7FF] =	sst s6;
	s2 =	sor.u32 s1, s2  }
0x8: {  	s7 =	smul.u32 $0x2800, s1;
	_ =	strace $0x8000004D;
	s8 =	ssub.s32 $0x2, s1  }
0x9: {  	p0 =	sne.s32 s1, $0x0;
	s1 =	simm.s32 $0xD5C0;
	s2 =	smul.u32 $0x2710, s2  }
0xa: {  	s3 =	sshrl.u32 s3, $0x3;
	s20 =	sshrl.u32 s5, $0x3;
	s10 =	sshrl.u32 s8, $0x1  }
0xb: {  	s21 =	sadd.s32 s5, s4;
	s7 =	sadd.s32 s5, s7;
	s3 =	sadd.s32 s3, s0  }
0xc: {  	s8 =	ssub.s32 s8, s10;
	[dreg:$0x6] =	wrdreg s21;
	s21 =	sadd.s32 s5, s12  }
0xd: {  	s12 =	simm.s32 $0x4650;
	s5 =	simm.s32 $0x5DC0;
	s2 =	sshrl.u32 s2, $0x3  }
0xe: {  	s7 =	sshrl.u32 s7, $0x3;
	s17 =	sadd.s32 $0x21200, s3;
	s18 =	sadd.s32 $0x26200, s3  }
0xf: {  	s2 =	sadd.s32 s2, s0;
	s9 =	sadd.s32 s7, s0;
	s0 =	sadd.s32 s20, s0  }
0x10: {  	s19 =	sadd.s32 $0x2B200, s3;
	s7 =	sshll.u32 s11, $0x6;
	s22 =	sadd.s32 $0x15C00, s0  }
0x11: {  	s3 =	simm.s32 $0x1;
	s23 =	sor.u32 $0x1C01, s7;
	[dreg:$0x7] =	wrdreg s22  }
0x12: {  	s24 =	sadd.s32 $0x2200, s2;
	s25 =	sadd.s32 $0xBE40, s2;
	[dreg:$0x8] =	wrdreg s23  }
0x13: {  	s26 =	sadd.s32 $0xBF3A, s2;
	s30 =	sadd.s32 $0xC034, s2;
	[dreg:$0x9] =	wrdreg s24  }
0x14: {  	s15 =	sadd.s32 $0xC12E, s2;
	s16 =	sadd.s32 $0xC228, s2;
	[dreg:$0xa] =	wrdreg s25  }
0x15: {  	v0 =	vlaneseq.u32;
	s20 =	sadd.s32 $0x16200, s0;
	s2 =	simm.s32 $0x4;
	[dreg:$0xb] =	wrdreg s26  }
0x16: {  	v13 =	vmul.u32 $0x10, v0;
	[dreg:$0xc] =	wrdreg s30;
	s22 =	sadd.s32 $0x17200, s0;
	s23 =	sadd.s32 $0x16800, s9  }
0x17: {  	s24 =	smax.u32 s8, $0x1;
	s0 =	simm.s32 $0xADC0;
	s25 =	simm.s32 $0x7D0  }
0x18: {  	[tilespmem:$0x1FFF0] =	vst v13;
	s26 =	simm.s32 $0x4E20;
	s8 =	simm.s32 $0x2;
	s9 =	simm.s32 $0x0  }
.LBB2_1:
0x19: {  	s10 =	rddreg [dreg:$0x6]  }
0x1a: {  	s11 =	rddreg [dreg:$0x8]  }
0x1b: {  	s30 =	sshrl.u32 s10, $0x3;
	s10 =	rddreg [dreg:$0x7]  }
0x1c: {  	[spmem:s30], [sflag:s11] =	dma.local [hbm:s10], $0x50  }
0x1d: {  	s10 =	rddreg [dreg:$0x9]  }
0x1e: {  	[tilespmem:s6], [sflag:$0x1] =	stream.linear.gather [hbm4b:s10+s6], $0x2710, $0x38;
	[tilespmem:$0x107E0] =	vst v63  }
0x1f: {  	s11 =	rddreg [dreg:$0xa]  }
0x20: {  	[tilespmem:s13], [sflag:$0x1] =	stream.linear.gather [hbm4b:s11+s6], $0x7D0, $0x38;
	[tilespmem:$0x107E0] =	vst v63  }
0x21: {  	s13 =	rddreg [dreg:$0xb]  }
0x22: {  	[tilespmem:s14], [sflag:$0x1] =	stream.linear.gather [hbm4b:s13+s6], $0x7D0, $0x38;
	[tilespmem:$0x107E0] =	vst v63  }
0x23: {  	s11 =	rddreg [dreg:$0xc];
	s13 =	simm.s32 $0x36B0  }
0x24: {  	[tilespmem:s13], [sflag:$0x1] =	stream.linear.gather [hbm4b:s11+s6], $0x7D0, $0x38;
	[tilespmem:$0x107E0] =	vst v63  }
0x25: {  	s14 =	simm.s32 $0x3E80  }
0x26: {  	[tilespmem:s14], [sflag:$0x1] =	stream.linear.gather [hbm4b:s15+s6], $0x7D0, $0x38;
	[tilespmem:$0x107E0] =	vst v63  }
0x27: {  	_ = 	snop  }
0x28: {  	[tilespmem:s12], [sflag:$0x1] =	stream.linear.gather [hbm4b:s16+s6], $0x7D0, $0x38;
	[tilespmem:$0x107E0] =	vst v63  }
0x29: {  	_ = 	snop  }
0x2a: {  	[tilespmem:s31], [sflag:$0x4] =	stream.linear.gather [hbm4b:s17+s6], $0x2800, $0x38;
	[tilespmem:$0x107E0] =	vst v63  }
0x2b: {  	_ =	swait.ge [sflag:s2], $0x2800  }
0x2c: {  	[sflag:s2] =	ssyncset.done $0x0  }
0x2d: {  	[sflag:s2] =	ssyncadd.s32 $0xFFFFD800  }
0x2e: {  	[tilespmem:s0], [sflag:$0x4] =	stream.linear.gather [hbm4b:s18+s6], $0x2800, $0x38;
	[tilespmem:$0x107E0] =	vst v63  }
0x2f: {  	_ =	swait.ge [sflag:s2], $0x2800  }
0x30: {  	[sflag:s2] =	ssyncset.done $0x0  }
0x31: {  	[sflag:s2] =	ssyncadd.s32 $0xFFFFD800  }
0x32: {  	[tilespmem:s1], [sflag:$0x4] =	stream.linear.gather [hbm4b:s19+s6], $0x2800, $0x38;
	[tilespmem:$0x107E0] =	vst v63  }
0x33: {  	_ =	swait.ge [sflag:s2], $0x2800  }
0x34: {  	[sflag:s2] =	ssyncset.done $0x0  }
0x35: {  	s11 =	simm.s32 $0xFDC0;
	[sflag:s2] =	ssyncadd.s32 $0xFFFFD800  }
0x36: {  	[tilespmem:s11], [sflag:$0x4] =	stream.linear.gather [hbm4b:s20+s6], $0x280, $0x38;
	[tilespmem:$0x107E0] =	vst v63  }
0x37: {  	_ =	swait.ge [sflag:s2], $0x280  }
0x38: {  	[sflag:s2] =	ssyncset.done $0x0  }
0x39: {  	[sflag:s2] =	ssyncadd.s32 $0xFFFFFD80  }
0x3a: {  	s13 =	simm.s32 $0x10040;
	s12 =	rddreg [dreg:$0x1]  }
0x3b: {  	[tilespmem:s13], [sflag:$0x4] =	stream.linear.gather [hbm4b:s12+s6], $0x10, $0x38;
	[tilespmem:$0x107E0] =	vst v63  }
0x3c: {  	_ =	swait.ge [sflag:s2], $0x10  }
0x3d: {  	[sflag:s2] =	ssyncset.done $0x0  }
0x3e: {  	[sflag:s2] =	ssyncadd.s32 $0xFFFFFFF0  }
0x3f: {  	s14 =	simm.s32 $0x0;
	s13 =	simm.s32 $0x10050;
	s12 =	rddreg [dreg:$0x2]  }
0x40: {  	v0 =	vmov s14;
	[tilespmem:s13], [sflag:$0x4] =	stream.linear.gather [hbm4b:s12+s6], $0x10, $0x38;
	[tilespmem:$0x107E0] =	vst v63  }
0x41: {  	v0 =	vshll.u32 v0, $0x4;
	_ =	swait.ge [sflag:s2], $0x10  }
0x42: {  	v1 =	vor.u32 v13, v0;
	[sflag:s2] =	ssyncset.done $0x0  }
0x43: {  	[sflag:s2] =	ssyncadd.s32 $0xFFFFFFF0  }
0x44: {  	v31 =	vld [tilespmem:$0x10040]  }
0x45: {  	s10 =	simm.s32 $0xFDD0;
	v35 =	vor.u32 $0xF, v1;
	v32 =	vld [tilespmem:$0x10050]  }
0x46: {  	v34 =	vld [tilespmem:s10+$0xFFFFFFF0]  }
0x47: {  	v33 =	vor.u32 $0xE, v1;
	v9 =	vld.idx.msk [tilespmem:v1+s1+$0x0], $0xffff  }
0x48: {  	v0 =	vld.idx.msk [tilespmem:v1+s31+$0x0], $0xffff  }
0x49: {  	v36 =	vor.u32 $0xD, v1;
	v11 =	vld.idx.msk [tilespmem:v1+s0+$0x0], $0xffff  }
0x4a: {  	v12 =	vld.idx.msk [tilespmem:v35+s31+$0x0], $0xffff  }
0x4b: {  	v38 =	vor.u32 $0xC, v1;
	v14 =	vld.idx.msk [tilespmem:v35+s0+$0x0], $0xffff  }
0x4c: {  	v16 =	vld.idx.msk [tilespmem:v33+s31+$0x0], $0xffff  }
0x4d: {  	v29 =	vor.u32 $0xB, v1;
	v17 =	vld.idx.msk [tilespmem:v33+s0+$0x0], $0xffff  }
0x4e: {  	v21 =	vld.idx.msk [tilespmem:v36+s31+$0x0], $0xffff  }
0x4f: {  	v30 =	vor.u32 $0xA, v1;
	v22 =	vld.idx.msk [tilespmem:v36+s0+$0x0], $0xffff  }
0x50: {  	v23 =	vld.idx.msk [tilespmem:v38+s31+$0x0], $0xffff  }
0x51: {  	v41 =	vor.u32 $0x9, v1;
	v24 =	vld.idx.msk [tilespmem:v38+s0+$0x0], $0xffff  }
0x52: {  	v26 =	vld.idx.msk [tilespmem:v29+s31+$0x0], $0xffff  }
0x53: {  	v42 =	vor.u32 $0x8, v1;
	v27 =	vld.idx.msk [tilespmem:v29+s0+$0x0], $0xffff  }
0x54: {  	v28 =	vld.idx.msk [tilespmem:v30+s31+$0x0], $0xffff  }
0x55: {  	v43 =	vor.u32 $0x7, v1;
	v37 =	vld.idx.msk [tilespmem:v30+s0+$0x0], $0xffff  }
0x56: {  	v44 =	vld.idx.msk [tilespmem:v41+s31+$0x0], $0xffff  }
0x57: {  	v45 =	vor.u32 $0x6, v1;
	v46 =	vld.idx.msk [tilespmem:v41+s0+$0x0], $0xffff  }
0x58: {  	v47 =	vld.idx.msk [tilespmem:v42+s31+$0x0], $0xffff  }
0x59: {  	v48 =	vor.u32 $0x4, v1;
	v49 =	vld.idx.msk [tilespmem:v42+s0+$0x0], $0xffff  }
0x5a: {  	v50 =	vor.u32 $0x3, v1;
	v51 =	vld.idx.msk [tilespmem:v43+s31+$0x0], $0xffff  }
0x5b: {  	v20 =	vor.u32 $0x1, v1;
	v52 =	vld.idx.msk [tilespmem:v43+s0+$0x0], $0xffff  }
0x5c: {  	v53 =	vld.idx.msk [tilespmem:v45+s31+$0x0], $0xffff  }
0x5d: {  	v54 =	vld.idx.msk [tilespmem:v45+s0+$0x0], $0xffff  }
0x5e: {  	v55 =	vor.u32 $0x2, v1;
	v56 =	vld.idx.msk [tilespmem:v48+s31+$0x0], $0xffff  }
0x5f: {  	v57 =	vld.idx.msk [tilespmem:v50+s31+$0x0], $0xffff  }
0x60: {  	v58 =	vld.idx.msk [tilespmem:v20+s1+$0x0], $0xffff;
	v11 =	vadd.f32 v11, v0;
	v0 =	vadd.f32 v14, v12  }
0x61: {  	v59 =	vld.idx.msk [tilespmem:v20+s31+$0x0], $0xffff  }
0x62: {  	v60 =	vld.idx.msk [tilespmem:v20+s0+$0x0], $0xffff;
	v2 =	vbroadcast v31, $0x0;
	v5 =	vbroadcast v32, $0x0;
	[tilespmem:$0x1FE90] =	vst v0  }
0x63: {  	v1 =	vor.u32 $0x5, v1;
	v4 =	vbroadcast v31, $0x1;
	v7 =	vbroadcast v32, $0x1;
	v12 =	vld.idx.msk [tilespmem:v55+s31+$0x0], $0xffff  }
0x64: {  	v6 =	vbroadcast v31, $0x2;
	v10 =	vbroadcast v32, $0x2;
	v39 =	vadd.f32 v22, v21;
	v22 =	vld.idx.msk [tilespmem:v55+s0+$0x0], $0xffff  }
0x65: {  	v8 =	vbroadcast v31, $0x3;
	v15 =	vbroadcast v32, $0x3;
	v62 =	vadd.f32 v24, v23;
	v23 =	vld.idx.msk [tilespmem:v50+s0+$0x0], $0xffff  }
0x66: {  	v18 =	vbroadcast v31, $0x4;
	v25 =	vbroadcast v32, $0x4;
	v44 =	vadd.f32 v46, v44;
	v46 =	vld.idx.msk [tilespmem:v55+s1+$0x0], $0xffff  }
0x67: {  	v19 =	vbroadcast v31, $0x5;
	v3 =	vbroadcast v32, $0x5;
	v55 =	vadd.f32 v37, v28;
	v28 =	vld.idx.msk [tilespmem:v48+s0+$0x0], $0xffff  }
0x68: {  	v63 =	vbroadcast v31, $0x6;
	v20 =	vbroadcast v32, $0x6;
	v37 =	vld.idx.msk [tilespmem:v48+s1+$0x0], $0xffff  }
0x69: {  	v40 =	vadd.f32 v17, v16;
	v61 =	vadd.f32 v27, v26;
	v17 =	vbroadcast v32, $0x7;
	v48 =	vld.idx.msk [tilespmem:v50+s1+$0x0], $0xffff  }
0x6a: {  	v27 =	vbroadcast v31, $0x8;
	v51 =	vadd.f32 v52, v51;
	v52 =	vadd.f32 v54, v53;
	v50 =	vld.idx.msk [tilespmem:v1+s31+$0x0], $0xffff  }
0x6b: {  	v16 =	vbroadcast v32, $0x8;
	v11 =	vadd.f32 v9, v11;
	v9 =	vadd.f32 v60, v59;
	v53 =	vld.idx.msk [tilespmem:v1+s0+$0x0], $0xffff  }
0x6c: {  	v26 =	vbroadcast v31, $0x9;
	v14 =	vbroadcast v32, $0x9;
	v45 =	vld.idx.msk [tilespmem:v45+s1+$0x0], $0xffff  }
0x6d: {  	v21 =	vbroadcast v31, $0xA;
	v43 =	vld.idx.msk [tilespmem:v43+s1+$0x0], $0xffff;
	v59 =	vadd.f32 v58, v9;
	v60 =	vmul.f32 v11, v34  }
0x6e: {  	v47 =	vadd.f32 v49, v47;
	v24 =	vbroadcast v31, $0xB;
	v0 =	vbroadcast v31, $0x7;
	v42 =	vld.idx.msk [tilespmem:v42+s1+$0x0], $0xffff  }
0x6f: {  	v41 =	vld.idx.msk [tilespmem:v41+s1+$0x0], $0xffff;
	v9 =	vbroadcast v32, $0xA;
	v54 =	vadd.f32 v60, v2;
	v49 =	vmul.f32 v59, v34  }
0x70: {  	s14 =	simm.s32 $0x10;
	v11 =	vbroadcast v32, $0xB;
	v12 =	vadd.f32 v22, v12;
	v23 =	vadd.f32 v23, v57  }
0x71: {  	v59 =	vmov s14;
	v28 =	vadd.f32 v28, v56;
	v57 =	vadd.f32 v49, v4  }
0x72: {  	v22 =	vbroadcast v31, $0xC;
	v58 =	vadd.f32 v53, v50;
	v45 =	vadd.f32 v45, v52  }
0x73: {  	v1 =	vld.idx.msk [tilespmem:v1+s1+$0x0], $0xffff;
	v54 =	vmax.f32 v54, $0.0e+00;
	v43 =	vadd.f32 v43, v51;
	v46 =	vadd.f32 v46, v12  }
0x74: {  	v50 =	vshll.u32 v59, $0x4;
	v42 =	vadd.f32 v42, v47;
	v41 =	vadd.f32 v41, v44  }
0x75: {  	v48 =	vadd.f32 v48, v23;
	v12 =	vbroadcast v32, $0xC;
	v46 =	vmul.f32 v46, v34  }
0x76: {  	v56 =	vadd.f32 v37, v28;
	v28 =	vmul.f32 v54, v5;
	v60 =	vmax.f32 v57, $0.0e+00  }
0x77: {  	v37 =	vor.u32 v13, v50;
	v48 =	vmul.f32 v48, v34;
	v46 =	vadd.f32 v46, v6  }
0x78: {  	v1 =	vadd.f32 v1, v58;
	v53 =	vmul.f32 v60, v7;
	v57 =	vadd.f32 $0.0e+00, v28  }
0x79: {  	v59 =	vmul.f32 v56, v34;
	v48 =	vadd.f32 v48, v8;
	v46 =	vmax.f32 v46, $0.0e+00  }
0x7a: {  	v50 =	vor.u32 $0x1, v37;
	v58 =	vadd.f32 v53, v57;
	v46 =	vmul.f32 v46, v10  }
0x7b: {  	v60 =	vld.idx.msk [tilespmem:v30+s1+$0x0], $0xffff;
	v1 =	vmul.f32 v1, v34;
	v53 =	vadd.f32 v59, v18;
	v48 =	vmax.f32 v48, $0.0e+00  }
0x7c: {  	v23 =	vbroadcast v31, $0xD;
	v57 =	vld.idx.msk [tilespmem:v29+s1+$0x0], $0xffff;
	v48 =	vmul.f32 v48, v15;
	v46 =	vadd.f32 v46, v58  }
0x7d: {  	v45 =	vmul.f32 v45, v34;
	v1 =	vadd.f32 v1, v19;
	v49 =	vld.idx.msk [tilespmem:v37+s31+$0x0], $0xffff;
	v53 =	vmax.f32 v53, $0.0e+00  }
0x7e: {  	v43 =	vmul.f32 v43, v34;
	v51 =	vld.idx.msk [tilespmem:v37+s0+$0x0], $0xffff;
	v53 =	vmul.f32 v53, v25;
	v46 =	vadd.f32 v48, v46  }
0x7f: {  	v42 =	vmul.f32 v42, v34;
	v45 =	vadd.f32 v45, v63;
	v44 =	vld.idx.msk [tilespmem:v37+s1+$0x0], $0xffff;
	v1 =	vmax.f32 v1, $0.0e+00  }
0x80: {  	v41 =	vmul.f32 v41, v34;
	v47 =	vld.idx.msk [tilespmem:v50+s0+$0x0], $0xffff;
	v1 =	vmul.f32 v1, v3;
	v46 =	vadd.f32 v53, v46  }
0x81: {  	v52 =	vor.u32 $0x2, v37;
	v43 =	vadd.f32 v43, v0;
	v45 =	vmax.f32 v45, $0.0e+00;
	v58 =	vmovc v3;
	v3 =	vld [tilespmem:$0x1FE90]  }
0x82: {  	v30 =	vbroadcast v31, $0xE;
	v45 =	vmul.f32 v45, v20;
	v48 =	vld.idx.msk [tilespmem:v50+s31+$0x0], $0xffff;
	[tilespmem:$0x1FDE0] =	vst v20;
	v1 =	vadd.f32 v1, v46  }
0x83: {  	v42 =	vadd.f32 v42, v27;
	v41 =	vadd.f32 v41, v26;
	v43 =	vmax.f32 v43, $0.0e+00;
	v38 =	vld.idx.msk [tilespmem:v38+s1+$0x0], $0xffff;
	[tilespmem:$0x1FDF0] =	vst v27  }
0x84: {  	v28 =	vbroadcast v32, $0xD;
	v43 =	vmul.f32 v43, v17;
	v1 =	vadd.f32 v45, v1;
	v45 =	vld.idx.msk [tilespmem:v50+s1+$0x0], $0xffff;
	[tilespmem:$0x1FE00] =	vst v17  }
0x85: {  	v42 =	vmax.f32 v42, $0.0e+00;
	v60 =	vadd.f32 v60, v55;
	v49 =	vadd.f32 v51, v49;
	v36 =	vld.idx.msk [tilespmem:v36+s1+$0x0], $0xffff  }
0x86: {  	v41 =	vmax.f32 v41, $0.0e+00;
	v53 =	vadd.f32 v57, v61;
	v1 =	vadd.f32 v43, v1;
	v43 =	vld.idx.msk [tilespmem:v52+s31+$0x0], $0xffff;
	[tilespmem:$0x1FE10] =	vst v16  }
0x87: {  	v42 =	vmul.f32 v42, v16;
	v46 =	vmul.f32 v60, v34;
	v50 =	vor.u32 $0x3, v37;
	v61 =	vld.idx.msk [tilespmem:v33+s1+$0x0], $0xffff;
	[tilespmem:$0x1FE20] =	vst v26  }
0x88: {  	v27 =	vbroadcast v31, $0xF;
	v44 =	vadd.f32 v44, v49;
	v31 =	vmul.f32 v53, v34;
	v56 =	vld.idx.msk [tilespmem:v52+s0+$0x0], $0xffff  }
0x89: {  	v41 =	vmul.f32 v41, v14;
	v38 =	vadd.f32 v38, v62;
	v29 =	vadd.f32 v46, v21;
	v33 =	vld [tilespmem:s10+$0x0];
	[tilespmem:$0x1FE30] =	vst v21  }
0x8a: {  	v47 =	vadd.f32 v47, v48;
	v46 =	vadd.f32 v31, v24;
	v26 =	vor.u32 $0x4, v37;
	v35 =	vld.idx.msk [tilespmem:v35+s1+$0x0], $0xffff;
	[tilespmem:$0x1FE40] =	vst v14  }
0x8b: {  	v38 =	vmul.f32 v38, v34;
	v1 =	vadd.f32 v42, v1;
	v42 =	vmax.f32 v29, $0.0e+00;
	v52 =	vld.idx.msk [tilespmem:v52+s1+$0x0], $0xffff;
	[tilespmem:$0x1FE50] =	vst v24  }
0x8c: {  	v59 =	vmov v0;
	v42 =	vmul.f32 v42, v9;
	v0 =	vadd.f32 v36, v39;
	v60 =	vld.idx.msk [tilespmem:v50+s31+$0x0], $0xffff;
	[tilespmem:$0x1FE60] =	vst v9  }
0x8d: {  	v57 =	vor.u32 $0x5, v37;
	v1 =	vadd.f32 v41, v1;
	v40 =	vadd.f32 v61, v40;
	v61 =	vld.idx.msk [tilespmem:v50+s0+$0x0], $0xffff;
	[tilespmem:$0x1FE70] =	vst v22  }
0x8e: {  	v46 =	vmax.f32 v46, $0.0e+00;
	v38 =	vadd.f32 v38, v22;
	v0 =	vmul.f32 v0, v34;
	v50 =	vld.idx.msk [tilespmem:v50+s1+$0x0], $0xffff;
	[tilespmem:$0x1FE80] =	vst v11  }
0x8f: {  	v20 =	vbroadcast v32, $0xE;
	v46 =	vmul.f32 v46, v11;
	v1 =	vadd.f32 v42, v1;
	v21 =	vld.idx.msk [tilespmem:v26+s31+$0x0], $0xffff;
	[tilespmem:$0x1FEA0] =	vst v23  }
0x90: {  	v62 =	vor.u32 $0x6, v37;
	v38 =	vmax.f32 v38, $0.0e+00;
	v0 =	vadd.f32 v0, v23;
	v22 =	vld.idx.msk [tilespmem:v26+s0+$0x0], $0xffff;
	[tilespmem:$0x1FEB0] =	vst v12  }
0x91: {  	v45 =	vadd.f32 v45, v47;
	v38 =	vmul.f32 v38, v12;
	v1 =	vadd.f32 v46, v1;
	v23 =	vld.idx.msk [tilespmem:v26+s1+$0x0], $0xffff  }
0x92: {  	v43 =	vadd.f32 v56, v43;
	v44 =	vmul.f32 v44, v33;
	v0 =	vmax.f32 v0, $0.0e+00;
	v24 =	vld.idx.msk [tilespmem:v57+s31+$0x0], $0xffff;
	[tilespmem:$0x1FEC0] =	vst v30  }
0x93: {  	v1 =	vadd.f32 v38, v1;
	v26 =	vor.u32 $0x7, v37;
	v29 =	vld.idx.msk [tilespmem:v57+s0+$0x0], $0xffff;
	[tilespmem:$0x1FED0] =	vst v28;
	v0 =	vmul.f32 v0, v28  }
0x94: {  	v45 =	vmul.f32 v45, v33;
	v40 =	vmul.f32 v40, v34;
	v36 =	vld.idx.msk [tilespmem:v57+s1+$0x0], $0xffff;
	[tilespmem:$0x1FEE0] =	vst v27  }
0x95: {  	v9 =	vbroadcast v32, $0xF;
	v35 =	vadd.f32 v35, v3;
	v0 =	vadd.f32 v0, v1;
	v1 =	vld.idx.msk [tilespmem:v62+s31+$0x0], $0xffff;
	[tilespmem:$0x1FEF0] =	vst v20  }
0x96: {  	v44 =	vadd.f32 v44, v2;
	v40 =	vadd.f32 v40, v30;
	v30 =	vor.u32 $0x8, v37;
	v31 =	vld.idx.msk [tilespmem:v62+s0+$0x0], $0xffff  }
0x97: {  	v56 =	vor.u32 $0x9, v37;
	v43 =	vadd.f32 v52, v43;
	v45 =	vadd.f32 v45, v4;
	v42 =	vld.idx.msk [tilespmem:v62+s1+$0x0], $0xffff;
	[tilespmem:$0x1FF00] =	vst v9  }
0x98: {  	v35 =	vmul.f32 v35, v34;
	v41 =	vadd.f32 v61, v60;
	v44 =	vmax.f32 v44, $0.0e+00;
	v57 =	vld.idx.msk [tilespmem:v26+s31+$0x0], $0xffff;
	[tilespmem:$0x1FF10] =	vst v2  }
0x99: {  	v43 =	vmul.f32 v43, v33;
	v45 =	vmax.f32 v45, $0.0e+00;
	v40 =	vmax.f32 v40, $0.0e+00;
	v60 =	vld.idx.msk [tilespmem:v26+s0+$0x0], $0xffff  }
0x9a: {  	v35 =	vadd.f32 v35, v27;
	v44 =	vmul.f32 v44, v5;
	v45 =	vmul.f32 v45, v7;
	v38 =	vld.idx.msk [tilespmem:v26+s1+$0x0], $0xffff  }
0x9b: {  	v61 =	vor.u32 $0xA, v37;
	v40 =	vmul.f32 v40, v20;
	v41 =	vadd.f32 v50, v41;
	v62 =	vld.idx.msk [tilespmem:v30+s31+$0x0], $0xffff;
	[tilespmem:$0x1FF20] =	vst v4  }
0x9c: {  	v43 =	vadd.f32 v43, v6;
	v35 =	vmax.f32 v35, $0.0e+00;
	v39 =	vadd.f32 v22, v21;
	v21 =	vld.idx.msk [tilespmem:v30+s0+$0x0], $0xffff;
	[tilespmem:$0x1FF30] =	vst v5  }
0x9d: {  	v44 =	vadd.f32 $0.0e+00, v44;
	v0 =	vadd.f32 v40, v0;
	v35 =	vmul.f32 v35, v9;
	v48 =	vld.idx.msk [tilespmem:v30+s1+$0x0], $0xffff;
	[tilespmem:$0x1FF40] =	vst v6  }
0x9e: {  	v41 =	vmul.f32 v41, v33;
	v49 =	vadd.f32 v29, v24;
	v22 =	vld.idx.msk [tilespmem:v56+s31+$0x0], $0xffff;
	[tilespmem:$0x1FF50] =	vst v7  }
0x9f: {  	v43 =	vmax.f32 v43, $0.0e+00;
	v39 =	vadd.f32 v23, v39;
	v44 =	vadd.f32 v45, v44;
	v23 =	vld.idx.msk [tilespmem:v56+s0+$0x0], $0xffff;
	[tilespmem:$0x1FF60] =	vst v8  }
0xa0: {  	v20 =	vor.u32 $0xB, v37;
	v43 =	vmul.f32 v43, v10;
	v41 =	vadd.f32 v41, v8;
	v40 =	vld.idx.msk [tilespmem:v56+s1+$0x0], $0xffff;
	[tilespmem:$0x1FF70] =	vst v10  }
0xa1: {  	v26 =	vor.u32 $0xC, v37;
	v0 =	vadd.f32 v35, v0;
	v36 =	vadd.f32 v36, v49;
	v24 =	vld.idx.msk [tilespmem:v61+s31+$0x0], $0xffff  }
0xa2: {  	v39 =	vmul.f32 v39, v33;
	v1 =	vadd.f32 v31, v1;
	v41 =	vmax.f32 v41, $0.0e+00;
	v3 =	vld.idx.msk [tilespmem:v61+s0+$0x0], $0xffff;
	[tilespmem:$0x1FF80] =	vst v15  }
0xa3: {  	v43 =	vadd.f32 v43, v44;
	v35 =	vmul.f32 v0, v34;
	v41 =	vmul.f32 v41, v15;
	[tilespmem:$0x1FF90] =	vst v18  }
0xa4: {  	v27 =	vmul.f32 v36, v33;
	v42 =	vadd.f32 v42, v1;
	v1 =	vadd.f32 v39, v18;
	v54 =	vld.idx.msk [tilespmem:v61+s1+$0x0], $0xffff  }
0xa5: {  	v36 =	vor.u32 $0xD, v37;
	v47 =	vadd.f32 v60, v57;
	v29 =	vadd.f32 v41, v43;
	v52 =	vld.idx.msk [tilespmem:v20+s31+$0x0], $0xffff  }
0xa6: {  	v31 =	vadd.f32 v21, v62;
	v32 =	vadd.f32 v27, v19;
	v30 =	vmax.f32 v1, $0.0e+00;
	v1 =	vld.idx.msk [tilespmem:v20+s0+$0x0], $0xffff;
	[tilespmem:$0x1FFA0] =	vst v19  }
0xa7: {  	v28 =	vadd.f32 v38, v47;
	v42 =	vmul.f32 v42, v33;
	v55 =	vld.idx.msk [tilespmem:v20+s1+$0x0], $0xffff;
	[tilespmem:$0x1FFB0] =	vst v25  }
0xa8: {  	s11 =	simm.s32 $0x10070;
	v11 =	vor.u32 $0xE, v37;
	v41 =	vmul.f32 v30, v25;
	v2 =	vadd.f32 v48, v31;
	v56 =	vld.idx.msk [tilespmem:v26+s31+$0x0], $0xffff;
	[tilespmem:$0x1FFC0] =	vst v63  }
0xa9: {  	v51 =	vmax.f32 v32, $0.0e+00;
	v46 =	vadd.f32 v23, v22;
	v42 =	vadd.f32 v42, v63;
	v61 =	vld.idx.msk [tilespmem:v26+s0+$0x0], $0xffff;
	[tilespmem:s11+$0xFFFFFFF0] =	vst v35  }
0xaa: {  	v15 =	vor.u32 $0xF, v37;
	v53 =	vmul.f32 v28, v33;
	v39 =	vmul.f32 v51, v58;
	v0 =	vld.idx.msk [tilespmem:v26+s1+$0x0], $0xffff;
	[tilespmem:$0x1FFD0] =	vst v58  }
0xab: {  	v38 =	vadd.f32 v41, v29;
	v41 =	vmax.f32 v42, $0.0e+00;
	v60 =	vadd.f32 v40, v46;
	v58 =	vld.idx.msk [tilespmem:v36+s31+$0x0], $0xffff;
	[tilespmem:$0x1FFE0] =	vst v59  }
0xac: {  	s12 =	simm.s32 $0x0;
	s13 =	simm.s32 $0x30;
	v37 =	vadd.f32 v53, v59;
	v40 =	vmul.f32 v2, v33;
	v63 =	vadd.f32 v3, v24;
	v62 =	vld.idx.msk [tilespmem:v36+s0+$0x0], $0xffff  }
.LBB2_2:
0xad: {  	v3 =	vld [tilespmem:$0x1FDE0]  }
0xae: {  	v4 =	vld.idx.msk [tilespmem:v36+s1+$0x0], $0xffff  }
0xaf: {  	v7 =	vld [tilespmem:$0x1FDF0]  }
0xb0: {  	v28 =	vld [tilespmem:$0x1FE10]  }
0xb1: {  	v17 =	vld [tilespmem:$0x1FE40]  }
0xb2: {  	v43 =	vld [tilespmem:$0x1FE80]  }
0xb3: {  	v45 =	vld [tilespmem:$0x1FEA0]  }
0xb4: {  	v44 =	vld [tilespmem:$0x1FEB0]  }
0xb5: {  	v59 =	vld [tilespmem:$0x1FEC0]  }
0xb6: {  	v46 =	vld [tilespmem:$0x1FEF0]  }
0xb7: {  	v42 =	vmov s13;
	s10 =	sadd.s32 $0x20, s10;
	v35 =	vld [tilespmem:$0x1FF00]  }
0xb8: {  	v27 =	vshll.u32 v42, $0x4;
	v42 =	vld [tilespmem:s10+$0xFFFFFFF0]  }
0xb9: {  	v5 =	vmax.f32 v37, $0.0e+00;
	v37 =	vld [tilespmem:$0x1FE60]  }
0xba: {  	v6 =	vld.idx.msk [tilespmem:v11+s31+$0x0], $0xffff;
	v53 =	vor.u32 v13, v27  }
0xbb: {  	s14 =	sadd.s32 $0xFFFFFFF0, s13;
	v8 =	vld.idx.msk [tilespmem:v11+s0+$0x0], $0xffff;
	v10 =	vor.u32 $0x5, v53  }
0xbc: {  	v26 =	vmov s14;
	v9 =	vld.idx.msk [tilespmem:v11+s1+$0x0], $0xffff;
	v11 =	vor.u32 $0x6, v53;
	[tilespmem:$0x1FD40] =	vst v10  }
0xbd: {  	v2 =	vadd.f32 v39, v38;
	v38 =	vld [tilespmem:$0x1FED0];
	v36 =	vshll.u32 v26, $0x4;
	v12 =	vor.u32 $0x9, v53;
	[tilespmem:$0x1FD50] =	vst v11  }
0xbe: {  	v57 =	vor.u32 v13, v36;
	v3 =	vmul.f32 v41, v3;
	v13 =	vor.u32 $0xB, v53;
	v41 =	vld [tilespmem:$0x1FE50];
	[tilespmem:$0x1FD80] =	vst v12  }
0xbf: {  	v7 =	vadd.f32 v40, v7;
	v16 =	vor.u32 $0xF, v53;
	v40 =	vld [tilespmem:$0x1FE70];
	[tilespmem:$0x1FDB0] =	vst v13  }
0xc0: {  	v10 =	vld.idx.msk [tilespmem:v15+s31+$0x0], $0xffff;
	v11 =	vor.u32 $0x7, v53;
	[tilespmem:$0x1FDA0] =	vst v16  }
0xc1: {  	v12 =	vor.u32 $0xA, v53;
	v16 =	vld [tilespmem:$0x1FE30];
	[tilespmem:$0x1FD60] =	vst v11  }
0xc2: {  	v48 =	vor.u32 $0xF, v57;
	v11 =	vor.u32 $0x8, v53;
	[tilespmem:$0x1FD90] =	vst v12;
	v12 =	vld.idx.msk [tilespmem:v15+s1+$0x0], $0xffff  }
0xc3: {  	v13 =	vor.u32 $0xC, v53;
	[tilespmem:$0x1FD70] =	vst v11;
	v11 =	vld.idx.msk [tilespmem:v15+s0+$0x0], $0xffff  }
0xc4: {  	v50 =	vor.u32 $0xE, v57;
	[tilespmem:$0x1FDC0] =	vst v13;
	v13 =	vld.idx.msk [tilespmem:v57+s1+$0x0], $0xffff  }
0xc5: {  	v34 =	vmul.f32 v60, v33;
	v58 =	vadd.f32 v62, v58;
	v62 =	vor.u32 $0x8, v57;
	v60 =	vld.idx.msk [tilespmem:v57+s31+$0x0], $0xffff  }
0xc6: {  	v2 =	vadd.f32 v3, v2;
	v3 =	vld.idx.msk [tilespmem:v57+s0+$0x0], $0xffff  }
0xc7: {  	v54 =	vadd.f32 v54, v63;
	v63 =	vld.idx.msk [tilespmem:v48+s31+$0x0], $0xffff  }
0xc8: {  	v1 =	vadd.f32 v1, v52;
	v52 =	vor.u32 $0xD, v57;
	v15 =	vld.idx.msk [tilespmem:v48+s0+$0x0], $0xffff  }
0xc9: {  	v56 =	vadd.f32 v61, v56;
	v14 =	vmul.f32 v54, v33;
	v54 =	vor.u32 $0xC, v57;
	v61 =	vld.idx.msk [tilespmem:v50+s31+$0x0], $0xffff  }
0xca: {  	v1 =	vadd.f32 v55, v1;
	v55 =	vor.u32 $0xB, v57;
	v20 =	vld.idx.msk [tilespmem:v62+s31+$0x0], $0xffff  }
0xcb: {  	v0 =	vadd.f32 v0, v56;
	v56 =	vor.u32 $0xA, v57;
	v22 =	vld.idx.msk [tilespmem:v62+s0+$0x0], $0xffff;
	[tilespmem:$0x1FD30] =	vst v13;
	v13 =	vor.u32 $0xE, v53  }
0xcc: {  	[tilespmem:$0x1FDD0] =	vst v13;
	v13 =	vld [tilespmem:$0x1FE00]  }
0xcd: {  	v14 =	vadd.f32 v14, v16;
	v16 =	vld.idx.msk [tilespmem:v52+s31+$0x0], $0xffff  }
0xce: {  	v4 =	vadd.f32 v4, v58;
	v58 =	vor.u32 $0x9, v57;
	v6 =	vadd.f32 v8, v6;
	v18 =	vld.idx.msk [tilespmem:v54+s0+$0x0], $0xffff  }
0xcf: {  	v8 =	vld.idx.msk [tilespmem:v55+s0+$0x0], $0xffff  }
0xd0: {  	v6 =	vadd.f32 v9, v6;
	v9 =	vld.idx.msk [tilespmem:v56+s31+$0x0], $0xffff;
	v31 =	vadd.f32 v11, v10;
	v10 =	vor.u32 $0x7, v57  }
0xd1: {  	v5 =	vmul.f32 v5, v13;
	v13 =	vld [tilespmem:$0x1FE20]  }
0xd2: {  	v11 =	vld.idx.msk [tilespmem:v56+s0+$0x0], $0xffff  }
0xd3: {  	v19 =	vld.idx.msk [tilespmem:v58+s31+$0x0], $0xffff  }
0xd4: {  	v21 =	vor.u32 $0x4, v57;
	v30 =	vmax.f32 v14, $0.0e+00;
	v14 =	vld.idx.msk [tilespmem:v54+s31+$0x0], $0xffff  }
0xd5: {  	v23 =	vld.idx.msk [tilespmem:v10+s31+$0x0], $0xffff  }
0xd6: {  	v25 =	vor.u32 $0x1, v57;
	v7 =	vmax.f32 v7, $0.0e+00;
	v24 =	vld.idx.msk [tilespmem:v10+s0+$0x0], $0xffff;
	v13 =	vadd.f32 v34, v13  }
0xd7: {  	v9 =	vadd.f32 v11, v9;
	v11 =	vld [tilespmem:$0x1FD30];
	v2 =	vadd.f32 v5, v2;
	v5 =	vmul.f32 v7, v28  }
0xd8: {  	v1 =	vmul.f32 v1, v33;
	v10 =	vld.idx.msk [tilespmem:v10+s1+$0x0], $0xffff;
	v29 =	vmax.f32 v13, $0.0e+00  }
0xd9: {  	v28 =	vld.idx.msk [tilespmem:v21+s31+$0x0], $0xffff;
	v2 =	vadd.f32 v5, v2;
	v7 =	vmul.f32 v29, v17  }
0xda: {  	v0 =	vmul.f32 v0, v33;
	v1 =	vadd.f32 v1, v41;
	v13 =	vld.idx.msk [tilespmem:v50+s0+$0x0], $0xffff  }
0xdb: {  	v5 =	vmul.f32 v30, v37;
	v30 =	vld.idx.msk [tilespmem:v25+s31+$0x0], $0xffff;
	v2 =	vadd.f32 v7, v2  }
0xdc: {  	v4 =	vmul.f32 v4, v33;
	v0 =	vadd.f32 v0, v40;
	v1 =	vmax.f32 v1, $0.0e+00;
	v34 =	vld [tilespmem:$0x1FEE0]  }
0xdd: {  	v7 =	vld.idx.msk [tilespmem:v55+s31+$0x0], $0xffff;
	v2 =	vadd.f32 v5, v2;
	v5 =	vadd.f32 v12, v31;
	v31 =	vor.u32 $0x5, v57  }
0xde: {  	v4 =	vadd.f32 v4, v45;
	v1 =	vmul.f32 v1, v43;
	v17 =	vld.idx.msk [tilespmem:v52+s0+$0x0], $0xffff  }
0xdf: {  	v0 =	vmax.f32 v0, $0.0e+00;
	v3 =	vadd.f32 v3, v60;
	v60 =	vadd.f32 v13, v61;
	v13 =	vld.idx.msk [tilespmem:v21+s0+$0x0], $0xffff  }
0xe0: {  	v12 =	vld.idx.msk [tilespmem:v58+s0+$0x0], $0xffff;
	v1 =	vadd.f32 v1, v2;
	v2 =	vmul.f32 v6, v33;
	v6 =	vor.u32 $0x6, v57  }
0xe1: {  	v4 =	vmax.f32 v4, $0.0e+00;
	v0 =	vmul.f32 v0, v44;
	v3 =	vadd.f32 v11, v3;
	v58 =	vld.idx.msk [tilespmem:v58+s1+$0x0], $0xffff  }
0xe2: {  	v4 =	vmul.f32 v4, v38;
	v7 =	vadd.f32 v8, v7;
	v8 =	vadd.f32 v18, v14;
	v11 =	vld.idx.msk [tilespmem:v31+s31+$0x0], $0xffff  }
0xe3: {  	v5 =	vmul.f32 v5, v33;
	v2 =	vadd.f32 v2, v59;
	v0 =	vadd.f32 v0, v1;
	v14 =	vld.idx.msk [tilespmem:v31+s0+$0x0], $0xffff  }
0xe4: {  	v1 =	vor.u32 $0x3, v57;
	v13 =	vadd.f32 v13, v28;
	v28 =	vld [tilespmem:$0x1FF60]  }
0xe5: {  	v5 =	vadd.f32 v5, v34;
	v2 =	vmax.f32 v2, $0.0e+00;
	v0 =	vadd.f32 v4, v0;
	v4 =	vld.idx.msk [tilespmem:v6+s31+$0x0], $0xffff  }
0xe6: {  	v2 =	vmul.f32 v2, v46;
	v26 =	vld.idx.msk [tilespmem:v6+s0+$0x0], $0xffff  }
0xe7: {  	v5 =	vmax.f32 v5, $0.0e+00;
	v6 =	vld.idx.msk [tilespmem:v6+s1+$0x0], $0xffff  }
0xe8: {  	v0 =	vadd.f32 v2, v0;
	v2 =	vmul.f32 v5, v35;
	v5 =	vld.idx.msk [tilespmem:v21+s1+$0x0], $0xffff  }
0xe9: {  	v27 =	vld.idx.msk [tilespmem:v1+s1+$0x0], $0xffff  }
0xea: {  	v29 =	vld.idx.msk [tilespmem:v1+s31+$0x0], $0xffff  }
0xeb: {  	v1 =	vld.idx.msk [tilespmem:v1+s0+$0x0], $0xffff;
	v0 =	vadd.f32 v2, v0;
	v2 =	vor.u32 $0x2, v57;
	v57 =	vadd.f32 v15, v63  }
0xec: {  	v63 =	vadd.f32 v17, v16;
	v16 =	vadd.f32 v22, v20;
	v22 =	vld [tilespmem:$0x1FF10]  }
0xed: {  	v15 =	vadd.f32 v24, v23;
	v24 =	vld [tilespmem:$0x1FF20]  }
0xee: {  	v23 =	vld [tilespmem:$0x1FF30];
	v0 =	vmul.f32 v0, v33  }
0xef: {  	v33 =	vld.idx.msk [tilespmem:v25+s1+$0x0], $0xffff  }
0xf0: {  	[tilespmem:s11+$0x0] =	vst v0;
	v0 =	vld.idx.msk [tilespmem:v25+s0+$0x0], $0xffff  }
0xf1: {  	v25 =	vld.idx.msk [tilespmem:v2+s31+$0x0], $0xffff  }
0xf2: {  	v32 =	vld.idx.msk [tilespmem:v2+s0+$0x0], $0xffff  }
0xf3: {  	v4 =	vadd.f32 v26, v4;
	v26 =	vld [tilespmem:$0x1FF40]  }
0xf4: {  	v12 =	vadd.f32 v12, v19;
	v2 =	vld.idx.msk [tilespmem:v2+s1+$0x0], $0xffff  }
0xf5: {  	v51 =	vor.u32 $0x1, v53;
	v1 =	vadd.f32 v1, v29;
	v29 =	vld [tilespmem:$0x1FF80];
	v0 =	vadd.f32 v0, v30  }
0xf6: {  	v3 =	vmul.f32 v3, v42;
	v4 =	vadd.f32 v6, v4;
	v6 =	vadd.f32 v58, v12;
	v58 =	vld [tilespmem:$0x1FFE0]  }
0xf7: {  	v12 =	vld [tilespmem:$0x1FDF0];
	v17 =	vadd.f32 v32, v25;
	v0 =	vadd.f32 v33, v0  }
0xf8: {  	v3 =	vadd.f32 v3, v22;
	v32 =	vld.idx.msk [tilespmem:v31+s1+$0x0], $0xffff  }
0xf9: {  	v1 =	vadd.f32 v27, v1;
	v25 =	vld [tilespmem:$0x1FF50];
	v2 =	vadd.f32 v2, v17;
	v33 =	vmul.f32 v0, v42  }
0xfa: {  	v11 =	vadd.f32 v14, v11;
	v61 =	vld.idx.msk [tilespmem:v51+s31+$0x0], $0xffff;
	v3 =	vmax.f32 v3, $0.0e+00  }
0xfb: {  	v27 =	vld [tilespmem:$0x1FF70];
	v14 =	vmul.f32 v1, v42;
	v2 =	vmul.f32 v2, v42;
	v17 =	vadd.f32 v33, v24  }
0xfc: {  	v5 =	vadd.f32 v5, v13;
	v3 =	vmul.f32 v3, v23;
	v30 =	vld [tilespmem:$0x1FF90]  }
0xfd: {  	v1 =	vld.idx.msk [tilespmem:v51+s0+$0x0], $0xffff;
	v14 =	vadd.f32 v14, v28;
	v2 =	vadd.f32 v2, v26;
	v13 =	vmax.f32 v17, $0.0e+00  }
0xfe: {  	v3 =	vadd.f32 $0.0e+00, v3;
	v11 =	vadd.f32 v32, v11;
	v32 =	vld [tilespmem:$0x1FFA0];
	v13 =	vmul.f32 v13, v25  }
0xff: {  	v5 =	vmul.f32 v5, v42;
	v31 =	vld [tilespmem:$0x1FFB0];
	v2 =	vmax.f32 v2, $0.0e+00  }
0x100: {  	v2 =	vmul.f32 v2, v27;
	v3 =	vadd.f32 v13, v3;
	v13 =	vmax.f32 v14, $0.0e+00;
	v14 =	vld.idx.msk [tilespmem:v51+s1+$0x0], $0xffff  }
0x101: {  	v5 =	vadd.f32 v5, v30;
	v11 =	vmul.f32 v11, v42;
	v51 =	vld [tilespmem:$0x1FFD0]  }
0x102: {  	v49 =	vor.u32 $0x2, v53;
	v21 =	vld.idx.msk [tilespmem:v53+s31+$0x0], $0xffff;
	v2 =	vadd.f32 v2, v3;
	v3 =	vmul.f32 v13, v29  }
0x103: {  	v18 =	vld.idx.msk [tilespmem:v53+s1+$0x0], $0xffff;
	v5 =	vmax.f32 v5, $0.0e+00;
	v11 =	vadd.f32 v11, v32  }
0x104: {  	v47 =	vor.u32 $0x3, v53;
	v0 =	vld.idx.msk [tilespmem:v53+s0+$0x0], $0xffff;
	v2 =	vadd.f32 v3, v2;
	v3 =	vmul.f32 v5, v31  }
0x105: {  	v39 =	vor.u32 $0x4, v53;
	v36 =	vor.u32 $0xD, v53;
	v53 =	vld [tilespmem:$0x1FFC0];
	v11 =	vmax.f32 v11, $0.0e+00  }
0x106: {  	v17 =	vld.idx.msk [tilespmem:v62+s1+$0x0], $0xffff;
	v2 =	vadd.f32 v3, v2;
	v3 =	vmul.f32 v11, v51  }
0x107: {  	v10 =	vadd.f32 v10, v15;
	v15 =	vld.idx.msk [tilespmem:v49+s31+$0x0], $0xffff  }
0x108: {  	v4 =	vmul.f32 v4, v42;
	v2 =	vadd.f32 v3, v2;
	v3 =	vld [tilespmem:$0x1FDE0]  }
0x109: {  	v33 =	vld [tilespmem:s10+$0x0]  }
0x10a: {  	v4 =	vadd.f32 v4, v53;
	v13 =	vld.idx.msk [tilespmem:v56+s1+$0x0], $0xffff  }
0x10b: {  	v62 =	vadd.f32 v17, v16;
	v16 =	vld.idx.msk [tilespmem:v55+s1+$0x0], $0xffff  }
0x10c: {  	v4 =	vmax.f32 v4, $0.0e+00;
	v17 =	vld.idx.msk [tilespmem:v49+s0+$0x0], $0xffff  }
0x10d: {  	v55 =	vld.idx.msk [tilespmem:v39+s1+$0x0], $0xffff;
	v3 =	vmul.f32 v4, v3  }
0x10e: {  	v5 =	vmul.f32 v62, v42;
	v11 =	vld.idx.msk [tilespmem:v54+s1+$0x0], $0xffff  }
0x10f: {  	v10 =	vmul.f32 v10, v42;
	v2 =	vadd.f32 v3, v2;
	v3 =	vld [tilespmem:$0x1FE00]  }
0x110: {  	v5 =	vadd.f32 v5, v12;
	v12 =	vld.idx.msk [tilespmem:v49+s1+$0x0], $0xffff  }
0x111: {  	v10 =	vadd.f32 v10, v58;
	v49 =	vld [tilespmem:$0x1FDB0]  }
0x112: {  	v20 =	vadd.f32 v13, v9;
	v9 =	vld.idx.msk [tilespmem:v52+s1+$0x0], $0xffff  }
0x113: {  	v10 =	vmax.f32 v10, $0.0e+00;
	v1 =	vadd.f32 v1, v61;
	v13 =	vld [tilespmem:$0x1FE20]  }
0x114: {  	v7 =	vadd.f32 v16, v7;
	v16 =	vld.idx.msk [tilespmem:v39+s31+$0x0], $0xffff;
	v3 =	vmul.f32 v10, v3  }
0x115: {  	v1 =	vadd.f32 v14, v1;
	v14 =	vadd.f32 v17, v15;
	v17 =	vld [tilespmem:$0x1FD80]  }
0x116: {  	v0 =	vadd.f32 v0, v21;
	v2 =	vadd.f32 v3, v2;
	v3 =	vld [tilespmem:$0x1FE10]  }
0x117: {  	v52 =	vadd.f32 v9, v63;
	v63 =	vld [tilespmem:$0x1FD50]  }
0x118: {  	v0 =	vadd.f32 v18, v0;
	v10 =	vld.idx.msk [tilespmem:v50+s1+$0x0], $0xffff  }
0x119: {  	v6 =	vmul.f32 v6, v42;
	v50 =	vadd.f32 v11, v8;
	v11 =	vld [tilespmem:$0x1FE30]  }
0x11a: {  	v0 =	vmul.f32 v0, v33;
	v5 =	vmax.f32 v5, $0.0e+00;
	v12 =	vadd.f32 v12, v14;
	v14 =	vld [tilespmem:$0x1FD70]  }
0x11b: {  	v8 =	vld.idx.msk [tilespmem:v48+s1+$0x0], $0xffff;
	v3 =	vmul.f32 v5, v3  }
0x11c: {  	v0 =	vadd.f32 v0, v22;
	v6 =	vadd.f32 v6, v13;
	v13 =	vld.idx.msk [tilespmem:v47+s31+$0x0], $0xffff;
	v4 =	vmul.f32 v20, v42  }
0x11d: {  	v2 =	vadd.f32 v3, v2;
	v3 =	vld [tilespmem:$0x1FE40]  }
0x11e: {  	v0 =	vmax.f32 v0, $0.0e+00;
	v1 =	vmul.f32 v1, v33;
	v4 =	vadd.f32 v4, v11;
	v11 =	vld.idx.msk [tilespmem:v47+s0+$0x0], $0xffff  }
0x11f: {  	v0 =	vmul.f32 v0, v23;
	v7 =	vmul.f32 v7, v42;
	v9 =	vld.idx.msk [tilespmem:v47+s1+$0x0], $0xffff  }
0x120: {  	v1 =	vadd.f32 v1, v24;
	v56 =	vadd.f32 v8, v57;
	v57 =	vld [tilespmem:$0x1FD40]  }
0x121: {  	v0 =	vadd.f32 $0.0e+00, v0;
	v7 =	vadd.f32 v7, v41;
	v6 =	vmax.f32 v6, $0.0e+00;
	v41 =	vld.idx.msk [tilespmem:v63+s1+$0x0], $0xffff  }
0x122: {  	v54 =	vadd.f32 v10, v60;
	v10 =	vld.idx.msk [tilespmem:v39+s0+$0x0], $0xffff;
	v5 =	vmul.f32 v50, v42;
	v3 =	vmul.f32 v6, v3  }
0x123: {  	v1 =	vmax.f32 v1, $0.0e+00;
	v39 =	vld.idx.msk [tilespmem:v63+s31+$0x0], $0xffff;
	v4 =	vmax.f32 v4, $0.0e+00;
	v11 =	vadd.f32 v11, v13  }
0x124: {  	v5 =	vadd.f32 v5, v40;
	v40 =	vld.idx.msk [tilespmem:v63+s0+$0x0], $0xffff;
	v2 =	vadd.f32 v3, v2;
	v3 =	vmul.f32 v4, v37  }
0x125: {  	v1 =	vmul.f32 v1, v25;
	v7 =	vmax.f32 v7, $0.0e+00;
	v13 =	vld.idx.msk [tilespmem:v14+s31+$0x0], $0xffff;
	v9 =	vadd.f32 v9, v11  }
0x126: {  	v6 =	vmul.f32 v52, v42;
	v2 =	vadd.f32 v3, v2;
	v3 =	vmul.f32 v7, v43;
	v43 =	vld [tilespmem:$0x1FD60]  }
0x127: {  	v12 =	vmul.f32 v12, v33;
	v0 =	vadd.f32 v1, v0;
	v11 =	vld.idx.msk [tilespmem:v14+s1+$0x0], $0xffff;
	v9 =	vmul.f32 v9, v33  }
0x128: {  	v5 =	vmax.f32 v5, $0.0e+00;
	v8 =	vld.idx.msk [tilespmem:v57+s31+$0x0], $0xffff;
	v6 =	vadd.f32 v6, v45;
	v4 =	vmul.f32 v54, v42  }
0x129: {  	v60 =	vld.idx.msk [tilespmem:v57+s0+$0x0], $0xffff;
	v9 =	vadd.f32 v9, v28;
	v2 =	vadd.f32 v3, v2;
	v3 =	vmul.f32 v5, v44  }
0x12a: {  	v62 =	vld.idx.msk [tilespmem:v57+s1+$0x0], $0xffff;
	v6 =	vmax.f32 v6, $0.0e+00;
	v4 =	vadd.f32 v4, v59;
	v7 =	vmul.f32 v56, v42  }
0x12b: {  	v52 =	vld.idx.msk [tilespmem:v49+s31+$0x0], $0xffff;
	v1 =	vmax.f32 v9, $0.0e+00;
	v2 =	vadd.f32 v3, v2;
	v3 =	vmul.f32 v6, v38  }
0x12c: {  	v9 =	vmul.f32 v1, v29;
	v1 =	vld.idx.msk [tilespmem:v49+s0+$0x0], $0xffff;
	v4 =	vmax.f32 v4, $0.0e+00;
	v7 =	vadd.f32 v7, v34  }
0x12d: {  	v2 =	vadd.f32 v3, v2;
	v3 =	vmul.f32 v4, v46;
	v46 =	vld [tilespmem:$0x1FD90]  }
0x12e: {  	v12 =	vadd.f32 v12, v26;
	v7 =	vmax.f32 v7, $0.0e+00;
	v44 =	vld.idx.msk [tilespmem:v43+s31+$0x0], $0xffff  }
0x12f: {  	v15 =	vld.idx.msk [tilespmem:v43+s0+$0x0], $0xffff;
	v2 =	vadd.f32 v3, v2;
	v3 =	vmul.f32 v7, v35  }
0x130: {  	v12 =	vmax.f32 v12, $0.0e+00;
	v45 =	vld.idx.msk [tilespmem:v43+s1+$0x0], $0xffff  }
0x131: {  	v12 =	vmul.f32 v12, v27;
	v2 =	vadd.f32 v3, v2;
	v3 =	vadd.f32 v10, v16;
	v10 =	vld.idx.msk [tilespmem:v14+s0+$0x0], $0xffff  }
0x132: {  	v14 =	vld.idx.msk [tilespmem:v17+s31+$0x0], $0xffff  }
0x133: {  	v0 =	vadd.f32 v12, v0;
	v16 =	vld.idx.msk [tilespmem:v17+s0+$0x0], $0xffff  }
0x134: {  	v2 =	vmul.f32 v2, v42;
	v3 =	vadd.f32 v55, v3;
	v55 =	vld.idx.msk [tilespmem:v49+s1+$0x0], $0xffff  }
0x135: {  	s11 =	sadd.s32 $0x20, s11;
	v50 =	vadd.f32 v9, v0;
	v4 =	vadd.f32 v15, v44;
	v15 =	vld [tilespmem:$0x1FDA0]  }
0x136: {  	[tilespmem:s11+$0xFFFFFFF0] =	vst v2;
	v2 =	vadd.f32 v60, v8;
	v0 =	vadd.f32 v10, v13;
	v10 =	vld [tilespmem:$0x1FDC0]  }
0x137: {  	v47 =	vadd.f32 v40, v39;
	v8 =	vld.idx.msk [tilespmem:v17+s1+$0x0], $0xffff  }
0x138: {  	v17 =	vld.idx.msk [tilespmem:v46+s31+$0x0], $0xffff;
	v2 =	vadd.f32 v62, v2  }
0x139: {  	v5 =	vadd.f32 v41, v47;
	v48 =	vld.idx.msk [tilespmem:v46+s0+$0x0], $0xffff;
	v4 =	vadd.f32 v45, v4  }
0x13a: {  	v3 =	vmul.f32 v3, v33;
	v54 =	vld.idx.msk [tilespmem:v46+s1+$0x0], $0xffff;
	v2 =	vmul.f32 v2, v33  }
0x13b: {  	s12 =	sadd.s32 $0x2, s12;
	v5 =	vmul.f32 v5, v33;
	v13 =	vld [tilespmem:$0x1FFF0];
	v4 =	vmul.f32 v4, v33  }
0x13c: {  	p1 =	slt.u32 s12, $0x26;
	v3 =	vadd.f32 v3, v30;
	v62 =	vld.idx.msk [tilespmem:v36+s0+$0x0], $0xffff;
	v2 =	vadd.f32 v2, v32  }
.Ltmp0:
0x13d: {  	v5 =	vadd.f32 v5, v53;
	v37 =	vadd.f32 v4, v58;
	v58 =	vld.idx.msk [tilespmem:v36+s31+$0x0], $0xffff;
	(pc) =	sbr.rel @p1 .LBB2_2-.Ltmp0, $4  }
0x13e: {  	v9 =	vadd.f32 v16, v14;
	v3 =	vmax.f32 v3, $0.0e+00;
	v2 =	vmax.f32 v2, $0.0e+00;
	v56 =	vld.idx.msk [tilespmem:v10+s31+$0x0], $0xffff  }
0x13f: {  	v3 =	vmul.f32 v3, v31;
	v61 =	vld.idx.msk [tilespmem:v10+s0+$0x0], $0xffff;
	v39 =	vmul.f32 v2, v51;
	v2 =	vadd.f32 v11, v0  }
0x140: {  	v41 =	vmax.f32 v5, $0.0e+00;
	v60 =	vadd.f32 v8, v9;
	v11 =	vld [tilespmem:$0x1FDD0]  }
0x141: {  	s13 =	sadd.s32 $0x20, s13;
	v63 =	vadd.f32 v48, v17;
	v38 =	vadd.f32 v3, v50;
	v0 =	vld.idx.msk [tilespmem:v10+s1+$0x0], $0xffff;
	v40 =	vmul.f32 v2, v33  }
0x142: {  	v3 =	vld [tilespmem:$0x1FDE0];
	_ =	sdelay $0x1  }
0x143: {  	v10 =	vld [tilespmem:$0x1FE00];
	_ =	sdelay $0x2  }
0x144: {  	v5 =	vld [tilespmem:$0x1FDF0];
	v2 =	vadd.f32 v39, v38;
	v3 =	vmul.f32 v41, v3  }
0x145: {  	v8 =	vmax.f32 v37, $0.0e+00;
	v14 =	vld [tilespmem:$0x1FE30]  }
0x146: {  	v7 =	vadd.f32 v54, v63;
	v8 =	vmul.f32 v8, v10;
	v2 =	vadd.f32 v3, v2  }
0x147: {  	v59 =	vld [tilespmem:$0x1FE20]  }
0x148: {  	v7 =	vmul.f32 v7, v33;
	v2 =	vadd.f32 v8, v2;
	v8 =	vld [tilespmem:$0x1FE10];
	_ =	sdelay $0x1  }
0x149: {  	v6 =	vmul.f32 v60, v33;
	v5 =	vadd.f32 v40, v5;
	v7 =	vadd.f32 v7, v14;
	v14 =	vld [tilespmem:$0x1FE40];
	_ =	sdelay $0x1  }
0x14a: {  	v6 =	vadd.f32 v6, v59;
	v5 =	vmax.f32 v5, $0.0e+00  }
0x14b: {  	v5 =	vmul.f32 v5, v8  }
0x14c: {  	v6 =	vmax.f32 v6, $0.0e+00  }
0x14d: {  	v6 =	vmul.f32 v6, v14;
	v2 =	vadd.f32 v5, v2;
	_ =	sdelay $0x1  }
0x14e: {  	v2 =	vadd.f32 v6, v2;
	v6 =	vld [tilespmem:$0x1FE60];
	_ =	sdelay $0x2  }
0x14f: {  	v1 =	vadd.f32 v1, v52  }
0x150: {  	v7 =	vmax.f32 v7, $0.0e+00;
	v14 =	vld [tilespmem:$0x1FE50]  }
0x151: {  	v1 =	vadd.f32 v55, v1;
	v6 =	vmul.f32 v7, v6  }
0x152: {  	v4 =	vld.idx.msk [tilespmem:v36+s1+$0x0], $0xffff  }
0x153: {  	v1 =	vmul.f32 v1, v33;
	v2 =	vadd.f32 v6, v2;
	v6 =	vld [tilespmem:$0x1FE80]  }
0x154: {  	v12 =	vld.idx.msk [tilespmem:v15+s31+$0x0], $0xffff  }
0x155: {  	v9 =	vld.idx.msk [tilespmem:v11+s31+$0x0], $0xffff;
	v1 =	vadd.f32 v1, v14  }
0x156: {  	v61 =	vadd.f32 v61, v56;
	v60 =	vld.idx.msk [tilespmem:v11+s1+$0x0], $0xffff  }
0x157: {  	v63 =	vadd.f32 v62, v58;
	v1 =	vmax.f32 v1, $0.0e+00;
	v7 =	vld [tilespmem:$0x1FE70]  }
0x158: {  	v0 =	vadd.f32 v0, v61;
	v1 =	vmul.f32 v1, v6;
	v6 =	vld [tilespmem:$0x1FEA0]  }
0x159: {  	v4 =	vadd.f32 v4, v63;
	v3 =	vld.idx.msk [tilespmem:v11+s0+$0x0], $0xffff  }
0x15a: {  	v0 =	vmul.f32 v0, v33;
	v1 =	vadd.f32 v1, v2;
	v2 =	vld [tilespmem:$0x1FEB0]  }
0x15b: {  	v4 =	vmul.f32 v4, v33;
	v8 =	vld.idx.msk [tilespmem:v15+s0+$0x0], $0xffff  }
0x15c: {  	v0 =	vadd.f32 v0, v7  }
0x15d: {  	v5 =	vld.idx.msk [tilespmem:v15+s1+$0x0], $0xffff;
	v4 =	vadd.f32 v4, v6  }
0x15e: {  	v3 =	vadd.f32 v3, v9;
	v0 =	vmax.f32 v0, $0.0e+00  }
0x15f: {  	v0 =	vmul.f32 v0, v2;
	v2 =	vmax.f32 v4, $0.0e+00;
	v4 =	vld [tilespmem:$0x1FEC0]  }
0x160: {  	v3 =	vadd.f32 v60, v3;
	v7 =	vadd.f32 v8, v12;
	_ =	sdelay $0x1  }
0x161: {  	v3 =	vmul.f32 v3, v33;
	v5 =	vadd.f32 v5, v7;
	_ =	sdelay $0x1  }
0x162: {  	v3 =	vadd.f32 v3, v4;
	v4 =	vmul.f32 v5, v33;
	v5 =	vld [tilespmem:$0x1FED0];
	_ =	sdelay $0x4  }
0x163: {  	v0 =	vadd.f32 v0, v1;
	v2 =	vmul.f32 v2, v5;
	_ =	sdelay $0x1  }
0x164: {  	v0 =	vadd.f32 v2, v0;
	v2 =	vld [tilespmem:$0x1FEF0];
	_ =	sdelay $0x3  }
0x165: {  	v1 =	vmax.f32 v3, $0.0e+00;
	v3 =	vld [tilespmem:$0x1FEE0]  }
0x166: {  	v1 =	vmul.f32 v1, v2;
	_ =	sdelay $0x1  }
0x167: {  	v0 =	vadd.f32 v1, v0;
	v1 =	vld [tilespmem:$0x1FF00];
	_ =	sdelay $0x1  }
0x168: {  	v3 =	vadd.f32 v4, v3;
	_ =	sdelay $0x1  }
0x169: {  	v2 =	vmax.f32 v3, $0.0e+00  }
0x16a: {  	v1 =	vmul.f32 v2, v1;
	_ =	sdelay $0x1  }
0x16b: {  	v0 =	vadd.f32 v1, v0;
	_ =	sdelay $0x1  }
0x16c: {  	v0 =	vmul.f32 v0, v33;
	_ =	sdelay $0x1  }
0x16d: {  	s10 =	simm.s32 $0x10060;
	[tilespmem:s11+$0x0] =	vst v0  }
0x16e: {  	[spmem:s21] =	stream.linear.scatter [tilespmem:s10], [sflag:$0x4], $0x280, $0x38;
	[tilespmem:$0x107E0] =	vst v63  }
0x16f: {  	_ =	swait.ge [sflag:s2], $0x280  }
0x170: {  	[sflag:s2] =	ssyncset.done $0x0  }
0x171: {  	s11 =	simm.s32 @!p0 $0x10060;
	s10 =	simm.s32 @!p0 $0x0;
	[sflag:s2] =	ssyncadd.s32 $0xFFFFFD80  }
0x172: {  	[hbm4b:s22+s10] =	stream.linear.scatter @!p0 [tilespmem:s11], [sflag:$0x4], $0x280, $0x38;
	[tilespmem:$0x107E0] =	vst v63  }
0x173: {  	s10 =	simm.s32 @!p0 $0x4  }
0x174: {  	_ =	swait.ge @!p0 [sflag:s10], $0x280  }
0x175: {  	[sflag:s10] =	ssyncset.done @!p0 $0x0  }
0x176: {  	[sflag:s10] =	ssyncadd.s32 @!p0 $0xFFFFFD80  }
0x177: {  	_ =	swait.ge [sflag:s3], $0x50  }
0x178: {  	[sflag:s3] =	ssyncset.done $0x0  }
0x179: {  	[sflag:s3] =	ssyncadd.s32 $0xFFFFFFB0  }
0x17a: {  	_ =	swait.ge [sflag:s3], $0x2710  }
0x17b: {  	[sflag:s3] =	ssyncset.done $0x0  }
0x17c: {  	[sflag:s3] =	ssyncadd.s32 $0xFFFFD8F0  }
0x17d: {  	_ =	swait.ge [sflag:s3], $0x7D0  }
0x17e: {  	[sflag:s3] =	ssyncset.done $0x0  }
0x17f: {  	[sflag:s3] =	ssyncadd.s32 $0xFFFFF830  }
0x180: {  	_ =	swait.ge [sflag:s3], $0x7D0  }
0x181: {  	[sflag:s3] =	ssyncset.done $0x0  }
0x182: {  	[sflag:s3] =	ssyncadd.s32 $0xFFFFF830  }
0x183: {  	_ =	swait.ge [sflag:s3], $0x7D0  }
0x184: {  	[sflag:s3] =	ssyncset.done $0x0  }
0x185: {  	[sflag:s3] =	ssyncadd.s32 $0xFFFFF830  }
0x186: {  	_ =	swait.ge [sflag:s3], $0x7D0  }
0x187: {  	[sflag:s3] =	ssyncset.done $0x0  }
0x188: {  	[sflag:s3] =	ssyncadd.s32 $0xFFFFF830  }
0x189: {  	_ =	swait.ge [sflag:s3], $0x7D0  }
0x18a: {  	[sflag:s3] =	ssyncset.done $0x0  }
0x18b: {  	[sflag:s3] =	ssyncadd.s32 $0xFFFFF830  }
0x18c: {  	[bflag:$0x0] =	sbarrier.arrive $0xFFFF  }
0x18d: {  	s12 =	rddreg [dreg:$0x4]  }
0x18e: {  	[tilespmem:s5], [sflag:$0x4] =	stream.linear.gather [spmem:s12], $0x2800, $0x38;
	[tilespmem:$0x107E0] =	vst v63  }
0x18f: {  	_ =	swait.ge [sflag:s2], $0x2800  }
0x190: {  	[sflag:s2] =	ssyncset.done $0x0  }
0x191: {  	s13 =	simm.s32 $0x20;
	[sflag:s2] =	ssyncadd.s32 $0xFFFFD800  }
0x192: {  	v0 =	vld [tilespmem:s13+$0x10];
	_ =	sdelay $0x1  }
0x193: {  	v2 =	vld [tilespmem:s13+$0xFFFFFFE0]  }
0x194: {  	v3 =	vld [tilespmem:s13+$0xFFFFFFF0]  }
0x195: {  	s14 =	simm.s32 $0x60;
	v4 =	vld [tilespmem:s13+$0x0]  }
0x196: {  	v7 =	vld [tilespmem:s14+$0x10]  }
0x197: {  	v1 =	vld [tilespmem:s14+$0xFFFFFFF0]  }
0x198: {  	v6 =	vld [tilespmem:s14+$0xFFFFFFE0]  }
0x199: {  	v8 =	vld.idx.msk [tilespmem:v0+s5+$0x0], $0xffff  }
0x19a: {  	v0 =	vld [tilespmem:s14+$0x0]  }
0x19b: {  	v5 =	vld.idx.msk [tilespmem:v2+s5+$0x0], $0xffff  }
0x19c: {  	v2 =	vld.idx.msk [tilespmem:v3+s5+$0x0], $0xffff  }
0x19d: {  	s10 =	simm.s32 $0x4E40;
	v3 =	vld.idx.msk [tilespmem:v4+s5+$0x0], $0xffff  }
0x19e: {  	s11 =	simm.s32 $0x4;
	s12 =	simm.s32 $0xA0;
	v4 =	vld.idx.msk [tilespmem:v7+s5+$0x0], $0xffff;
	[tilespmem:s10+$0x10] =	vst v8  }
.LBB2_4:
0x19f: {  	v7 =	vld [tilespmem:s12+$0x10];
	s11 =	sadd.s32 $0x4, s11  }
0x1a0: {  	v8 =	vld [tilespmem:s12+$0xFFFFFFF0];
	p1 =	slt.u32 s11, $0x78;
	[tilespmem:s10+$0xFFFFFFE0] =	vst v5  }
0x1a1: {  	v9 =	vld [tilespmem:s12+$0x0];
	[tilespmem:s10+$0xFFFFFFF0] =	vst v2  }
0x1a2: {  	v10 =	vld [tilespmem:s12+$0xFFFFFFE0];
	[tilespmem:s10+$0x0] =	vst v3  }
.Ltmp1:
0x1a3: {  	s10 =	sadd.s32 $0x40, s10;
	v5 =	vld.idx.msk [tilespmem:v6+s5+$0x0], $0xffff;
	(pc) =	sbr.rel @p1 .LBB2_4-.Ltmp1, $4  }
0x1a4: {  	v2 =	vld.idx.msk [tilespmem:v1+s5+$0x0], $0xffff;
	[tilespmem:s10+$0x10] =	vst v4  }
0x1a5: {  	v3 =	vld.idx.msk [tilespmem:v0+s5+$0x0], $0xffff;
	v1 =	vmov v8  }
0x1a6: {  	v0 =	vmov v9  }
0x1a7: {  	s12 =	sadd.s32 $0x40, s12;
	v4 =	vld.idx.msk [tilespmem:v7+s5+$0x0], $0xffff;
	v6 =	vmov v10  }
0x1a8: {  	_ =	sdelay $0x3  }
0x1a9: {  	v6 =	vld.idx.msk [tilespmem:v6+s5+$0x0], $0xffff  }
0x1aa: {  	[tilespmem:s10+$0xFFFFFFE0] =	vst v5;
	v1 =	vld.idx.msk [tilespmem:v1+s5+$0x0], $0xffff  }
0x1ab: {  	v0 =	vld.idx.msk [tilespmem:v0+s5+$0x0], $0xffff;
	[tilespmem:s10+$0xFFFFFFF0] =	vst v2  }
0x1ac: {  	s11 =	sadd.s32 $0x40, s10;
	[tilespmem:s10+$0x0] =	vst v3  }
0x1ad: {  	[tilespmem:s11+$0x10] =	vst v4  }
0x1ae: {  	[tilespmem:s11+$0xFFFFFFE0] =	vst v6  }
0x1af: {  	[tilespmem:s11+$0xFFFFFFF0] =	vst v1  }
0x1b0: {  	[tilespmem:s11+$0x0] =	vst v0  }
0x1b1: {  	v0 =	vld [tilespmem:$0x7C0];
	_ =	sdelay $0x7  }
0x1b2: {  	v0 =	vld.idx.msk [tilespmem:v0+s5+$0x0], $0xffff;
	_ =	sdelay $0x4  }
0x1b3: {  	s13 =	simm.s32 $0x2710;
	s12 =	simm.s32 $0x800;
	[tilespmem:$0x55E0] =	vst v0  }
0x1b4: {  	[spmem:s4] =	stream.indirect.scatter.add.f32 [tilespmem:s26], [sflag:$0x2], $0x1, s13, s25, $0xb8;
	[tilespmem:$0x107E0] =	vst v63  }
0x1b5: {  	v0 =	vld [tilespmem:s12+$0x0];
	_ =	sdelay $0x1  }
0x1b6: {  	v2 =	vld [tilespmem:s12+$0xFFFFFFD0]  }
0x1b7: {  	v3 =	vld [tilespmem:s12+$0xFFFFFFE0]  }
0x1b8: {  	s14 =	simm.s32 $0x840;
	v4 =	vld [tilespmem:s12+$0xFFFFFFF0]  }
0x1b9: {  	v7 =	vld [tilespmem:s14+$0x0]  }
0x1ba: {  	v1 =	vld [tilespmem:s14+$0xFFFFFFE0]  }
0x1bb: {  	v6 =	vld [tilespmem:s14+$0xFFFFFFD0]  }
0x1bc: {  	v8 =	vld.idx.msk [tilespmem:v0+s5+$0x0], $0xffff  }
0x1bd: {  	v0 =	vld [tilespmem:s14+$0xFFFFFFF0]  }
0x1be: {  	v5 =	vld.idx.msk [tilespmem:v2+s5+$0x0], $0xffff  }
0x1bf: {  	v2 =	vld.idx.msk [tilespmem:v3+s5+$0x0], $0xffff  }
0x1c0: {  	s10 =	simm.s32 $0x5610;
	v3 =	vld.idx.msk [tilespmem:v4+s5+$0x0], $0xffff  }
0x1c1: {  	s11 =	simm.s32 $0x4;
	s12 =	simm.s32 $0x880;
	v4 =	vld.idx.msk [tilespmem:v7+s5+$0x0], $0xffff;
	s14 =	simm.s32 $0x2EE0;
	[tilespmem:s10+$0x10] =	vst v8  }
.LBB2_6:
0x1c2: {  	v7 =	vld [tilespmem:s12+$0x0];
	s11 =	sadd.s32 $0x4, s11  }
0x1c3: {  	v8 =	vld [tilespmem:s12+$0xFFFFFFE0];
	p1 =	slt.u32 s11, $0x78;
	[tilespmem:s10+$0xFFFFFFE0] =	vst v5  }
0x1c4: {  	v9 =	vld [tilespmem:s12+$0xFFFFFFF0];
	[tilespmem:s10+$0xFFFFFFF0] =	vst v2  }
0x1c5: {  	v10 =	vld [tilespmem:s12+$0xFFFFFFD0];
	[tilespmem:s10+$0x0] =	vst v3  }
.Ltmp2:
0x1c6: {  	s10 =	sadd.s32 $0x40, s10;
	v5 =	vld.idx.msk [tilespmem:v6+s5+$0x0], $0xffff;
	(pc) =	sbr.rel @p1 .LBB2_6-.Ltmp2, $4  }
0x1c7: {  	v2 =	vld.idx.msk [tilespmem:v1+s5+$0x0], $0xffff;
	[tilespmem:s10+$0x10] =	vst v4  }
0x1c8: {  	v3 =	vld.idx.msk [tilespmem:v0+s5+$0x0], $0xffff;
	v1 =	vmov v8  }
0x1c9: {  	v0 =	vmov v9  }
0x1ca: {  	s12 =	sadd.s32 $0x40, s12;
	v4 =	vld.idx.msk [tilespmem:v7+s5+$0x0], $0xffff;
	v6 =	vmov v10  }
0x1cb: {  	_ =	sdelay $0x3  }
0x1cc: {  	v6 =	vld.idx.msk [tilespmem:v6+s5+$0x0], $0xffff  }
0x1cd: {  	[tilespmem:s10+$0xFFFFFFE0] =	vst v5;
	v1 =	vld.idx.msk [tilespmem:v1+s5+$0x0], $0xffff  }
0x1ce: {  	v0 =	vld.idx.msk [tilespmem:v0+s5+$0x0], $0xffff;
	[tilespmem:s10+$0xFFFFFFF0] =	vst v2  }
0x1cf: {  	s12 =	sadd.s32 $0x40, s10;
	[tilespmem:s10+$0x0] =	vst v3  }
0x1d0: {  	[tilespmem:s12+$0x10] =	vst v4  }
0x1d1: {  	[tilespmem:s12+$0xFFFFFFE0] =	vst v6  }
0x1d2: {  	[tilespmem:s12+$0xFFFFFFF0] =	vst v1  }
0x1d3: {  	[tilespmem:s12+$0x0] =	vst v0  }
0x1d4: {  	v0 =	vld [tilespmem:$0xF90];
	_ =	sdelay $0x7  }
0x1d5: {  	v0 =	vld.idx.msk [tilespmem:v0+s5+$0x0], $0xffff;
	_ =	sdelay $0x4  }
0x1d6: {  	[tilespmem:$0x5DB0] =	vst v0  }
0x1d7: {  	[spmem:s4] =	stream.indirect.scatter.add.f32 [tilespmem:s28], [sflag:$0x3], $0x1, s14, s25, $0xb8;
	[tilespmem:$0x107E0] =	vst v63  }
0x1d8: {  	_ =	swait.ge [sflag:s8], $0x7D0  }
0x1d9: {  	[sflag:s8] =	ssyncset.done $0x0  }
0x1da: {  	s11 =	simm.s32 $0xFD0;
	[sflag:s8] =	ssyncadd.s32 $0xFFFFF830  }
0x1db: {  	v0 =	vld [tilespmem:s11+$0x0];
	_ =	sdelay $0x1  }
0x1dc: {  	v2 =	vld [tilespmem:s11+$0xFFFFFFD0]  }
0x1dd: {  	v3 =	vld [tilespmem:s11+$0xFFFFFFE0]  }
0x1de: {  	s12 =	simm.s32 $0x1010;
	v4 =	vld [tilespmem:s11+$0xFFFFFFF0]  }
0x1df: {  	v7 =	vld [tilespmem:s12+$0x0]  }
0x1e0: {  	v1 =	vld [tilespmem:s12+$0xFFFFFFE0]  }
0x1e1: {  	v6 =	vld [tilespmem:s12+$0xFFFFFFD0]  }
0x1e2: {  	v8 =	vld.idx.msk [tilespmem:v0+s5+$0x0], $0xffff  }
0x1e3: {  	v0 =	vld [tilespmem:s12+$0xFFFFFFF0]  }
0x1e4: {  	v5 =	vld.idx.msk [tilespmem:v2+s5+$0x0], $0xffff  }
0x1e5: {  	v2 =	vld.idx.msk [tilespmem:v3+s5+$0x0], $0xffff  }
0x1e6: {  	s10 =	simm.s32 $0x4E40;
	v3 =	vld.idx.msk [tilespmem:v4+s5+$0x0], $0xffff  }
0x1e7: {  	s11 =	simm.s32 $0x4;
	v4 =	vld.idx.msk [tilespmem:v7+s5+$0x0], $0xffff;
	s12 =	simm.s32 $0x1050;
	[tilespmem:s10+$0x10] =	vst v8  }
.LBB2_8:
0x1e8: {  	v7 =	vld [tilespmem:s12+$0x0];
	s11 =	sadd.s32 $0x4, s11  }
0x1e9: {  	v8 =	vld [tilespmem:s12+$0xFFFFFFE0];
	p1 =	slt.u32 s11, $0x78;
	[tilespmem:s10+$0xFFFFFFE0] =	vst v5  }
0x1ea: {  	v9 =	vld [tilespmem:s12+$0xFFFFFFF0];
	[tilespmem:s10+$0xFFFFFFF0] =	vst v2  }
0x1eb: {  	v10 =	vld [tilespmem:s12+$0xFFFFFFD0];
	[tilespmem:s10+$0x0] =	vst v3  }
.Ltmp3:
0x1ec: {  	s10 =	sadd.s32 $0x40, s10;
	v5 =	vld.idx.msk [tilespmem:v6+s5+$0x0], $0xffff;
	(pc) =	sbr.rel @p1 .LBB2_8-.Ltmp3, $4  }
0x1ed: {  	v2 =	vld.idx.msk [tilespmem:v1+s5+$0x0], $0xffff;
	[tilespmem:s10+$0x10] =	vst v4  }
0x1ee: {  	v3 =	vld.idx.msk [tilespmem:v0+s5+$0x0], $0xffff;
	v1 =	vmov v8  }
0x1ef: {  	v0 =	vmov v9  }
0x1f0: {  	s12 =	sadd.s32 $0x40, s12;
	v4 =	vld.idx.msk [tilespmem:v7+s5+$0x0], $0xffff;
	v6 =	vmov v10  }
0x1f1: {  	_ =	sdelay $0x3  }
0x1f2: {  	v6 =	vld.idx.msk [tilespmem:v6+s5+$0x0], $0xffff  }
0x1f3: {  	[tilespmem:s10+$0xFFFFFFE0] =	vst v5;
	v1 =	vld.idx.msk [tilespmem:v1+s5+$0x0], $0xffff  }
0x1f4: {  	v0 =	vld.idx.msk [tilespmem:v0+s5+$0x0], $0xffff;
	[tilespmem:s10+$0xFFFFFFF0] =	vst v2  }
0x1f5: {  	s11 =	sadd.s32 $0x40, s10;
	[tilespmem:s10+$0x0] =	vst v3  }
0x1f6: {  	[tilespmem:s11+$0x10] =	vst v4  }
0x1f7: {  	[tilespmem:s11+$0xFFFFFFE0] =	vst v6  }
0x1f8: {  	[tilespmem:s11+$0xFFFFFFF0] =	vst v1  }
0x1f9: {  	[tilespmem:s11+$0x0] =	vst v0  }
0x1fa: {  	v0 =	vld [tilespmem:$0x1760];
	_ =	sdelay $0x7  }
0x1fb: {  	v0 =	vld.idx.msk [tilespmem:v0+s5+$0x0], $0xffff;
	_ =	sdelay $0x4  }
0x1fc: {  	s12 =	simm.s32 $0x36B0;
	[tilespmem:$0x55E0] =	vst v0  }
0x1fd: {  	[spmem:s4] =	stream.indirect.scatter.add.f32 [tilespmem:s26], [sflag:$0x2], $0x1, s12, s25, $0xb8;
	[tilespmem:$0x107E0] =	vst v63  }
0x1fe: {  	_ =	swait.ge [sflag:s29], $0x7D0  }
0x1ff: {  	[sflag:s29] =	ssyncset.done $0x0  }
0x200: {  	s11 =	simm.s32 $0x17A0;
	[sflag:s29] =	ssyncadd.s32 $0xFFFFF830  }
0x201: {  	v0 =	vld [tilespmem:s11+$0x0];
	_ =	sdelay $0x1  }
0x202: {  	v2 =	vld [tilespmem:s11+$0xFFFFFFD0]  }
0x203: {  	v3 =	vld [tilespmem:s11+$0xFFFFFFE0]  }
0x204: {  	s12 =	simm.s32 $0x17E0;
	v4 =	vld [tilespmem:s11+$0xFFFFFFF0]  }
0x205: {  	v7 =	vld [tilespmem:s12+$0x0]  }
0x206: {  	v1 =	vld [tilespmem:s12+$0xFFFFFFE0]  }
0x207: {  	v6 =	vld [tilespmem:s12+$0xFFFFFFD0]  }
0x208: {  	v8 =	vld.idx.msk [tilespmem:v0+s5+$0x0], $0xffff  }
0x209: {  	v0 =	vld [tilespmem:s12+$0xFFFFFFF0]  }
0x20a: {  	v5 =	vld.idx.msk [tilespmem:v2+s5+$0x0], $0xffff  }
0x20b: {  	v2 =	vld.idx.msk [tilespmem:v3+s5+$0x0], $0xffff  }
0x20c: {  	s10 =	simm.s32 $0x5610;
	v3 =	vld.idx.msk [tilespmem:v4+s5+$0x0], $0xffff  }
0x20d: {  	s11 =	simm.s32 $0x4;
	v4 =	vld.idx.msk [tilespmem:v7+s5+$0x0], $0xffff;
	s12 =	simm.s32 $0x1820;
	[tilespmem:s10+$0x10] =	vst v8  }
.LBB2_10:
0x20e: {  	v7 =	vld [tilespmem:s12+$0x0];
	s11 =	sadd.s32 $0x4, s11  }
0x20f: {  	v8 =	vld [tilespmem:s12+$0xFFFFFFE0];
	p1 =	slt.u32 s11, $0x78;
	[tilespmem:s10+$0xFFFFFFE0] =	vst v5  }
0x210: {  	v9 =	vld [tilespmem:s12+$0xFFFFFFF0];
	[tilespmem:s10+$0xFFFFFFF0] =	vst v2  }
0x211: {  	v10 =	vld [tilespmem:s12+$0xFFFFFFD0];
	[tilespmem:s10+$0x0] =	vst v3  }
.Ltmp4:
0x212: {  	s10 =	sadd.s32 $0x40, s10;
	v5 =	vld.idx.msk [tilespmem:v6+s5+$0x0], $0xffff;
	(pc) =	sbr.rel @p1 .LBB2_10-.Ltmp4, $4  }
0x213: {  	v2 =	vld.idx.msk [tilespmem:v1+s5+$0x0], $0xffff;
	[tilespmem:s10+$0x10] =	vst v4  }
0x214: {  	v3 =	vld.idx.msk [tilespmem:v0+s5+$0x0], $0xffff;
	v1 =	vmov v8  }
0x215: {  	v0 =	vmov v9  }
0x216: {  	s12 =	sadd.s32 $0x40, s12;
	v4 =	vld.idx.msk [tilespmem:v7+s5+$0x0], $0xffff;
	v6 =	vmov v10  }
0x217: {  	_ =	sdelay $0x3  }
0x218: {  	v6 =	vld.idx.msk [tilespmem:v6+s5+$0x0], $0xffff  }
0x219: {  	[tilespmem:s10+$0xFFFFFFE0] =	vst v5;
	v1 =	vld.idx.msk [tilespmem:v1+s5+$0x0], $0xffff  }
0x21a: {  	v0 =	vld.idx.msk [tilespmem:v0+s5+$0x0], $0xffff;
	[tilespmem:s10+$0xFFFFFFF0] =	vst v2  }
0x21b: {  	s11 =	sadd.s32 $0x40, s10;
	[tilespmem:s10+$0x0] =	vst v3  }
0x21c: {  	[tilespmem:s11+$0x10] =	vst v4  }
0x21d: {  	[tilespmem:s11+$0xFFFFFFE0] =	vst v6  }
0x21e: {  	[tilespmem:s11+$0xFFFFFFF0] =	vst v1  }
0x21f: {  	[tilespmem:s11+$0x0] =	vst v0  }
0x220: {  	v0 =	vld [tilespmem:$0x1F30];
	_ =	sdelay $0x7  }
0x221: {  	v0 =	vld.idx.msk [tilespmem:v0+s5+$0x0], $0xffff;
	_ =	sdelay $0x4  }
0x222: {  	s12 =	simm.s32 $0x3E80;
	[tilespmem:$0x5DB0] =	vst v0  }
0x223: {  	[spmem:s4] =	stream.indirect.scatter.add.f32 [tilespmem:s28], [sflag:$0x3], $0x1, s12, s25, $0xb8;
	[tilespmem:$0x107E0] =	vst v63  }
0x224: {  	_ =	swait.ge [sflag:s8], $0x7D0  }
0x225: {  	[sflag:s8] =	ssyncset.done $0x0  }
0x226: {  	s11 =	simm.s32 $0x1F70;
	[sflag:s8] =	ssyncadd.s32 $0xFFFFF830  }
0x227: {  	v0 =	vld [tilespmem:s11+$0x0];
	_ =	sdelay $0x1  }
0x228: {  	v2 =	vld [tilespmem:s11+$0xFFFFFFD0]  }
0x229: {  	v3 =	vld [tilespmem:s11+$0xFFFFFFE0]  }
0x22a: {  	s12 =	simm.s32 $0x1FB0;
	v4 =	vld [tilespmem:s11+$0xFFFFFFF0]  }
0x22b: {  	v7 =	vld [tilespmem:s12+$0x0]  }
0x22c: {  	v1 =	vld [tilespmem:s12+$0xFFFFFFE0]  }
0x22d: {  	v6 =	vld [tilespmem:s12+$0xFFFFFFD0]  }
0x22e: {  	v8 =	vld.idx.msk [tilespmem:v0+s5+$0x0], $0xffff  }
0x22f: {  	v0 =	vld [tilespmem:s12+$0xFFFFFFF0]  }
0x230: {  	v5 =	vld.idx.msk [tilespmem:v2+s5+$0x0], $0xffff  }
0x231: {  	v2 =	vld.idx.msk [tilespmem:v3+s5+$0x0], $0xffff  }
0x232: {  	s10 =	simm.s32 $0x4E40;
	v3 =	vld.idx.msk [tilespmem:v4+s5+$0x0], $0xffff  }
0x233: {  	s11 =	simm.s32 $0x4;
	v4 =	vld.idx.msk [tilespmem:v7+s5+$0x0], $0xffff;
	s12 =	simm.s32 $0x1FF0;
	[tilespmem:s10+$0x10] =	vst v8  }
.LBB2_12:
0x234: {  	v7 =	vld [tilespmem:s12+$0x0];
	s11 =	sadd.s32 $0x4, s11  }
0x235: {  	v8 =	vld [tilespmem:s12+$0xFFFFFFE0];
	p1 =	slt.u32 s11, $0x78;
	[tilespmem:s10+$0xFFFFFFE0] =	vst v5  }
0x236: {  	v9 =	vld [tilespmem:s12+$0xFFFFFFF0];
	[tilespmem:s10+$0xFFFFFFF0] =	vst v2  }
0x237: {  	v10 =	vld [tilespmem:s12+$0xFFFFFFD0];
	[tilespmem:s10+$0x0] =	vst v3  }
.Ltmp5:
0x238: {  	s10 =	sadd.s32 $0x40, s10;
	v5 =	vld.idx.msk [tilespmem:v6+s5+$0x0], $0xffff;
	(pc) =	sbr.rel @p1 .LBB2_12-.Ltmp5, $4  }
0x239: {  	v2 =	vld.idx.msk [tilespmem:v1+s5+$0x0], $0xffff;
	[tilespmem:s10+$0x10] =	vst v4  }
0x23a: {  	v3 =	vld.idx.msk [tilespmem:v0+s5+$0x0], $0xffff;
	v1 =	vmov v8  }
0x23b: {  	v0 =	vmov v9  }
0x23c: {  	s12 =	sadd.s32 $0x40, s12;
	v4 =	vld.idx.msk [tilespmem:v7+s5+$0x0], $0xffff;
	v6 =	vmov v10  }
0x23d: {  	_ =	sdelay $0x3  }
0x23e: {  	v6 =	vld.idx.msk [tilespmem:v6+s5+$0x0], $0xffff  }
0x23f: {  	[tilespmem:s10+$0xFFFFFFE0] =	vst v5;
	v1 =	vld.idx.msk [tilespmem:v1+s5+$0x0], $0xffff  }
0x240: {  	v0 =	vld.idx.msk [tilespmem:v0+s5+$0x0], $0xffff;
	[tilespmem:s10+$0xFFFFFFF0] =	vst v2  }
0x241: {  	s12 =	sadd.s32 $0x40, s10;
	[tilespmem:s10+$0x0] =	vst v3  }
0x242: {  	[tilespmem:s12+$0x10] =	vst v4  }
0x243: {  	[tilespmem:s12+$0xFFFFFFE0] =	vst v6  }
0x244: {  	[tilespmem:s12+$0xFFFFFFF0] =	vst v1  }
0x245: {  	[tilespmem:s12+$0x0] =	vst v0  }
0x246: {  	v0 =	vld [tilespmem:$0x2700];
	_ =	sdelay $0x7  }
0x247: {  	v0 =	vld.idx.msk [tilespmem:v0+s5+$0x0], $0xffff;
	_ =	sdelay $0x4  }
0x248: {  	s12 =	simm.s32 $0x4650;
	[tilespmem:$0x55E0] =	vst v0  }
0x249: {  	[spmem:s4] =	stream.indirect.scatter.add.f32 [tilespmem:s26], [sflag:$0x2], $0x1, s12, s25, $0xb8;
	[tilespmem:$0x107E0] =	vst v63  }
0x24a: {  	_ =	swait.ge [sflag:s29], $0x7D0  }
0x24b: {  	[sflag:s29] =	ssyncset.done $0x0  }
0x24c: {  	[sflag:s29] =	ssyncadd.s32 $0xFFFFF830  }
0x24d: {  	_ =	swait.ge [sflag:s8], $0x7D0  }
0x24e: {  	s9 =	sadd.s32 $0x1, s9;
	[sflag:s8] =	ssyncset.done $0x0  }
0x24f: {  	p1 =	sne.s32 s9, s24;
	[sflag:s8] =	ssyncadd.s32 $0xFFFFF830  }
.Ltmp6:
0x250: {  	s11 =	sor.u32 $0x1C04, s7;
	[bflag:$0x0] =	sbarrier.arrive $0xFFFF;
	(pc) =	sbr.rel @p1 .LBB2_1-.Ltmp6, $4  }
0x251: {  	[hbm:s23], [sflag:s11] =	dma.local [spmem:s30], $0x50  }
0x252: {  	_ =	swait.ge [sflag:s2], $0x50  }
0x253: {  	[sflag:s2] =	ssyncset.done $0x0  }
0x254: {  	[sflag:s2] =	ssyncadd.s32 $0xFFFFFFB0  }
0x255: {  	_ =	sfence.sel $0x180000  }
0x256: {  	[bflag:$0x0] =	sbarrier.arrive $0xFFFF  }
0x257: {  	_ =	strace $0x9000004D  }
0x258: {  	s0 =	stileid.u32;
	[bflag:$0x2] =	sbarrier.arrive $0xFFFF  }
0x259: {  	p0 =	sne.s32 s0, $0x0;
	s0 =	rddreg [dreg:$0x5]  }
0x25a: {  	s0 =	sadd.s32 @!p0 $0x100000, s0  }
0x25b: {  	[sflag:s0] =	ssyncadd.tile.s32 @!p0 $0x1;
	_ =	shalt  }
.Lfunc_end2:
_tile_overlayer_lowered:
.L_overlay_start_2:
0x25c: {  	(tag) =	ssettag $0x2  }
0x25d: {  	s0 =	rddreg [dreg:$0x0];
	s2 =	stileid.u32  }
0x25e: {  	s1 =	rddreg [dreg:$0x1];
	p0 =	sne.s32 s2, $0x0  }
0x25f: {  	s3 =	rddreg [dreg:$0x2];
	[bflag:$0x3] =	sbarrier.arrive $0xFFFF;
	s2 =	simm.s32 @!p0 $0x1C04  }
0x260: {  	[timem:s3], [sflag:s2] =	dma.local @!p0 [hbm:s0], s1  }
0x261: {  	s0 =	simm.s32 @!p0 $0x4  }
0x262: {  	_ =	swait.ge @!p0 [sflag:s0], s1  }
0x263: {  	s1 =	ssub.s32 @!p0 $0x0, s1;
	[sflag:s0] =	ssyncset.done @!p0 $0x0  }
0x264: {  	[sflag:s0] =	ssyncadd.s32 @!p0 s1  }
0x265: {  	[bflag:$0x3] =	sbarrier.arrive $0xFFFF  }
0x266: {  	_ =	shalt  }

// kernel: kernel.7.cloned.1.call-start
scs
__scs_entry_jumppad:
0x0: {  	(pc) =	sbr.rel $0x88, $3  }
0x1: {  	(tag) =	ssettag $0x0;
	lr =	simm.s32 $0x1  }
0x2: {  	[smem:$0x3F9B] =	sst lr;
	_ =	strace $0xD0000000  }
0x3: {  	_ = 	snop  }
0x4: {  	_ = 	snop  }
0x5: {  	_ = 	snop  }
0x6: {  	_ = 	snop  }
0x7: {  	_ = 	snop  }
__scs_overlays_trampoline_lowered:
0x8: {  	[smem:$0x3FAA] =	sst s0  }
0x9: {  	[smem:$0x3FAB] =	sst s1  }
0xa: {  	[smem:$0x3FAC] =	sst s2  }
0xb: {  	[smem:$0x3FAD] =	sst s3  }
0xc: {  	[smem:$0x3FAE] =	sst s4  }
0xd: {  	[smem:$0x3FAF] =	sst s5  }
0xe: {  	[smem:$0x3FB0] =	sst s6  }
0xf: {  	[smem:$0x3FB1] =	sst s7  }
0x10: {  	[smem:$0x3FB2] =	sst s8  }
0x11: {  	[smem:$0x3FB3] =	sst s9;
	s0 =	simm.s32 @!p0 $0x0  }
0x12: {  	s1 =	sld [smem:$0x3F99];
	s0 =	simm.s32 @p0 $0x1  }
0x13: {  	[smem:$0x3FB4] =	sst s0;
	s0 =	simm.s32 @!p1 $0x0  }
0x14: {  	s2 =	sld [smem:$0x3F98];
	s0 =	simm.s32 @p1 $0x1  }
0x15: {  	[smem:$0x3FB5] =	sst s0;
	s0 =	simm.s32 @!p2 $0x0  }
0x16: {  	s3 =	sld [smem:$0x3FDB];
	s0 =	simm.s32 @p2 $0x1  }
0x17: {  	s4 =	simm.s32 $0x1BF5;
	[smem:$0x3FB7] =	sst s0  }
0x18: {  	s0 =	sld [smem:$0x3F9A];
	_ =	swait.ge [sflag:s4], $0x0  }
0x19: {  	s7 =	sld [smem:$0x3F9B]  }
0x1a: {  	s8 =	sadd.s32 $0xFFFFE003, lr  }
0x1b: {  	s9 =	sadd.s32 $0xFFFFFEF7, lr;
	s5 =	simm.s32 $0xFFFFFFFF;
	p2 =	slt.u32 s8, $0xFFFFF086  }
0x1c: {  	p1 =	slt.u32 s9, $0xF7A;
	s5 =	simm.s32 @!p2 $0x0  }
0x1d: {  	s5 =	simm.s32 @p1 $0x1;
	p0 =	seq.s32 s7, s2  }
0x1e: {  	s7 =	smul.u32 @!p0 $0xF7A, s2;
	p2 =	seq.s32 @!p0 s5, $0x0  }
0x1f: {  	s9 =	smul.u32 $0xF7A, s1;
	s8 =	simm.s32 @!p0 $0x1BF5;
	p2 =	por !p2, p0  }
0x20: {  	[sflag:s8] =	ssyncset.s32 @!p0 $0xFFFFF086;
	s6 =	sadd.s32 @!p0 s3, s7;
	s7 =	simm.s32 @!p0 $0x108  }
0x21: {  	s3 =	sadd.s32 s3, s9;
	s6 =	sadd.s32 @!p0 $0x88, s6;
	s7 =	simm.s32 @p2 $0x1082  }
0x22: {  	[simem:s7], [sflag:s8] =	dma.local @!p0 [hbm:s6], $0xF7A  }
0x23: {  	s9 =	sor.u32 $0xD0000000, s2;
	s6 =	simm.s32 $0x108;
	_ =	swait.ge @!p0 [sflag:s8], $0x0  }
0x24: {  	s3 =	sadd.s32 $0x88, s3;
	s6 =	simm.s32 @!p1 $0x1082;
	[sflag:s4] =	ssyncset.s32 $0xFFFFF086  }
0x25: {  	[simem:s6], [sflag:s4] =	dma.local [hbm:s3], $0xF7A  }
0x26: {  	[smem:$0x3F9B] =	sst s1;
	(tag) =	ssettag s2;
	_ =	strace s9  }
0x27: {  	s1 =	sld [smem:$0x3FAB]  }
0x28: {  	s2 =	sld [smem:$0x3FAC]  }
0x29: {  	s4 =	sld [smem:$0x3FAE]  }
0x2a: {  	p0 =	seq.s32 s5, $0x0;
	s5 =	sld [smem:$0x3FAF]  }
0x2b: {  	s6 =	sld [smem:$0x3FB0]  }
0x2c: {  	s7 =	sld [smem:$0x3FB1]  }
0x2d: {  	s3 =	simm.s32 $0x108;
	s8 =	sld [smem:$0x3FB2]  }
0x2e: {  	s3 =	simm.s32 @!p0 $0x1082;
	s9 =	sld [smem:$0x3FB3]  }
0x2f: {  	lr =	sadd.s32 s0, s3;
	s0 =	sld [smem:$0x3FAA]  }
0x30: {  	s3 =	sld [smem:$0x3FAD]  }
0x31: {  	[smem:$0x3FB6] =	sst s10  }
0x32: {  	s10 =	sld [smem:$0x3FB4];
	_ =	sdelay $0x3  }
0x33: {  	p0 =	seq.s32 s10, $0x1;
	s10 =	sld [smem:$0x3FB6];
	_ =	sdelay $0x3  }
0x34: {  	[smem:$0x3FB6] =	sst s10  }
0x35: {  	s10 =	sld [smem:$0x3FB5];
	_ =	sdelay $0x3  }
0x36: {  	p1 =	seq.s32 s10, $0x1;
	s10 =	sld [smem:$0x3FB6];
	_ =	sdelay $0x3  }
0x37: {  	[smem:$0x3FB6] =	sst s10  }
0x38: {  	s10 =	sld [smem:$0x3FB7]  }
0x39: {  	_ = 	snop;
	(pc) =	sbr.ind lr, $3  }
0x3a: {  	_ = 	snop  }
0x3b: {  	_ = 	snop  }
0x3c: {  	p2 =	seq.s32 s10, $0x1;
	s10 =	sld [smem:$0x3FB6]  }
0x3d: {  	_ =	shalt  }
0x3e: {  	_ =	shalt  }
0x3f: {  	_ =	shalt  }
0x40: {  	_ =	shalt  }
0x41: {  	_ =	shalt  }
0x42: {  	_ =	shalt  }
0x43: {  	_ =	shalt  }
0x44: {  	_ =	shalt  }
0x45: {  	_ =	shalt  }
0x46: {  	_ =	shalt  }
0x47: {  	_ =	shalt  }
0x48: {  	_ =	shalt  }
0x49: {  	_ =	shalt  }
0x4a: {  	_ =	shalt  }
0x4b: {  	_ =	shalt  }
0x4c: {  	_ =	shalt  }
0x4d: {  	_ =	shalt  }
0x4e: {  	_ =	shalt  }
0x4f: {  	_ =	shalt  }
0x50: {  	_ =	shalt  }
0x51: {  	_ =	shalt  }
0x52: {  	_ =	shalt  }
0x53: {  	_ =	shalt  }
0x54: {  	_ =	shalt  }
0x55: {  	_ =	shalt  }
0x56: {  	_ =	shalt  }
0x57: {  	_ =	shalt  }
0x58: {  	_ =	shalt  }
0x59: {  	_ =	shalt  }
0x5a: {  	_ =	shalt  }
0x5b: {  	_ =	shalt  }
0x5c: {  	_ =	shalt  }
0x5d: {  	_ =	shalt  }
0x5e: {  	_ =	shalt  }
0x5f: {  	_ =	shalt  }
0x60: {  	_ =	shalt  }
0x61: {  	_ =	shalt  }
0x62: {  	_ =	shalt  }
0x63: {  	_ =	shalt  }
0x64: {  	_ =	shalt  }
0x65: {  	_ =	shalt  }
0x66: {  	_ =	shalt  }
0x67: {  	_ =	shalt  }
0x68: {  	_ =	shalt  }
0x69: {  	_ =	shalt  }
0x6a: {  	_ =	shalt  }
0x6b: {  	_ =	shalt  }
0x6c: {  	_ =	shalt  }
0x6d: {  	_ =	shalt  }
0x6e: {  	_ =	shalt  }
0x6f: {  	_ =	shalt  }
0x70: {  	_ =	shalt  }
0x71: {  	_ =	shalt  }
0x72: {  	_ =	shalt  }
0x73: {  	_ =	shalt  }
0x74: {  	_ =	shalt  }
0x75: {  	_ =	shalt  }
0x76: {  	_ =	shalt  }
0x77: {  	_ =	shalt  }
0x78: {  	_ =	shalt  }
0x79: {  	_ =	shalt  }
0x7a: {  	_ =	shalt  }
0x7b: {  	_ =	shalt  }
0x7c: {  	_ =	shalt  }
0x7d: {  	_ =	shalt  }
0x7e: {  	_ =	shalt  }
0x7f: {  	_ =	shalt  }
0x80: {  	_ =	shalt  }
0x81: {  	_ =	shalt  }
0x82: {  	_ =	shalt  }
0x83: {  	_ =	shalt  }
0x84: {  	_ =	shalt  }
0x85: {  	_ =	shalt  }
0x86: {  	_ =	shalt  }
0x87: {  	_ =	shalt  }
.Lfunc_end0:
.L_simem_size_0:
called_computation_lowered:
.L_overlay_start_0:
0x88: {  	s2 =	sld [smem:$0x3FD9]  }
0x89: {  	s3 =	sld [smem:$0x3FFE];
	_ =	sdelay $0x1  }
0x8a: {  	s1 =	srdreg.scid  }
0x8b: {  	s0 =	sand.u32 $0x1, s1  }
0x8c: {  	s16 =	sshll.u32 s0, $0xA;
	s2 =	sadd.s32 s3, s2  }
0x8d: {  	s2 =	sadd.s32 s2, s16  }
0x8e: {  	[smem:$0x3FC2] =	sst s2  }
0x8f: {  	_ = 	snop  }
0x90: {  	(tm) =	ssettm $0x1  }
0x91: {  	s17 =	sld [smem:$0x3FFB];
	_ =	sdelay $0x3  }
0x92: {  	_ =	strace s17  }
0x93: {  	s2 =	sld [smem:$0x3FFC];
	_ =	sdelay $0x3  }
0x94: {  	_ =	strace s2  }
0x95: {  	s2 =	sld [smem:$0x3FFD];
	_ =	sdelay $0x3  }
0x96: {  	_ =	strace s2  }
0x97: {  	_ =	strace $0x8FFFFFFF  }
0x98: {  	s18 =	sld [smem:$0x3FDB];
	_ =	sdelay $0x1  }
0x99: {  	s19 =	simm.s32 $_scs_section_size  }
0x9a: {  	s4 =	simm.s32 $_size__tile_overlayer_lowered;
	s5 =	simm.s32 $_tile_overlayer_lowered  }
0x9b: {  	s22 =	simm.s32 $0x1BFF;
	s21 =	sshll.u32 s5, $0x1;
	s2 =	sadd.s32 s19, s18  }
0x9c: {  	s6 =	simm.s32 $0x0;
	s20 =	sshll.u32 s4, $0x1;
	s4 =	sadd.s32 s21, s2  }
0x9d: {  	[timem:s6], [sflag:s22] =	dma.local [hbm:s4], s20  }
0x9e: {  	_ =	swait.ge [sflag:s22], s20  }
0x9f: {  	s3 =	ssub.s32 $0x0, s20;
	[sflag:s22] =	ssyncset.done $0x0  }
0xa0: {  	[sflag:s22] =	ssyncadd.s32 s3;
	_ =	sdelay $0x1  }
0xa1: {  	s23 =	simm.s32 $0x1B8B  }
0xa2: {  	_ =	swait.ge [sflag:s23], $0x1  }
0xa3: {  	[sflag:s23] =	ssyncset.done $0x0  }
0xa4: {  	s25 =	simm.s32 $0x1B8E;
	s24 =	sld [smem:$0x3FFE];
	[sflag:s23] =	ssyncadd.s32 $0xFFFFFFFF  }
0xa5: {  	s26 =	simm.s32 $execute0_lowered;
	[smem:$0x3FD2] =	sst s25  }
0xa6: {  	s4 =	sshll.u32 s26, $0x1;
	_ =	strace $0x80000046;
	[dreg:$0x1] =	wrdreg $0xFFFFFFFF  }
0xa7: {  	s28 =	simm.s32 $_size_execute0_lowered;
	s2 =	sadd.s32 s2, s4;
	[dreg:$0x0] =	wrdreg $0x0  }
0xa8: {  	s4 =	sshll.u32 s28, $0x1;
	[dreg:$0x2] =	wrdreg s2  }
0xa9: {  	[dreg:$0x3] =	wrdreg s4  }
0xaa: {  	[dreg:$0x4] =	wrdreg $0xC0  }
0xab: {  	_ =	task [dreg:s6], $0x5FFFF  }
0xac: {  	[dreg:$0x1] =	wrdreg $0xFFFFFFFF  }
0xad: {  	[dreg:$0x0] =	wrdreg $0x60  }
0xae: {  	[dreg:$0x2] =	wrdreg s24  }
0xaf: {  	[dreg:$0x3] =	wrdreg $0x4E200  }
0xb0: {  	[dreg:$0x4] =	wrdreg $0x9  }
0xb1: {  	_ =	task.clear_ibuf [dreg:s6], $0x5FFFF;
	_ =	strace $0x90000046  }
0xb2: {  	s29 =	simm.s32 $0x9;
	_ =	strace $0x80000048  }
0xb3: {  	_ =	swait.ge [sflag:s29], $0x1  }
0xb4: {  	[sflag:s29] =	ssyncadd.s32 $0xFFFFFFFF  }
0xb5: {  	_ =	strace $0x90000048  }
0xb6: {  	_ =	sfence  }
0xb7: {  	s30 =	sld [smem:$0x0];
	_ =	sdelay $0x2  }
0xb8: {  	s31 =	sshll.u32 s1, $0xD;
	s1 =	sshrl.u32 s1, $0x2  }
0xb9: {  	s3 =	sand.u32 $0x4000, s31;
	s1 =	sadd.s32 s1, s30  }
0xba: {  	s0 =	sor.u32 s3, s0;
	s1 =	sshll.u32 s1, $0x11  }
0xbb: {  	s0 =	sor.u32 s1, s0  }
0xbc: {  	s0 =	sadd.s32 $0x8F2B, s0  }
0xbd: {  	[sflag:s0] =	ssyncadd.remote.s32 $0x1  }
0xbe: {  	_ =	sfence.sel $0xFFFF  }
0xbf: {  	[dreg:$0x0] =	wrdreg $0xFFFFFFFF;
	(pc) =	sbr.abs _section_cstart, $3  }
0xc0: {  	[dreg:$0x1] =	wrdreg $0xFFFFFFFF  }
0xc1: {  	_ =	task.clear_ibuf [dreg:s6], $0x2FFFF;
	_ =	strace $0x9FFFFFFF  }
0xc2: {  	(tm) =	ssettm $0x7FFFFFFF  }
0xc3: {  	_ =	shalt  }
tec
execute0_lowered:
.L_overlay_start_1:
0x0: {  	(tag) =	ssettag $0x1  }
0x1: {  	s12 =	rddreg [dreg:$0x0]  }
0x2: {  	s2 =	rddreg [dreg:$0x1]  }
0x3: {  	s0 =	rddreg [dreg:$0x2]  }
0x4: {  	s3 =	simm.s32 $0x0;
	s1 =	stileid.u32;
	s4 =	srdreg.scid  }
0x5: {  	s11 =	smul.u32 $0x280, s1;
	s13 =	sand.u32 $0x1, s4;
	s29 =	sshll.u32 s1, $0x1  }
0x6: {  	[smem:$0x7FF] =	sst s3;
	s4 =	sadd.s32 $0x16200, s12;
	s5 =	sor.u32 s13, s29  }
0x7: {  	s14 =	sshll.u32 s1, $0x6;
	s6 =	sshrl.u32 s11, $0x3;
	s7 =	smul.u32 $0x2710, s5  }
0x8: {  	_ =	strace $0x80000047;
	s8 =	sadd.s32 s11, s2;
	s30 =	sadd.s32 s6, s12  }
0x9: {  	s6 =	sor.u32 $0x1C01, s14;
	s5 =	sadd.s32 $0x15C00, s30;
	s7 =	sshrl.u32 s7, $0x3  }
0xa: {  	s9 =	sadd.s32 s12, s7;
	s7 =	sshrl.u32 s8, $0x3;
	s8 =	simm.s32 $0x2710  }
0xb: {  	[spmem:s7], [sflag:s6] =	dma.local [hbm:s5], $0x50  }
0xc: {  	[tilespmem:s8], [sflag:$0x1] =	stream.linear.gather [hbm4b:s4+s3], $0x2710, $0x38;
	[tilespmem:$0x50A0] =	vst v63  }
0xd: {  	s10 =	simm.s32 $0x1;
	s9 =	sadd.s32 $0xBE40, s9  }
0xe: {  	[tilespmem:s3], [sflag:$0x1] =	stream.linear.gather [hbm4b:s9+s3], $0x2710, $0x38;
	[tilespmem:$0x50A0] =	vst v63  }
0xf: {  	_ =	swait.ge [sflag:s10], $0x50  }
0x10: {  	[sflag:s10] =	ssyncset.done $0x0  }
0x11: {  	[sflag:s10] =	ssyncadd.s32 $0xFFFFFFB0  }
0x12: {  	_ =	swait.ge [sflag:s10], $0x2710  }
0x13: {  	[sflag:s10] =	ssyncset.done $0x0  }
0x14: {  	[sflag:s10] =	ssyncadd.s32 $0xFFFFD8F0  }
0x15: {  	s15 =	smul.u32 $0x2800, s13;
	s13 =	ssub.s32 $0x2, s13;
	_ =	swait.ge [sflag:s10], $0x2710  }
0x16: {  	s31 =	sshrl.u32 s13, $0x1;
	[sflag:s10] =	ssyncset.done $0x0  }
0x17: {  	s15 =	sadd.s32 s11, s15;
	s11 =	simm.s32 $0x2;
	[sflag:s10] =	ssyncadd.s32 $0xFFFFD8F0  }
0x18: {  	s13 =	ssub.s32 s13, s31;
	s15 =	sshrl.u32 s15, $0x3;
	[bflag:$0x0] =	sbarrier.arrive $0xFFFF  }
0x19: {  	[spmem:s2] =	stream.indirect.scatter.add.f32 [tilespmem:s8], [sflag:$0x2], $0x1, s3, s8, $0xb8;
	[tilespmem:$0x50A0] =	vst v63  }
0x1a: {  	s12 =	sadd.s32 s15, s12;
	s15 =	smax.u32 s13, $0x1;
	_ =	swait.ge [sflag:s11], $0x2710  }
0x1b: {  	p0 =	sne.s32 s15, $0x1;
	[sflag:s11] =	ssyncset.done $0x0  }
.Ltmp0:
0x1c: {  	[sflag:s11] =	ssyncadd.s32 $0xFFFFD8F0;
	(pc) =	sbr.rel @!p0 .LBB2_2-.Ltmp0, $4  }
0x1d: {  	s13 =	sor.u32 $0x1C02, s14;
	s12 =	sadd.s32 $0x16800, s12;
	[bflag:$0x0] =	sbarrier.arrive $0xFFFF  }
0x1e: {  	[hbm:s12], [sflag:s13] =	dma.local [spmem:s7], $0x50  }
0x1f: {  	_ =	swait.ge [sflag:s11], $0x50  }
0x20: {  	s14 =	sadd.s32 $0xFFFFFFFF, s15;
	[sflag:s11] =	ssyncset.done $0x0  }
.LBB2_1:
0x21: {  	p0 =	sne.s32 s14, $0x1;
	s14 =	sadd.s32 $0xFFFFFFFF, s14;
	[sflag:s11] =	ssyncadd.s32 $0xFFFFFFB0  }
0x22: {  	[spmem:s7], [sflag:s6] =	dma.local [hbm:s5], $0x50  }
0x23: {  	[tilespmem:s8], [sflag:$0x1] =	stream.linear.gather [hbm4b:s4+s3], $0x2710, $0x38;
	[tilespmem:$0x50A0] =	vst v63  }
0x24: {  	_ = 	snop  }
0x25: {  	[tilespmem:s3], [sflag:$0x1] =	stream.linear.gather [hbm4b:s9+s3], $0x2710, $0x38;
	[tilespmem:$0x50A0] =	vst v63  }
0x26: {  	_ =	swait.ge [sflag:s10], $0x50  }
0x27: {  	[sflag:s10] =	ssyncset.done $0x0  }
0x28: {  	[sflag:s10] =	ssyncadd.s32 $0xFFFFFFB0  }
0x29: {  	_ =	swait.ge [sflag:s10], $0x2710  }
0x2a: {  	[sflag:s10] =	ssyncset.done $0x0  }
0x2b: {  	[sflag:s10] =	ssyncadd.s32 $0xFFFFD8F0  }
0x2c: {  	_ =	swait.ge [sflag:s10], $0x2710  }
0x2d: {  	[sflag:s10] =	ssyncset.done $0x0  }
0x2e: {  	[sflag:s10] =	ssyncadd.s32 $0xFFFFD8F0  }
0x2f: {  	[bflag:$0x0] =	sbarrier.arrive $0xFFFF  }
0x30: {  	[spmem:s2] =	stream.indirect.scatter.add.f32 [tilespmem:s8], [sflag:$0x2], $0x1, s3, s8, $0xb8;
	[tilespmem:$0x50A0] =	vst v63  }
0x31: {  	_ =	swait.ge [sflag:s11], $0x2710  }
0x32: {  	[sflag:s11] =	ssyncset.done $0x0  }
.Ltmp1:
0x33: {  	[sflag:s11] =	ssyncadd.s32 $0xFFFFD8F0;
	(pc) =	sbr.rel @p0 .LBB2_1-.Ltmp1, $4  }
0x34: {  	[bflag:$0x0] =	sbarrier.arrive $0xFFFF  }
0x35: {  	[hbm:s12], [sflag:s13] =	dma.local [spmem:s7], $0x50  }
0x36: {  	_ =	swait.ge [sflag:s11], $0x50  }
0x37: {  	[sflag:s11] =	ssyncset.done $0x0  }
.LBB2_2:
0x38: {  	[sflag:s11] =	ssyncadd.s32 $0xFFFFFFB0  }
0x39: {  	_ =	sfence.sel $0x180000  }
0x3a: {  	[bflag:$0x0] =	sbarrier.arrive $0xFFFF  }
0x3b: {  	p0 =	sne.s32 s1, $0x0;
	_ =	strace $0x90000047  }
0x3c: {  	s0 =	sadd.s32 @!p0 $0x100000, s0;
	[bflag:$0x2] =	sbarrier.arrive $0xFFFF  }
0x3d: {  	[sflag:s0] =	ssyncadd.tile.s32 @!p0 $0x1;
	_ =	shalt  }
.Lfunc_end2:
_tile_overlayer_lowered:
.L_overlay_start_2:
0x3e: {  	(tag) =	ssettag $0x2  }
0x3f: {  	s0 =	rddreg [dreg:$0x0];
	s2 =	stileid.u32  }
0x40: {  	s1 =	rddreg [dreg:$0x1];
	p0 =	sne.s32 s2, $0x0  }
0x41: {  	s3 =	rddreg [dreg:$0x2];
	[bflag:$0x3] =	sbarrier.arrive $0xFFFF;
	s2 =	simm.s32 @!p0 $0x1C02  }
0x42: {  	[timem:s3], [sflag:s2] =	dma.local @!p0 [hbm:s0], s1  }
0x43: {  	s0 =	simm.s32 @!p0 $0x2  }
0x44: {  	_ =	swait.ge @!p0 [sflag:s0], s1  }
0x45: {  	s1 =	ssub.s32 @!p0 $0x0, s1;
	[sflag:s0] =	ssyncset.done @!p0 $0x0  }
0x46: {  	[sflag:s0] =	ssyncadd.s32 @!p0 s1  }
0x47: {  	[bflag:$0x3] =	sbarrier.arrive $0xFFFF  }
0x48: {  	_ =	shalt  }

</sc_bundles>
